<compile_context>
chip_gen: v7x
topology: tpu7x:2x2x1
jax: 0.10.2.dev20260603
libtpu: 0.0.44.dev20260713+nightly
codegen_flags: <defaults>
</compile_context>

<pallas_src>
import jax
import jax.numpy as jnp
from jax import lax
from jax.experimental import pallas as pl
from jax.experimental.pallas import tpu as pltpu
from jax.experimental.pallas import tpu_sc as plsc

NC = 2
NS = 16
L = 16
NW = NC * NS

V = 1000000
D = 64
B = 16384
NNEG = 5
NIDX = 2 + NNEG

W = 1664
G = 301
H = G * W

CPW = B // NW
CHUNK = 128
NCHUNK = CPW // CHUNK


def _sc_body(u_w, v_w, up, vp, vn_flat, pos_out, neg_out, *scratch):
    idx = scratch[0:NIDX]
    u_rows, v_rows = scratch[NIDX], scratch[NIDX + 1]
    n_rows = scratch[NIDX + 2:NIDX + 2 + NNEG]
    pos_buf, neg_buf, sem = scratch[NIDX + 2 + NNEG:]

    wid = lax.axis_index("s") * NC + lax.axis_index("c")
    base = wid * CPW

    srcs = [up.at[pl.ds(base, CPW)], vp.at[pl.ds(base, CPW)]] + [
        vn_flat.at[pl.ds(n * B + base, CPW)] for n in range(NNEG)]
    for k in range(NIDX):
        pltpu.sync_copy(srcs[k], idx[k].at[pl.ds(0, CPW)])

    tabs = [u_w, v_w] + [v_w] * NNEG
    bufs = [u_rows, v_rows] + list(n_rows)

    def issue(ck):
        cbase = ck * CHUNK

        def issue_body(b, _):
            gb = cbase + b
            for k in range(NIDX):
                r = idx[k][pl.ds(gb, L)][0]
                q = r - jnp.where(r >= H, H, 0)
                pltpu.async_copy(tabs[k].at[pl.ds(q, 1)],
                                 bufs[k].at[pl.ds(b, 1)], sem)
            return 0

        lax.fori_loop(0, CHUNK, issue_body, 0)

    def drain():
        for k in range(NIDX):
            pltpu.make_async_copy(tabs[k].at[pl.ds(0, CHUNK)], bufs[k],
                                  sem).wait()

    issue(0)
    for ck in range(NCHUNK):
        drain()
        if ck + 1 < NCHUNK:
            issue(ck + 1)
        cbase = ck * CHUNK

        last_lane = lax.iota(jnp.int32, L) == (L - 1)

        def elem_body(b, _, cbase=cbase):
            gb = cbase + b
            offs = [jnp.where(idx[k][pl.ds(gb, L)][0] >= H, D, 0)
                    for k in range(NIDX)]
            pos_part = None
            neg_part = None
            for j in range(D // L):
                vu = u_rows[b, pl.ds(offs[0] + j * L, L)]
                vv = v_rows[b, pl.ds(offs[1] + j * L, L)]
                vns = None
                for n in range(NNEG):
                    vn = n_rows[n][b, pl.ds(offs[2 + n] + j * L, L)]
                    vns = vn if vns is None else vns + vn
                pp = vu * vv
                np_ = vu * vns
                pos_part = pp if pos_part is None else pos_part + pp
                neg_part = np_ if neg_part is None else neg_part + np_
            out_idx = jnp.full((L,), gb, jnp.int32)
            plsc.store_scatter(pos_buf, [out_idx], plsc.cumsum(pos_part),
                               mask=last_lane)
            plsc.store_scatter(neg_buf, [out_idx], plsc.cumsum(neg_part),
                               mask=last_lane)
            return 0

        lax.fori_loop(0, CHUNK, elem_body, 0)

    pltpu.sync_copy(pos_buf, pos_out.at[pl.ds(base, CPW)])
    pltpu.sync_copy(neg_buf, neg_out.at[pl.ds(base, CPW)])


def _sc_scores(u_pos, v_pos, v_neg_flat, u_w2, v_w2):
    mesh = plsc.VectorSubcoreMesh(
        core_axis_name="c", subcore_axis_name="s", num_cores=NC, num_subcores=NS)
    scratch = (
        [pltpu.VMEM((CPW + L,), jnp.int32) for _ in range(NIDX)]
        + [pltpu.VMEM((CHUNK, 2 * D), jnp.float32) for _ in range(2 + NNEG)]
        + [pltpu.VMEM((CPW,), jnp.float32)] * 2
        + [pltpu.SemaphoreType.DMA]
    )
    f = pl.kernel(
        _sc_body,
        out_type=(
            jax.ShapeDtypeStruct((B,), jnp.float32),
            jax.ShapeDtypeStruct((B,), jnp.float32),
        ),
        mesh=mesh,
        scratch_types=scratch,
        compiler_params=pltpu.CompilerParams(
            needs_layout_passes=False, use_tc_tiling_on_sc=True),
    )
    return f(u_w2, v_w2, u_pos, v_pos, v_neg_flat)


def _stage_body(ua_ref, ub_ref, va_ref, vb_ref, ou_ref, ov_ref):
    for j in range(W // 128):
        sl = pl.ds(j * 128, 128)
        ou_ref[sl, :] = jnp.concatenate(
            [ua_ref[:, sl].T, ub_ref[:, sl].T], axis=1)
        ov_ref[sl, :] = jnp.concatenate(
            [va_ref[:, sl].T, vb_ref[:, sl].T], axis=1)


def _stage(u_t, v_t):
    left = pl.BlockSpec((D, W), lambda c: (0, c))
    right = pl.BlockSpec((D, W), lambda c: (0, jnp.minimum(c + G, 2 * G - 2)))
    out = pl.BlockSpec((W, 2 * D), lambda c: (c, 0))
    f = pl.pallas_call(
        _stage_body,
        grid=(G,),
        in_specs=[left, right, left, right],
        out_specs=[out, out],
        out_shape=[jax.ShapeDtypeStruct((H, 2 * D), jnp.float32)] * 2,
    )
    return f(u_t, u_t, v_t, v_t)


def _loss_body(pos_ref, neg_ref, o_ref):
    x = pos_ref[...]
    y = neg_ref[...]

    def log_sigmoid(t):
        return jnp.minimum(t, 0.0) - jnp.log1p(jnp.exp(-jnp.abs(t)))

    o_ref[0, 0] = jnp.sum(log_sigmoid(x) + log_sigmoid(-y))


def _tc_loss(pos_s, neg_s):
    f = pl.pallas_call(
        _loss_body,
        out_shape=jax.ShapeDtypeStruct((1, 1), jnp.float32),
        out_specs=pl.BlockSpec(memory_space=pltpu.SMEM),
    )
    return f(pos_s.reshape(128, B // 128), neg_s.reshape(128, B // 128))


def kernel(u_pos, v_pos, v_neg, batch_size, u_weight, v_weight):
    v_neg_flat = v_neg.T.reshape(-1)
    u_w2, v_w2 = _stage(u_weight.T, v_weight.T)
    pos_s, neg_s = _sc_scores(u_pos, v_pos, v_neg_flat, u_w2, v_w2)
    total = _tc_loss(pos_s, neg_s)
    return -1.0 * total[0, 0] / batch_size

# --- scband reference (transcript-rebuilt; emitter-appended) ---
"""Pipeline reference for scband-skipgram-42949672961566 (READ-ONLY COPY).

The authoritative reference and input builder live on the scoring server;
editing this copy changes nothing except your own understanding.
"""

import jax, jax.numpy as jnp
import numpy as np

V = 1000000
D = 64
B = 16384
NNEG = 5


def setup_inputs(seed: int = 0) -> dict:
    key = jax.random.key(seed)
    k1, k2, k3, k4, k5 = jax.random.split(key, 5)
    initrange = 0.5 / D
    u_weight = jax.random.uniform(k1, (V, D), minval=-initrange, maxval=initrange, dtype=jnp.float32)
    # note: torch init zeros v_embeddings, but we use small random values so the
    # computation (and gradients) are non-degenerate while keeping the same math
    v_weight = jax.random.uniform(k2, (V, D), minval=-initrange, maxval=initrange, dtype=jnp.float32)
    u_pos = jax.random.randint(k3, (B,), 0, V, dtype=jnp.int32)
    v_pos = jax.random.randint(k4, (B,), 0, V, dtype=jnp.int32)
    v_neg = jax.random.randint(k5, (B, NNEG), 0, V, dtype=jnp.int32)
    return {
        "u_pos": u_pos,
        "v_pos": v_pos,
        "v_neg": v_neg,
        "batch_size": B,
        "u_weight": u_weight,
        "v_weight": v_weight,
    }


def reference(u_pos, v_pos, v_neg, batch_size, u_weight, v_weight):
    # embed_u = self.u_embeddings(u_pos)
    embed_u = jnp.take(u_weight, u_pos, axis=0)            # [B, D]
    # embed_v = self.v_embeddings(v_pos)
    embed_v = jnp.take(v_weight, v_pos, axis=0)            # [B, D]
    # score = sum(mul(embed_u, embed_v), dim=1)
    score = jnp.sum(embed_u * embed_v, axis=1)             # [B]
    log_target = jax.nn.log_sigmoid(score)                 # [B]
    # neg_embed_v = self.v_embeddings(v_neg)
    neg_embed_v = jnp.take(v_weight, v_neg, axis=0)        # [B, NNEG, D]
    # neg_score = bmm(neg_embed_v, embed_u.unsqueeze(2)).squeeze()
    neg_score = jnp.einsum('bnd,bd->bn', neg_embed_v, embed_u)  # [B, NNEG]
    neg_score = jnp.sum(neg_score, axis=1)                 # [B]
    sum_log_sampled = jax.nn.log_sigmoid(-1.0 * neg_score) # [B]
    loss = log_target + sum_log_sampled
    return -1.0 * jnp.sum(loss) / batch_size

if __name__ == "__main__":
    import jax
    _d = setup_inputs()
    print(jax.jit(kernel)(*tuple(_d.values())))

</pallas_src>

<mosaic_0001>
#map = affine_map<(d0, d1) -> (0, 0)>
#map1 = affine_map<(d0, d1) -> (0)>
module attributes {stable_mosaic.version = 14 : i64} {
  func.func @_sc_body(%arg0: i32, %arg1: i32, %arg2: memref<500864x128xf32, #tpu.memory_space<hbm>>, %arg3: memref<500864x128xf32, #tpu.memory_space<hbm>>, %arg4: memref<16384xi32, #tpu.memory_space<hbm>>, %arg5: memref<16384xi32, #tpu.memory_space<hbm>>, %arg6: memref<81920xi32, #tpu.memory_space<hbm>>, %arg7: memref<16384xf32, #tpu.memory_space<hbm>>, %arg8: memref<16384xf32, #tpu.memory_space<hbm>>, %arg9: memref<528xi32, #tpu.memory_space<vmem>>, %arg10: memref<528xi32, #tpu.memory_space<vmem>>, %arg11: memref<528xi32, #tpu.memory_space<vmem>>, %arg12: memref<528xi32, #tpu.memory_space<vmem>>, %arg13: memref<528xi32, #tpu.memory_space<vmem>>, %arg14: memref<528xi32, #tpu.memory_space<vmem>>, %arg15: memref<528xi32, #tpu.memory_space<vmem>>, %arg16: memref<128x128xf32, #tpu.memory_space<vmem>>, %arg17: memref<128x128xf32, #tpu.memory_space<vmem>>, %arg18: memref<128x128xf32, #tpu.memory_space<vmem>>, %arg19: memref<128x128xf32, #tpu.memory_space<vmem>>, %arg20: memref<128x128xf32, #tpu.memory_space<vmem>>, %arg21: memref<128x128xf32, #tpu.memory_space<vmem>>, %arg22: memref<128x128xf32, #tpu.memory_space<vmem>>, %arg23: memref<512xf32, #tpu.memory_space<vmem>>, %arg24: memref<512xf32, #tpu.memory_space<vmem>>, %arg25: memref<!tpu.dma_semaphore, #tpu.memory_space<semaphore_mem>>) attributes {dimension_semantics = [#tpu.dimension_semantics<core_parallel>, #tpu.dimension_semantics<subcore_parallel>], iteration_bounds = array<i64: 2, 16>, scalar_prefetch = 0 : i64, scratch_operands = 17 : i64, tpu.core_type = #tpu.core_type<sc_vector_subcore>, window_params = [{transform_indices = #map}, {transform_indices = #map}, {transform_indices = #map1}, {transform_indices = #map1}, {transform_indices = #map1}, {transform_indices = #map1}, {transform_indices = #map1}]} {
    %mul3A = arith.constant 2 : i32
    %mul3A_0 = arith.muli %arg1, %mul3A : i32
    %add3A = arith.addi %mul3A_0, %arg0 : i32
    %mul3A_1 = arith.constant 512 : i32
    %mul3A_2 = arith.muli %add3A, %mul3A_1 : i32
    %add3A_3 = arith.constant 0 : i32
    %add3A_4 = arith.addi %add3A_3, %mul3A_2 : i32
    %add3A_5 = arith.constant 16384 : i32
    %add3A_6 = arith.addi %add3A_5, %mul3A_2 : i32
    %add3A_7 = arith.constant 32768 : i32
    %add3A_8 = arith.addi %add3A_7, %mul3A_2 : i32
    %add3A_9 = arith.constant 49152 : i32
    %add3A_10 = arith.addi %add3A_9, %mul3A_2 : i32
    %add3A_11 = arith.constant 65536 : i32
    %add3A_12 = arith.addi %add3A_11, %mul3A_2 : i32
    "tpu.region"() ({
      %run_scoped3A = tpu.sem_alloc : memref<!tpu.dma_semaphore, #tpu.memory_space<semaphore_mem>>
      %dma_start3A = arith.constant 0 : i32
      %dma_start3A_249 = tpu.memref_slice %arg9[%dma_start3A] : memref<528xi32, #tpu.memory_space<vmem>> -> memref<512xi32, #tpu.memory_space<vmem>>
      %dma_start3A_250 = tpu.memref_slice %arg4[%mul3A_2] : memref<16384xi32, #tpu.memory_space<hbm>> -> memref<512xi32, #tpu.memory_space<hbm>>
      %dma_start3A_251 = arith.constant 0 : i32
      %dma_start3A_252 = tpu.memref_slice %arg9[%dma_start3A_251] : memref<528xi32, #tpu.memory_space<vmem>> -> memref<512xi32, #tpu.memory_space<vmem>>
      %dma_start3A_253 = tpu.memref_slice %arg4[%mul3A_2] : memref<16384xi32, #tpu.memory_space<hbm>> -> memref<512xi32, #tpu.memory_space<hbm>>
      tpu.enqueue_dma source(%dma_start3A_253 : memref<512xi32, #tpu.memory_space<hbm>>) target(%dma_start3A_252 : memref<512xi32, #tpu.memory_space<vmem>>) target_semaphore(%run_scoped3A : memref<!tpu.dma_semaphore, #tpu.memory_space<semaphore_mem>>)
      %dma_wait3A_254 = arith.constant 0 : i32
      %dma_wait3A_255 = tpu.memref_slice %arg9[%dma_wait3A_254] : memref<528xi32, #tpu.memory_space<vmem>> -> memref<512xi32, #tpu.memory_space<vmem>>
      %dma_wait3A_256 = tpu.memref_slice %arg4[%mul3A_2] : memref<16384xi32, #tpu.memory_space<hbm>> -> memref<512xi32, #tpu.memory_space<hbm>>
      %dma_wait3A_257 = arith.constant 0 : i32
      %dma_wait3A_258 = tpu.memref_slice %arg9[%dma_wait3A_257] : memref<528xi32, #tpu.memory_space<vmem>> -> memref<512xi32, #tpu.memory_space<vmem>>
      %dma_wait3A_259 = tpu.memref_slice %arg4[%mul3A_2] : memref<16384xi32, #tpu.memory_space<hbm>> -> memref<512xi32, #tpu.memory_space<hbm>>
      tpu.wait_dma2 semaphore(%run_scoped3A : memref<!tpu.dma_semaphore, #tpu.memory_space<semaphore_mem>>) src(%dma_wait3A_259 : memref<512xi32, #tpu.memory_space<hbm>>) dst(%dma_wait3A_258 : memref<512xi32, #tpu.memory_space<vmem>>)
      tpu.yield
    }) : () -> ()
    "tpu.region"() ({
      %run_scoped3A = tpu.sem_alloc : memref<!tpu.dma_semaphore, #tpu.memory_space<semaphore_mem>>
      %dma_start3A = arith.constant 0 : i32
      %dma_start3A_249 = tpu.memref_slice %arg10[%dma_start3A] : memref<528xi32, #tpu.memory_space<vmem>> -> memref<512xi32, #tpu.memory_space<vmem>>
      %dma_start3A_250 = tpu.memref_slice %arg5[%mul3A_2] : memref<16384xi32, #tpu.memory_space<hbm>> -> memref<512xi32, #tpu.memory_space<hbm>>
      %dma_start3A_251 = arith.constant 0 : i32
      %dma_start3A_252 = tpu.memref_slice %arg10[%dma_start3A_251] : memref<528xi32, #tpu.memory_space<vmem>> -> memref<512xi32, #tpu.memory_space<vmem>>
      %dma_start3A_253 = tpu.memref_slice %arg5[%mul3A_2] : memref<16384xi32, #tpu.memory_space<hbm>> -> memref<512xi32, #tpu.memory_space<hbm>>
      tpu.enqueue_dma source(%dma_start3A_253 : memref<512xi32, #tpu.memory_space<hbm>>) target(%dma_start3A_252 : memref<512xi32, #tpu.memory_space<vmem>>) target_semaphore(%run_scoped3A : memref<!tpu.dma_semaphore, #tpu.memory_space<semaphore_mem>>)
      %dma_wait3A_254 = arith.constant 0 : i32
      %dma_wait3A_255 = tpu.memref_slice %arg10[%dma_wait3A_254] : memref<528xi32, #tpu.memory_space<vmem>> -> memref<512xi32, #tpu.memory_space<vmem>>
      %dma_wait3A_256 = tpu.memref_slice %arg5[%mul3A_2] : memref<16384xi32, #tpu.memory_space<hbm>> -> memref<512xi32, #tpu.memory_space<hbm>>
      %dma_wait3A_257 = arith.constant 0 : i32
      %dma_wait3A_258 = tpu.memref_slice %arg10[%dma_wait3A_257] : memref<528xi32, #tpu.memory_space<vmem>> -> memref<512xi32, #tpu.memory_space<vmem>>
      %dma_wait3A_259 = tpu.memref_slice %arg5[%mul3A_2] : memref<16384xi32, #tpu.memory_space<hbm>> -> memref<512xi32, #tpu.memory_space<hbm>>
      tpu.wait_dma2 semaphore(%run_scoped3A : memref<!tpu.dma_semaphore, #tpu.memory_space<semaphore_mem>>) src(%dma_wait3A_259 : memref<512xi32, #tpu.memory_space<hbm>>) dst(%dma_wait3A_258 : memref<512xi32, #tpu.memory_space<vmem>>)
      tpu.yield
    }) : () -> ()
    "tpu.region"() ({
      %run_scoped3A = tpu.sem_alloc : memref<!tpu.dma_semaphore, #tpu.memory_space<semaphore_mem>>
      %dma_start3A = arith.constant 0 : i32
      %dma_start3A_249 = tpu.memref_slice %arg11[%dma_start3A] : memref<528xi32, #tpu.memory_space<vmem>> -> memref<512xi32, #tpu.memory_space<vmem>>
      %dma_start3A_250 = tpu.memref_slice %arg6[%add3A_4] : memref<81920xi32, #tpu.memory_space<hbm>> -> memref<512xi32, #tpu.memory_space<hbm>>
      %dma_start3A_251 = arith.constant 0 : i32
      %dma_start3A_252 = tpu.memref_slice %arg11[%dma_start3A_251] : memref<528xi32, #tpu.memory_space<vmem>> -> memref<512xi32, #tpu.memory_space<vmem>>
      %dma_start3A_253 = tpu.memref_slice %arg6[%add3A_4] : memref<81920xi32, #tpu.memory_space<hbm>> -> memref<512xi32, #tpu.memory_space<hbm>>
      tpu.enqueue_dma source(%dma_start3A_253 : memref<512xi32, #tpu.memory_space<hbm>>) target(%dma_start3A_252 : memref<512xi32, #tpu.memory_space<vmem>>) target_semaphore(%run_scoped3A : memref<!tpu.dma_semaphore, #tpu.memory_space<semaphore_mem>>)
      %dma_wait3A_254 = arith.constant 0 : i32
      %dma_wait3A_255 = tpu.memref_slice %arg11[%dma_wait3A_254] : memref<528xi32, #tpu.memory_space<vmem>> -> memref<512xi32, #tpu.memory_space<vmem>>
      %dma_wait3A_256 = tpu.memref_slice %arg6[%add3A_4] : memref<81920xi32, #tpu.memory_space<hbm>> -> memref<512xi32, #tpu.memory_space<hbm>>
      %dma_wait3A_257 = arith.constant 0 : i32
      %dma_wait3A_258 = tpu.memref_slice %arg11[%dma_wait3A_257] : memref<528xi32, #tpu.memory_space<vmem>> -> memref<512xi32, #tpu.memory_space<vmem>>
      %dma_wait3A_259 = tpu.memref_slice %arg6[%add3A_4] : memref<81920xi32, #tpu.memory_space<hbm>> -> memref<512xi32, #tpu.memory_space<hbm>>
      tpu.wait_dma2 semaphore(%run_scoped3A : memref<!tpu.dma_semaphore, #tpu.memory_space<semaphore_mem>>) src(%dma_wait3A_259 : memref<512xi32, #tpu.memory_space<hbm>>) dst(%dma_wait3A_258 : memref<512xi32, #tpu.memory_space<vmem>>)
      tpu.yield
    }) : () -> ()
    "tpu.region"() ({
      %run_scoped3A = tpu.sem_alloc : memref<!tpu.dma_semaphore, #tpu.memory_space<semaphore_mem>>
      %dma_start3A = arith.constant 0 : i32
      %dma_start3A_249 = tpu.memref_slice %arg12[%dma_start3A] : memref<528xi32, #tpu.memory_space<vmem>> -> memref<512xi32, #tpu.memory_space<vmem>>
      %dma_start3A_250 = tpu.memref_slice %arg6[%add3A_6] : memref<81920xi32, #tpu.memory_space<hbm>> -> memref<512xi32, #tpu.memory_space<hbm>>
      %dma_start3A_251 = arith.constant 0 : i32
      %dma_start3A_252 = tpu.memref_slice %arg12[%dma_start3A_251] : memref<528xi32, #tpu.memory_space<vmem>> -> memref<512xi32, #tpu.memory_space<vmem>>
      %dma_start3A_253 = tpu.memref_slice %arg6[%add3A_6] : memref<81920xi32, #tpu.memory_space<hbm>> -> memref<512xi32, #tpu.memory_space<hbm>>
      tpu.enqueue_dma source(%dma_start3A_253 : memref<512xi32, #tpu.memory_space<hbm>>) target(%dma_start3A_252 : memref<512xi32, #tpu.memory_space<vmem>>) target_semaphore(%run_scoped3A : memref<!tpu.dma_semaphore, #tpu.memory_space<semaphore_mem>>)
      %dma_wait3A_254 = arith.constant 0 : i32
      %dma_wait3A_255 = tpu.memref_slice %arg12[%dma_wait3A_254] : memref<528xi32, #tpu.memory_space<vmem>> -> memref<512xi32, #tpu.memory_space<vmem>>
      %dma_wait3A_256 = tpu.memref_slice %arg6[%add3A_6] : memref<81920xi32, #tpu.memory_space<hbm>> -> memref<512xi32, #tpu.memory_space<hbm>>
      %dma_wait3A_257 = arith.constant 0 : i32
      %dma_wait3A_258 = tpu.memref_slice %arg12[%dma_wait3A_257] : memref<528xi32, #tpu.memory_space<vmem>> -> memref<512xi32, #tpu.memory_space<vmem>>
      %dma_wait3A_259 = tpu.memref_slice %arg6[%add3A_6] : memref<81920xi32, #tpu.memory_space<hbm>> -> memref<512xi32, #tpu.memory_space<hbm>>
      tpu.wait_dma2 semaphore(%run_scoped3A : memref<!tpu.dma_semaphore, #tpu.memory_space<semaphore_mem>>) src(%dma_wait3A_259 : memref<512xi32, #tpu.memory_space<hbm>>) dst(%dma_wait3A_258 : memref<512xi32, #tpu.memory_space<vmem>>)
      tpu.yield
    }) : () -> ()
    "tpu.region"() ({
      %run_scoped3A = tpu.sem_alloc : memref<!tpu.dma_semaphore, #tpu.memory_space<semaphore_mem>>
      %dma_start3A = arith.constant 0 : i32
      %dma_start3A_249 = tpu.memref_slice %arg13[%dma_start3A] : memref<528xi32, #tpu.memory_space<vmem>> -> memref<512xi32, #tpu.memory_space<vmem>>
      %dma_start3A_250 = tpu.memref_slice %arg6[%add3A_8] : memref<81920xi32, #tpu.memory_space<hbm>> -> memref<512xi32, #tpu.memory_space<hbm>>
      %dma_start3A_251 = arith.constant 0 : i32
      %dma_start3A_252 = tpu.memref_slice %arg13[%dma_start3A_251] : memref<528xi32, #tpu.memory_space<vmem>> -> memref<512xi32, #tpu.memory_space<vmem>>
      %dma_start3A_253 = tpu.memref_slice %arg6[%add3A_8] : memref<81920xi32, #tpu.memory_space<hbm>> -> memref<512xi32, #tpu.memory_space<hbm>>
      tpu.enqueue_dma source(%dma_start3A_253 : memref<512xi32, #tpu.memory_space<hbm>>) target(%dma_start3A_252 : memref<512xi32, #tpu.memory_space<vmem>>) target_semaphore(%run_scoped3A : memref<!tpu.dma_semaphore, #tpu.memory_space<semaphore_mem>>)
      %dma_wait3A_254 = arith.constant 0 : i32
      %dma_wait3A_255 = tpu.memref_slice %arg13[%dma_wait3A_254] : memref<528xi32, #tpu.memory_space<vmem>> -> memref<512xi32, #tpu.memory_space<vmem>>
      %dma_wait3A_256 = tpu.memref_slice %arg6[%add3A_8] : memref<81920xi32, #tpu.memory_space<hbm>> -> memref<512xi32, #tpu.memory_space<hbm>>
      %dma_wait3A_257 = arith.constant 0 : i32
      %dma_wait3A_258 = tpu.memref_slice %arg13[%dma_wait3A_257] : memref<528xi32, #tpu.memory_space<vmem>> -> memref<512xi32, #tpu.memory_space<vmem>>
      %dma_wait3A_259 = tpu.memref_slice %arg6[%add3A_8] : memref<81920xi32, #tpu.memory_space<hbm>> -> memref<512xi32, #tpu.memory_space<hbm>>
      tpu.wait_dma2 semaphore(%run_scoped3A : memref<!tpu.dma_semaphore, #tpu.memory_space<semaphore_mem>>) src(%dma_wait3A_259 : memref<512xi32, #tpu.memory_space<hbm>>) dst(%dma_wait3A_258 : memref<512xi32, #tpu.memory_space<vmem>>)
      tpu.yield
    }) : () -> ()
    "tpu.region"() ({
      %run_scoped3A = tpu.sem_alloc : memref<!tpu.dma_semaphore, #tpu.memory_space<semaphore_mem>>
      %dma_start3A = arith.constant 0 : i32
      %dma_start3A_249 = tpu.memref_slice %arg14[%dma_start3A] : memref<528xi32, #tpu.memory_space<vmem>> -> memref<512xi32, #tpu.memory_space<vmem>>
      %dma_start3A_250 = tpu.memref_slice %arg6[%add3A_10] : memref<81920xi32, #tpu.memory_space<hbm>> -> memref<512xi32, #tpu.memory_space<hbm>>
      %dma_start3A_251 = arith.constant 0 : i32
      %dma_start3A_252 = tpu.memref_slice %arg14[%dma_start3A_251] : memref<528xi32, #tpu.memory_space<vmem>> -> memref<512xi32, #tpu.memory_space<vmem>>
      %dma_start3A_253 = tpu.memref_slice %arg6[%add3A_10] : memref<81920xi32, #tpu.memory_space<hbm>> -> memref<512xi32, #tpu.memory_space<hbm>>
      tpu.enqueue_dma source(%dma_start3A_253 : memref<512xi32, #tpu.memory_space<hbm>>) target(%dma_start3A_252 : memref<512xi32, #tpu.memory_space<vmem>>) target_semaphore(%run_scoped3A : memref<!tpu.dma_semaphore, #tpu.memory_space<semaphore_mem>>)
      %dma_wait3A_254 = arith.constant 0 : i32
      %dma_wait3A_255 = tpu.memref_slice %arg14[%dma_wait3A_254] : memref<528xi32, #tpu.memory_space<vmem>> -> memref<512xi32, #tpu.memory_space<vmem>>
      %dma_wait3A_256 = tpu.memref_slice %arg6[%add3A_10] : memref<81920xi32, #tpu.memory_space<hbm>> -> memref<512xi32, #tpu.memory_space<hbm>>
      %dma_wait3A_257 = arith.constant 0 : i32
      %dma_wait3A_258 = tpu.memref_slice %arg14[%dma_wait3A_257] : memref<528xi32, #tpu.memory_space<vmem>> -> memref<512xi32, #tpu.memory_space<vmem>>
      %dma_wait3A_259 = tpu.memref_slice %arg6[%add3A_10] : memref<81920xi32, #tpu.memory_space<hbm>> -> memref<512xi32, #tpu.memory_space<hbm>>
      tpu.wait_dma2 semaphore(%run_scoped3A : memref<!tpu.dma_semaphore, #tpu.memory_space<semaphore_mem>>) src(%dma_wait3A_259 : memref<512xi32, #tpu.memory_space<hbm>>) dst(%dma_wait3A_258 : memref<512xi32, #tpu.memory_space<vmem>>)
      tpu.yield
    }) : () -> ()
    "tpu.region"() ({
      %run_scoped3A = tpu.sem_alloc : memref<!tpu.dma_semaphore, #tpu.memory_space<semaphore_mem>>
      %dma_start3A = arith.constant 0 : i32
      %dma_start3A_249 = tpu.memref_slice %arg15[%dma_start3A] : memref<528xi32, #tpu.memory_space<vmem>> -> memref<512xi32, #tpu.memory_space<vmem>>
      %dma_start3A_250 = tpu.memref_slice %arg6[%add3A_12] : memref<81920xi32, #tpu.memory_space<hbm>> -> memref<512xi32, #tpu.memory_space<hbm>>
      %dma_start3A_251 = arith.constant 0 : i32
      %dma_start3A_252 = tpu.memref_slice %arg15[%dma_start3A_251] : memref<528xi32, #tpu.memory_space<vmem>> -> memref<512xi32, #tpu.memory_space<vmem>>
      %dma_start3A_253 = tpu.memref_slice %arg6[%add3A_12] : memref<81920xi32, #tpu.memory_space<hbm>> -> memref<512xi32, #tpu.memory_space<hbm>>
      tpu.enqueue_dma source(%dma_start3A_253 : memref<512xi32, #tpu.memory_space<hbm>>) target(%dma_start3A_252 : memref<512xi32, #tpu.memory_space<vmem>>) target_semaphore(%run_scoped3A : memref<!tpu.dma_semaphore, #tpu.memory_space<semaphore_mem>>)
      %dma_wait3A_254 = arith.constant 0 : i32
      %dma_wait3A_255 = tpu.memref_slice %arg15[%dma_wait3A_254] : memref<528xi32, #tpu.memory_space<vmem>> -> memref<512xi32, #tpu.memory_space<vmem>>
      %dma_wait3A_256 = tpu.memref_slice %arg6[%add3A_12] : memref<81920xi32, #tpu.memory_space<hbm>> -> memref<512xi32, #tpu.memory_space<hbm>>
      %dma_wait3A_257 = arith.constant 0 : i32
      %dma_wait3A_258 = tpu.memref_slice %arg15[%dma_wait3A_257] : memref<528xi32, #tpu.memory_space<vmem>> -> memref<512xi32, #tpu.memory_space<vmem>>
      %dma_wait3A_259 = tpu.memref_slice %arg6[%add3A_12] : memref<81920xi32, #tpu.memory_space<hbm>> -> memref<512xi32, #tpu.memory_space<hbm>>
      tpu.wait_dma2 semaphore(%run_scoped3A : memref<!tpu.dma_semaphore, #tpu.memory_space<semaphore_mem>>) src(%dma_wait3A_259 : memref<512xi32, #tpu.memory_space<hbm>>) dst(%dma_wait3A_258 : memref<512xi32, #tpu.memory_space<vmem>>)
      tpu.yield
    }) : () -> ()
    %scan3A = arith.constant 0 : i32
    %scan3A_13 = arith.constant 0 : i32
    %scan3A_14 = arith.constant 128 : i32
    %scan3A_15 = arith.addi %scan3A_13, %scan3A_14 : i32
    %scan3A_16 = arith.constant 1 : i32
    %scan3A_17 = scf.for %scan3A_249 = %scan3A_13 to %scan3A_15 step %scan3A_16 iter_args(%scan3A_250 = %scan3A) -> (i32)  : i32 {
      %add3A_251 = arith.constant 0 : i32
      %add3A_252 = arith.addi %add3A_251, %scan3A_249 : i32
      %get3A = arith.index_cast %add3A_252 : i32 to index
      %get3A_253 = tpu.vector_load %arg9[%get3A] {strides = array<i32>} : memref<528xi32, #tpu.memory_space<vmem>>, vector<16xi32>,
      %slice3A = vector.extract_strided_slice %get3A_253 {offsets = [0], sizes = [1], strides = [1]} : vector<16xi32> to vector<1xi32>
      %squeeze3A = vector.extract %slice3A[0] : i32 from vector<1xi32>
      %ge3A = arith.constant 500864 : i32
      %ge3A_254 = arith.cmpi sge, %squeeze3A, %ge3A : i32
      %jit3A = arith.constant 500864 : i32
      %jit3A_255 = arith.constant 0 : i32
      %select_n3A = arith.select %ge3A_254, %jit3A, %jit3A_255 : i32
      %sub3A = arith.subi %squeeze3A, %select_n3A : i32
      %dma_start3A = arith.constant 0 : i32
      %dma_start3A_256 = tpu.memref_slice %arg16[%scan3A_249, %dma_start3A] : memref<128x128xf32, #tpu.memory_space<vmem>> -> memref<1x128xf32, #tpu.memory_space<vmem>>
      %dma_start3A_257 = arith.constant 0 : i32
      %dma_start3A_258 = tpu.memref_slice %arg2[%sub3A, %dma_start3A_257] : memref<500864x128xf32, #tpu.memory_space<hbm>> -> memref<1x128xf32, #tpu.memory_space<hbm>>
      %dma_start3A_259 = arith.constant 0 : i32
      %dma_start3A_260 = tpu.memref_slice %arg16[%scan3A_249, %dma_start3A_259] : memref<128x128xf32, #tpu.memory_space<vmem>> -> memref<1x128xf32, #tpu.memory_space<vmem>>
      %dma_start3A_261 = arith.constant 0 : i32
      %dma_start3A_262 = tpu.memref_slice %arg2[%sub3A, %dma_start3A_261] : memref<500864x128xf32, #tpu.memory_space<hbm>> -> memref<1x128xf32, #tpu.memory_space<hbm>>
      tpu.enqueue_dma source(%dma_start3A_262 : memref<1x128xf32, #tpu.memory_space<hbm>>) target(%dma_start3A_260 : memref<1x128xf32, #tpu.memory_space<vmem>>) target_semaphore(%arg25 : memref<!tpu.dma_semaphore, #tpu.memory_space<semaphore_mem>>)
      %get3A_263 = arith.index_cast %add3A_252 : i32 to index
      %get3A_264 = tpu.vector_load %arg10[%get3A_263] {strides = array<i32>} : memref<528xi32, #tpu.memory_space<vmem>>, vector<16xi32>,
      %slice3A_265 = vector.extract_strided_slice %get3A_264 {offsets = [0], sizes = [1], strides = [1]} : vector<16xi32> to vector<1xi32>
      %squeeze3A_266 = vector.extract %slice3A_265[0] : i32 from vector<1xi32>
      %ge3A_267 = arith.constant 500864 : i32
      %ge3A_268 = arith.cmpi sge, %squeeze3A_266, %ge3A_267 : i32
      %jit3A_269 = arith.constant 500864 : i32
      %jit3A_270 = arith.constant 0 : i32
      %select_n3A_271 = arith.select %ge3A_268, %jit3A_269, %jit3A_270 : i32
      %sub3A_272 = arith.subi %squeeze3A_266, %select_n3A_271 : i32
      %dma_start3A_273 = arith.constant 0 : i32
      %dma_start3A_274 = tpu.memref_slice %arg17[%scan3A_249, %dma_start3A_273] : memref<128x128xf32, #tpu.memory_space<vmem>> -> memref<1x128xf32, #tpu.memory_space<vmem>>
      %dma_start3A_275 = arith.constant 0 : i32
      %dma_start3A_276 = tpu.memref_slice %arg3[%sub3A_272, %dma_start3A_275] : memref<500864x128xf32, #tpu.memory_space<hbm>> -> memref<1x128xf32, #tpu.memory_space<hbm>>
      %dma_start3A_277 = arith.constant 0 : i32
      %dma_start3A_278 = tpu.memref_slice %arg17[%scan3A_249, %dma_start3A_277] : memref<128x128xf32, #tpu.memory_space<vmem>> -> memref<1x128xf32, #tpu.memory_space<vmem>>
      %dma_start3A_279 = arith.constant 0 : i32
      %dma_start3A_280 = tpu.memref_slice %arg3[%sub3A_272, %dma_start3A_279] : memref<500864x128xf32, #tpu.memory_space<hbm>> -> memref<1x128xf32, #tpu.memory_space<hbm>>
      tpu.enqueue_dma source(%dma_start3A_280 : memref<1x128xf32, #tpu.memory_space<hbm>>) target(%dma_start3A_278 : memref<1x128xf32, #tpu.memory_space<vmem>>) target_semaphore(%arg25 : memref<!tpu.dma_semaphore, #tpu.memory_space<semaphore_mem>>)
      %get3A_281 = arith.index_cast %add3A_252 : i32 to index
      %get3A_282 = tpu.vector_load %arg11[%get3A_281] {strides = array<i32>} : memref<528xi32, #tpu.memory_space<vmem>>, vector<16xi32>,
      %slice3A_283 = vector.extract_strided_slice %get3A_282 {offsets = [0], sizes = [1], strides = [1]} : vector<16xi32> to vector<1xi32>
      %squeeze3A_284 = vector.extract %slice3A_283[0] : i32 from vector<1xi32>
      %ge3A_285 = arith.constant 500864 : i32
      %ge3A_286 = arith.cmpi sge, %squeeze3A_284, %ge3A_285 : i32
      %jit3A_287 = arith.constant 500864 : i32
      %jit3A_288 = arith.constant 0 : i32
      %select_n3A_289 = arith.select %ge3A_286, %jit3A_287, %jit3A_288 : i32
      %sub3A_290 = arith.subi %squeeze3A_284, %select_n3A_289 : i32
      %dma_start3A_291 = arith.constant 0 : i32
      %dma_start3A_292 = tpu.memref_slice %arg18[%scan3A_249, %dma_start3A_291] : memref<128x128xf32, #tpu.memory_space<vmem>> -> memref<1x128xf32, #tpu.memory_space<vmem>>
      %dma_start3A_293 = arith.constant 0 : i32
      %dma_start3A_294 = tpu.memref_slice %arg3[%sub3A_290, %dma_start3A_293] : memref<500864x128xf32, #tpu.memory_space<hbm>> -> memref<1x128xf32, #tpu.memory_space<hbm>>
      %dma_start3A_295 = arith.constant 0 : i32
      %dma_start3A_296 = tpu.memref_slice %arg18[%scan3A_249, %dma_start3A_295] : memref<128x128xf32, #tpu.memory_space<vmem>> -> memref<1x128xf32, #tpu.memory_space<vmem>>
      %dma_start3A_297 = arith.constant 0 : i32
      %dma_start3A_298 = tpu.memref_slice %arg3[%sub3A_290, %dma_start3A_297] : memref<500864x128xf32, #tpu.memory_space<hbm>> -> memref<1x128xf32, #tpu.memory_space<hbm>>
      tpu.enqueue_dma source(%dma_start3A_298 : memref<1x128xf32, #tpu.memory_space<hbm>>) target(%dma_start3A_296 : memref<1x128xf32, #tpu.memory_space<vmem>>) target_semaphore(%arg25 : memref<!tpu.dma_semaphore, #tpu.memory_space<semaphore_mem>>)
      %get3A_299 = arith.index_cast %add3A_252 : i32 to index
      %get3A_300 = tpu.vector_load %arg12[%get3A_299] {strides = array<i32>} : memref<528xi32, #tpu.memory_space<vmem>>, vector<16xi32>,
      %slice3A_301 = vector.extract_strided_slice %get3A_300 {offsets = [0], sizes = [1], strides = [1]} : vector<16xi32> to vector<1xi32>
      %squeeze3A_302 = vector.extract %slice3A_301[0] : i32 from vector<1xi32>
      %ge3A_303 = arith.constant 500864 : i32
      %ge3A_304 = arith.cmpi sge, %squeeze3A_302, %ge3A_303 : i32
      %jit3A_305 = arith.constant 500864 : i32
      %jit3A_306 = arith.constant 0 : i32
      %select_n3A_307 = arith.select %ge3A_304, %jit3A_305, %jit3A_306 : i32
      %sub3A_308 = arith.subi %squeeze3A_302, %select_n3A_307 : i32
      %dma_start3A_309 = arith.constant 0 : i32
      %dma_start3A_310 = tpu.memref_slice %arg19[%scan3A_249, %dma_start3A_309] : memref<128x128xf32, #tpu.memory_space<vmem>> -> memref<1x128xf32, #tpu.memory_space<vmem>>
      %dma_start3A_311 = arith.constant 0 : i32
      %dma_start3A_312 = tpu.memref_slice %arg3[%sub3A_308, %dma_start3A_311] : memref<500864x128xf32, #tpu.memory_space<hbm>> -> memref<1x128xf32, #tpu.memory_space<hbm>>
      %dma_start3A_313 = arith.constant 0 : i32
      %dma_start3A_314 = tpu.memref_slice %arg19[%scan3A_249, %dma_start3A_313] : memref<128x128xf32, #tpu.memory_space<vmem>> -> memref<1x128xf32, #tpu.memory_space<vmem>>
      %dma_start3A_315 = arith.constant 0 : i32
      %dma_start3A_316 = tpu.memref_slice %arg3[%sub3A_308, %dma_start3A_315] : memref<500864x128xf32, #tpu.memory_space<hbm>> -> memref<1x128xf32, #tpu.memory_space<hbm>>
      tpu.enqueue_dma source(%dma_start3A_316 : memref<1x128xf32, #tpu.memory_space<hbm>>) target(%dma_start3A_314 : memref<1x128xf32, #tpu.memory_space<vmem>>) target_semaphore(%arg25 : memref<!tpu.dma_semaphore, #tpu.memory_space<semaphore_mem>>)
      %get3A_317 = arith.index_cast %add3A_252 : i32 to index
      %get3A_318 = tpu.vector_load %arg13[%get3A_317] {strides = array<i32>} : memref<528xi32, #tpu.memory_space<vmem>>, vector<16xi32>,
      %slice3A_319 = vector.extract_strided_slice %get3A_318 {offsets = [0], sizes = [1], strides = [1]} : vector<16xi32> to vector<1xi32>
      %squeeze3A_320 = vector.extract %slice3A_319[0] : i32 from vector<1xi32>
      %ge3A_321 = arith.constant 500864 : i32
      %ge3A_322 = arith.cmpi sge, %squeeze3A_320, %ge3A_321 : i32
      %jit3A_323 = arith.constant 500864 : i32
      %jit3A_324 = arith.constant 0 : i32
      %select_n3A_325 = arith.select %ge3A_322, %jit3A_323, %jit3A_324 : i32
      %sub3A_326 = arith.subi %squeeze3A_320, %select_n3A_325 : i32
      %dma_start3A_327 = arith.constant 0 : i32
      %dma_start3A_328 = tpu.memref_slice %arg20[%scan3A_249, %dma_start3A_327] : memref<128x128xf32, #tpu.memory_space<vmem>> -> memref<1x128xf32, #tpu.memory_space<vmem>>
      %dma_start3A_329 = arith.constant 0 : i32
      %dma_start3A_330 = tpu.memref_slice %arg3[%sub3A_326, %dma_start3A_329] : memref<500864x128xf32, #tpu.memory_space<hbm>> -> memref<1x128xf32, #tpu.memory_space<hbm>>
      %dma_start3A_331 = arith.constant 0 : i32
      %dma_start3A_332 = tpu.memref_slice %arg20[%scan3A_249, %dma_start3A_331] : memref<128x128xf32, #tpu.memory_space<vmem>> -> memref<1x128xf32, #tpu.memory_space<vmem>>
      %dma_start3A_333 = arith.constant 0 : i32
      %dma_start3A_334 = tpu.memref_slice %arg3[%sub3A_326, %dma_start3A_333] : memref<500864x128xf32, #tpu.memory_space<hbm>> -> memref<1x128xf32, #tpu.memory_space<hbm>>
      tpu.enqueue_dma source(%dma_start3A_334 : memref<1x128xf32, #tpu.memory_space<hbm>>) target(%dma_start3A_332 : memref<1x128xf32, #tpu.memory_space<vmem>>) target_semaphore(%arg25 : memref<!tpu.dma_semaphore, #tpu.memory_space<semaphore_mem>>)
      %get3A_335 = arith.index_cast %add3A_252 : i32 to index
      %get3A_336 = tpu.vector_load %arg14[%get3A_335] {strides = array<i32>} : memref<528xi32, #tpu.memory_space<vmem>>, vector<16xi32>,
      %slice3A_337 = vector.extract_strided_slice %get3A_336 {offsets = [0], sizes = [1], strides = [1]} : vector<16xi32> to vector<1xi32>
      %squeeze3A_338 = vector.extract %slice3A_337[0] : i32 from vector<1xi32>
      %ge3A_339 = arith.constant 500864 : i32
      %ge3A_340 = arith.cmpi sge, %squeeze3A_338, %ge3A_339 : i32
      %jit3A_341 = arith.constant 500864 : i32
      %jit3A_342 = arith.constant 0 : i32
      %select_n3A_343 = arith.select %ge3A_340, %jit3A_341, %jit3A_342 : i32
      %sub3A_344 = arith.subi %squeeze3A_338, %select_n3A_343 : i32
      %dma_start3A_345 = arith.constant 0 : i32
      %dma_start3A_346 = tpu.memref_slice %arg21[%scan3A_249, %dma_start3A_345] : memref<128x128xf32, #tpu.memory_space<vmem>> -> memref<1x128xf32, #tpu.memory_space<vmem>>
      %dma_start3A_347 = arith.constant 0 : i32
      %dma_start3A_348 = tpu.memref_slice %arg3[%sub3A_344, %dma_start3A_347] : memref<500864x128xf32, #tpu.memory_space<hbm>> -> memref<1x128xf32, #tpu.memory_space<hbm>>
      %dma_start3A_349 = arith.constant 0 : i32
      %dma_start3A_350 = tpu.memref_slice %arg21[%scan3A_249, %dma_start3A_349] : memref<128x128xf32, #tpu.memory_space<vmem>> -> memref<1x128xf32, #tpu.memory_space<vmem>>
      %dma_start3A_351 = arith.constant 0 : i32
      %dma_start3A_352 = tpu.memref_slice %arg3[%sub3A_344, %dma_start3A_351] : memref<500864x128xf32, #tpu.memory_space<hbm>> -> memref<1x128xf32, #tpu.memory_space<hbm>>
      tpu.enqueue_dma source(%dma_start3A_352 : memref<1x128xf32, #tpu.memory_space<hbm>>) target(%dma_start3A_350 : memref<1x128xf32, #tpu.memory_space<vmem>>) target_semaphore(%arg25 : memref<!tpu.dma_semaphore, #tpu.memory_space<semaphore_mem>>)
      %get3A_353 = arith.index_cast %add3A_252 : i32 to index
      %get3A_354 = tpu.vector_load %arg15[%get3A_353] {strides = array<i32>} : memref<528xi32, #tpu.memory_space<vmem>>, vector<16xi32>,
      %slice3A_355 = vector.extract_strided_slice %get3A_354 {offsets = [0], sizes = [1], strides = [1]} : vector<16xi32> to vector<1xi32>
      %squeeze3A_356 = vector.extract %slice3A_355[0] : i32 from vector<1xi32>
      %ge3A_357 = arith.constant 500864 : i32
      %ge3A_358 = arith.cmpi sge, %squeeze3A_356, %ge3A_357 : i32
      %jit3A_359 = arith.constant 500864 : i32
      %jit3A_360 = arith.constant 0 : i32
      %select_n3A_361 = arith.select %ge3A_358, %jit3A_359, %jit3A_360 : i32
      %sub3A_362 = arith.subi %squeeze3A_356, %select_n3A_361 : i32
      %dma_start3A_363 = arith.constant 0 : i32
      %dma_start3A_364 = tpu.memref_slice %arg22[%scan3A_249, %dma_start3A_363] : memref<128x128xf32, #tpu.memory_space<vmem>> -> memref<1x128xf32, #tpu.memory_space<vmem>>
      %dma_start3A_365 = arith.constant 0 : i32
      %dma_start3A_366 = tpu.memref_slice %arg3[%sub3A_362, %dma_start3A_365] : memref<500864x128xf32, #tpu.memory_space<hbm>> -> memref<1x128xf32, #tpu.memory_space<hbm>>
      %dma_start3A_367 = arith.constant 0 : i32
      %dma_start3A_368 = tpu.memref_slice %arg22[%scan3A_249, %dma_start3A_367] : memref<128x128xf32, #tpu.memory_space<vmem>> -> memref<1x128xf32, #tpu.memory_space<vmem>>
      %dma_start3A_369 = arith.constant 0 : i32
      %dma_start3A_370 = tpu.memref_slice %arg3[%sub3A_362, %dma_start3A_369] : memref<500864x128xf32, #tpu.memory_space<hbm>> -> memref<1x128xf32, #tpu.memory_space<hbm>>
      tpu.enqueue_dma source(%dma_start3A_370 : memref<1x128xf32, #tpu.memory_space<hbm>>) target(%dma_start3A_368 : memref<1x128xf32, #tpu.memory_space<vmem>>) target_semaphore(%arg25 : memref<!tpu.dma_semaphore, #tpu.memory_space<semaphore_mem>>)
      %scan3A_371 = arith.constant 0 : i32
      scf.yield %scan3A_371 : i32
    }
    %scan3A_18 = arith.constant 128 : i32
    %dma_wait3A = arith.constant 0 : i32
    %dma_wait3A_19 = arith.constant 0 : i32
    %dma_wait3A_20 = tpu.memref_slice %arg2[%dma_wait3A, %dma_wait3A_19] : memref<500864x128xf32, #tpu.memory_space<hbm>> -> memref<128x128xf32, #tpu.memory_space<hbm>>
    %dma_wait3A_21 = arith.constant 0 : i32
    %dma_wait3A_22 = arith.constant 0 : i32
    %dma_wait3A_23 = tpu.memref_slice %arg2[%dma_wait3A_21, %dma_wait3A_22] : memref<500864x128xf32, #tpu.memory_space<hbm>> -> memref<128x128xf32, #tpu.memory_space<hbm>>
    tpu.wait_dma2 semaphore(%arg25 : memref<!tpu.dma_semaphore, #tpu.memory_space<semaphore_mem>>) src(%dma_wait3A_23 : memref<128x128xf32, #tpu.memory_space<hbm>>) dst(%arg16 : memref<128x128xf32, #tpu.memory_space<vmem>>)
    %dma_wait3A_24 = arith.constant 0 : i32
    %dma_wait3A_25 = arith.constant 0 : i32
    %dma_wait3A_26 = tpu.memref_slice %arg3[%dma_wait3A_24, %dma_wait3A_25] : memref<500864x128xf32, #tpu.memory_space<hbm>> -> memref<128x128xf32, #tpu.memory_space<hbm>>
    %dma_wait3A_27 = arith.constant 0 : i32
    %dma_wait3A_28 = arith.constant 0 : i32
    %dma_wait3A_29 = tpu.memref_slice %arg3[%dma_wait3A_27, %dma_wait3A_28] : memref<500864x128xf32, #tpu.memory_space<hbm>> -> memref<128x128xf32, #tpu.memory_space<hbm>>
    tpu.wait_dma2 semaphore(%arg25 : memref<!tpu.dma_semaphore, #tpu.memory_space<semaphore_mem>>) src(%dma_wait3A_29 : memref<128x128xf32, #tpu.memory_space<hbm>>) dst(%arg17 : memref<128x128xf32, #tpu.memory_space<vmem>>)
    %dma_wait3A_30 = arith.constant 0 : i32
    %dma_wait3A_31 = arith.constant 0 : i32
    %dma_wait3A_32 = tpu.memref_slice %arg3[%dma_wait3A_30, %dma_wait3A_31] : memref<500864x128xf32, #tpu.memory_space<hbm>> -> memref<128x128xf32, #tpu.memory_space<hbm>>
    %dma_wait3A_33 = arith.constant 0 : i32
    %dma_wait3A_34 = arith.constant 0 : i32
    %dma_wait3A_35 = tpu.memref_slice %arg3[%dma_wait3A_33, %dma_wait3A_34] : memref<500864x128xf32, #tpu.memory_space<hbm>> -> memref<128x128xf32, #tpu.memory_space<hbm>>
    tpu.wait_dma2 semaphore(%arg25 : memref<!tpu.dma_semaphore, #tpu.memory_space<semaphore_mem>>) src(%dma_wait3A_35 : memref<128x128xf32, #tpu.memory_space<hbm>>) dst(%arg18 : memref<128x128xf32, #tpu.memory_space<vmem>>)
    %dma_wait3A_36 = arith.constant 0 : i32
    %dma_wait3A_37 = arith.constant 0 : i32
    %dma_wait3A_38 = tpu.memref_slice %arg3[%dma_wait3A_36, %dma_wait3A_37] : memref<500864x128xf32, #tpu.memory_space<hbm>> -> memref<128x128xf32, #tpu.memory_space<hbm>>
    %dma_wait3A_39 = arith.constant 0 : i32
    %dma_wait3A_40 = arith.constant 0 : i32
    %dma_wait3A_41 = tpu.memref_slice %arg3[%dma_wait3A_39, %dma_wait3A_40] : memref<500864x128xf32, #tpu.memory_space<hbm>> -> memref<128x128xf32, #tpu.memory_space<hbm>>
    tpu.wait_dma2 semaphore(%arg25 : memref<!tpu.dma_semaphore, #tpu.memory_space<semaphore_mem>>) src(%dma_wait3A_41 : memref<128x128xf32, #tpu.memory_space<hbm>>) dst(%arg19 : memref<128x128xf32, #tpu.memory_space<vmem>>)
    %dma_wait3A_42 = arith.constant 0 : i32
    %dma_wait3A_43 = arith.constant 0 : i32
    %dma_wait3A_44 = tpu.memref_slice %arg3[%dma_wait3A_42, %dma_wait3A_43] : memref<500864x128xf32, #tpu.memory_space<hbm>> -> memref<128x128xf32, #tpu.memory_space<hbm>>
    %dma_wait3A_45 = arith.constant 0 : i32
    %dma_wait3A_46 = arith.constant 0 : i32
    %dma_wait3A_47 = tpu.memref_slice %arg3[%dma_wait3A_45, %dma_wait3A_46] : memref<500864x128xf32, #tpu.memory_space<hbm>> -> memref<128x128xf32, #tpu.memory_space<hbm>>
    tpu.wait_dma2 semaphore(%arg25 : memref<!tpu.dma_semaphore, #tpu.memory_space<semaphore_mem>>) src(%dma_wait3A_47 : memref<128x128xf32, #tpu.memory_space<hbm>>) dst(%arg20 : memref<128x128xf32, #tpu.memory_space<vmem>>)
    %dma_wait3A_48 = arith.constant 0 : i32
    %dma_wait3A_49 = arith.constant 0 : i32
    %dma_wait3A_50 = tpu.memref_slice %arg3[%dma_wait3A_48, %dma_wait3A_49] : memref<500864x128xf32, #tpu.memory_space<hbm>> -> memref<128x128xf32, #tpu.memory_space<hbm>>
    %dma_wait3A_51 = arith.constant 0 : i32
    %dma_wait3A_52 = arith.constant 0 : i32
    %dma_wait3A_53 = tpu.memref_slice %arg3[%dma_wait3A_51, %dma_wait3A_52] : memref<500864x128xf32, #tpu.memory_space<hbm>> -> memref<128x128xf32, #tpu.memory_space<hbm>>
    tpu.wait_dma2 semaphore(%arg25 : memref<!tpu.dma_semaphore, #tpu.memory_space<semaphore_mem>>) src(%dma_wait3A_53 : memref<128x128xf32, #tpu.memory_space<hbm>>) dst(%arg21 : memref<128x128xf32, #tpu.memory_space<vmem>>)
    %dma_wait3A_54 = arith.constant 0 : i32
    %dma_wait3A_55 = arith.constant 0 : i32
    %dma_wait3A_56 = tpu.memref_slice %arg3[%dma_wait3A_54, %dma_wait3A_55] : memref<500864x128xf32, #tpu.memory_space<hbm>> -> memref<128x128xf32, #tpu.memory_space<hbm>>
    %dma_wait3A_57 = arith.constant 0 : i32
    %dma_wait3A_58 = arith.constant 0 : i32
    %dma_wait3A_59 = tpu.memref_slice %arg3[%dma_wait3A_57, %dma_wait3A_58] : memref<500864x128xf32, #tpu.memory_space<hbm>> -> memref<128x128xf32, #tpu.memory_space<hbm>>
    tpu.wait_dma2 semaphore(%arg25 : memref<!tpu.dma_semaphore, #tpu.memory_space<semaphore_mem>>) src(%dma_wait3A_59 : memref<128x128xf32, #tpu.memory_space<hbm>>) dst(%arg22 : memref<128x128xf32, #tpu.memory_space<vmem>>)
    %scan3A_60 = arith.constant 0 : i32
    %scan3A_61 = arith.constant 0 : i32
    %scan3A_62 = arith.constant 128 : i32
    %scan3A_63 = arith.addi %scan3A_61, %scan3A_62 : i32
    %scan3A_64 = arith.constant 1 : i32
    %scan3A_65 = scf.for %scan3A_249 = %scan3A_61 to %scan3A_63 step %scan3A_64 iter_args(%scan3A_250 = %scan3A_60) -> (i32)  : i32 {
      %add3A_251 = arith.constant 128 : i32
      %add3A_252 = arith.addi %add3A_251, %scan3A_249 : i32
      %get3A = arith.index_cast %add3A_252 : i32 to index
      %get3A_253 = tpu.vector_load %arg9[%get3A] {strides = array<i32>} : memref<528xi32, #tpu.memory_space<vmem>>, vector<16xi32>,
      %slice3A = vector.extract_strided_slice %get3A_253 {offsets = [0], sizes = [1], strides = [1]} : vector<16xi32> to vector<1xi32>
      %squeeze3A = vector.extract %slice3A[0] : i32 from vector<1xi32>
      %ge3A = arith.constant 500864 : i32
      %ge3A_254 = arith.cmpi sge, %squeeze3A, %ge3A : i32
      %jit3A = arith.constant 500864 : i32
      %jit3A_255 = arith.constant 0 : i32
      %select_n3A = arith.select %ge3A_254, %jit3A, %jit3A_255 : i32
      %sub3A = arith.subi %squeeze3A, %select_n3A : i32
      %dma_start3A = arith.constant 0 : i32
      %dma_start3A_256 = tpu.memref_slice %arg16[%scan3A_249, %dma_start3A] : memref<128x128xf32, #tpu.memory_space<vmem>> -> memref<1x128xf32, #tpu.memory_space<vmem>>
      %dma_start3A_257 = arith.constant 0 : i32
      %dma_start3A_258 = tpu.memref_slice %arg2[%sub3A, %dma_start3A_257] : memref<500864x128xf32, #tpu.memory_space<hbm>> -> memref<1x128xf32, #tpu.memory_space<hbm>>
      %dma_start3A_259 = arith.constant 0 : i32
      %dma_start3A_260 = tpu.memref_slice %arg16[%scan3A_249, %dma_start3A_259] : memref<128x128xf32, #tpu.memory_space<vmem>> -> memref<1x128xf32, #tpu.memory_space<vmem>>
      %dma_start3A_261 = arith.constant 0 : i32
      %dma_start3A_262 = tpu.memref_slice %arg2[%sub3A, %dma_start3A_261] : memref<500864x128xf32, #tpu.memory_space<hbm>> -> memref<1x128xf32, #tpu.memory_space<hbm>>
      tpu.enqueue_dma source(%dma_start3A_262 : memref<1x128xf32, #tpu.memory_space<hbm>>) target(%dma_start3A_260 : memref<1x128xf32, #tpu.memory_space<vmem>>) target_semaphore(%arg25 : memref<!tpu.dma_semaphore, #tpu.memory_space<semaphore_mem>>)
      %get3A_263 = arith.index_cast %add3A_252 : i32 to index
      %get3A_264 = tpu.vector_load %arg10[%get3A_263] {strides = array<i32>} : memref<528xi32, #tpu.memory_space<vmem>>, vector<16xi32>,
      %slice3A_265 = vector.extract_strided_slice %get3A_264 {offsets = [0], sizes = [1], strides = [1]} : vector<16xi32> to vector<1xi32>
      %squeeze3A_266 = vector.extract %slice3A_265[0] : i32 from vector<1xi32>
      %ge3A_267 = arith.constant 500864 : i32
      %ge3A_268 = arith.cmpi sge, %squeeze3A_266, %ge3A_267 : i32
      %jit3A_269 = arith.constant 500864 : i32
      %jit3A_270 = arith.constant 0 : i32
      %select_n3A_271 = arith.select %ge3A_268, %jit3A_269, %jit3A_270 : i32
      %sub3A_272 = arith.subi %squeeze3A_266, %select_n3A_271 : i32
      %dma_start3A_273 = arith.constant 0 : i32
      %dma_start3A_274 = tpu.memref_slice %arg17[%scan3A_249, %dma_start3A_273] : memref<128x128xf32, #tpu.memory_space<vmem>> -> memref<1x128xf32, #tpu.memory_space<vmem>>
      %dma_start3A_275 = arith.constant 0 : i32
      %dma_start3A_276 = tpu.memref_slice %arg3[%sub3A_272, %dma_start3A_275] : memref<500864x128xf32, #tpu.memory_space<hbm>> -> memref<1x128xf32, #tpu.memory_space<hbm>>
      %dma_start3A_277 = arith.constant 0 : i32
      %dma_start3A_278 = tpu.memref_slice %arg17[%scan3A_249, %dma_start3A_277] : memref<128x128xf32, #tpu.memory_space<vmem>> -> memref<1x128xf32, #tpu.memory_space<vmem>>
      %dma_start3A_279 = arith.constant 0 : i32
      %dma_start3A_280 = tpu.memref_slice %arg3[%sub3A_272, %dma_start3A_279] : memref<500864x128xf32, #tpu.memory_space<hbm>> -> memref<1x128xf32, #tpu.memory_space<hbm>>
      tpu.enqueue_dma source(%dma_start3A_280 : memref<1x128xf32, #tpu.memory_space<hbm>>) target(%dma_start3A_278 : memref<1x128xf32, #tpu.memory_space<vmem>>) target_semaphore(%arg25 : memref<!tpu.dma_semaphore, #tpu.memory_space<semaphore_mem>>)
      %get3A_281 = arith.index_cast %add3A_252 : i32 to index
      %get3A_282 = tpu.vector_load %arg11[%get3A_281] {strides = array<i32>} : memref<528xi32, #tpu.memory_space<vmem>>, vector<16xi32>,
      %slice3A_283 = vector.extract_strided_slice %get3A_282 {offsets = [0], sizes = [1], strides = [1]} : vector<16xi32> to vector<1xi32>
      %squeeze3A_284 = vector.extract %slice3A_283[0] : i32 from vector<1xi32>
      %ge3A_285 = arith.constant 500864 : i32
      %ge3A_286 = arith.cmpi sge, %squeeze3A_284, %ge3A_285 : i32
      %jit3A_287 = arith.constant 500864 : i32
      %jit3A_288 = arith.constant 0 : i32
      %select_n3A_289 = arith.select %ge3A_286, %jit3A_287, %jit3A_288 : i32
      %sub3A_290 = arith.subi %squeeze3A_284, %select_n3A_289 : i32
      %dma_start3A_291 = arith.constant 0 : i32
      %dma_start3A_292 = tpu.memref_slice %arg18[%scan3A_249, %dma_start3A_291] : memref<128x128xf32, #tpu.memory_space<vmem>> -> memref<1x128xf32, #tpu.memory_space<vmem>>
      %dma_start3A_293 = arith.constant 0 : i32
      %dma_start3A_294 = tpu.memref_slice %arg3[%sub3A_290, %dma_start3A_293] : memref<500864x128xf32, #tpu.memory_space<hbm>> -> memref<1x128xf32, #tpu.memory_space<hbm>>
      %dma_start3A_295 = arith.constant 0 : i32
      %dma_start3A_296 = tpu.memref_slice %arg18[%scan3A_249, %dma_start3A_295] : memref<128x128xf32, #tpu.memory_space<vmem>> -> memref<1x128xf32, #tpu.memory_space<vmem>>
      %dma_start3A_297 = arith.constant 0 : i32
      %dma_start3A_298 = tpu.memref_slice %arg3[%sub3A_290, %dma_start3A_297] : memref<500864x128xf32, #tpu.memory_space<hbm>> -> memref<1x128xf32, #tpu.memory_space<hbm>>
      tpu.enqueue_dma source(%dma_start3A_298 : memref<1x128xf32, #tpu.memory_space<hbm>>) target(%dma_start3A_296 : memref<1x128xf32, #tpu.memory_space<vmem>>) target_semaphore(%arg25 : memref<!tpu.dma_semaphore, #tpu.memory_space<semaphore_mem>>)
      %get3A_299 = arith.index_cast %add3A_252 : i32 to index
      %get3A_300 = tpu.vector_load %arg12[%get3A_299] {strides = array<i32>} : memref<528xi32, #tpu.memory_space<vmem>>, vector<16xi32>,
      %slice3A_301 = vector.extract_strided_slice %get3A_300 {offsets = [0], sizes = [1], strides = [1]} : vector<16xi32> to vector<1xi32>
      %squeeze3A_302 = vector.extract %slice3A_301[0] : i32 from vector<1xi32>
      %ge3A_303 = arith.constant 500864 : i32
      %ge3A_304 = arith.cmpi sge, %squeeze3A_302, %ge3A_303 : i32
      %jit3A_305 = arith.constant 500864 : i32
      %jit3A_306 = arith.constant 0 : i32
      %select_n3A_307 = arith.select %ge3A_304, %jit3A_305, %jit3A_306 : i32
      %sub3A_308 = arith.subi %squeeze3A_302, %select_n3A_307 : i32
      %dma_start3A_309 = arith.constant 0 : i32
      %dma_start3A_310 = tpu.memref_slice %arg19[%scan3A_249, %dma_start3A_309] : memref<128x128xf32, #tpu.memory_space<vmem>> -> memref<1x128xf32, #tpu.memory_space<vmem>>
      %dma_start3A_311 = arith.constant 0 : i32
      %dma_start3A_312 = tpu.memref_slice %arg3[%sub3A_308, %dma_start3A_311] : memref<500864x128xf32, #tpu.memory_space<hbm>> -> memref<1x128xf32, #tpu.memory_space<hbm>>
      %dma_start3A_313 = arith.constant 0 : i32
      %dma_start3A_314 = tpu.memref_slice %arg19[%scan3A_249, %dma_start3A_313] : memref<128x128xf32, #tpu.memory_space<vmem>> -> memref<1x128xf32, #tpu.memory_space<vmem>>
      %dma_start3A_315 = arith.constant 0 : i32
      %dma_start3A_316 = tpu.memref_slice %arg3[%sub3A_308, %dma_start3A_315] : memref<500864x128xf32, #tpu.memory_space<hbm>> -> memref<1x128xf32, #tpu.memory_space<hbm>>
      tpu.enqueue_dma source(%dma_start3A_316 : memref<1x128xf32, #tpu.memory_space<hbm>>) target(%dma_start3A_314 : memref<1x128xf32, #tpu.memory_space<vmem>>) target_semaphore(%arg25 : memref<!tpu.dma_semaphore, #tpu.memory_space<semaphore_mem>>)
      %get3A_317 = arith.index_cast %add3A_252 : i32 to index
      %get3A_318 = tpu.vector_load %arg13[%get3A_317] {strides = array<i32>} : memref<528xi32, #tpu.memory_space<vmem>>, vector<16xi32>,
      %slice3A_319 = vector.extract_strided_slice %get3A_318 {offsets = [0], sizes = [1], strides = [1]} : vector<16xi32> to vector<1xi32>
      %squeeze3A_320 = vector.extract %slice3A_319[0] : i32 from vector<1xi32>
      %ge3A_321 = arith.constant 500864 : i32
      %ge3A_322 = arith.cmpi sge, %squeeze3A_320, %ge3A_321 : i32
      %jit3A_323 = arith.constant 500864 : i32
      %jit3A_324 = arith.constant 0 : i32
      %select_n3A_325 = arith.select %ge3A_322, %jit3A_323, %jit3A_324 : i32
      %sub3A_326 = arith.subi %squeeze3A_320, %select_n3A_325 : i32
      %dma_start3A_327 = arith.constant 0 : i32
      %dma_start3A_328 = tpu.memref_slice %arg20[%scan3A_249, %dma_start3A_327] : memref<128x128xf32, #tpu.memory_space<vmem>> -> memref<1x128xf32, #tpu.memory_space<vmem>>
      %dma_start3A_329 = arith.constant 0 : i32
      %dma_start3A_330 = tpu.memref_slice %arg3[%sub3A_326, %dma_start3A_329] : memref<500864x128xf32, #tpu.memory_space<hbm>> -> memref<1x128xf32, #tpu.memory_space<hbm>>
      %dma_start3A_331 = arith.constant 0 : i32
      %dma_start3A_332 = tpu.memref_slice %arg20[%scan3A_249, %dma_start3A_331] : memref<128x128xf32, #tpu.memory_space<vmem>> -> memref<1x128xf32, #tpu.memory_space<vmem>>
      %dma_start3A_333 = arith.constant 0 : i32
      %dma_start3A_334 = tpu.memref_slice %arg3[%sub3A_326, %dma_start3A_333] : memref<500864x128xf32, #tpu.memory_space<hbm>> -> memref<1x128xf32, #tpu.memory_space<hbm>>
      tpu.enqueue_dma source(%dma_start3A_334 : memref<1x128xf32, #tpu.memory_space<hbm>>) target(%dma_start3A_332 : memref<1x128xf32, #tpu.memory_space<vmem>>) target_semaphore(%arg25 : memref<!tpu.dma_semaphore, #tpu.memory_space<semaphore_mem>>)
      %get3A_335 = arith.index_cast %add3A_252 : i32 to index
      %get3A_336 = tpu.vector_load %arg14[%get3A_335] {strides = array<i32>} : memref<528xi32, #tpu.memory_space<vmem>>, vector<16xi32>,
      %slice3A_337 = vector.extract_strided_slice %get3A_336 {offsets = [0], sizes = [1], strides = [1]} : vector<16xi32> to vector<1xi32>
      %squeeze3A_338 = vector.extract %slice3A_337[0] : i32 from vector<1xi32>
      %ge3A_339 = arith.constant 500864 : i32
      %ge3A_340 = arith.cmpi sge, %squeeze3A_338, %ge3A_339 : i32
      %jit3A_341 = arith.constant 500864 : i32
      %jit3A_342 = arith.constant 0 : i32
      %select_n3A_343 = arith.select %ge3A_340, %jit3A_341, %jit3A_342 : i32
      %sub3A_344 = arith.subi %squeeze3A_338, %select_n3A_343 : i32
      %dma_start3A_345 = arith.constant 0 : i32
      %dma_start3A_346 = tpu.memref_slice %arg21[%scan3A_249, %dma_start3A_345] : memref<128x128xf32, #tpu.memory_space<vmem>> -> memref<1x128xf32, #tpu.memory_space<vmem>>
      %dma_start3A_347 = arith.constant 0 : i32
      %dma_start3A_348 = tpu.memref_slice %arg3[%sub3A_344, %dma_start3A_347] : memref<500864x128xf32, #tpu.memory_space<hbm>> -> memref<1x128xf32, #tpu.memory_space<hbm>>
      %dma_start3A_349 = arith.constant 0 : i32
      %dma_start3A_350 = tpu.memref_slice %arg21[%scan3A_249, %dma_start3A_349] : memref<128x128xf32, #tpu.memory_space<vmem>> -> memref<1x128xf32, #tpu.memory_space<vmem>>
      %dma_start3A_351 = arith.constant 0 : i32
      %dma_start3A_352 = tpu.memref_slice %arg3[%sub3A_344, %dma_start3A_351] : memref<500864x128xf32, #tpu.memory_space<hbm>> -> memref<1x128xf32, #tpu.memory_space<hbm>>
      tpu.enqueue_dma source(%dma_start3A_352 : memref<1x128xf32, #tpu.memory_space<hbm>>) target(%dma_start3A_350 : memref<1x128xf32, #tpu.memory_space<vmem>>) target_semaphore(%arg25 : memref<!tpu.dma_semaphore, #tpu.memory_space<semaphore_mem>>)
      %get3A_353 = arith.index_cast %add3A_252 : i32 to index
      %get3A_354 = tpu.vector_load %arg15[%get3A_353] {strides = array<i32>} : memref<528xi32, #tpu.memory_space<vmem>>, vector<16xi32>,
      %slice3A_355 = vector.extract_strided_slice %get3A_354 {offsets = [0], sizes = [1], strides = [1]} : vector<16xi32> to vector<1xi32>
      %squeeze3A_356 = vector.extract %slice3A_355[0] : i32 from vector<1xi32>
      %ge3A_357 = arith.constant 500864 : i32
      %ge3A_358 = arith.cmpi sge, %squeeze3A_356, %ge3A_357 : i32
      %jit3A_359 = arith.constant 500864 : i32
      %jit3A_360 = arith.constant 0 : i32
      %select_n3A_361 = arith.select %ge3A_358, %jit3A_359, %jit3A_360 : i32
      %sub3A_362 = arith.subi %squeeze3A_356, %select_n3A_361 : i32
      %dma_start3A_363 = arith.constant 0 : i32
      %dma_start3A_364 = tpu.memref_slice %arg22[%scan3A_249, %dma_start3A_363] : memref<128x128xf32, #tpu.memory_space<vmem>> -> memref<1x128xf32, #tpu.memory_space<vmem>>
      %dma_start3A_365 = arith.constant 0 : i32
      %dma_start3A_366 = tpu.memref_slice %arg3[%sub3A_362, %dma_start3A_365] : memref<500864x128xf32, #tpu.memory_space<hbm>> -> memref<1x128xf32, #tpu.memory_space<hbm>>
      %dma_start3A_367 = arith.constant 0 : i32
      %dma_start3A_368 = tpu.memref_slice %arg22[%scan3A_249, %dma_start3A_367] : memref<128x128xf32, #tpu.memory_space<vmem>> -> memref<1x128xf32, #tpu.memory_space<vmem>>
      %dma_start3A_369 = arith.constant 0 : i32
      %dma_start3A_370 = tpu.memref_slice %arg3[%sub3A_362, %dma_start3A_369] : memref<500864x128xf32, #tpu.memory_space<hbm>> -> memref<1x128xf32, #tpu.memory_space<hbm>>
      tpu.enqueue_dma source(%dma_start3A_370 : memref<1x128xf32, #tpu.memory_space<hbm>>) target(%dma_start3A_368 : memref<1x128xf32, #tpu.memory_space<vmem>>) target_semaphore(%arg25 : memref<!tpu.dma_semaphore, #tpu.memory_space<semaphore_mem>>)
      %scan3A_371 = arith.constant 0 : i32
      scf.yield %scan3A_371 : i32
    }
    %scan3A_66 = arith.constant 128 : i32
    %iota3A = tpu.iota {dimensions = array<i32: 0>} : vector<16xi32>
    %eq3A = arith.constant 15 : i32
    %eq3A_67 = vector.broadcast %eq3A : i32 to vector<16xi32>
    %eq3A_68 = arith.cmpi eq, %iota3A, %eq3A_67 : vector<16xi32>
    %scan3A_69 = arith.constant 0 : i32
    %scan3A_70 = arith.constant 0 : i32
    %scan3A_71 = arith.constant 128 : i32
    %scan3A_72 = arith.addi %scan3A_70, %scan3A_71 : i32
    %scan3A_73 = arith.constant 1 : i32
    %scan3A_74 = scf.for %scan3A_249 = %scan3A_70 to %scan3A_72 step %scan3A_73 iter_args(%scan3A_250 = %scan3A_69) -> (i32)  : i32 {
      %add3A_251 = arith.constant 0 : i32
      %add3A_252 = arith.addi %add3A_251, %scan3A_249 : i32
      %get3A = arith.index_cast %add3A_252 : i32 to index
      %get3A_253 = tpu.vector_load %arg9[%get3A] {strides = array<i32>} : memref<528xi32, #tpu.memory_space<vmem>>, vector<16xi32>,
      %slice3A = vector.extract_strided_slice %get3A_253 {offsets = [0], sizes = [1], strides = [1]} : vector<16xi32> to vector<1xi32>
      %squeeze3A = vector.extract %slice3A[0] : i32 from vector<1xi32>
      %ge3A = arith.constant 500864 : i32
      %ge3A_254 = arith.cmpi sge, %squeeze3A, %ge3A : i32
      %jit3A = arith.constant 64 : i32
      %jit3A_255 = arith.constant 0 : i32
      %select_n3A = arith.select %ge3A_254, %jit3A, %jit3A_255 : i32
      %get3A_256 = arith.index_cast %add3A_252 : i32 to index
      %get3A_257 = tpu.vector_load %arg10[%get3A_256] {strides = array<i32>} : memref<528xi32, #tpu.memory_space<vmem>>, vector<16xi32>,
      %slice3A_258 = vector.extract_strided_slice %get3A_257 {offsets = [0], sizes = [1], strides = [1]} : vector<16xi32> to vector<1xi32>
      %squeeze3A_259 = vector.extract %slice3A_258[0] : i32 from vector<1xi32>
      %ge3A_260 = arith.constant 500864 : i32
      %ge3A_261 = arith.cmpi sge, %squeeze3A_259, %ge3A_260 : i32
      %jit3A_262 = arith.constant 64 : i32
      %jit3A_263 = arith.constant 0 : i32
      %select_n3A_264 = arith.select %ge3A_261, %jit3A_262, %jit3A_263 : i32
      %get3A_265 = arith.index_cast %add3A_252 : i32 to index
      %get3A_266 = tpu.vector_load %arg11[%get3A_265] {strides = array<i32>} : memref<528xi32, #tpu.memory_space<vmem>>, vector<16xi32>,
      %slice3A_267 = vector.extract_strided_slice %get3A_266 {offsets = [0], sizes = [1], strides = [1]} : vector<16xi32> to vector<1xi32>
      %squeeze3A_268 = vector.extract %slice3A_267[0] : i32 from vector<1xi32>
      %ge3A_269 = arith.constant 500864 : i32
      %ge3A_270 = arith.cmpi sge, %squeeze3A_268, %ge3A_269 : i32
      %jit3A_271 = arith.constant 64 : i32
      %jit3A_272 = arith.constant 0 : i32
      %select_n3A_273 = arith.select %ge3A_270, %jit3A_271, %jit3A_272 : i32
      %get3A_274 = arith.index_cast %add3A_252 : i32 to index
      %get3A_275 = tpu.vector_load %arg12[%get3A_274] {strides = array<i32>} : memref<528xi32, #tpu.memory_space<vmem>>, vector<16xi32>,
      %slice3A_276 = vector.extract_strided_slice %get3A_275 {offsets = [0], sizes = [1], strides = [1]} : vector<16xi32> to vector<1xi32>
      %squeeze3A_277 = vector.extract %slice3A_276[0] : i32 from vector<1xi32>
      %ge3A_278 = arith.constant 500864 : i32
      %ge3A_279 = arith.cmpi sge, %squeeze3A_277, %ge3A_278 : i32
      %jit3A_280 = arith.constant 64 : i32
      %jit3A_281 = arith.constant 0 : i32
      %select_n3A_282 = arith.select %ge3A_279, %jit3A_280, %jit3A_281 : i32
      %get3A_283 = arith.index_cast %add3A_252 : i32 to index
      %get3A_284 = tpu.vector_load %arg13[%get3A_283] {strides = array<i32>} : memref<528xi32, #tpu.memory_space<vmem>>, vector<16xi32>,
      %slice3A_285 = vector.extract_strided_slice %get3A_284 {offsets = [0], sizes = [1], strides = [1]} : vector<16xi32> to vector<1xi32>
      %squeeze3A_286 = vector.extract %slice3A_285[0] : i32 from vector<1xi32>
      %ge3A_287 = arith.constant 500864 : i32
      %ge3A_288 = arith.cmpi sge, %squeeze3A_286, %ge3A_287 : i32
      %jit3A_289 = arith.constant 64 : i32
      %jit3A_290 = arith.constant 0 : i32
      %select_n3A_291 = arith.select %ge3A_288, %jit3A_289, %jit3A_290 : i32
      %get3A_292 = arith.index_cast %add3A_252 : i32 to index
      %get3A_293 = tpu.vector_load %arg14[%get3A_292] {strides = array<i32>} : memref<528xi32, #tpu.memory_space<vmem>>, vector<16xi32>,
      %slice3A_294 = vector.extract_strided_slice %get3A_293 {offsets = [0], sizes = [1], strides = [1]} : vector<16xi32> to vector<1xi32>
      %squeeze3A_295 = vector.extract %slice3A_294[0] : i32 from vector<1xi32>
      %ge3A_296 = arith.constant 500864 : i32
      %ge3A_297 = arith.cmpi sge, %squeeze3A_295, %ge3A_296 : i32
      %jit3A_298 = arith.constant 64 : i32
      %jit3A_299 = arith.constant 0 : i32
      %select_n3A_300 = arith.select %ge3A_297, %jit3A_298, %jit3A_299 : i32
      %get3A_301 = arith.index_cast %add3A_252 : i32 to index
      %get3A_302 = tpu.vector_load %arg15[%get3A_301] {strides = array<i32>} : memref<528xi32, #tpu.memory_space<vmem>>, vector<16xi32>,
      %slice3A_303 = vector.extract_strided_slice %get3A_302 {offsets = [0], sizes = [1], strides = [1]} : vector<16xi32> to vector<1xi32>
      %squeeze3A_304 = vector.extract %slice3A_303[0] : i32 from vector<1xi32>
      %ge3A_305 = arith.constant 500864 : i32
      %ge3A_306 = arith.cmpi sge, %squeeze3A_304, %ge3A_305 : i32
      %jit3A_307 = arith.constant 64 : i32
      %jit3A_308 = arith.constant 0 : i32
      %select_n3A_309 = arith.select %ge3A_306, %jit3A_307, %jit3A_308 : i32
      %add3A_310 = arith.constant 0 : i32
      %add3A_311 = arith.addi %select_n3A, %add3A_310 : i32
      %get3A_312 = arith.index_cast %scan3A_249 : i32 to index
      %get3A_313 = arith.index_cast %add3A_311 : i32 to index
      %get3A_314 = tpu.vector_load %arg16[%get3A_312, %get3A_313] {strides = array<i32>} : memref<128x128xf32, #tpu.memory_space<vmem>>, vector<16xf32>,
      %add3A_315 = arith.constant 0 : i32
      %add3A_316 = arith.addi %select_n3A_264, %add3A_315 : i32
      %get3A_317 = arith.index_cast %scan3A_249 : i32 to index
      %get3A_318 = arith.index_cast %add3A_316 : i32 to index
      %get3A_319 = tpu.vector_load %arg17[%get3A_317, %get3A_318] {strides = array<i32>} : memref<128x128xf32, #tpu.memory_space<vmem>>, vector<16xf32>,
      %add3A_320 = arith.constant 0 : i32
      %add3A_321 = arith.addi %select_n3A_273, %add3A_320 : i32
      %get3A_322 = arith.index_cast %scan3A_249 : i32 to index
      %get3A_323 = arith.index_cast %add3A_321 : i32 to index
      %get3A_324 = tpu.vector_load %arg18[%get3A_322, %get3A_323] {strides = array<i32>} : memref<128x128xf32, #tpu.memory_space<vmem>>, vector<16xf32>,
      %add3A_325 = arith.constant 0 : i32
      %add3A_326 = arith.addi %select_n3A_282, %add3A_325 : i32
      %get3A_327 = arith.index_cast %scan3A_249 : i32 to index
      %get3A_328 = arith.index_cast %add3A_326 : i32 to index
      %get3A_329 = tpu.vector_load %arg19[%get3A_327, %get3A_328] {strides = array<i32>} : memref<128x128xf32, #tpu.memory_space<vmem>>, vector<16xf32>,
      %add3A_330 = arith.addf %get3A_324, %get3A_329 : vector<16xf32>
      %add3A_331 = arith.constant 0 : i32
      %add3A_332 = arith.addi %select_n3A_291, %add3A_331 : i32
      %get3A_333 = arith.index_cast %scan3A_249 : i32 to index
      %get3A_334 = arith.index_cast %add3A_332 : i32 to index
      %get3A_335 = tpu.vector_load %arg20[%get3A_333, %get3A_334] {strides = array<i32>} : memref<128x128xf32, #tpu.memory_space<vmem>>, vector<16xf32>,
      %add3A_336 = arith.addf %add3A_330, %get3A_335 : vector<16xf32>
      %add3A_337 = arith.constant 0 : i32
      %add3A_338 = arith.addi %select_n3A_300, %add3A_337 : i32
      %get3A_339 = arith.index_cast %scan3A_249 : i32 to index
      %get3A_340 = arith.index_cast %add3A_338 : i32 to index
      %get3A_341 = tpu.vector_load %arg21[%get3A_339, %get3A_340] {strides = array<i32>} : memref<128x128xf32, #tpu.memory_space<vmem>>, vector<16xf32>,
      %add3A_342 = arith.addf %add3A_336, %get3A_341 : vector<16xf32>
      %add3A_343 = arith.constant 0 : i32
      %add3A_344 = arith.addi %select_n3A_309, %add3A_343 : i32
      %get3A_345 = arith.index_cast %scan3A_249 : i32 to index
      %get3A_346 = arith.index_cast %add3A_344 : i32 to index
      %get3A_347 = tpu.vector_load %arg22[%get3A_345, %get3A_346] {strides = array<i32>} : memref<128x128xf32, #tpu.memory_space<vmem>>, vector<16xf32>,
      %add3A_348 = arith.addf %add3A_342, %get3A_347 : vector<16xf32>
      %mul3A_349 = arith.mulf %get3A_314, %get3A_319 : vector<16xf32>
      %mul3A_350 = arith.mulf %get3A_314, %add3A_348 : vector<16xf32>
      %add3A_351 = arith.constant 16 : i32
      %add3A_352 = arith.addi %select_n3A, %add3A_351 : i32
      %get3A_353 = arith.index_cast %scan3A_249 : i32 to index
      %get3A_354 = arith.index_cast %add3A_352 : i32 to index
      %get3A_355 = tpu.vector_load %arg16[%get3A_353, %get3A_354] {strides = array<i32>} : memref<128x128xf32, #tpu.memory_space<vmem>>, vector<16xf32>,
      %add3A_356 = arith.constant 16 : i32
      %add3A_357 = arith.addi %select_n3A_264, %add3A_356 : i32
      %get3A_358 = arith.index_cast %scan3A_249 : i32 to index
      %get3A_359 = arith.index_cast %add3A_357 : i32 to index
      %get3A_360 = tpu.vector_load %arg17[%get3A_358, %get3A_359] {strides = array<i32>} : memref<128x128xf32, #tpu.memory_space<vmem>>, vector<16xf32>,
      %add3A_361 = arith.constant 16 : i32
      %add3A_362 = arith.addi %select_n3A_273, %add3A_361 : i32
      %get3A_363 = arith.index_cast %scan3A_249 : i32 to index
      %get3A_364 = arith.index_cast %add3A_362 : i32 to index
      %get3A_365 = tpu.vector_load %arg18[%get3A_363, %get3A_364] {strides = array<i32>} : memref<128x128xf32, #tpu.memory_space<vmem>>, vector<16xf32>,
      %add3A_366 = arith.constant 16 : i32
      %add3A_367 = arith.addi %select_n3A_282, %add3A_366 : i32
      %get3A_368 = arith.index_cast %scan3A_249 : i32 to index
      %get3A_369 = arith.index_cast %add3A_367 : i32 to index
      %get3A_370 = tpu.vector_load %arg19[%get3A_368, %get3A_369] {strides = array<i32>} : memref<128x128xf32, #tpu.memory_space<vmem>>, vector<16xf32>,
      %add3A_371 = arith.addf %get3A_365, %get3A_370 : vector<16xf32>
      %add3A_372 = arith.constant 16 : i32
      %add3A_373 = arith.addi %select_n3A_291, %add3A_372 : i32
      %get3A_374 = arith.index_cast %scan3A_249 : i32 to index
      %get3A_375 = arith.index_cast %add3A_373 : i32 to index
      %get3A_376 = tpu.vector_load %arg20[%get3A_374, %get3A_375] {strides = array<i32>} : memref<128x128xf32, #tpu.memory_space<vmem>>, vector<16xf32>,
      %add3A_377 = arith.addf %add3A_371, %get3A_376 : vector<16xf32>
      %add3A_378 = arith.constant 16 : i32
      %add3A_379 = arith.addi %select_n3A_300, %add3A_378 : i32
      %get3A_380 = arith.index_cast %scan3A_249 : i32 to index
      %get3A_381 = arith.index_cast %add3A_379 : i32 to index
      %get3A_382 = tpu.vector_load %arg21[%get3A_380, %get3A_381] {strides = array<i32>} : memref<128x128xf32, #tpu.memory_space<vmem>>, vector<16xf32>,
      %add3A_383 = arith.addf %add3A_377, %get3A_382 : vector<16xf32>
      %add3A_384 = arith.constant 16 : i32
      %add3A_385 = arith.addi %select_n3A_309, %add3A_384 : i32
      %get3A_386 = arith.index_cast %scan3A_249 : i32 to index
      %get3A_387 = arith.index_cast %add3A_385 : i32 to index
      %get3A_388 = tpu.vector_load %arg22[%get3A_386, %get3A_387] {strides = array<i32>} : memref<128x128xf32, #tpu.memory_space<vmem>>, vector<16xf32>,
      %add3A_389 = arith.addf %add3A_383, %get3A_388 : vector<16xf32>
      %mul3A_390 = arith.mulf %get3A_355, %get3A_360 : vector<16xf32>
      %mul3A_391 = arith.mulf %get3A_355, %add3A_389 : vector<16xf32>
      %add3A_392 = arith.addf %mul3A_349, %mul3A_390 : vector<16xf32>
      %add3A_393 = arith.addf %mul3A_350, %mul3A_391 : vector<16xf32>
      %add3A_394 = arith.constant 32 : i32
      %add3A_395 = arith.addi %select_n3A, %add3A_394 : i32
      %get3A_396 = arith.index_cast %scan3A_249 : i32 to index
      %get3A_397 = arith.index_cast %add3A_395 : i32 to index
      %get3A_398 = tpu.vector_load %arg16[%get3A_396, %get3A_397] {strides = array<i32>} : memref<128x128xf32, #tpu.memory_space<vmem>>, vector<16xf32>,
      %add3A_399 = arith.constant 32 : i32
      %add3A_400 = arith.addi %select_n3A_264, %add3A_399 : i32
      %get3A_401 = arith.index_cast %scan3A_249 : i32 to index
      %get3A_402 = arith.index_cast %add3A_400 : i32 to index
      %get3A_403 = tpu.vector_load %arg17[%get3A_401, %get3A_402] {strides = array<i32>} : memref<128x128xf32, #tpu.memory_space<vmem>>, vector<16xf32>,
      %add3A_404 = arith.constant 32 : i32
      %add3A_405 = arith.addi %select_n3A_273, %add3A_404 : i32
      %get3A_406 = arith.index_cast %scan3A_249 : i32 to index
      %get3A_407 = arith.index_cast %add3A_405 : i32 to index
      %get3A_408 = tpu.vector_load %arg18[%get3A_406, %get3A_407] {strides = array<i32>} : memref<128x128xf32, #tpu.memory_space<vmem>>, vector<16xf32>,
      %add3A_409 = arith.constant 32 : i32
      %add3A_410 = arith.addi %select_n3A_282, %add3A_409 : i32
      %get3A_411 = arith.index_cast %scan3A_249 : i32 to index
      %get3A_412 = arith.index_cast %add3A_410 : i32 to index
      %get3A_413 = tpu.vector_load %arg19[%get3A_411, %get3A_412] {strides = array<i32>} : memref<128x128xf32, #tpu.memory_space<vmem>>, vector<16xf32>,
      %add3A_414 = arith.addf %get3A_408, %get3A_413 : vector<16xf32>
      %add3A_415 = arith.constant 32 : i32
      %add3A_416 = arith.addi %select_n3A_291, %add3A_415 : i32
      %get3A_417 = arith.index_cast %scan3A_249 : i32 to index
      %get3A_418 = arith.index_cast %add3A_416 : i32 to index
      %get3A_419 = tpu.vector_load %arg20[%get3A_417, %get3A_418] {strides = array<i32>} : memref<128x128xf32, #tpu.memory_space<vmem>>, vector<16xf32>,
      %add3A_420 = arith.addf %add3A_414, %get3A_419 : vector<16xf32>
      %add3A_421 = arith.constant 32 : i32
      %add3A_422 = arith.addi %select_n3A_300, %add3A_421 : i32
      %get3A_423 = arith.index_cast %scan3A_249 : i32 to index
      %get3A_424 = arith.index_cast %add3A_422 : i32 to index
      %get3A_425 = tpu.vector_load %arg21[%get3A_423, %get3A_424] {strides = array<i32>} : memref<128x128xf32, #tpu.memory_space<vmem>>, vector<16xf32>,
      %add3A_426 = arith.addf %add3A_420, %get3A_425 : vector<16xf32>
      %add3A_427 = arith.constant 32 : i32
      %add3A_428 = arith.addi %select_n3A_309, %add3A_427 : i32
      %get3A_429 = arith.index_cast %scan3A_249 : i32 to index
      %get3A_430 = arith.index_cast %add3A_428 : i32 to index
      %get3A_431 = tpu.vector_load %arg22[%get3A_429, %get3A_430] {strides = array<i32>} : memref<128x128xf32, #tpu.memory_space<vmem>>, vector<16xf32>,
      %add3A_432 = arith.addf %add3A_426, %get3A_431 : vector<16xf32>
      %mul3A_433 = arith.mulf %get3A_398, %get3A_403 : vector<16xf32>
      %mul3A_434 = arith.mulf %get3A_398, %add3A_432 : vector<16xf32>
      %add3A_435 = arith.addf %add3A_392, %mul3A_433 : vector<16xf32>
      %add3A_436 = arith.addf %add3A_393, %mul3A_434 : vector<16xf32>
      %add3A_437 = arith.constant 48 : i32
      %add3A_438 = arith.addi %select_n3A, %add3A_437 : i32
      %get3A_439 = arith.index_cast %scan3A_249 : i32 to index
      %get3A_440 = arith.index_cast %add3A_438 : i32 to index
      %get3A_441 = tpu.vector_load %arg16[%get3A_439, %get3A_440] {strides = array<i32>} : memref<128x128xf32, #tpu.memory_space<vmem>>, vector<16xf32>,
      %add3A_442 = arith.constant 48 : i32
      %add3A_443 = arith.addi %select_n3A_264, %add3A_442 : i32
      %get3A_444 = arith.index_cast %scan3A_249 : i32 to index
      %get3A_445 = arith.index_cast %add3A_443 : i32 to index
      %get3A_446 = tpu.vector_load %arg17[%get3A_444, %get3A_445] {strides = array<i32>} : memref<128x128xf32, #tpu.memory_space<vmem>>, vector<16xf32>,
      %add3A_447 = arith.constant 48 : i32
      %add3A_448 = arith.addi %select_n3A_273, %add3A_447 : i32
      %get3A_449 = arith.index_cast %scan3A_249 : i32 to index
      %get3A_450 = arith.index_cast %add3A_448 : i32 to index
      %get3A_451 = tpu.vector_load %arg18[%get3A_449, %get3A_450] {strides = array<i32>} : memref<128x128xf32, #tpu.memory_space<vmem>>, vector<16xf32>,
      %add3A_452 = arith.constant 48 : i32
      %add3A_453 = arith.addi %select_n3A_282, %add3A_452 : i32
      %get3A_454 = arith.index_cast %scan3A_249 : i32 to index
      %get3A_455 = arith.index_cast %add3A_453 : i32 to index
      %get3A_456 = tpu.vector_load %arg19[%get3A_454, %get3A_455] {strides = array<i32>} : memref<128x128xf32, #tpu.memory_space<vmem>>, vector<16xf32>,
      %add3A_457 = arith.addf %get3A_451, %get3A_456 : vector<16xf32>
      %add3A_458 = arith.constant 48 : i32
      %add3A_459 = arith.addi %select_n3A_291, %add3A_458 : i32
      %get3A_460 = arith.index_cast %scan3A_249 : i32 to index
      %get3A_461 = arith.index_cast %add3A_459 : i32 to index
      %get3A_462 = tpu.vector_load %arg20[%get3A_460, %get3A_461] {strides = array<i32>} : memref<128x128xf32, #tpu.memory_space<vmem>>, vector<16xf32>,
      %add3A_463 = arith.addf %add3A_457, %get3A_462 : vector<16xf32>
      %add3A_464 = arith.constant 48 : i32
      %add3A_465 = arith.addi %select_n3A_300, %add3A_464 : i32
      %get3A_466 = arith.index_cast %scan3A_249 : i32 to index
      %get3A_467 = arith.index_cast %add3A_465 : i32 to index
      %get3A_468 = tpu.vector_load %arg21[%get3A_466, %get3A_467] {strides = array<i32>} : memref<128x128xf32, #tpu.memory_space<vmem>>, vector<16xf32>,
      %add3A_469 = arith.addf %add3A_463, %get3A_468 : vector<16xf32>
      %add3A_470 = arith.constant 48 : i32
      %add3A_471 = arith.addi %select_n3A_309, %add3A_470 : i32
      %get3A_472 = arith.index_cast %scan3A_249 : i32 to index
      %get3A_473 = arith.index_cast %add3A_471 : i32 to index
      %get3A_474 = tpu.vector_load %arg22[%get3A_472, %get3A_473] {strides = array<i32>} : memref<128x128xf32, #tpu.memory_space<vmem>>, vector<16xf32>,
      %add3A_475 = arith.addf %add3A_469, %get3A_474 : vector<16xf32>
      %mul3A_476 = arith.mulf %get3A_441, %get3A_446 : vector<16xf32>
      %mul3A_477 = arith.mulf %get3A_441, %add3A_475 : vector<16xf32>
      %add3A_478 = arith.addf %add3A_435, %mul3A_476 : vector<16xf32>
      %add3A_479 = arith.addf %add3A_436, %mul3A_477 : vector<16xf32>
      %broadcast_in_dim3A = vector.broadcast %add3A_252 : i32 to vector<16xi32>
      %broadcast_in_dim3A_480 = arith.constant true
      %broadcast_in_dim3A_481 = vector.broadcast %broadcast_in_dim3A_480 : i1 to vector<16xi1>
      %masked_cumsum3A = tpu.scan <sum>, %add3A_478 masked %broadcast_in_dim3A_481 : vector<16xf32>, vector<16xi1> -> vector<16xf32>
      tpu.vector_store_idx %arg23[%broadcast_in_dim3A], %masked_cumsum3A masked %eq3A_68 : memref<512xf32, #tpu.memory_space<vmem>>[vector<16xi32>], vector<16xf32>, vector<16xi1>
      %broadcast_in_dim3A_482 = arith.constant true
      %broadcast_in_dim3A_483 = vector.broadcast %broadcast_in_dim3A_482 : i1 to vector<16xi1>
      %masked_cumsum3A_484 = tpu.scan <sum>, %add3A_479 masked %broadcast_in_dim3A_483 : vector<16xf32>, vector<16xi1> -> vector<16xf32>
      tpu.vector_store_idx %arg24[%broadcast_in_dim3A], %masked_cumsum3A_484 masked %eq3A_68 : memref<512xf32, #tpu.memory_space<vmem>>[vector<16xi32>], vector<16xf32>, vector<16xi1>
      %scan3A_485 = arith.constant 0 : i32
      scf.yield %scan3A_485 : i32
    }
    %scan3A_75 = arith.constant 128 : i32
    %dma_wait3A_76 = arith.constant 0 : i32
    %dma_wait3A_77 = arith.constant 0 : i32
    %dma_wait3A_78 = tpu.memref_slice %arg2[%dma_wait3A_76, %dma_wait3A_77] : memref<500864x128xf32, #tpu.memory_space<hbm>> -> memref<128x128xf32, #tpu.memory_space<hbm>>
    %dma_wait3A_79 = arith.constant 0 : i32
    %dma_wait3A_80 = arith.constant 0 : i32
    %dma_wait3A_81 = tpu.memref_slice %arg2[%dma_wait3A_79, %dma_wait3A_80] : memref<500864x128xf32, #tpu.memory_space<hbm>> -> memref<128x128xf32, #tpu.memory_space<hbm>>
    tpu.wait_dma2 semaphore(%arg25 : memref<!tpu.dma_semaphore, #tpu.memory_space<semaphore_mem>>) src(%dma_wait3A_81 : memref<128x128xf32, #tpu.memory_space<hbm>>) dst(%arg16 : memref<128x128xf32, #tpu.memory_space<vmem>>)
    %dma_wait3A_82 = arith.constant 0 : i32
    %dma_wait3A_83 = arith.constant 0 : i32
    %dma_wait3A_84 = tpu.memref_slice %arg3[%dma_wait3A_82, %dma_wait3A_83] : memref<500864x128xf32, #tpu.memory_space<hbm>> -> memref<128x128xf32, #tpu.memory_space<hbm>>
    %dma_wait3A_85 = arith.constant 0 : i32
    %dma_wait3A_86 = arith.constant 0 : i32
    %dma_wait3A_87 = tpu.memref_slice %arg3[%dma_wait3A_85, %dma_wait3A_86] : memref<500864x128xf32, #tpu.memory_space<hbm>> -> memref<128x128xf32, #tpu.memory_space<hbm>>
    tpu.wait_dma2 semaphore(%arg25 : memref<!tpu.dma_semaphore, #tpu.memory_space<semaphore_mem>>) src(%dma_wait3A_87 : memref<128x128xf32, #tpu.memory_space<hbm>>) dst(%arg17 : memref<128x128xf32, #tpu.memory_space<vmem>>)
    %dma_wait3A_88 = arith.constant 0 : i32
    %dma_wait3A_89 = arith.constant 0 : i32
    %dma_wait3A_90 = tpu.memref_slice %arg3[%dma_wait3A_88, %dma_wait3A_89] : memref<500864x128xf32, #tpu.memory_space<hbm>> -> memref<128x128xf32, #tpu.memory_space<hbm>>
    %dma_wait3A_91 = arith.constant 0 : i32
    %dma_wait3A_92 = arith.constant 0 : i32
    %dma_wait3A_93 = tpu.memref_slice %arg3[%dma_wait3A_91, %dma_wait3A_92] : memref<500864x128xf32, #tpu.memory_space<hbm>> -> memref<128x128xf32, #tpu.memory_space<hbm>>
    tpu.wait_dma2 semaphore(%arg25 : memref<!tpu.dma_semaphore, #tpu.memory_space<semaphore_mem>>) src(%dma_wait3A_93 : memref<128x128xf32, #tpu.memory_space<hbm>>) dst(%arg18 : memref<128x128xf32, #tpu.memory_space<vmem>>)
    %dma_wait3A_94 = arith.constant 0 : i32
    %dma_wait3A_95 = arith.constant 0 : i32
    %dma_wait3A_96 = tpu.memref_slice %arg3[%dma_wait3A_94, %dma_wait3A_95] : memref<500864x128xf32, #tpu.memory_space<hbm>> -> memref<128x128xf32, #tpu.memory_space<hbm>>
    %dma_wait3A_97 = arith.constant 0 : i32
    %dma_wait3A_98 = arith.constant 0 : i32
    %dma_wait3A_99 = tpu.memref_slice %arg3[%dma_wait3A_97, %dma_wait3A_98] : memref<500864x128xf32, #tpu.memory_space<hbm>> -> memref<128x128xf32, #tpu.memory_space<hbm>>
    tpu.wait_dma2 semaphore(%arg25 : memref<!tpu.dma_semaphore, #tpu.memory_space<semaphore_mem>>) src(%dma_wait3A_99 : memref<128x128xf32, #tpu.memory_space<hbm>>) dst(%arg19 : memref<128x128xf32, #tpu.memory_space<vmem>>)
    %dma_wait3A_100 = arith.constant 0 : i32
    %dma_wait3A_101 = arith.constant 0 : i32
    %dma_wait3A_102 = tpu.memref_slice %arg3[%dma_wait3A_100, %dma_wait3A_101] : memref<500864x128xf32, #tpu.memory_space<hbm>> -> memref<128x128xf32, #tpu.memory_space<hbm>>
    %dma_wait3A_103 = arith.constant 0 : i32
    %dma_wait3A_104 = arith.constant 0 : i32
    %dma_wait3A_105 = tpu.memref_slice %arg3[%dma_wait3A_103, %dma_wait3A_104] : memref<500864x128xf32, #tpu.memory_space<hbm>> -> memref<128x128xf32, #tpu.memory_space<hbm>>
    tpu.wait_dma2 semaphore(%arg25 : memref<!tpu.dma_semaphore, #tpu.memory_space<semaphore_mem>>) src(%dma_wait3A_105 : memref<128x128xf32, #tpu.memory_space<hbm>>) dst(%arg20 : memref<128x128xf32, #tpu.memory_space<vmem>>)
    %dma_wait3A_106 = arith.constant 0 : i32
    %dma_wait3A_107 = arith.constant 0 : i32
    %dma_wait3A_108 = tpu.memref_slice %arg3[%dma_wait3A_106, %dma_wait3A_107] : memref<500864x128xf32, #tpu.memory_space<hbm>> -> memref<128x128xf32, #tpu.memory_space<hbm>>
    %dma_wait3A_109 = arith.constant 0 : i32
    %dma_wait3A_110 = arith.constant 0 : i32
    %dma_wait3A_111 = tpu.memref_slice %arg3[%dma_wait3A_109, %dma_wait3A_110] : memref<500864x128xf32, #tpu.memory_space<hbm>> -> memref<128x128xf32, #tpu.memory_space<hbm>>
    tpu.wait_dma2 semaphore(%arg25 : memref<!tpu.dma_semaphore, #tpu.memory_space<semaphore_mem>>) src(%dma_wait3A_111 : memref<128x128xf32, #tpu.memory_space<hbm>>) dst(%arg21 : memref<128x128xf32, #tpu.memory_space<vmem>>)
    %dma_wait3A_112 = arith.constant 0 : i32
    %dma_wait3A_113 = arith.constant 0 : i32
    %dma_wait3A_114 = tpu.memref_slice %arg3[%dma_wait3A_112, %dma_wait3A_113] : memref<500864x128xf32, #tpu.memory_space<hbm>> -> memref<128x128xf32, #tpu.memory_space<hbm>>
    %dma_wait3A_115 = arith.constant 0 : i32
    %dma_wait3A_116 = arith.constant 0 : i32
    %dma_wait3A_117 = tpu.memref_slice %arg3[%dma_wait3A_115, %dma_wait3A_116] : memref<500864x128xf32, #tpu.memory_space<hbm>> -> memref<128x128xf32, #tpu.memory_space<hbm>>
    tpu.wait_dma2 semaphore(%arg25 : memref<!tpu.dma_semaphore, #tpu.memory_space<semaphore_mem>>) src(%dma_wait3A_117 : memref<128x128xf32, #tpu.memory_space<hbm>>) dst(%arg22 : memref<128x128xf32, #tpu.memory_space<vmem>>)
    %scan3A_118 = arith.constant 0 : i32
    %scan3A_119 = arith.constant 0 : i32
    %scan3A_120 = arith.constant 128 : i32
    %scan3A_121 = arith.addi %scan3A_119, %scan3A_120 : i32
    %scan3A_122 = arith.constant 1 : i32
    %scan3A_123 = scf.for %scan3A_249 = %scan3A_119 to %scan3A_121 step %scan3A_122 iter_args(%scan3A_250 = %scan3A_118) -> (i32)  : i32 {
      %add3A_251 = arith.constant 256 : i32
      %add3A_252 = arith.addi %add3A_251, %scan3A_249 : i32
      %get3A = arith.index_cast %add3A_252 : i32 to index
      %get3A_253 = tpu.vector_load %arg9[%get3A] {strides = array<i32>} : memref<528xi32, #tpu.memory_space<vmem>>, vector<16xi32>,
      %slice3A = vector.extract_strided_slice %get3A_253 {offsets = [0], sizes = [1], strides = [1]} : vector<16xi32> to vector<1xi32>
      %squeeze3A = vector.extract %slice3A[0] : i32 from vector<1xi32>
      %ge3A = arith.constant 500864 : i32
      %ge3A_254 = arith.cmpi sge, %squeeze3A, %ge3A : i32
      %jit3A = arith.constant 500864 : i32
      %jit3A_255 = arith.constant 0 : i32
      %select_n3A = arith.select %ge3A_254, %jit3A, %jit3A_255 : i32
      %sub3A = arith.subi %squeeze3A, %select_n3A : i32
      %dma_start3A = arith.constant 0 : i32
      %dma_start3A_256 = tpu.memref_slice %arg16[%scan3A_249, %dma_start3A] : memref<128x128xf32, #tpu.memory_space<vmem>> -> memref<1x128xf32, #tpu.memory_space<vmem>>
      %dma_start3A_257 = arith.constant 0 : i32
      %dma_start3A_258 = tpu.memref_slice %arg2[%sub3A, %dma_start3A_257] : memref<500864x128xf32, #tpu.memory_space<hbm>> -> memref<1x128xf32, #tpu.memory_space<hbm>>
      %dma_start3A_259 = arith.constant 0 : i32
      %dma_start3A_260 = tpu.memref_slice %arg16[%scan3A_249, %dma_start3A_259] : memref<128x128xf32, #tpu.memory_space<vmem>> -> memref<1x128xf32, #tpu.memory_space<vmem>>
      %dma_start3A_261 = arith.constant 0 : i32
      %dma_start3A_262 = tpu.memref_slice %arg2[%sub3A, %dma_start3A_261] : memref<500864x128xf32, #tpu.memory_space<hbm>> -> memref<1x128xf32, #tpu.memory_space<hbm>>
      tpu.enqueue_dma source(%dma_start3A_262 : memref<1x128xf32, #tpu.memory_space<hbm>>) target(%dma_start3A_260 : memref<1x128xf32, #tpu.memory_space<vmem>>) target_semaphore(%arg25 : memref<!tpu.dma_semaphore, #tpu.memory_space<semaphore_mem>>)
      %get3A_263 = arith.index_cast %add3A_252 : i32 to index
      %get3A_264 = tpu.vector_load %arg10[%get3A_263] {strides = array<i32>} : memref<528xi32, #tpu.memory_space<vmem>>, vector<16xi32>,
      %slice3A_265 = vector.extract_strided_slice %get3A_264 {offsets = [0], sizes = [1], strides = [1]} : vector<16xi32> to vector<1xi32>
      %squeeze3A_266 = vector.extract %slice3A_265[0] : i32 from vector<1xi32>
      %ge3A_267 = arith.constant 500864 : i32
      %ge3A_268 = arith.cmpi sge, %squeeze3A_266, %ge3A_267 : i32
      %jit3A_269 = arith.constant 500864 : i32
      %jit3A_270 = arith.constant 0 : i32
      %select_n3A_271 = arith.select %ge3A_268, %jit3A_269, %jit3A_270 : i32
      %sub3A_272 = arith.subi %squeeze3A_266, %select_n3A_271 : i32
      %dma_start3A_273 = arith.constant 0 : i32
      %dma_start3A_274 = tpu.memref_slice %arg17[%scan3A_249, %dma_start3A_273] : memref<128x128xf32, #tpu.memory_space<vmem>> -> memref<1x128xf32, #tpu.memory_space<vmem>>
      %dma_start3A_275 = arith.constant 0 : i32
      %dma_start3A_276 = tpu.memref_slice %arg3[%sub3A_272, %dma_start3A_275] : memref<500864x128xf32, #tpu.memory_space<hbm>> -> memref<1x128xf32, #tpu.memory_space<hbm>>
      %dma_start3A_277 = arith.constant 0 : i32
      %dma_start3A_278 = tpu.memref_slice %arg17[%scan3A_249, %dma_start3A_277] : memref<128x128xf32, #tpu.memory_space<vmem>> -> memref<1x128xf32, #tpu.memory_space<vmem>>
      %dma_start3A_279 = arith.constant 0 : i32
      %dma_start3A_280 = tpu.memref_slice %arg3[%sub3A_272, %dma_start3A_279] : memref<500864x128xf32, #tpu.memory_space<hbm>> -> memref<1x128xf32, #tpu.memory_space<hbm>>
      tpu.enqueue_dma source(%dma_start3A_280 : memref<1x128xf32, #tpu.memory_space<hbm>>) target(%dma_start3A_278 : memref<1x128xf32, #tpu.memory_space<vmem>>) target_semaphore(%arg25 : memref<!tpu.dma_semaphore, #tpu.memory_space<semaphore_mem>>)
      %get3A_281 = arith.index_cast %add3A_252 : i32 to index
      %get3A_282 = tpu.vector_load %arg11[%get3A_281] {strides = array<i32>} : memref<528xi32, #tpu.memory_space<vmem>>, vector<16xi32>,
      %slice3A_283 = vector.extract_strided_slice %get3A_282 {offsets = [0], sizes = [1], strides = [1]} : vector<16xi32> to vector<1xi32>
      %squeeze3A_284 = vector.extract %slice3A_283[0] : i32 from vector<1xi32>
      %ge3A_285 = arith.constant 500864 : i32
      %ge3A_286 = arith.cmpi sge, %squeeze3A_284, %ge3A_285 : i32
      %jit3A_287 = arith.constant 500864 : i32
      %jit3A_288 = arith.constant 0 : i32
      %select_n3A_289 = arith.select %ge3A_286, %jit3A_287, %jit3A_288 : i32
      %sub3A_290 = arith.subi %squeeze3A_284, %select_n3A_289 : i32
      %dma_start3A_291 = arith.constant 0 : i32
      %dma_start3A_292 = tpu.memref_slice %arg18[%scan3A_249, %dma_start3A_291] : memref<128x128xf32, #tpu.memory_space<vmem>> -> memref<1x128xf32, #tpu.memory_space<vmem>>
      %dma_start3A_293 = arith.constant 0 : i32
      %dma_start3A_294 = tpu.memref_slice %arg3[%sub3A_290, %dma_start3A_293] : memref<500864x128xf32, #tpu.memory_space<hbm>> -> memref<1x128xf32, #tpu.memory_space<hbm>>
      %dma_start3A_295 = arith.constant 0 : i32
      %dma_start3A_296 = tpu.memref_slice %arg18[%scan3A_249, %dma_start3A_295] : memref<128x128xf32, #tpu.memory_space<vmem>> -> memref<1x128xf32, #tpu.memory_space<vmem>>
      %dma_start3A_297 = arith.constant 0 : i32
      %dma_start3A_298 = tpu.memref_slice %arg3[%sub3A_290, %dma_start3A_297] : memref<500864x128xf32, #tpu.memory_space<hbm>> -> memref<1x128xf32, #tpu.memory_space<hbm>>
      tpu.enqueue_dma source(%dma_start3A_298 : memref<1x128xf32, #tpu.memory_space<hbm>>) target(%dma_start3A_296 : memref<1x128xf32, #tpu.memory_space<vmem>>) target_semaphore(%arg25 : memref<!tpu.dma_semaphore, #tpu.memory_space<semaphore_mem>>)
      %get3A_299 = arith.index_cast %add3A_252 : i32 to index
      %get3A_300 = tpu.vector_load %arg12[%get3A_299] {strides = array<i32>} : memref<528xi32, #tpu.memory_space<vmem>>, vector<16xi32>,
      %slice3A_301 = vector.extract_strided_slice %get3A_300 {offsets = [0], sizes = [1], strides = [1]} : vector<16xi32> to vector<1xi32>
      %squeeze3A_302 = vector.extract %slice3A_301[0] : i32 from vector<1xi32>
      %ge3A_303 = arith.constant 500864 : i32
      %ge3A_304 = arith.cmpi sge, %squeeze3A_302, %ge3A_303 : i32
      %jit3A_305 = arith.constant 500864 : i32
      %jit3A_306 = arith.constant 0 : i32
      %select_n3A_307 = arith.select %ge3A_304, %jit3A_305, %jit3A_306 : i32
      %sub3A_308 = arith.subi %squeeze3A_302, %select_n3A_307 : i32
      %dma_start3A_309 = arith.constant 0 : i32
      %dma_start3A_310 = tpu.memref_slice %arg19[%scan3A_249, %dma_start3A_309] : memref<128x128xf32, #tpu.memory_space<vmem>> -> memref<1x128xf32, #tpu.memory_space<vmem>>
      %dma_start3A_311 = arith.constant 0 : i32
      %dma_start3A_312 = tpu.memref_slice %arg3[%sub3A_308, %dma_start3A_311] : memref<500864x128xf32, #tpu.memory_space<hbm>> -> memref<1x128xf32, #tpu.memory_space<hbm>>
      %dma_start3A_313 = arith.constant 0 : i32
      %dma_start3A_314 = tpu.memref_slice %arg19[%scan3A_249, %dma_start3A_313] : memref<128x128xf32, #tpu.memory_space<vmem>> -> memref<1x128xf32, #tpu.memory_space<vmem>>
      %dma_start3A_315 = arith.constant 0 : i32
      %dma_start3A_316 = tpu.memref_slice %arg3[%sub3A_308, %dma_start3A_315] : memref<500864x128xf32, #tpu.memory_space<hbm>> -> memref<1x128xf32, #tpu.memory_space<hbm>>
      tpu.enqueue_dma source(%dma_start3A_316 : memref<1x128xf32, #tpu.memory_space<hbm>>) target(%dma_start3A_314 : memref<1x128xf32, #tpu.memory_space<vmem>>) target_semaphore(%arg25 : memref<!tpu.dma_semaphore, #tpu.memory_space<semaphore_mem>>)
      %get3A_317 = arith.index_cast %add3A_252 : i32 to index
      %get3A_318 = tpu.vector_load %arg13[%get3A_317] {strides = array<i32>} : memref<528xi32, #tpu.memory_space<vmem>>, vector<16xi32>,
      %slice3A_319 = vector.extract_strided_slice %get3A_318 {offsets = [0], sizes = [1], strides = [1]} : vector<16xi32> to vector<1xi32>
      %squeeze3A_320 = vector.extract %slice3A_319[0] : i32 from vector<1xi32>
      %ge3A_321 = arith.constant 500864 : i32
      %ge3A_322 = arith.cmpi sge, %squeeze3A_320, %ge3A_321 : i32
      %jit3A_323 = arith.constant 500864 : i32
      %jit3A_324 = arith.constant 0 : i32
      %select_n3A_325 = arith.select %ge3A_322, %jit3A_323, %jit3A_324 : i32
      %sub3A_326 = arith.subi %squeeze3A_320, %select_n3A_325 : i32
      %dma_start3A_327 = arith.constant 0 : i32
      %dma_start3A_328 = tpu.memref_slice %arg20[%scan3A_249, %dma_start3A_327] : memref<128x128xf32, #tpu.memory_space<vmem>> -> memref<1x128xf32, #tpu.memory_space<vmem>>
      %dma_start3A_329 = arith.constant 0 : i32
      %dma_start3A_330 = tpu.memref_slice %arg3[%sub3A_326, %dma_start3A_329] : memref<500864x128xf32, #tpu.memory_space<hbm>> -> memref<1x128xf32, #tpu.memory_space<hbm>>
      %dma_start3A_331 = arith.constant 0 : i32
      %dma_start3A_332 = tpu.memref_slice %arg20[%scan3A_249, %dma_start3A_331] : memref<128x128xf32, #tpu.memory_space<vmem>> -> memref<1x128xf32, #tpu.memory_space<vmem>>
      %dma_start3A_333 = arith.constant 0 : i32
      %dma_start3A_334 = tpu.memref_slice %arg3[%sub3A_326, %dma_start3A_333] : memref<500864x128xf32, #tpu.memory_space<hbm>> -> memref<1x128xf32, #tpu.memory_space<hbm>>
      tpu.enqueue_dma source(%dma_start3A_334 : memref<1x128xf32, #tpu.memory_space<hbm>>) target(%dma_start3A_332 : memref<1x128xf32, #tpu.memory_space<vmem>>) target_semaphore(%arg25 : memref<!tpu.dma_semaphore, #tpu.memory_space<semaphore_mem>>)
      %get3A_335 = arith.index_cast %add3A_252 : i32 to index
      %get3A_336 = tpu.vector_load %arg14[%get3A_335] {strides = array<i32>} : memref<528xi32, #tpu.memory_space<vmem>>, vector<16xi32>,
      %slice3A_337 = vector.extract_strided_slice %get3A_336 {offsets = [0], sizes = [1], strides = [1]} : vector<16xi32> to vector<1xi32>
      %squeeze3A_338 = vector.extract %slice3A_337[0] : i32 from vector<1xi32>
      %ge3A_339 = arith.constant 500864 : i32
      %ge3A_340 = arith.cmpi sge, %squeeze3A_338, %ge3A_339 : i32
      %jit3A_341 = arith.constant 500864 : i32
      %jit3A_342 = arith.constant 0 : i32
      %select_n3A_343 = arith.select %ge3A_340, %jit3A_341, %jit3A_342 : i32
      %sub3A_344 = arith.subi %squeeze3A_338, %select_n3A_343 : i32
      %dma_start3A_345 = arith.constant 0 : i32
      %dma_start3A_346 = tpu.memref_slice %arg21[%scan3A_249, %dma_start3A_345] : memref<128x128xf32, #tpu.memory_space<vmem>> -> memref<1x128xf32, #tpu.memory_space<vmem>>
      %dma_start3A_347 = arith.constant 0 : i32
      %dma_start3A_348 = tpu.memref_slice %arg3[%sub3A_344, %dma_start3A_347] : memref<500864x128xf32, #tpu.memory_space<hbm>> -> memref<1x128xf32, #tpu.memory_space<hbm>>
      %dma_start3A_349 = arith.constant 0 : i32
      %dma_start3A_350 = tpu.memref_slice %arg21[%scan3A_249, %dma_start3A_349] : memref<128x128xf32, #tpu.memory_space<vmem>> -> memref<1x128xf32, #tpu.memory_space<vmem>>
      %dma_start3A_351 = arith.constant 0 : i32
      %dma_start3A_352 = tpu.memref_slice %arg3[%sub3A_344, %dma_start3A_351] : memref<500864x128xf32, #tpu.memory_space<hbm>> -> memref<1x128xf32, #tpu.memory_space<hbm>>
      tpu.enqueue_dma source(%dma_start3A_352 : memref<1x128xf32, #tpu.memory_space<hbm>>) target(%dma_start3A_350 : memref<1x128xf32, #tpu.memory_space<vmem>>) target_semaphore(%arg25 : memref<!tpu.dma_semaphore, #tpu.memory_space<semaphore_mem>>)
      %get3A_353 = arith.index_cast %add3A_252 : i32 to index
      %get3A_354 = tpu.vector_load %arg15[%get3A_353] {strides = array<i32>} : memref<528xi32, #tpu.memory_space<vmem>>, vector<16xi32>,
      %slice3A_355 = vector.extract_strided_slice %get3A_354 {offsets = [0], sizes = [1], strides = [1]} : vector<16xi32> to vector<1xi32>
      %squeeze3A_356 = vector.extract %slice3A_355[0] : i32 from vector<1xi32>
      %ge3A_357 = arith.constant 500864 : i32
      %ge3A_358 = arith.cmpi sge, %squeeze3A_356, %ge3A_357 : i32
      %jit3A_359 = arith.constant 500864 : i32
      %jit3A_360 = arith.constant 0 : i32
      %select_n3A_361 = arith.select %ge3A_358, %jit3A_359, %jit3A_360 : i32
      %sub3A_362 = arith.subi %squeeze3A_356, %select_n3A_361 : i32
      %dma_start3A_363 = arith.constant 0 : i32
      %dma_start3A_364 = tpu.memref_slice %arg22[%scan3A_249, %dma_start3A_363] : memref<128x128xf32, #tpu.memory_space<vmem>> -> memref<1x128xf32, #tpu.memory_space<vmem>>
      %dma_start3A_365 = arith.constant 0 : i32
      %dma_start3A_366 = tpu.memref_slice %arg3[%sub3A_362, %dma_start3A_365] : memref<500864x128xf32, #tpu.memory_space<hbm>> -> memref<1x128xf32, #tpu.memory_space<hbm>>
      %dma_start3A_367 = arith.constant 0 : i32
      %dma_start3A_368 = tpu.memref_slice %arg22[%scan3A_249, %dma_start3A_367] : memref<128x128xf32, #tpu.memory_space<vmem>> -> memref<1x128xf32, #tpu.memory_space<vmem>>
      %dma_start3A_369 = arith.constant 0 : i32
      %dma_start3A_370 = tpu.memref_slice %arg3[%sub3A_362, %dma_start3A_369] : memref<500864x128xf32, #tpu.memory_space<hbm>> -> memref<1x128xf32, #tpu.memory_space<hbm>>
      tpu.enqueue_dma source(%dma_start3A_370 : memref<1x128xf32, #tpu.memory_space<hbm>>) target(%dma_start3A_368 : memref<1x128xf32, #tpu.memory_space<vmem>>) target_semaphore(%arg25 : memref<!tpu.dma_semaphore, #tpu.memory_space<semaphore_mem>>)
      %scan3A_371 = arith.constant 0 : i32
      scf.yield %scan3A_371 : i32
    }
    %scan3A_124 = arith.constant 128 : i32
    %iota3A_125 = tpu.iota {dimensions = array<i32: 0>} : vector<16xi32>
    %eq3A_126 = arith.constant 15 : i32
    %eq3A_127 = vector.broadcast %eq3A_126 : i32 to vector<16xi32>
    %eq3A_128 = arith.cmpi eq, %iota3A_125, %eq3A_127 : vector<16xi32>
    %scan3A_129 = arith.constant 0 : i32
    %scan3A_130 = arith.constant 0 : i32
    %scan3A_131 = arith.constant 128 : i32
    %scan3A_132 = arith.addi %scan3A_130, %scan3A_131 : i32
    %scan3A_133 = arith.constant 1 : i32
    %scan3A_134 = scf.for %scan3A_249 = %scan3A_130 to %scan3A_132 step %scan3A_133 iter_args(%scan3A_250 = %scan3A_129) -> (i32)  : i32 {
      %add3A_251 = arith.constant 128 : i32
      %add3A_252 = arith.addi %add3A_251, %scan3A_249 : i32
      %get3A = arith.index_cast %add3A_252 : i32 to index
      %get3A_253 = tpu.vector_load %arg9[%get3A] {strides = array<i32>} : memref<528xi32, #tpu.memory_space<vmem>>, vector<16xi32>,
      %slice3A = vector.extract_strided_slice %get3A_253 {offsets = [0], sizes = [1], strides = [1]} : vector<16xi32> to vector<1xi32>
      %squeeze3A = vector.extract %slice3A[0] : i32 from vector<1xi32>
      %ge3A = arith.constant 500864 : i32
      %ge3A_254 = arith.cmpi sge, %squeeze3A, %ge3A : i32
      %jit3A = arith.constant 64 : i32
      %jit3A_255 = arith.constant 0 : i32
      %select_n3A = arith.select %ge3A_254, %jit3A, %jit3A_255 : i32
      %get3A_256 = arith.index_cast %add3A_252 : i32 to index
      %get3A_257 = tpu.vector_load %arg10[%get3A_256] {strides = array<i32>} : memref<528xi32, #tpu.memory_space<vmem>>, vector<16xi32>,
      %slice3A_258 = vector.extract_strided_slice %get3A_257 {offsets = [0], sizes = [1], strides = [1]} : vector<16xi32> to vector<1xi32>
      %squeeze3A_259 = vector.extract %slice3A_258[0] : i32 from vector<1xi32>
      %ge3A_260 = arith.constant 500864 : i32
      %ge3A_261 = arith.cmpi sge, %squeeze3A_259, %ge3A_260 : i32
      %jit3A_262 = arith.constant 64 : i32
      %jit3A_263 = arith.constant 0 : i32
      %select_n3A_264 = arith.select %ge3A_261, %jit3A_262, %jit3A_263 : i32
      %get3A_265 = arith.index_cast %add3A_252 : i32 to index
      %get3A_266 = tpu.vector_load %arg11[%get3A_265] {strides = array<i32>} : memref<528xi32, #tpu.memory_space<vmem>>, vector<16xi32>,
      %slice3A_267 = vector.extract_strided_slice %get3A_266 {offsets = [0], sizes = [1], strides = [1]} : vector<16xi32> to vector<1xi32>
      %squeeze3A_268 = vector.extract %slice3A_267[0] : i32 from vector<1xi32>
      %ge3A_269 = arith.constant 500864 : i32
      %ge3A_270 = arith.cmpi sge, %squeeze3A_268, %ge3A_269 : i32
      %jit3A_271 = arith.constant 64 : i32
      %jit3A_272 = arith.constant 0 : i32
      %select_n3A_273 = arith.select %ge3A_270, %jit3A_271, %jit3A_272 : i32
      %get3A_274 = arith.index_cast %add3A_252 : i32 to index
      %get3A_275 = tpu.vector_load %arg12[%get3A_274] {strides = array<i32>} : memref<528xi32, #tpu.memory_space<vmem>>, vector<16xi32>,
      %slice3A_276 = vector.extract_strided_slice %get3A_275 {offsets = [0], sizes = [1], strides = [1]} : vector<16xi32> to vector<1xi32>
      %squeeze3A_277 = vector.extract %slice3A_276[0] : i32 from vector<1xi32>
      %ge3A_278 = arith.constant 500864 : i32
      %ge3A_279 = arith.cmpi sge, %squeeze3A_277, %ge3A_278 : i32
      %jit3A_280 = arith.constant 64 : i32
      %jit3A_281 = arith.constant 0 : i32
      %select_n3A_282 = arith.select %ge3A_279, %jit3A_280, %jit3A_281 : i32
      %get3A_283 = arith.index_cast %add3A_252 : i32 to index
      %get3A_284 = tpu.vector_load %arg13[%get3A_283] {strides = array<i32>} : memref<528xi32, #tpu.memory_space<vmem>>, vector<16xi32>,
      %slice3A_285 = vector.extract_strided_slice %get3A_284 {offsets = [0], sizes = [1], strides = [1]} : vector<16xi32> to vector<1xi32>
      %squeeze3A_286 = vector.extract %slice3A_285[0] : i32 from vector<1xi32>
      %ge3A_287 = arith.constant 500864 : i32
      %ge3A_288 = arith.cmpi sge, %squeeze3A_286, %ge3A_287 : i32
      %jit3A_289 = arith.constant 64 : i32
      %jit3A_290 = arith.constant 0 : i32
      %select_n3A_291 = arith.select %ge3A_288, %jit3A_289, %jit3A_290 : i32
      %get3A_292 = arith.index_cast %add3A_252 : i32 to index
      %get3A_293 = tpu.vector_load %arg14[%get3A_292] {strides = array<i32>} : memref<528xi32, #tpu.memory_space<vmem>>, vector<16xi32>,
      %slice3A_294 = vector.extract_strided_slice %get3A_293 {offsets = [0], sizes = [1], strides = [1]} : vector<16xi32> to vector<1xi32>
      %squeeze3A_295 = vector.extract %slice3A_294[0] : i32 from vector<1xi32>
      %ge3A_296 = arith.constant 500864 : i32
      %ge3A_297 = arith.cmpi sge, %squeeze3A_295, %ge3A_296 : i32
      %jit3A_298 = arith.constant 64 : i32
      %jit3A_299 = arith.constant 0 : i32
      %select_n3A_300 = arith.select %ge3A_297, %jit3A_298, %jit3A_299 : i32
      %get3A_301 = arith.index_cast %add3A_252 : i32 to index
      %get3A_302 = tpu.vector_load %arg15[%get3A_301] {strides = array<i32>} : memref<528xi32, #tpu.memory_space<vmem>>, vector<16xi32>,
      %slice3A_303 = vector.extract_strided_slice %get3A_302 {offsets = [0], sizes = [1], strides = [1]} : vector<16xi32> to vector<1xi32>
      %squeeze3A_304 = vector.extract %slice3A_303[0] : i32 from vector<1xi32>
      %ge3A_305 = arith.constant 500864 : i32
      %ge3A_306 = arith.cmpi sge, %squeeze3A_304, %ge3A_305 : i32
      %jit3A_307 = arith.constant 64 : i32
      %jit3A_308 = arith.constant 0 : i32
      %select_n3A_309 = arith.select %ge3A_306, %jit3A_307, %jit3A_308 : i32
      %add3A_310 = arith.constant 0 : i32
      %add3A_311 = arith.addi %select_n3A, %add3A_310 : i32
      %get3A_312 = arith.index_cast %scan3A_249 : i32 to index
      %get3A_313 = arith.index_cast %add3A_311 : i32 to index
      %get3A_314 = tpu.vector_load %arg16[%get3A_312, %get3A_313] {strides = array<i32>} : memref<128x128xf32, #tpu.memory_space<vmem>>, vector<16xf32>,
      %add3A_315 = arith.constant 0 : i32
      %add3A_316 = arith.addi %select_n3A_264, %add3A_315 : i32
      %get3A_317 = arith.index_cast %scan3A_249 : i32 to index
      %get3A_318 = arith.index_cast %add3A_316 : i32 to index
      %get3A_319 = tpu.vector_load %arg17[%get3A_317, %get3A_318] {strides = array<i32>} : memref<128x128xf32, #tpu.memory_space<vmem>>, vector<16xf32>,
      %add3A_320 = arith.constant 0 : i32
      %add3A_321 = arith.addi %select_n3A_273, %add3A_320 : i32
      %get3A_322 = arith.index_cast %scan3A_249 : i32 to index
      %get3A_323 = arith.index_cast %add3A_321 : i32 to index
      %get3A_324 = tpu.vector_load %arg18[%get3A_322, %get3A_323] {strides = array<i32>} : memref<128x128xf32, #tpu.memory_space<vmem>>, vector<16xf32>,
      %add3A_325 = arith.constant 0 : i32
      %add3A_326 = arith.addi %select_n3A_282, %add3A_325 : i32
      %get3A_327 = arith.index_cast %scan3A_249 : i32 to index
      %get3A_328 = arith.index_cast %add3A_326 : i32 to index
      %get3A_329 = tpu.vector_load %arg19[%get3A_327, %get3A_328] {strides = array<i32>} : memref<128x128xf32, #tpu.memory_space<vmem>>, vector<16xf32>,
      %add3A_330 = arith.addf %get3A_324, %get3A_329 : vector<16xf32>
      %add3A_331 = arith.constant 0 : i32
      %add3A_332 = arith.addi %select_n3A_291, %add3A_331 : i32
      %get3A_333 = arith.index_cast %scan3A_249 : i32 to index
      %get3A_334 = arith.index_cast %add3A_332 : i32 to index
      %get3A_335 = tpu.vector_load %arg20[%get3A_333, %get3A_334] {strides = array<i32>} : memref<128x128xf32, #tpu.memory_space<vmem>>, vector<16xf32>,
      %add3A_336 = arith.addf %add3A_330, %get3A_335 : vector<16xf32>
      %add3A_337 = arith.constant 0 : i32
      %add3A_338 = arith.addi %select_n3A_300, %add3A_337 : i32
      %get3A_339 = arith.index_cast %scan3A_249 : i32 to index
      %get3A_340 = arith.index_cast %add3A_338 : i32 to index
      %get3A_341 = tpu.vector_load %arg21[%get3A_339, %get3A_340] {strides = array<i32>} : memref<128x128xf32, #tpu.memory_space<vmem>>, vector<16xf32>,
      %add3A_342 = arith.addf %add3A_336, %get3A_341 : vector<16xf32>
      %add3A_343 = arith.constant 0 : i32
      %add3A_344 = arith.addi %select_n3A_309, %add3A_343 : i32
      %get3A_345 = arith.index_cast %scan3A_249 : i32 to index
      %get3A_346 = arith.index_cast %add3A_344 : i32 to index
      %get3A_347 = tpu.vector_load %arg22[%get3A_345, %get3A_346] {strides = array<i32>} : memref<128x128xf32, #tpu.memory_space<vmem>>, vector<16xf32>,
      %add3A_348 = arith.addf %add3A_342, %get3A_347 : vector<16xf32>
      %mul3A_349 = arith.mulf %get3A_314, %get3A_319 : vector<16xf32>
      %mul3A_350 = arith.mulf %get3A_314, %add3A_348 : vector<16xf32>
      %add3A_351 = arith.constant 16 : i32
      %add3A_352 = arith.addi %select_n3A, %add3A_351 : i32
      %get3A_353 = arith.index_cast %scan3A_249 : i32 to index
      %get3A_354 = arith.index_cast %add3A_352 : i32 to index
      %get3A_355 = tpu.vector_load %arg16[%get3A_353, %get3A_354] {strides = array<i32>} : memref<128x128xf32, #tpu.memory_space<vmem>>, vector<16xf32>,
      %add3A_356 = arith.constant 16 : i32
      %add3A_357 = arith.addi %select_n3A_264, %add3A_356 : i32
      %get3A_358 = arith.index_cast %scan3A_249 : i32 to index
      %get3A_359 = arith.index_cast %add3A_357 : i32 to index
      %get3A_360 = tpu.vector_load %arg17[%get3A_358, %get3A_359] {strides = array<i32>} : memref<128x128xf32, #tpu.memory_space<vmem>>, vector<16xf32>,
      %add3A_361 = arith.constant 16 : i32
      %add3A_362 = arith.addi %select_n3A_273, %add3A_361 : i32
      %get3A_363 = arith.index_cast %scan3A_249 : i32 to index
      %get3A_364 = arith.index_cast %add3A_362 : i32 to index
      %get3A_365 = tpu.vector_load %arg18[%get3A_363, %get3A_364] {strides = array<i32>} : memref<128x128xf32, #tpu.memory_space<vmem>>, vector<16xf32>,
      %add3A_366 = arith.constant 16 : i32
      %add3A_367 = arith.addi %select_n3A_282, %add3A_366 : i32
      %get3A_368 = arith.index_cast %scan3A_249 : i32 to index
      %get3A_369 = arith.index_cast %add3A_367 : i32 to index
      %get3A_370 = tpu.vector_load %arg19[%get3A_368, %get3A_369] {strides = array<i32>} : memref<128x128xf32, #tpu.memory_space<vmem>>, vector<16xf32>,
      %add3A_371 = arith.addf %get3A_365, %get3A_370 : vector<16xf32>
      %add3A_372 = arith.constant 16 : i32
      %add3A_373 = arith.addi %select_n3A_291, %add3A_372 : i32
      %get3A_374 = arith.index_cast %scan3A_249 : i32 to index
      %get3A_375 = arith.index_cast %add3A_373 : i32 to index
      %get3A_376 = tpu.vector_load %arg20[%get3A_374, %get3A_375] {strides = array<i32>} : memref<128x128xf32, #tpu.memory_space<vmem>>, vector<16xf32>,
      %add3A_377 = arith.addf %add3A_371, %get3A_376 : vector<16xf32>
      %add3A_378 = arith.constant 16 : i32
      %add3A_379 = arith.addi %select_n3A_300, %add3A_378 : i32
      %get3A_380 = arith.index_cast %scan3A_249 : i32 to index
      %get3A_381 = arith.index_cast %add3A_379 : i32 to index
      %get3A_382 = tpu.vector_load %arg21[%get3A_380, %get3A_381] {strides = array<i32>} : memref<128x128xf32, #tpu.memory_space<vmem>>, vector<16xf32>,
      %add3A_383 = arith.addf %add3A_377, %get3A_382 : vector<16xf32>
      %add3A_384 = arith.constant 16 : i32
      %add3A_385 = arith.addi %select_n3A_309, %add3A_384 : i32
      %get3A_386 = arith.index_cast %scan3A_249 : i32 to index
      %get3A_387 = arith.index_cast %add3A_385 : i32 to index
      %get3A_388 = tpu.vector_load %arg22[%get3A_386, %get3A_387] {strides = array<i32>} : memref<128x128xf32, #tpu.memory_space<vmem>>, vector<16xf32>,
      %add3A_389 = arith.addf %add3A_383, %get3A_388 : vector<16xf32>
      %mul3A_390 = arith.mulf %get3A_355, %get3A_360 : vector<16xf32>
      %mul3A_391 = arith.mulf %get3A_355, %add3A_389 : vector<16xf32>
      %add3A_392 = arith.addf %mul3A_349, %mul3A_390 : vector<16xf32>
      %add3A_393 = arith.addf %mul3A_350, %mul3A_391 : vector<16xf32>
      %add3A_394 = arith.constant 32 : i32
      %add3A_395 = arith.addi %select_n3A, %add3A_394 : i32
      %get3A_396 = arith.index_cast %scan3A_249 : i32 to index
      %get3A_397 = arith.index_cast %add3A_395 : i32 to index
      %get3A_398 = tpu.vector_load %arg16[%get3A_396, %get3A_397] {strides = array<i32>} : memref<128x128xf32, #tpu.memory_space<vmem>>, vector<16xf32>,
      %add3A_399 = arith.constant 32 : i32
      %add3A_400 = arith.addi %select_n3A_264, %add3A_399 : i32
      %get3A_401 = arith.index_cast %scan3A_249 : i32 to index
      %get3A_402 = arith.index_cast %add3A_400 : i32 to index
      %get3A_403 = tpu.vector_load %arg17[%get3A_401, %get3A_402] {strides = array<i32>} : memref<128x128xf32, #tpu.memory_space<vmem>>, vector<16xf32>,
      %add3A_404 = arith.constant 32 : i32
      %add3A_405 = arith.addi %select_n3A_273, %add3A_404 : i32
      %get3A_406 = arith.index_cast %scan3A_249 : i32 to index
      %get3A_407 = arith.index_cast %add3A_405 : i32 to index
      %get3A_408 = tpu.vector_load %arg18[%get3A_406, %get3A_407] {strides = array<i32>} : memref<128x128xf32, #tpu.memory_space<vmem>>, vector<16xf32>,
      %add3A_409 = arith.constant 32 : i32
      %add3A_410 = arith.addi %select_n3A_282, %add3A_409 : i32
      %get3A_411 = arith.index_cast %scan3A_249 : i32 to index
      %get3A_412 = arith.index_cast %add3A_410 : i32 to index
      %get3A_413 = tpu.vector_load %arg19[%get3A_411, %get3A_412] {strides = array<i32>} : memref<128x128xf32, #tpu.memory_space<vmem>>, vector<16xf32>,
      %add3A_414 = arith.addf %get3A_408, %get3A_413 : vector<16xf32>
      %add3A_415 = arith.constant 32 : i32
      %add3A_416 = arith.addi %select_n3A_291, %add3A_415 : i32
      %get3A_417 = arith.index_cast %scan3A_249 : i32 to index
      %get3A_418 = arith.index_cast %add3A_416 : i32 to index
      %get3A_419 = tpu.vector_load %arg20[%get3A_417, %get3A_418] {strides = array<i32>} : memref<128x128xf32, #tpu.memory_space<vmem>>, vector<16xf32>,
      %add3A_420 = arith.addf %add3A_414, %get3A_419 : vector<16xf32>
      %add3A_421 = arith.constant 32 : i32
      %add3A_422 = arith.addi %select_n3A_300, %add3A_421 : i32
      %get3A_423 = arith.index_cast %scan3A_249 : i32 to index
      %get3A_424 = arith.index_cast %add3A_422 : i32 to index
      %get3A_425 = tpu.vector_load %arg21[%get3A_423, %get3A_424] {strides = array<i32>} : memref<128x128xf32, #tpu.memory_space<vmem>>, vector<16xf32>,
      %add3A_426 = arith.addf %add3A_420, %get3A_425 : vector<16xf32>
      %add3A_427 = arith.constant 32 : i32
      %add3A_428 = arith.addi %select_n3A_309, %add3A_427 : i32
      %get3A_429 = arith.index_cast %scan3A_249 : i32 to index
      %get3A_430 = arith.index_cast %add3A_428 : i32 to index
      %get3A_431 = tpu.vector_load %arg22[%get3A_429, %get3A_430] {strides = array<i32>} : memref<128x128xf32, #tpu.memory_space<vmem>>, vector<16xf32>,
      %add3A_432 = arith.addf %add3A_426, %get3A_431 : vector<16xf32>
      %mul3A_433 = arith.mulf %get3A_398, %get3A_403 : vector<16xf32>
      %mul3A_434 = arith.mulf %get3A_398, %add3A_432 : vector<16xf32>
      %add3A_435 = arith.addf %add3A_392, %mul3A_433 : vector<16xf32>
      %add3A_436 = arith.addf %add3A_393, %mul3A_434 : vector<16xf32>
      %add3A_437 = arith.constant 48 : i32
      %add3A_438 = arith.addi %select_n3A, %add3A_437 : i32
      %get3A_439 = arith.index_cast %scan3A_249 : i32 to index
      %get3A_440 = arith.index_cast %add3A_438 : i32 to index
      %get3A_441 = tpu.vector_load %arg16[%get3A_439, %get3A_440] {strides = array<i32>} : memref<128x128xf32, #tpu.memory_space<vmem>>, vector<16xf32>,
      %add3A_442 = arith.constant 48 : i32
      %add3A_443 = arith.addi %select_n3A_264, %add3A_442 : i32
      %get3A_444 = arith.index_cast %scan3A_249 : i32 to index
      %get3A_445 = arith.index_cast %add3A_443 : i32 to index
      %get3A_446 = tpu.vector_load %arg17[%get3A_444, %get3A_445] {strides = array<i32>} : memref<128x128xf32, #tpu.memory_space<vmem>>, vector<16xf32>,
      %add3A_447 = arith.constant 48 : i32
      %add3A_448 = arith.addi %select_n3A_273, %add3A_447 : i32
      %get3A_449 = arith.index_cast %scan3A_249 : i32 to index
      %get3A_450 = arith.index_cast %add3A_448 : i32 to index
      %get3A_451 = tpu.vector_load %arg18[%get3A_449, %get3A_450] {strides = array<i32>} : memref<128x128xf32, #tpu.memory_space<vmem>>, vector<16xf32>,
      %add3A_452 = arith.constant 48 : i32
      %add3A_453 = arith.addi %select_n3A_282, %add3A_452 : i32
      %get3A_454 = arith.index_cast %scan3A_249 : i32 to index
      %get3A_455 = arith.index_cast %add3A_453 : i32 to index
      %get3A_456 = tpu.vector_load %arg19[%get3A_454, %get3A_455] {strides = array<i32>} : memref<128x128xf32, #tpu.memory_space<vmem>>, vector<16xf32>,
      %add3A_457 = arith.addf %get3A_451, %get3A_456 : vector<16xf32>
      %add3A_458 = arith.constant 48 : i32
      %add3A_459 = arith.addi %select_n3A_291, %add3A_458 : i32
      %get3A_460 = arith.index_cast %scan3A_249 : i32 to index
      %get3A_461 = arith.index_cast %add3A_459 : i32 to index
      %get3A_462 = tpu.vector_load %arg20[%get3A_460, %get3A_461] {strides = array<i32>} : memref<128x128xf32, #tpu.memory_space<vmem>>, vector<16xf32>,
      %add3A_463 = arith.addf %add3A_457, %get3A_462 : vector<16xf32>
      %add3A_464 = arith.constant 48 : i32
      %add3A_465 = arith.addi %select_n3A_300, %add3A_464 : i32
      %get3A_466 = arith.index_cast %scan3A_249 : i32 to index
      %get3A_467 = arith.index_cast %add3A_465 : i32 to index
      %get3A_468 = tpu.vector_load %arg21[%get3A_466, %get3A_467] {strides = array<i32>} : memref<128x128xf32, #tpu.memory_space<vmem>>, vector<16xf32>,
      %add3A_469 = arith.addf %add3A_463, %get3A_468 : vector<16xf32>
      %add3A_470 = arith.constant 48 : i32
      %add3A_471 = arith.addi %select_n3A_309, %add3A_470 : i32
      %get3A_472 = arith.index_cast %scan3A_249 : i32 to index
      %get3A_473 = arith.index_cast %add3A_471 : i32 to index
      %get3A_474 = tpu.vector_load %arg22[%get3A_472, %get3A_473] {strides = array<i32>} : memref<128x128xf32, #tpu.memory_space<vmem>>, vector<16xf32>,
      %add3A_475 = arith.addf %add3A_469, %get3A_474 : vector<16xf32>
      %mul3A_476 = arith.mulf %get3A_441, %get3A_446 : vector<16xf32>
      %mul3A_477 = arith.mulf %get3A_441, %add3A_475 : vector<16xf32>
      %add3A_478 = arith.addf %add3A_435, %mul3A_476 : vector<16xf32>
      %add3A_479 = arith.addf %add3A_436, %mul3A_477 : vector<16xf32>
      %broadcast_in_dim3A = vector.broadcast %add3A_252 : i32 to vector<16xi32>
      %broadcast_in_dim3A_480 = arith.constant true
      %broadcast_in_dim3A_481 = vector.broadcast %broadcast_in_dim3A_480 : i1 to vector<16xi1>
      %masked_cumsum3A = tpu.scan <sum>, %add3A_478 masked %broadcast_in_dim3A_481 : vector<16xf32>, vector<16xi1> -> vector<16xf32>
      tpu.vector_store_idx %arg23[%broadcast_in_dim3A], %masked_cumsum3A masked %eq3A_128 : memref<512xf32, #tpu.memory_space<vmem>>[vector<16xi32>], vector<16xf32>, vector<16xi1>
      %broadcast_in_dim3A_482 = arith.constant true
      %broadcast_in_dim3A_483 = vector.broadcast %broadcast_in_dim3A_482 : i1 to vector<16xi1>
      %masked_cumsum3A_484 = tpu.scan <sum>, %add3A_479 masked %broadcast_in_dim3A_483 : vector<16xf32>, vector<16xi1> -> vector<16xf32>
      tpu.vector_store_idx %arg24[%broadcast_in_dim3A], %masked_cumsum3A_484 masked %eq3A_128 : memref<512xf32, #tpu.memory_space<vmem>>[vector<16xi32>], vector<16xf32>, vector<16xi1>
      %scan3A_485 = arith.constant 0 : i32
      scf.yield %scan3A_485 : i32
    }
    %scan3A_135 = arith.constant 128 : i32
    %dma_wait3A_136 = arith.constant 0 : i32
    %dma_wait3A_137 = arith.constant 0 : i32
    %dma_wait3A_138 = tpu.memref_slice %arg2[%dma_wait3A_136, %dma_wait3A_137] : memref<500864x128xf32, #tpu.memory_space<hbm>> -> memref<128x128xf32, #tpu.memory_space<hbm>>
    %dma_wait3A_139 = arith.constant 0 : i32
    %dma_wait3A_140 = arith.constant 0 : i32
    %dma_wait3A_141 = tpu.memref_slice %arg2[%dma_wait3A_139, %dma_wait3A_140] : memref<500864x128xf32, #tpu.memory_space<hbm>> -> memref<128x128xf32, #tpu.memory_space<hbm>>
    tpu.wait_dma2 semaphore(%arg25 : memref<!tpu.dma_semaphore, #tpu.memory_space<semaphore_mem>>) src(%dma_wait3A_141 : memref<128x128xf32, #tpu.memory_space<hbm>>) dst(%arg16 : memref<128x128xf32, #tpu.memory_space<vmem>>)
    %dma_wait3A_142 = arith.constant 0 : i32
    %dma_wait3A_143 = arith.constant 0 : i32
    %dma_wait3A_144 = tpu.memref_slice %arg3[%dma_wait3A_142, %dma_wait3A_143] : memref<500864x128xf32, #tpu.memory_space<hbm>> -> memref<128x128xf32, #tpu.memory_space<hbm>>
    %dma_wait3A_145 = arith.constant 0 : i32
    %dma_wait3A_146 = arith.constant 0 : i32
    %dma_wait3A_147 = tpu.memref_slice %arg3[%dma_wait3A_145, %dma_wait3A_146] : memref<500864x128xf32, #tpu.memory_space<hbm>> -> memref<128x128xf32, #tpu.memory_space<hbm>>
    tpu.wait_dma2 semaphore(%arg25 : memref<!tpu.dma_semaphore, #tpu.memory_space<semaphore_mem>>) src(%dma_wait3A_147 : memref<128x128xf32, #tpu.memory_space<hbm>>) dst(%arg17 : memref<128x128xf32, #tpu.memory_space<vmem>>)
    %dma_wait3A_148 = arith.constant 0 : i32
    %dma_wait3A_149 = arith.constant 0 : i32
    %dma_wait3A_150 = tpu.memref_slice %arg3[%dma_wait3A_148, %dma_wait3A_149] : memref<500864x128xf32, #tpu.memory_space<hbm>> -> memref<128x128xf32, #tpu.memory_space<hbm>>
    %dma_wait3A_151 = arith.constant 0 : i32
    %dma_wait3A_152 = arith.constant 0 : i32
    %dma_wait3A_153 = tpu.memref_slice %arg3[%dma_wait3A_151, %dma_wait3A_152] : memref<500864x128xf32, #tpu.memory_space<hbm>> -> memref<128x128xf32, #tpu.memory_space<hbm>>
    tpu.wait_dma2 semaphore(%arg25 : memref<!tpu.dma_semaphore, #tpu.memory_space<semaphore_mem>>) src(%dma_wait3A_153 : memref<128x128xf32, #tpu.memory_space<hbm>>) dst(%arg18 : memref<128x128xf32, #tpu.memory_space<vmem>>)
    %dma_wait3A_154 = arith.constant 0 : i32
    %dma_wait3A_155 = arith.constant 0 : i32
    %dma_wait3A_156 = tpu.memref_slice %arg3[%dma_wait3A_154, %dma_wait3A_155] : memref<500864x128xf32, #tpu.memory_space<hbm>> -> memref<128x128xf32, #tpu.memory_space<hbm>>
    %dma_wait3A_157 = arith.constant 0 : i32
    %dma_wait3A_158 = arith.constant 0 : i32
    %dma_wait3A_159 = tpu.memref_slice %arg3[%dma_wait3A_157, %dma_wait3A_158] : memref<500864x128xf32, #tpu.memory_space<hbm>> -> memref<128x128xf32, #tpu.memory_space<hbm>>
    tpu.wait_dma2 semaphore(%arg25 : memref<!tpu.dma_semaphore, #tpu.memory_space<semaphore_mem>>) src(%dma_wait3A_159 : memref<128x128xf32, #tpu.memory_space<hbm>>) dst(%arg19 : memref<128x128xf32, #tpu.memory_space<vmem>>)
    %dma_wait3A_160 = arith.constant 0 : i32
    %dma_wait3A_161 = arith.constant 0 : i32
    %dma_wait3A_162 = tpu.memref_slice %arg3[%dma_wait3A_160, %dma_wait3A_161] : memref<500864x128xf32, #tpu.memory_space<hbm>> -> memref<128x128xf32, #tpu.memory_space<hbm>>
    %dma_wait3A_163 = arith.constant 0 : i32
    %dma_wait3A_164 = arith.constant 0 : i32
    %dma_wait3A_165 = tpu.memref_slice %arg3[%dma_wait3A_163, %dma_wait3A_164] : memref<500864x128xf32, #tpu.memory_space<hbm>> -> memref<128x128xf32, #tpu.memory_space<hbm>>
    tpu.wait_dma2 semaphore(%arg25 : memref<!tpu.dma_semaphore, #tpu.memory_space<semaphore_mem>>) src(%dma_wait3A_165 : memref<128x128xf32, #tpu.memory_space<hbm>>) dst(%arg20 : memref<128x128xf32, #tpu.memory_space<vmem>>)
    %dma_wait3A_166 = arith.constant 0 : i32
    %dma_wait3A_167 = arith.constant 0 : i32
    %dma_wait3A_168 = tpu.memref_slice %arg3[%dma_wait3A_166, %dma_wait3A_167] : memref<500864x128xf32, #tpu.memory_space<hbm>> -> memref<128x128xf32, #tpu.memory_space<hbm>>
    %dma_wait3A_169 = arith.constant 0 : i32
    %dma_wait3A_170 = arith.constant 0 : i32
    %dma_wait3A_171 = tpu.memref_slice %arg3[%dma_wait3A_169, %dma_wait3A_170] : memref<500864x128xf32, #tpu.memory_space<hbm>> -> memref<128x128xf32, #tpu.memory_space<hbm>>
    tpu.wait_dma2 semaphore(%arg25 : memref<!tpu.dma_semaphore, #tpu.memory_space<semaphore_mem>>) src(%dma_wait3A_171 : memref<128x128xf32, #tpu.memory_space<hbm>>) dst(%arg21 : memref<128x128xf32, #tpu.memory_space<vmem>>)
    %dma_wait3A_172 = arith.constant 0 : i32
    %dma_wait3A_173 = arith.constant 0 : i32
    %dma_wait3A_174 = tpu.memref_slice %arg3[%dma_wait3A_172, %dma_wait3A_173] : memref<500864x128xf32, #tpu.memory_space<hbm>> -> memref<128x128xf32, #tpu.memory_space<hbm>>
    %dma_wait3A_175 = arith.constant 0 : i32
    %dma_wait3A_176 = arith.constant 0 : i32
    %dma_wait3A_177 = tpu.memref_slice %arg3[%dma_wait3A_175, %dma_wait3A_176] : memref<500864x128xf32, #tpu.memory_space<hbm>> -> memref<128x128xf32, #tpu.memory_space<hbm>>
    tpu.wait_dma2 semaphore(%arg25 : memref<!tpu.dma_semaphore, #tpu.memory_space<semaphore_mem>>) src(%dma_wait3A_177 : memref<128x128xf32, #tpu.memory_space<hbm>>) dst(%arg22 : memref<128x128xf32, #tpu.memory_space<vmem>>)
    %scan3A_178 = arith.constant 0 : i32
    %scan3A_179 = arith.constant 0 : i32
    %scan3A_180 = arith.constant 128 : i32
    %scan3A_181 = arith.addi %scan3A_179, %scan3A_180 : i32
    %scan3A_182 = arith.constant 1 : i32
    %scan3A_183 = scf.for %scan3A_249 = %scan3A_179 to %scan3A_181 step %scan3A_182 iter_args(%scan3A_250 = %scan3A_178) -> (i32)  : i32 {
      %add3A_251 = arith.constant 384 : i32
      %add3A_252 = arith.addi %add3A_251, %scan3A_249 : i32
      %get3A = arith.index_cast %add3A_252 : i32 to index
      %get3A_253 = tpu.vector_load %arg9[%get3A] {strides = array<i32>} : memref<528xi32, #tpu.memory_space<vmem>>, vector<16xi32>,
      %slice3A = vector.extract_strided_slice %get3A_253 {offsets = [0], sizes = [1], strides = [1]} : vector<16xi32> to vector<1xi32>
      %squeeze3A = vector.extract %slice3A[0] : i32 from vector<1xi32>
      %ge3A = arith.constant 500864 : i32
      %ge3A_254 = arith.cmpi sge, %squeeze3A, %ge3A : i32
      %jit3A = arith.constant 500864 : i32
      %jit3A_255 = arith.constant 0 : i32
      %select_n3A = arith.select %ge3A_254, %jit3A, %jit3A_255 : i32
      %sub3A = arith.subi %squeeze3A, %select_n3A : i32
      %dma_start3A = arith.constant 0 : i32
      %dma_start3A_256 = tpu.memref_slice %arg16[%scan3A_249, %dma_start3A] : memref<128x128xf32, #tpu.memory_space<vmem>> -> memref<1x128xf32, #tpu.memory_space<vmem>>
      %dma_start3A_257 = arith.constant 0 : i32
      %dma_start3A_258 = tpu.memref_slice %arg2[%sub3A, %dma_start3A_257] : memref<500864x128xf32, #tpu.memory_space<hbm>> -> memref<1x128xf32, #tpu.memory_space<hbm>>
      %dma_start3A_259 = arith.constant 0 : i32
      %dma_start3A_260 = tpu.memref_slice %arg16[%scan3A_249, %dma_start3A_259] : memref<128x128xf32, #tpu.memory_space<vmem>> -> memref<1x128xf32, #tpu.memory_space<vmem>>
      %dma_start3A_261 = arith.constant 0 : i32
      %dma_start3A_262 = tpu.memref_slice %arg2[%sub3A, %dma_start3A_261] : memref<500864x128xf32, #tpu.memory_space<hbm>> -> memref<1x128xf32, #tpu.memory_space<hbm>>
      tpu.enqueue_dma source(%dma_start3A_262 : memref<1x128xf32, #tpu.memory_space<hbm>>) target(%dma_start3A_260 : memref<1x128xf32, #tpu.memory_space<vmem>>) target_semaphore(%arg25 : memref<!tpu.dma_semaphore, #tpu.memory_space<semaphore_mem>>)
      %get3A_263 = arith.index_cast %add3A_252 : i32 to index
      %get3A_264 = tpu.vector_load %arg10[%get3A_263] {strides = array<i32>} : memref<528xi32, #tpu.memory_space<vmem>>, vector<16xi32>,
      %slice3A_265 = vector.extract_strided_slice %get3A_264 {offsets = [0], sizes = [1], strides = [1]} : vector<16xi32> to vector<1xi32>
      %squeeze3A_266 = vector.extract %slice3A_265[0] : i32 from vector<1xi32>
      %ge3A_267 = arith.constant 500864 : i32
      %ge3A_268 = arith.cmpi sge, %squeeze3A_266, %ge3A_267 : i32
      %jit3A_269 = arith.constant 500864 : i32
      %jit3A_270 = arith.constant 0 : i32
      %select_n3A_271 = arith.select %ge3A_268, %jit3A_269, %jit3A_270 : i32
      %sub3A_272 = arith.subi %squeeze3A_266, %select_n3A_271 : i32
      %dma_start3A_273 = arith.constant 0 : i32
      %dma_start3A_274 = tpu.memref_slice %arg17[%scan3A_249, %dma_start3A_273] : memref<128x128xf32, #tpu.memory_space<vmem>> -> memref<1x128xf32, #tpu.memory_space<vmem>>
      %dma_start3A_275 = arith.constant 0 : i32
      %dma_start3A_276 = tpu.memref_slice %arg3[%sub3A_272, %dma_start3A_275] : memref<500864x128xf32, #tpu.memory_space<hbm>> -> memref<1x128xf32, #tpu.memory_space<hbm>>
      %dma_start3A_277 = arith.constant 0 : i32
      %dma_start3A_278 = tpu.memref_slice %arg17[%scan3A_249, %dma_start3A_277] : memref<128x128xf32, #tpu.memory_space<vmem>> -> memref<1x128xf32, #tpu.memory_space<vmem>>
      %dma_start3A_279 = arith.constant 0 : i32
      %dma_start3A_280 = tpu.memref_slice %arg3[%sub3A_272, %dma_start3A_279] : memref<500864x128xf32, #tpu.memory_space<hbm>> -> memref<1x128xf32, #tpu.memory_space<hbm>>
      tpu.enqueue_dma source(%dma_start3A_280 : memref<1x128xf32, #tpu.memory_space<hbm>>) target(%dma_start3A_278 : memref<1x128xf32, #tpu.memory_space<vmem>>) target_semaphore(%arg25 : memref<!tpu.dma_semaphore, #tpu.memory_space<semaphore_mem>>)
      %get3A_281 = arith.index_cast %add3A_252 : i32 to index
      %get3A_282 = tpu.vector_load %arg11[%get3A_281] {strides = array<i32>} : memref<528xi32, #tpu.memory_space<vmem>>, vector<16xi32>,
      %slice3A_283 = vector.extract_strided_slice %get3A_282 {offsets = [0], sizes = [1], strides = [1]} : vector<16xi32> to vector<1xi32>
      %squeeze3A_284 = vector.extract %slice3A_283[0] : i32 from vector<1xi32>
      %ge3A_285 = arith.constant 500864 : i32
      %ge3A_286 = arith.cmpi sge, %squeeze3A_284, %ge3A_285 : i32
      %jit3A_287 = arith.constant 500864 : i32
      %jit3A_288 = arith.constant 0 : i32
      %select_n3A_289 = arith.select %ge3A_286, %jit3A_287, %jit3A_288 : i32
      %sub3A_290 = arith.subi %squeeze3A_284, %select_n3A_289 : i32
      %dma_start3A_291 = arith.constant 0 : i32
      %dma_start3A_292 = tpu.memref_slice %arg18[%scan3A_249, %dma_start3A_291] : memref<128x128xf32, #tpu.memory_space<vmem>> -> memref<1x128xf32, #tpu.memory_space<vmem>>
      %dma_start3A_293 = arith.constant 0 : i32
      %dma_start3A_294 = tpu.memref_slice %arg3[%sub3A_290, %dma_start3A_293] : memref<500864x128xf32, #tpu.memory_space<hbm>> -> memref<1x128xf32, #tpu.memory_space<hbm>>
      %dma_start3A_295 = arith.constant 0 : i32
      %dma_start3A_296 = tpu.memref_slice %arg18[%scan3A_249, %dma_start3A_295] : memref<128x128xf32, #tpu.memory_space<vmem>> -> memref<1x128xf32, #tpu.memory_space<vmem>>
      %dma_start3A_297 = arith.constant 0 : i32
      %dma_start3A_298 = tpu.memref_slice %arg3[%sub3A_290, %dma_start3A_297] : memref<500864x128xf32, #tpu.memory_space<hbm>> -> memref<1x128xf32, #tpu.memory_space<hbm>>
      tpu.enqueue_dma source(%dma_start3A_298 : memref<1x128xf32, #tpu.memory_space<hbm>>) target(%dma_start3A_296 : memref<1x128xf32, #tpu.memory_space<vmem>>) target_semaphore(%arg25 : memref<!tpu.dma_semaphore, #tpu.memory_space<semaphore_mem>>)
      %get3A_299 = arith.index_cast %add3A_252 : i32 to index
      %get3A_300 = tpu.vector_load %arg12[%get3A_299] {strides = array<i32>} : memref<528xi32, #tpu.memory_space<vmem>>, vector<16xi32>,
      %slice3A_301 = vector.extract_strided_slice %get3A_300 {offsets = [0], sizes = [1], strides = [1]} : vector<16xi32> to vector<1xi32>
      %squeeze3A_302 = vector.extract %slice3A_301[0] : i32 from vector<1xi32>
      %ge3A_303 = arith.constant 500864 : i32
      %ge3A_304 = arith.cmpi sge, %squeeze3A_302, %ge3A_303 : i32
      %jit3A_305 = arith.constant 500864 : i32
      %jit3A_306 = arith.constant 0 : i32
      %select_n3A_307 = arith.select %ge3A_304, %jit3A_305, %jit3A_306 : i32
      %sub3A_308 = arith.subi %squeeze3A_302, %select_n3A_307 : i32
      %dma_start3A_309 = arith.constant 0 : i32
      %dma_start3A_310 = tpu.memref_slice %arg19[%scan3A_249, %dma_start3A_309] : memref<128x128xf32, #tpu.memory_space<vmem>> -> memref<1x128xf32, #tpu.memory_space<vmem>>
      %dma_start3A_311 = arith.constant 0 : i32
      %dma_start3A_312 = tpu.memref_slice %arg3[%sub3A_308, %dma_start3A_311] : memref<500864x128xf32, #tpu.memory_space<hbm>> -> memref<1x128xf32, #tpu.memory_space<hbm>>
      %dma_start3A_313 = arith.constant 0 : i32
      %dma_start3A_314 = tpu.memref_slice %arg19[%scan3A_249, %dma_start3A_313] : memref<128x128xf32, #tpu.memory_space<vmem>> -> memref<1x128xf32, #tpu.memory_space<vmem>>
      %dma_start3A_315 = arith.constant 0 : i32
      %dma_start3A_316 = tpu.memref_slice %arg3[%sub3A_308, %dma_start3A_315] : memref<500864x128xf32, #tpu.memory_space<hbm>> -> memref<1x128xf32, #tpu.memory_space<hbm>>
      tpu.enqueue_dma source(%dma_start3A_316 : memref<1x128xf32, #tpu.memory_space<hbm>>) target(%dma_start3A_314 : memref<1x128xf32, #tpu.memory_space<vmem>>) target_semaphore(%arg25 : memref<!tpu.dma_semaphore, #tpu.memory_space<semaphore_mem>>)
      %get3A_317 = arith.index_cast %add3A_252 : i32 to index
      %get3A_318 = tpu.vector_load %arg13[%get3A_317] {strides = array<i32>} : memref<528xi32, #tpu.memory_space<vmem>>, vector<16xi32>,
      %slice3A_319 = vector.extract_strided_slice %get3A_318 {offsets = [0], sizes = [1], strides = [1]} : vector<16xi32> to vector<1xi32>
      %squeeze3A_320 = vector.extract %slice3A_319[0] : i32 from vector<1xi32>
      %ge3A_321 = arith.constant 500864 : i32
      %ge3A_322 = arith.cmpi sge, %squeeze3A_320, %ge3A_321 : i32
      %jit3A_323 = arith.constant 500864 : i32
      %jit3A_324 = arith.constant 0 : i32
      %select_n3A_325 = arith.select %ge3A_322, %jit3A_323, %jit3A_324 : i32
      %sub3A_326 = arith.subi %squeeze3A_320, %select_n3A_325 : i32
      %dma_start3A_327 = arith.constant 0 : i32
      %dma_start3A_328 = tpu.memref_slice %arg20[%scan3A_249, %dma_start3A_327] : memref<128x128xf32, #tpu.memory_space<vmem>> -> memref<1x128xf32, #tpu.memory_space<vmem>>
      %dma_start3A_329 = arith.constant 0 : i32
      %dma_start3A_330 = tpu.memref_slice %arg3[%sub3A_326, %dma_start3A_329] : memref<500864x128xf32, #tpu.memory_space<hbm>> -> memref<1x128xf32, #tpu.memory_space<hbm>>
      %dma_start3A_331 = arith.constant 0 : i32
      %dma_start3A_332 = tpu.memref_slice %arg20[%scan3A_249, %dma_start3A_331] : memref<128x128xf32, #tpu.memory_space<vmem>> -> memref<1x128xf32, #tpu.memory_space<vmem>>
      %dma_start3A_333 = arith.constant 0 : i32
      %dma_start3A_334 = tpu.memref_slice %arg3[%sub3A_326, %dma_start3A_333] : memref<500864x128xf32, #tpu.memory_space<hbm>> -> memref<1x128xf32, #tpu.memory_space<hbm>>
      tpu.enqueue_dma source(%dma_start3A_334 : memref<1x128xf32, #tpu.memory_space<hbm>>) target(%dma_start3A_332 : memref<1x128xf32, #tpu.memory_space<vmem>>) target_semaphore(%arg25 : memref<!tpu.dma_semaphore, #tpu.memory_space<semaphore_mem>>)
      %get3A_335 = arith.index_cast %add3A_252 : i32 to index
      %get3A_336 = tpu.vector_load %arg14[%get3A_335] {strides = array<i32>} : memref<528xi32, #tpu.memory_space<vmem>>, vector<16xi32>,
      %slice3A_337 = vector.extract_strided_slice %get3A_336 {offsets = [0], sizes = [1], strides = [1]} : vector<16xi32> to vector<1xi32>
      %squeeze3A_338 = vector.extract %slice3A_337[0] : i32 from vector<1xi32>
      %ge3A_339 = arith.constant 500864 : i32
      %ge3A_340 = arith.cmpi sge, %squeeze3A_338, %ge3A_339 : i32
      %jit3A_341 = arith.constant 500864 : i32
      %jit3A_342 = arith.constant 0 : i32
      %select_n3A_343 = arith.select %ge3A_340, %jit3A_341, %jit3A_342 : i32
      %sub3A_344 = arith.subi %squeeze3A_338, %select_n3A_343 : i32
      %dma_start3A_345 = arith.constant 0 : i32
      %dma_start3A_346 = tpu.memref_slice %arg21[%scan3A_249, %dma_start3A_345] : memref<128x128xf32, #tpu.memory_space<vmem>> -> memref<1x128xf32, #tpu.memory_space<vmem>>
      %dma_start3A_347 = arith.constant 0 : i32
      %dma_start3A_348 = tpu.memref_slice %arg3[%sub3A_344, %dma_start3A_347] : memref<500864x128xf32, #tpu.memory_space<hbm>> -> memref<1x128xf32, #tpu.memory_space<hbm>>
      %dma_start3A_349 = arith.constant 0 : i32
      %dma_start3A_350 = tpu.memref_slice %arg21[%scan3A_249, %dma_start3A_349] : memref<128x128xf32, #tpu.memory_space<vmem>> -> memref<1x128xf32, #tpu.memory_space<vmem>>
      %dma_start3A_351 = arith.constant 0 : i32
      %dma_start3A_352 = tpu.memref_slice %arg3[%sub3A_344, %dma_start3A_351] : memref<500864x128xf32, #tpu.memory_space<hbm>> -> memref<1x128xf32, #tpu.memory_space<hbm>>
      tpu.enqueue_dma source(%dma_start3A_352 : memref<1x128xf32, #tpu.memory_space<hbm>>) target(%dma_start3A_350 : memref<1x128xf32, #tpu.memory_space<vmem>>) target_semaphore(%arg25 : memref<!tpu.dma_semaphore, #tpu.memory_space<semaphore_mem>>)
      %get3A_353 = arith.index_cast %add3A_252 : i32 to index
      %get3A_354 = tpu.vector_load %arg15[%get3A_353] {strides = array<i32>} : memref<528xi32, #tpu.memory_space<vmem>>, vector<16xi32>,
      %slice3A_355 = vector.extract_strided_slice %get3A_354 {offsets = [0], sizes = [1], strides = [1]} : vector<16xi32> to vector<1xi32>
      %squeeze3A_356 = vector.extract %slice3A_355[0] : i32 from vector<1xi32>
      %ge3A_357 = arith.constant 500864 : i32
      %ge3A_358 = arith.cmpi sge, %squeeze3A_356, %ge3A_357 : i32
      %jit3A_359 = arith.constant 500864 : i32
      %jit3A_360 = arith.constant 0 : i32
      %select_n3A_361 = arith.select %ge3A_358, %jit3A_359, %jit3A_360 : i32
      %sub3A_362 = arith.subi %squeeze3A_356, %select_n3A_361 : i32
      %dma_start3A_363 = arith.constant 0 : i32
      %dma_start3A_364 = tpu.memref_slice %arg22[%scan3A_249, %dma_start3A_363] : memref<128x128xf32, #tpu.memory_space<vmem>> -> memref<1x128xf32, #tpu.memory_space<vmem>>
      %dma_start3A_365 = arith.constant 0 : i32
      %dma_start3A_366 = tpu.memref_slice %arg3[%sub3A_362, %dma_start3A_365] : memref<500864x128xf32, #tpu.memory_space<hbm>> -> memref<1x128xf32, #tpu.memory_space<hbm>>
      %dma_start3A_367 = arith.constant 0 : i32
      %dma_start3A_368 = tpu.memref_slice %arg22[%scan3A_249, %dma_start3A_367] : memref<128x128xf32, #tpu.memory_space<vmem>> -> memref<1x128xf32, #tpu.memory_space<vmem>>
      %dma_start3A_369 = arith.constant 0 : i32
      %dma_start3A_370 = tpu.memref_slice %arg3[%sub3A_362, %dma_start3A_369] : memref<500864x128xf32, #tpu.memory_space<hbm>> -> memref<1x128xf32, #tpu.memory_space<hbm>>
      tpu.enqueue_dma source(%dma_start3A_370 : memref<1x128xf32, #tpu.memory_space<hbm>>) target(%dma_start3A_368 : memref<1x128xf32, #tpu.memory_space<vmem>>) target_semaphore(%arg25 : memref<!tpu.dma_semaphore, #tpu.memory_space<semaphore_mem>>)
      %scan3A_371 = arith.constant 0 : i32
      scf.yield %scan3A_371 : i32
    }
    %scan3A_184 = arith.constant 128 : i32
    %iota3A_185 = tpu.iota {dimensions = array<i32: 0>} : vector<16xi32>
    %eq3A_186 = arith.constant 15 : i32
    %eq3A_187 = vector.broadcast %eq3A_186 : i32 to vector<16xi32>
    %eq3A_188 = arith.cmpi eq, %iota3A_185, %eq3A_187 : vector<16xi32>
    %scan3A_189 = arith.constant 0 : i32
    %scan3A_190 = arith.constant 0 : i32
    %scan3A_191 = arith.constant 128 : i32
    %scan3A_192 = arith.addi %scan3A_190, %scan3A_191 : i32
    %scan3A_193 = arith.constant 1 : i32
    %scan3A_194 = scf.for %scan3A_249 = %scan3A_190 to %scan3A_192 step %scan3A_193 iter_args(%scan3A_250 = %scan3A_189) -> (i32)  : i32 {
      %add3A_251 = arith.constant 256 : i32
      %add3A_252 = arith.addi %add3A_251, %scan3A_249 : i32
      %get3A = arith.index_cast %add3A_252 : i32 to index
      %get3A_253 = tpu.vector_load %arg9[%get3A] {strides = array<i32>} : memref<528xi32, #tpu.memory_space<vmem>>, vector<16xi32>,
      %slice3A = vector.extract_strided_slice %get3A_253 {offsets = [0], sizes = [1], strides = [1]} : vector<16xi32> to vector<1xi32>
      %squeeze3A = vector.extract %slice3A[0] : i32 from vector<1xi32>
      %ge3A = arith.constant 500864 : i32
      %ge3A_254 = arith.cmpi sge, %squeeze3A, %ge3A : i32
      %jit3A = arith.constant 64 : i32
      %jit3A_255 = arith.constant 0 : i32
      %select_n3A = arith.select %ge3A_254, %jit3A, %jit3A_255 : i32
      %get3A_256 = arith.index_cast %add3A_252 : i32 to index
      %get3A_257 = tpu.vector_load %arg10[%get3A_256] {strides = array<i32>} : memref<528xi32, #tpu.memory_space<vmem>>, vector<16xi32>,
      %slice3A_258 = vector.extract_strided_slice %get3A_257 {offsets = [0], sizes = [1], strides = [1]} : vector<16xi32> to vector<1xi32>
      %squeeze3A_259 = vector.extract %slice3A_258[0] : i32 from vector<1xi32>
      %ge3A_260 = arith.constant 500864 : i32
      %ge3A_261 = arith.cmpi sge, %squeeze3A_259, %ge3A_260 : i32
      %jit3A_262 = arith.constant 64 : i32
      %jit3A_263 = arith.constant 0 : i32
      %select_n3A_264 = arith.select %ge3A_261, %jit3A_262, %jit3A_263 : i32
      %get3A_265 = arith.index_cast %add3A_252 : i32 to index
      %get3A_266 = tpu.vector_load %arg11[%get3A_265] {strides = array<i32>} : memref<528xi32, #tpu.memory_space<vmem>>, vector<16xi32>,
      %slice3A_267 = vector.extract_strided_slice %get3A_266 {offsets = [0], sizes = [1], strides = [1]} : vector<16xi32> to vector<1xi32>
      %squeeze3A_268 = vector.extract %slice3A_267[0] : i32 from vector<1xi32>
      %ge3A_269 = arith.constant 500864 : i32
      %ge3A_270 = arith.cmpi sge, %squeeze3A_268, %ge3A_269 : i32
      %jit3A_271 = arith.constant 64 : i32
      %jit3A_272 = arith.constant 0 : i32
      %select_n3A_273 = arith.select %ge3A_270, %jit3A_271, %jit3A_272 : i32
      %get3A_274 = arith.index_cast %add3A_252 : i32 to index
      %get3A_275 = tpu.vector_load %arg12[%get3A_274] {strides = array<i32>} : memref<528xi32, #tpu.memory_space<vmem>>, vector<16xi32>,
      %slice3A_276 = vector.extract_strided_slice %get3A_275 {offsets = [0], sizes = [1], strides = [1]} : vector<16xi32> to vector<1xi32>
      %squeeze3A_277 = vector.extract %slice3A_276[0] : i32 from vector<1xi32>
      %ge3A_278 = arith.constant 500864 : i32
      %ge3A_279 = arith.cmpi sge, %squeeze3A_277, %ge3A_278 : i32
      %jit3A_280 = arith.constant 64 : i32
      %jit3A_281 = arith.constant 0 : i32
      %select_n3A_282 = arith.select %ge3A_279, %jit3A_280, %jit3A_281 : i32
      %get3A_283 = arith.index_cast %add3A_252 : i32 to index
      %get3A_284 = tpu.vector_load %arg13[%get3A_283] {strides = array<i32>} : memref<528xi32, #tpu.memory_space<vmem>>, vector<16xi32>,
      %slice3A_285 = vector.extract_strided_slice %get3A_284 {offsets = [0], sizes = [1], strides = [1]} : vector<16xi32> to vector<1xi32>
      %squeeze3A_286 = vector.extract %slice3A_285[0] : i32 from vector<1xi32>
      %ge3A_287 = arith.constant 500864 : i32
      %ge3A_288 = arith.cmpi sge, %squeeze3A_286, %ge3A_287 : i32
      %jit3A_289 = arith.constant 64 : i32
      %jit3A_290 = arith.constant 0 : i32
      %select_n3A_291 = arith.select %ge3A_288, %jit3A_289, %jit3A_290 : i32
      %get3A_292 = arith.index_cast %add3A_252 : i32 to index
      %get3A_293 = tpu.vector_load %arg14[%get3A_292] {strides = array<i32>} : memref<528xi32, #tpu.memory_space<vmem>>, vector<16xi32>,
      %slice3A_294 = vector.extract_strided_slice %get3A_293 {offsets = [0], sizes = [1], strides = [1]} : vector<16xi32> to vector<1xi32>
      %squeeze3A_295 = vector.extract %slice3A_294[0] : i32 from vector<1xi32>
      %ge3A_296 = arith.constant 500864 : i32
      %ge3A_297 = arith.cmpi sge, %squeeze3A_295, %ge3A_296 : i32
      %jit3A_298 = arith.constant 64 : i32
      %jit3A_299 = arith.constant 0 : i32
      %select_n3A_300 = arith.select %ge3A_297, %jit3A_298, %jit3A_299 : i32
      %get3A_301 = arith.index_cast %add3A_252 : i32 to index
      %get3A_302 = tpu.vector_load %arg15[%get3A_301] {strides = array<i32>} : memref<528xi32, #tpu.memory_space<vmem>>, vector<16xi32>,
      %slice3A_303 = vector.extract_strided_slice %get3A_302 {offsets = [0], sizes = [1], strides = [1]} : vector<16xi32> to vector<1xi32>
      %squeeze3A_304 = vector.extract %slice3A_303[0] : i32 from vector<1xi32>
      %ge3A_305 = arith.constant 500864 : i32
      %ge3A_306 = arith.cmpi sge, %squeeze3A_304, %ge3A_305 : i32
      %jit3A_307 = arith.constant 64 : i32
      %jit3A_308 = arith.constant 0 : i32
      %select_n3A_309 = arith.select %ge3A_306, %jit3A_307, %jit3A_308 : i32
      %add3A_310 = arith.constant 0 : i32
      %add3A_311 = arith.addi %select_n3A, %add3A_310 : i32
      %get3A_312 = arith.index_cast %scan3A_249 : i32 to index
      %get3A_313 = arith.index_cast %add3A_311 : i32 to index
      %get3A_314 = tpu.vector_load %arg16[%get3A_312, %get3A_313] {strides = array<i32>} : memref<128x128xf32, #tpu.memory_space<vmem>>, vector<16xf32>,
      %add3A_315 = arith.constant 0 : i32
      %add3A_316 = arith.addi %select_n3A_264, %add3A_315 : i32
      %get3A_317 = arith.index_cast %scan3A_249 : i32 to index
      %get3A_318 = arith.index_cast %add3A_316 : i32 to index
      %get3A_319 = tpu.vector_load %arg17[%get3A_317, %get3A_318] {strides = array<i32>} : memref<128x128xf32, #tpu.memory_space<vmem>>, vector<16xf32>,
      %add3A_320 = arith.constant 0 : i32
      %add3A_321 = arith.addi %select_n3A_273, %add3A_320 : i32
      %get3A_322 = arith.index_cast %scan3A_249 : i32 to index
      %get3A_323 = arith.index_cast %add3A_321 : i32 to index
      %get3A_324 = tpu.vector_load %arg18[%get3A_322, %get3A_323] {strides = array<i32>} : memref<128x128xf32, #tpu.memory_space<vmem>>, vector<16xf32>,
      %add3A_325 = arith.constant 0 : i32
      %add3A_326 = arith.addi %select_n3A_282, %add3A_325 : i32
      %get3A_327 = arith.index_cast %scan3A_249 : i32 to index
      %get3A_328 = arith.index_cast %add3A_326 : i32 to index
      %get3A_329 = tpu.vector_load %arg19[%get3A_327, %get3A_328] {strides = array<i32>} : memref<128x128xf32, #tpu.memory_space<vmem>>, vector<16xf32>,
      %add3A_330 = arith.addf %get3A_324, %get3A_329 : vector<16xf32>
      %add3A_331 = arith.constant 0 : i32
      %add3A_332 = arith.addi %select_n3A_291, %add3A_331 : i32
      %get3A_333 = arith.index_cast %scan3A_249 : i32 to index
      %get3A_334 = arith.index_cast %add3A_332 : i32 to index
      %get3A_335 = tpu.vector_load %arg20[%get3A_333, %get3A_334] {strides = array<i32>} : memref<128x128xf32, #tpu.memory_space<vmem>>, vector<16xf32>,
      %add3A_336 = arith.addf %add3A_330, %get3A_335 : vector<16xf32>
      %add3A_337 = arith.constant 0 : i32
      %add3A_338 = arith.addi %select_n3A_300, %add3A_337 : i32
      %get3A_339 = arith.index_cast %scan3A_249 : i32 to index
      %get3A_340 = arith.index_cast %add3A_338 : i32 to index
      %get3A_341 = tpu.vector_load %arg21[%get3A_339, %get3A_340] {strides = array<i32>} : memref<128x128xf32, #tpu.memory_space<vmem>>, vector<16xf32>,
      %add3A_342 = arith.addf %add3A_336, %get3A_341 : vector<16xf32>
      %add3A_343 = arith.constant 0 : i32
      %add3A_344 = arith.addi %select_n3A_309, %add3A_343 : i32
      %get3A_345 = arith.index_cast %scan3A_249 : i32 to index
      %get3A_346 = arith.index_cast %add3A_344 : i32 to index
      %get3A_347 = tpu.vector_load %arg22[%get3A_345, %get3A_346] {strides = array<i32>} : memref<128x128xf32, #tpu.memory_space<vmem>>, vector<16xf32>,
      %add3A_348 = arith.addf %add3A_342, %get3A_347 : vector<16xf32>
      %mul3A_349 = arith.mulf %get3A_314, %get3A_319 : vector<16xf32>
      %mul3A_350 = arith.mulf %get3A_314, %add3A_348 : vector<16xf32>
      %add3A_351 = arith.constant 16 : i32
      %add3A_352 = arith.addi %select_n3A, %add3A_351 : i32
      %get3A_353 = arith.index_cast %scan3A_249 : i32 to index
      %get3A_354 = arith.index_cast %add3A_352 : i32 to index
      %get3A_355 = tpu.vector_load %arg16[%get3A_353, %get3A_354] {strides = array<i32>} : memref<128x128xf32, #tpu.memory_space<vmem>>, vector<16xf32>,
      %add3A_356 = arith.constant 16 : i32
      %add3A_357 = arith.addi %select_n3A_264, %add3A_356 : i32
      %get3A_358 = arith.index_cast %scan3A_249 : i32 to index
      %get3A_359 = arith.index_cast %add3A_357 : i32 to index
      %get3A_360 = tpu.vector_load %arg17[%get3A_358, %get3A_359] {strides = array<i32>} : memref<128x128xf32, #tpu.memory_space<vmem>>, vector<16xf32>,
      %add3A_361 = arith.constant 16 : i32
      %add3A_362 = arith.addi %select_n3A_273, %add3A_361 : i32
      %get3A_363 = arith.index_cast %scan3A_249 : i32 to index
      %get3A_364 = arith.index_cast %add3A_362 : i32 to index
      %get3A_365 = tpu.vector_load %arg18[%get3A_363, %get3A_364] {strides = array<i32>} : memref<128x128xf32, #tpu.memory_space<vmem>>, vector<16xf32>,
      %add3A_366 = arith.constant 16 : i32
      %add3A_367 = arith.addi %select_n3A_282, %add3A_366 : i32
      %get3A_368 = arith.index_cast %scan3A_249 : i32 to index
      %get3A_369 = arith.index_cast %add3A_367 : i32 to index
      %get3A_370 = tpu.vector_load %arg19[%get3A_368, %get3A_369] {strides = array<i32>} : memref<128x128xf32, #tpu.memory_space<vmem>>, vector<16xf32>,
      %add3A_371 = arith.addf %get3A_365, %get3A_370 : vector<16xf32>
      %add3A_372 = arith.constant 16 : i32
      %add3A_373 = arith.addi %select_n3A_291, %add3A_372 : i32
      %get3A_374 = arith.index_cast %scan3A_249 : i32 to index
      %get3A_375 = arith.index_cast %add3A_373 : i32 to index
      %get3A_376 = tpu.vector_load %arg20[%get3A_374, %get3A_375] {strides = array<i32>} : memref<128x128xf32, #tpu.memory_space<vmem>>, vector<16xf32>,
      %add3A_377 = arith.addf %add3A_371, %get3A_376 : vector<16xf32>
      %add3A_378 = arith.constant 16 : i32
      %add3A_379 = arith.addi %select_n3A_300, %add3A_378 : i32
      %get3A_380 = arith.index_cast %scan3A_249 : i32 to index
      %get3A_381 = arith.index_cast %add3A_379 : i32 to index
      %get3A_382 = tpu.vector_load %arg21[%get3A_380, %get3A_381] {strides = array<i32>} : memref<128x128xf32, #tpu.memory_space<vmem>>, vector<16xf32>,
      %add3A_383 = arith.addf %add3A_377, %get3A_382 : vector<16xf32>
      %add3A_384 = arith.constant 16 : i32
      %add3A_385 = arith.addi %select_n3A_309, %add3A_384 : i32
      %get3A_386 = arith.index_cast %scan3A_249 : i32 to index
      %get3A_387 = arith.index_cast %add3A_385 : i32 to index
      %get3A_388 = tpu.vector_load %arg22[%get3A_386, %get3A_387] {strides = array<i32>} : memref<128x128xf32, #tpu.memory_space<vmem>>, vector<16xf32>,
      %add3A_389 = arith.addf %add3A_383, %get3A_388 : vector<16xf32>
      %mul3A_390 = arith.mulf %get3A_355, %get3A_360 : vector<16xf32>
      %mul3A_391 = arith.mulf %get3A_355, %add3A_389 : vector<16xf32>
      %add3A_392 = arith.addf %mul3A_349, %mul3A_390 : vector<16xf32>
      %add3A_393 = arith.addf %mul3A_350, %mul3A_391 : vector<16xf32>
      %add3A_394 = arith.constant 32 : i32
      %add3A_395 = arith.addi %select_n3A, %add3A_394 : i32
      %get3A_396 = arith.index_cast %scan3A_249 : i32 to index
      %get3A_397 = arith.index_cast %add3A_395 : i32 to index
      %get3A_398 = tpu.vector_load %arg16[%get3A_396, %get3A_397] {strides = array<i32>} : memref<128x128xf32, #tpu.memory_space<vmem>>, vector<16xf32>,
      %add3A_399 = arith.constant 32 : i32
      %add3A_400 = arith.addi %select_n3A_264, %add3A_399 : i32
      %get3A_401 = arith.index_cast %scan3A_249 : i32 to index
      %get3A_402 = arith.index_cast %add3A_400 : i32 to index
      %get3A_403 = tpu.vector_load %arg17[%get3A_401, %get3A_402] {strides = array<i32>} : memref<128x128xf32, #tpu.memory_space<vmem>>, vector<16xf32>,
      %add3A_404 = arith.constant 32 : i32
      %add3A_405 = arith.addi %select_n3A_273, %add3A_404 : i32
      %get3A_406 = arith.index_cast %scan3A_249 : i32 to index
      %get3A_407 = arith.index_cast %add3A_405 : i32 to index
      %get3A_408 = tpu.vector_load %arg18[%get3A_406, %get3A_407] {strides = array<i32>} : memref<128x128xf32, #tpu.memory_space<vmem>>, vector<16xf32>,
      %add3A_409 = arith.constant 32 : i32
      %add3A_410 = arith.addi %select_n3A_282, %add3A_409 : i32
      %get3A_411 = arith.index_cast %scan3A_249 : i32 to index
      %get3A_412 = arith.index_cast %add3A_410 : i32 to index
      %get3A_413 = tpu.vector_load %arg19[%get3A_411, %get3A_412] {strides = array<i32>} : memref<128x128xf32, #tpu.memory_space<vmem>>, vector<16xf32>,
      %add3A_414 = arith.addf %get3A_408, %get3A_413 : vector<16xf32>
      %add3A_415 = arith.constant 32 : i32
      %add3A_416 = arith.addi %select_n3A_291, %add3A_415 : i32
      %get3A_417 = arith.index_cast %scan3A_249 : i32 to index
      %get3A_418 = arith.index_cast %add3A_416 : i32 to index
      %get3A_419 = tpu.vector_load %arg20[%get3A_417, %get3A_418] {strides = array<i32>} : memref<128x128xf32, #tpu.memory_space<vmem>>, vector<16xf32>,
      %add3A_420 = arith.addf %add3A_414, %get3A_419 : vector<16xf32>
      %add3A_421 = arith.constant 32 : i32
      %add3A_422 = arith.addi %select_n3A_300, %add3A_421 : i32
      %get3A_423 = arith.index_cast %scan3A_249 : i32 to index
      %get3A_424 = arith.index_cast %add3A_422 : i32 to index
      %get3A_425 = tpu.vector_load %arg21[%get3A_423, %get3A_424] {strides = array<i32>} : memref<128x128xf32, #tpu.memory_space<vmem>>, vector<16xf32>,
      %add3A_426 = arith.addf %add3A_420, %get3A_425 : vector<16xf32>
      %add3A_427 = arith.constant 32 : i32
      %add3A_428 = arith.addi %select_n3A_309, %add3A_427 : i32
      %get3A_429 = arith.index_cast %scan3A_249 : i32 to index
      %get3A_430 = arith.index_cast %add3A_428 : i32 to index
      %get3A_431 = tpu.vector_load %arg22[%get3A_429, %get3A_430] {strides = array<i32>} : memref<128x128xf32, #tpu.memory_space<vmem>>, vector<16xf32>,
      %add3A_432 = arith.addf %add3A_426, %get3A_431 : vector<16xf32>
      %mul3A_433 = arith.mulf %get3A_398, %get3A_403 : vector<16xf32>
      %mul3A_434 = arith.mulf %get3A_398, %add3A_432 : vector<16xf32>
      %add3A_435 = arith.addf %add3A_392, %mul3A_433 : vector<16xf32>
      %add3A_436 = arith.addf %add3A_393, %mul3A_434 : vector<16xf32>
      %add3A_437 = arith.constant 48 : i32
      %add3A_438 = arith.addi %select_n3A, %add3A_437 : i32
      %get3A_439 = arith.index_cast %scan3A_249 : i32 to index
      %get3A_440 = arith.index_cast %add3A_438 : i32 to index
      %get3A_441 = tpu.vector_load %arg16[%get3A_439, %get3A_440] {strides = array<i32>} : memref<128x128xf32, #tpu.memory_space<vmem>>, vector<16xf32>,
      %add3A_442 = arith.constant 48 : i32
      %add3A_443 = arith.addi %select_n3A_264, %add3A_442 : i32
      %get3A_444 = arith.index_cast %scan3A_249 : i32 to index
      %get3A_445 = arith.index_cast %add3A_443 : i32 to index
      %get3A_446 = tpu.vector_load %arg17[%get3A_444, %get3A_445] {strides = array<i32>} : memref<128x128xf32, #tpu.memory_space<vmem>>, vector<16xf32>,
      %add3A_447 = arith.constant 48 : i32
      %add3A_448 = arith.addi %select_n3A_273, %add3A_447 : i32
      %get3A_449 = arith.index_cast %scan3A_249 : i32 to index
      %get3A_450 = arith.index_cast %add3A_448 : i32 to index
      %get3A_451 = tpu.vector_load %arg18[%get3A_449, %get3A_450] {strides = array<i32>} : memref<128x128xf32, #tpu.memory_space<vmem>>, vector<16xf32>,
      %add3A_452 = arith.constant 48 : i32
      %add3A_453 = arith.addi %select_n3A_282, %add3A_452 : i32
      %get3A_454 = arith.index_cast %scan3A_249 : i32 to index
      %get3A_455 = arith.index_cast %add3A_453 : i32 to index
      %get3A_456 = tpu.vector_load %arg19[%get3A_454, %get3A_455] {strides = array<i32>} : memref<128x128xf32, #tpu.memory_space<vmem>>, vector<16xf32>,
      %add3A_457 = arith.addf %get3A_451, %get3A_456 : vector<16xf32>
      %add3A_458 = arith.constant 48 : i32
      %add3A_459 = arith.addi %select_n3A_291, %add3A_458 : i32
      %get3A_460 = arith.index_cast %scan3A_249 : i32 to index
      %get3A_461 = arith.index_cast %add3A_459 : i32 to index
      %get3A_462 = tpu.vector_load %arg20[%get3A_460, %get3A_461] {strides = array<i32>} : memref<128x128xf32, #tpu.memory_space<vmem>>, vector<16xf32>,
      %add3A_463 = arith.addf %add3A_457, %get3A_462 : vector<16xf32>
      %add3A_464 = arith.constant 48 : i32
      %add3A_465 = arith.addi %select_n3A_300, %add3A_464 : i32
      %get3A_466 = arith.index_cast %scan3A_249 : i32 to index
      %get3A_467 = arith.index_cast %add3A_465 : i32 to index
      %get3A_468 = tpu.vector_load %arg21[%get3A_466, %get3A_467] {strides = array<i32>} : memref<128x128xf32, #tpu.memory_space<vmem>>, vector<16xf32>,
      %add3A_469 = arith.addf %add3A_463, %get3A_468 : vector<16xf32>
      %add3A_470 = arith.constant 48 : i32
      %add3A_471 = arith.addi %select_n3A_309, %add3A_470 : i32
      %get3A_472 = arith.index_cast %scan3A_249 : i32 to index
      %get3A_473 = arith.index_cast %add3A_471 : i32 to index
      %get3A_474 = tpu.vector_load %arg22[%get3A_472, %get3A_473] {strides = array<i32>} : memref<128x128xf32, #tpu.memory_space<vmem>>, vector<16xf32>,
      %add3A_475 = arith.addf %add3A_469, %get3A_474 : vector<16xf32>
      %mul3A_476 = arith.mulf %get3A_441, %get3A_446 : vector<16xf32>
      %mul3A_477 = arith.mulf %get3A_441, %add3A_475 : vector<16xf32>
      %add3A_478 = arith.addf %add3A_435, %mul3A_476 : vector<16xf32>
      %add3A_479 = arith.addf %add3A_436, %mul3A_477 : vector<16xf32>
      %broadcast_in_dim3A = vector.broadcast %add3A_252 : i32 to vector<16xi32>
      %broadcast_in_dim3A_480 = arith.constant true
      %broadcast_in_dim3A_481 = vector.broadcast %broadcast_in_dim3A_480 : i1 to vector<16xi1>
      %masked_cumsum3A = tpu.scan <sum>, %add3A_478 masked %broadcast_in_dim3A_481 : vector<16xf32>, vector<16xi1> -> vector<16xf32>
      tpu.vector_store_idx %arg23[%broadcast_in_dim3A], %masked_cumsum3A masked %eq3A_188 : memref<512xf32, #tpu.memory_space<vmem>>[vector<16xi32>], vector<16xf32>, vector<16xi1>
      %broadcast_in_dim3A_482 = arith.constant true
      %broadcast_in_dim3A_483 = vector.broadcast %broadcast_in_dim3A_482 : i1 to vector<16xi1>
      %masked_cumsum3A_484 = tpu.scan <sum>, %add3A_479 masked %broadcast_in_dim3A_483 : vector<16xf32>, vector<16xi1> -> vector<16xf32>
      tpu.vector_store_idx %arg24[%broadcast_in_dim3A], %masked_cumsum3A_484 masked %eq3A_188 : memref<512xf32, #tpu.memory_space<vmem>>[vector<16xi32>], vector<16xf32>, vector<16xi1>
      %scan3A_485 = arith.constant 0 : i32
      scf.yield %scan3A_485 : i32
    }
    %scan3A_195 = arith.constant 128 : i32
    %dma_wait3A_196 = arith.constant 0 : i32
    %dma_wait3A_197 = arith.constant 0 : i32
    %dma_wait3A_198 = tpu.memref_slice %arg2[%dma_wait3A_196, %dma_wait3A_197] : memref<500864x128xf32, #tpu.memory_space<hbm>> -> memref<128x128xf32, #tpu.memory_space<hbm>>
    %dma_wait3A_199 = arith.constant 0 : i32
    %dma_wait3A_200 = arith.constant 0 : i32
    %dma_wait3A_201 = tpu.memref_slice %arg2[%dma_wait3A_199, %dma_wait3A_200] : memref<500864x128xf32, #tpu.memory_space<hbm>> -> memref<128x128xf32, #tpu.memory_space<hbm>>
    tpu.wait_dma2 semaphore(%arg25 : memref<!tpu.dma_semaphore, #tpu.memory_space<semaphore_mem>>) src(%dma_wait3A_201 : memref<128x128xf32, #tpu.memory_space<hbm>>) dst(%arg16 : memref<128x128xf32, #tpu.memory_space<vmem>>)
    %dma_wait3A_202 = arith.constant 0 : i32
    %dma_wait3A_203 = arith.constant 0 : i32
    %dma_wait3A_204 = tpu.memref_slice %arg3[%dma_wait3A_202, %dma_wait3A_203] : memref<500864x128xf32, #tpu.memory_space<hbm>> -> memref<128x128xf32, #tpu.memory_space<hbm>>
    %dma_wait3A_205 = arith.constant 0 : i32
    %dma_wait3A_206 = arith.constant 0 : i32
    %dma_wait3A_207 = tpu.memref_slice %arg3[%dma_wait3A_205, %dma_wait3A_206] : memref<500864x128xf32, #tpu.memory_space<hbm>> -> memref<128x128xf32, #tpu.memory_space<hbm>>
    tpu.wait_dma2 semaphore(%arg25 : memref<!tpu.dma_semaphore, #tpu.memory_space<semaphore_mem>>) src(%dma_wait3A_207 : memref<128x128xf32, #tpu.memory_space<hbm>>) dst(%arg17 : memref<128x128xf32, #tpu.memory_space<vmem>>)
    %dma_wait3A_208 = arith.constant 0 : i32
    %dma_wait3A_209 = arith.constant 0 : i32
    %dma_wait3A_210 = tpu.memref_slice %arg3[%dma_wait3A_208, %dma_wait3A_209] : memref<500864x128xf32, #tpu.memory_space<hbm>> -> memref<128x128xf32, #tpu.memory_space<hbm>>
    %dma_wait3A_211 = arith.constant 0 : i32
    %dma_wait3A_212 = arith.constant 0 : i32
    %dma_wait3A_213 = tpu.memref_slice %arg3[%dma_wait3A_211, %dma_wait3A_212] : memref<500864x128xf32, #tpu.memory_space<hbm>> -> memref<128x128xf32, #tpu.memory_space<hbm>>
    tpu.wait_dma2 semaphore(%arg25 : memref<!tpu.dma_semaphore, #tpu.memory_space<semaphore_mem>>) src(%dma_wait3A_213 : memref<128x128xf32, #tpu.memory_space<hbm>>) dst(%arg18 : memref<128x128xf32, #tpu.memory_space<vmem>>)
    %dma_wait3A_214 = arith.constant 0 : i32
    %dma_wait3A_215 = arith.constant 0 : i32
    %dma_wait3A_216 = tpu.memref_slice %arg3[%dma_wait3A_214, %dma_wait3A_215] : memref<500864x128xf32, #tpu.memory_space<hbm>> -> memref<128x128xf32, #tpu.memory_space<hbm>>
    %dma_wait3A_217 = arith.constant 0 : i32
    %dma_wait3A_218 = arith.constant 0 : i32
    %dma_wait3A_219 = tpu.memref_slice %arg3[%dma_wait3A_217, %dma_wait3A_218] : memref<500864x128xf32, #tpu.memory_space<hbm>> -> memref<128x128xf32, #tpu.memory_space<hbm>>
    tpu.wait_dma2 semaphore(%arg25 : memref<!tpu.dma_semaphore, #tpu.memory_space<semaphore_mem>>) src(%dma_wait3A_219 : memref<128x128xf32, #tpu.memory_space<hbm>>) dst(%arg19 : memref<128x128xf32, #tpu.memory_space<vmem>>)
    %dma_wait3A_220 = arith.constant 0 : i32
    %dma_wait3A_221 = arith.constant 0 : i32
    %dma_wait3A_222 = tpu.memref_slice %arg3[%dma_wait3A_220, %dma_wait3A_221] : memref<500864x128xf32, #tpu.memory_space<hbm>> -> memref<128x128xf32, #tpu.memory_space<hbm>>
    %dma_wait3A_223 = arith.constant 0 : i32
    %dma_wait3A_224 = arith.constant 0 : i32
    %dma_wait3A_225 = tpu.memref_slice %arg3[%dma_wait3A_223, %dma_wait3A_224] : memref<500864x128xf32, #tpu.memory_space<hbm>> -> memref<128x128xf32, #tpu.memory_space<hbm>>
    tpu.wait_dma2 semaphore(%arg25 : memref<!tpu.dma_semaphore, #tpu.memory_space<semaphore_mem>>) src(%dma_wait3A_225 : memref<128x128xf32, #tpu.memory_space<hbm>>) dst(%arg20 : memref<128x128xf32, #tpu.memory_space<vmem>>)
    %dma_wait3A_226 = arith.constant 0 : i32
    %dma_wait3A_227 = arith.constant 0 : i32
    %dma_wait3A_228 = tpu.memref_slice %arg3[%dma_wait3A_226, %dma_wait3A_227] : memref<500864x128xf32, #tpu.memory_space<hbm>> -> memref<128x128xf32, #tpu.memory_space<hbm>>
    %dma_wait3A_229 = arith.constant 0 : i32
    %dma_wait3A_230 = arith.constant 0 : i32
    %dma_wait3A_231 = tpu.memref_slice %arg3[%dma_wait3A_229, %dma_wait3A_230] : memref<500864x128xf32, #tpu.memory_space<hbm>> -> memref<128x128xf32, #tpu.memory_space<hbm>>
    tpu.wait_dma2 semaphore(%arg25 : memref<!tpu.dma_semaphore, #tpu.memory_space<semaphore_mem>>) src(%dma_wait3A_231 : memref<128x128xf32, #tpu.memory_space<hbm>>) dst(%arg21 : memref<128x128xf32, #tpu.memory_space<vmem>>)
    %dma_wait3A_232 = arith.constant 0 : i32
    %dma_wait3A_233 = arith.constant 0 : i32
    %dma_wait3A_234 = tpu.memref_slice %arg3[%dma_wait3A_232, %dma_wait3A_233] : memref<500864x128xf32, #tpu.memory_space<hbm>> -> memref<128x128xf32, #tpu.memory_space<hbm>>
    %dma_wait3A_235 = arith.constant 0 : i32
    %dma_wait3A_236 = arith.constant 0 : i32
    %dma_wait3A_237 = tpu.memref_slice %arg3[%dma_wait3A_235, %dma_wait3A_236] : memref<500864x128xf32, #tpu.memory_space<hbm>> -> memref<128x128xf32, #tpu.memory_space<hbm>>
    tpu.wait_dma2 semaphore(%arg25 : memref<!tpu.dma_semaphore, #tpu.memory_space<semaphore_mem>>) src(%dma_wait3A_237 : memref<128x128xf32, #tpu.memory_space<hbm>>) dst(%arg22 : memref<128x128xf32, #tpu.memory_space<vmem>>)
    %iota3A_238 = tpu.iota {dimensions = array<i32: 0>} : vector<16xi32>
    %eq3A_239 = arith.constant 15 : i32
    %eq3A_240 = vector.broadcast %eq3A_239 : i32 to vector<16xi32>
    %eq3A_241 = arith.cmpi eq, %iota3A_238, %eq3A_240 : vector<16xi32>
    %scan3A_242 = arith.constant 0 : i32
    %scan3A_243 = arith.constant 0 : i32
    %scan3A_244 = arith.constant 128 : i32
    %scan3A_245 = arith.addi %scan3A_243, %scan3A_244 : i32
    %scan3A_246 = arith.constant 1 : i32
    %scan3A_247 = scf.for %scan3A_249 = %scan3A_243 to %scan3A_245 step %scan3A_246 iter_args(%scan3A_250 = %scan3A_242) -> (i32)  : i32 {
      %add3A_251 = arith.constant 384 : i32
      %add3A_252 = arith.addi %add3A_251, %scan3A_249 : i32
      %get3A = arith.index_cast %add3A_252 : i32 to index
      %get3A_253 = tpu.vector_load %arg9[%get3A] {strides = array<i32>} : memref<528xi32, #tpu.memory_space<vmem>>, vector<16xi32>,
      %slice3A = vector.extract_strided_slice %get3A_253 {offsets = [0], sizes = [1], strides = [1]} : vector<16xi32> to vector<1xi32>
      %squeeze3A = vector.extract %slice3A[0] : i32 from vector<1xi32>
      %ge3A = arith.constant 500864 : i32
      %ge3A_254 = arith.cmpi sge, %squeeze3A, %ge3A : i32
      %jit3A = arith.constant 64 : i32
      %jit3A_255 = arith.constant 0 : i32
      %select_n3A = arith.select %ge3A_254, %jit3A, %jit3A_255 : i32
      %get3A_256 = arith.index_cast %add3A_252 : i32 to index
      %get3A_257 = tpu.vector_load %arg10[%get3A_256] {strides = array<i32>} : memref<528xi32, #tpu.memory_space<vmem>>, vector<16xi32>,
      %slice3A_258 = vector.extract_strided_slice %get3A_257 {offsets = [0], sizes = [1], strides = [1]} : vector<16xi32> to vector<1xi32>
      %squeeze3A_259 = vector.extract %slice3A_258[0] : i32 from vector<1xi32>
      %ge3A_260 = arith.constant 500864 : i32
      %ge3A_261 = arith.cmpi sge, %squeeze3A_259, %ge3A_260 : i32
      %jit3A_262 = arith.constant 64 : i32
      %jit3A_263 = arith.constant 0 : i32
      %select_n3A_264 = arith.select %ge3A_261, %jit3A_262, %jit3A_263 : i32
      %get3A_265 = arith.index_cast %add3A_252 : i32 to index
      %get3A_266 = tpu.vector_load %arg11[%get3A_265] {strides = array<i32>} : memref<528xi32, #tpu.memory_space<vmem>>, vector<16xi32>,
      %slice3A_267 = vector.extract_strided_slice %get3A_266 {offsets = [0], sizes = [1], strides = [1]} : vector<16xi32> to vector<1xi32>
      %squeeze3A_268 = vector.extract %slice3A_267[0] : i32 from vector<1xi32>
      %ge3A_269 = arith.constant 500864 : i32
      %ge3A_270 = arith.cmpi sge, %squeeze3A_268, %ge3A_269 : i32
      %jit3A_271 = arith.constant 64 : i32
      %jit3A_272 = arith.constant 0 : i32
      %select_n3A_273 = arith.select %ge3A_270, %jit3A_271, %jit3A_272 : i32
      %get3A_274 = arith.index_cast %add3A_252 : i32 to index
      %get3A_275 = tpu.vector_load %arg12[%get3A_274] {strides = array<i32>} : memref<528xi32, #tpu.memory_space<vmem>>, vector<16xi32>,
      %slice3A_276 = vector.extract_strided_slice %get3A_275 {offsets = [0], sizes = [1], strides = [1]} : vector<16xi32> to vector<1xi32>
      %squeeze3A_277 = vector.extract %slice3A_276[0] : i32 from vector<1xi32>
      %ge3A_278 = arith.constant 500864 : i32
      %ge3A_279 = arith.cmpi sge, %squeeze3A_277, %ge3A_278 : i32
      %jit3A_280 = arith.constant 64 : i32
      %jit3A_281 = arith.constant 0 : i32
      %select_n3A_282 = arith.select %ge3A_279, %jit3A_280, %jit3A_281 : i32
      %get3A_283 = arith.index_cast %add3A_252 : i32 to index
      %get3A_284 = tpu.vector_load %arg13[%get3A_283] {strides = array<i32>} : memref<528xi32, #tpu.memory_space<vmem>>, vector<16xi32>,
      %slice3A_285 = vector.extract_strided_slice %get3A_284 {offsets = [0], sizes = [1], strides = [1]} : vector<16xi32> to vector<1xi32>
      %squeeze3A_286 = vector.extract %slice3A_285[0] : i32 from vector<1xi32>
      %ge3A_287 = arith.constant 500864 : i32
      %ge3A_288 = arith.cmpi sge, %squeeze3A_286, %ge3A_287 : i32
      %jit3A_289 = arith.constant 64 : i32
      %jit3A_290 = arith.constant 0 : i32
      %select_n3A_291 = arith.select %ge3A_288, %jit3A_289, %jit3A_290 : i32
      %get3A_292 = arith.index_cast %add3A_252 : i32 to index
      %get3A_293 = tpu.vector_load %arg14[%get3A_292] {strides = array<i32>} : memref<528xi32, #tpu.memory_space<vmem>>, vector<16xi32>,
      %slice3A_294 = vector.extract_strided_slice %get3A_293 {offsets = [0], sizes = [1], strides = [1]} : vector<16xi32> to vector<1xi32>
      %squeeze3A_295 = vector.extract %slice3A_294[0] : i32 from vector<1xi32>
      %ge3A_296 = arith.constant 500864 : i32
      %ge3A_297 = arith.cmpi sge, %squeeze3A_295, %ge3A_296 : i32
      %jit3A_298 = arith.constant 64 : i32
      %jit3A_299 = arith.constant 0 : i32
      %select_n3A_300 = arith.select %ge3A_297, %jit3A_298, %jit3A_299 : i32
      %get3A_301 = arith.index_cast %add3A_252 : i32 to index
      %get3A_302 = tpu.vector_load %arg15[%get3A_301] {strides = array<i32>} : memref<528xi32, #tpu.memory_space<vmem>>, vector<16xi32>,
      %slice3A_303 = vector.extract_strided_slice %get3A_302 {offsets = [0], sizes = [1], strides = [1]} : vector<16xi32> to vector<1xi32>
      %squeeze3A_304 = vector.extract %slice3A_303[0] : i32 from vector<1xi32>
      %ge3A_305 = arith.constant 500864 : i32
      %ge3A_306 = arith.cmpi sge, %squeeze3A_304, %ge3A_305 : i32
      %jit3A_307 = arith.constant 64 : i32
      %jit3A_308 = arith.constant 0 : i32
      %select_n3A_309 = arith.select %ge3A_306, %jit3A_307, %jit3A_308 : i32
      %add3A_310 = arith.constant 0 : i32
      %add3A_311 = arith.addi %select_n3A, %add3A_310 : i32
      %get3A_312 = arith.index_cast %scan3A_249 : i32 to index
      %get3A_313 = arith.index_cast %add3A_311 : i32 to index
      %get3A_314 = tpu.vector_load %arg16[%get3A_312, %get3A_313] {strides = array<i32>} : memref<128x128xf32, #tpu.memory_space<vmem>>, vector<16xf32>,
      %add3A_315 = arith.constant 0 : i32
      %add3A_316 = arith.addi %select_n3A_264, %add3A_315 : i32
      %get3A_317 = arith.index_cast %scan3A_249 : i32 to index
      %get3A_318 = arith.index_cast %add3A_316 : i32 to index
      %get3A_319 = tpu.vector_load %arg17[%get3A_317, %get3A_318] {strides = array<i32>} : memref<128x128xf32, #tpu.memory_space<vmem>>, vector<16xf32>,
      %add3A_320 = arith.constant 0 : i32
      %add3A_321 = arith.addi %select_n3A_273, %add3A_320 : i32
      %get3A_322 = arith.index_cast %scan3A_249 : i32 to index
      %get3A_323 = arith.index_cast %add3A_321 : i32 to index
      %get3A_324 = tpu.vector_load %arg18[%get3A_322, %get3A_323] {strides = array<i32>} : memref<128x128xf32, #tpu.memory_space<vmem>>, vector<16xf32>,
      %add3A_325 = arith.constant 0 : i32
      %add3A_326 = arith.addi %select_n3A_282, %add3A_325 : i32
      %get3A_327 = arith.index_cast %scan3A_249 : i32 to index
      %get3A_328 = arith.index_cast %add3A_326 : i32 to index
      %get3A_329 = tpu.vector_load %arg19[%get3A_327, %get3A_328] {strides = array<i32>} : memref<128x128xf32, #tpu.memory_space<vmem>>, vector<16xf32>,
      %add3A_330 = arith.addf %get3A_324, %get3A_329 : vector<16xf32>
      %add3A_331 = arith.constant 0 : i32
      %add3A_332 = arith.addi %select_n3A_291, %add3A_331 : i32
      %get3A_333 = arith.index_cast %scan3A_249 : i32 to index
      %get3A_334 = arith.index_cast %add3A_332 : i32 to index
      %get3A_335 = tpu.vector_load %arg20[%get3A_333, %get3A_334] {strides = array<i32>} : memref<128x128xf32, #tpu.memory_space<vmem>>, vector<16xf32>,
      %add3A_336 = arith.addf %add3A_330, %get3A_335 : vector<16xf32>
      %add3A_337 = arith.constant 0 : i32
      %add3A_338 = arith.addi %select_n3A_300, %add3A_337 : i32
      %get3A_339 = arith.index_cast %scan3A_249 : i32 to index
      %get3A_340 = arith.index_cast %add3A_338 : i32 to index
      %get3A_341 = tpu.vector_load %arg21[%get3A_339, %get3A_340] {strides = array<i32>} : memref<128x128xf32, #tpu.memory_space<vmem>>, vector<16xf32>,
      %add3A_342 = arith.addf %add3A_336, %get3A_341 : vector<16xf32>
      %add3A_343 = arith.constant 0 : i32
      %add3A_344 = arith.addi %select_n3A_309, %add3A_343 : i32
      %get3A_345 = arith.index_cast %scan3A_249 : i32 to index
      %get3A_346 = arith.index_cast %add3A_344 : i32 to index
      %get3A_347 = tpu.vector_load %arg22[%get3A_345, %get3A_346] {strides = array<i32>} : memref<128x128xf32, #tpu.memory_space<vmem>>, vector<16xf32>,
      %add3A_348 = arith.addf %add3A_342, %get3A_347 : vector<16xf32>
      %mul3A_349 = arith.mulf %get3A_314, %get3A_319 : vector<16xf32>
      %mul3A_350 = arith.mulf %get3A_314, %add3A_348 : vector<16xf32>
      %add3A_351 = arith.constant 16 : i32
      %add3A_352 = arith.addi %select_n3A, %add3A_351 : i32
      %get3A_353 = arith.index_cast %scan3A_249 : i32 to index
      %get3A_354 = arith.index_cast %add3A_352 : i32 to index
      %get3A_355 = tpu.vector_load %arg16[%get3A_353, %get3A_354] {strides = array<i32>} : memref<128x128xf32, #tpu.memory_space<vmem>>, vector<16xf32>,
      %add3A_356 = arith.constant 16 : i32
      %add3A_357 = arith.addi %select_n3A_264, %add3A_356 : i32
      %get3A_358 = arith.index_cast %scan3A_249 : i32 to index
      %get3A_359 = arith.index_cast %add3A_357 : i32 to index
      %get3A_360 = tpu.vector_load %arg17[%get3A_358, %get3A_359] {strides = array<i32>} : memref<128x128xf32, #tpu.memory_space<vmem>>, vector<16xf32>,
      %add3A_361 = arith.constant 16 : i32
      %add3A_362 = arith.addi %select_n3A_273, %add3A_361 : i32
      %get3A_363 = arith.index_cast %scan3A_249 : i32 to index
      %get3A_364 = arith.index_cast %add3A_362 : i32 to index
      %get3A_365 = tpu.vector_load %arg18[%get3A_363, %get3A_364] {strides = array<i32>} : memref<128x128xf32, #tpu.memory_space<vmem>>, vector<16xf32>,
      %add3A_366 = arith.constant 16 : i32
      %add3A_367 = arith.addi %select_n3A_282, %add3A_366 : i32
      %get3A_368 = arith.index_cast %scan3A_249 : i32 to index
      %get3A_369 = arith.index_cast %add3A_367 : i32 to index
      %get3A_370 = tpu.vector_load %arg19[%get3A_368, %get3A_369] {strides = array<i32>} : memref<128x128xf32, #tpu.memory_space<vmem>>, vector<16xf32>,
      %add3A_371 = arith.addf %get3A_365, %get3A_370 : vector<16xf32>
      %add3A_372 = arith.constant 16 : i32
      %add3A_373 = arith.addi %select_n3A_291, %add3A_372 : i32
      %get3A_374 = arith.index_cast %scan3A_249 : i32 to index
      %get3A_375 = arith.index_cast %add3A_373 : i32 to index
      %get3A_376 = tpu.vector_load %arg20[%get3A_374, %get3A_375] {strides = array<i32>} : memref<128x128xf32, #tpu.memory_space<vmem>>, vector<16xf32>,
      %add3A_377 = arith.addf %add3A_371, %get3A_376 : vector<16xf32>
      %add3A_378 = arith.constant 16 : i32
      %add3A_379 = arith.addi %select_n3A_300, %add3A_378 : i32
      %get3A_380 = arith.index_cast %scan3A_249 : i32 to index
      %get3A_381 = arith.index_cast %add3A_379 : i32 to index
      %get3A_382 = tpu.vector_load %arg21[%get3A_380, %get3A_381] {strides = array<i32>} : memref<128x128xf32, #tpu.memory_space<vmem>>, vector<16xf32>,
      %add3A_383 = arith.addf %add3A_377, %get3A_382 : vector<16xf32>
      %add3A_384 = arith.constant 16 : i32
      %add3A_385 = arith.addi %select_n3A_309, %add3A_384 : i32
      %get3A_386 = arith.index_cast %scan3A_249 : i32 to index
      %get3A_387 = arith.index_cast %add3A_385 : i32 to index
      %get3A_388 = tpu.vector_load %arg22[%get3A_386, %get3A_387] {strides = array<i32>} : memref<128x128xf32, #tpu.memory_space<vmem>>, vector<16xf32>,
      %add3A_389 = arith.addf %add3A_383, %get3A_388 : vector<16xf32>
      %mul3A_390 = arith.mulf %get3A_355, %get3A_360 : vector<16xf32>
      %mul3A_391 = arith.mulf %get3A_355, %add3A_389 : vector<16xf32>
      %add3A_392 = arith.addf %mul3A_349, %mul3A_390 : vector<16xf32>
      %add3A_393 = arith.addf %mul3A_350, %mul3A_391 : vector<16xf32>
      %add3A_394 = arith.constant 32 : i32
      %add3A_395 = arith.addi %select_n3A, %add3A_394 : i32
      %get3A_396 = arith.index_cast %scan3A_249 : i32 to index
      %get3A_397 = arith.index_cast %add3A_395 : i32 to index
      %get3A_398 = tpu.vector_load %arg16[%get3A_396, %get3A_397] {strides = array<i32>} : memref<128x128xf32, #tpu.memory_space<vmem>>, vector<16xf32>,
      %add3A_399 = arith.constant 32 : i32
      %add3A_400 = arith.addi %select_n3A_264, %add3A_399 : i32
      %get3A_401 = arith.index_cast %scan3A_249 : i32 to index
      %get3A_402 = arith.index_cast %add3A_400 : i32 to index
      %get3A_403 = tpu.vector_load %arg17[%get3A_401, %get3A_402] {strides = array<i32>} : memref<128x128xf32, #tpu.memory_space<vmem>>, vector<16xf32>,
      %add3A_404 = arith.constant 32 : i32
      %add3A_405 = arith.addi %select_n3A_273, %add3A_404 : i32
      %get3A_406 = arith.index_cast %scan3A_249 : i32 to index
      %get3A_407 = arith.index_cast %add3A_405 : i32 to index
      %get3A_408 = tpu.vector_load %arg18[%get3A_406, %get3A_407] {strides = array<i32>} : memref<128x128xf32, #tpu.memory_space<vmem>>, vector<16xf32>,
      %add3A_409 = arith.constant 32 : i32
      %add3A_410 = arith.addi %select_n3A_282, %add3A_409 : i32
      %get3A_411 = arith.index_cast %scan3A_249 : i32 to index
      %get3A_412 = arith.index_cast %add3A_410 : i32 to index
      %get3A_413 = tpu.vector_load %arg19[%get3A_411, %get3A_412] {strides = array<i32>} : memref<128x128xf32, #tpu.memory_space<vmem>>, vector<16xf32>,
      %add3A_414 = arith.addf %get3A_408, %get3A_413 : vector<16xf32>
      %add3A_415 = arith.constant 32 : i32
      %add3A_416 = arith.addi %select_n3A_291, %add3A_415 : i32
      %get3A_417 = arith.index_cast %scan3A_249 : i32 to index
      %get3A_418 = arith.index_cast %add3A_416 : i32 to index
      %get3A_419 = tpu.vector_load %arg20[%get3A_417, %get3A_418] {strides = array<i32>} : memref<128x128xf32, #tpu.memory_space<vmem>>, vector<16xf32>,
      %add3A_420 = arith.addf %add3A_414, %get3A_419 : vector<16xf32>
      %add3A_421 = arith.constant 32 : i32
      %add3A_422 = arith.addi %select_n3A_300, %add3A_421 : i32
      %get3A_423 = arith.index_cast %scan3A_249 : i32 to index
      %get3A_424 = arith.index_cast %add3A_422 : i32 to index
      %get3A_425 = tpu.vector_load %arg21[%get3A_423, %get3A_424] {strides = array<i32>} : memref<128x128xf32, #tpu.memory_space<vmem>>, vector<16xf32>,
      %add3A_426 = arith.addf %add3A_420, %get3A_425 : vector<16xf32>
      %add3A_427 = arith.constant 32 : i32
      %add3A_428 = arith.addi %select_n3A_309, %add3A_427 : i32
      %get3A_429 = arith.index_cast %scan3A_249 : i32 to index
      %get3A_430 = arith.index_cast %add3A_428 : i32 to index
      %get3A_431 = tpu.vector_load %arg22[%get3A_429, %get3A_430] {strides = array<i32>} : memref<128x128xf32, #tpu.memory_space<vmem>>, vector<16xf32>,
      %add3A_432 = arith.addf %add3A_426, %get3A_431 : vector<16xf32>
      %mul3A_433 = arith.mulf %get3A_398, %get3A_403 : vector<16xf32>
      %mul3A_434 = arith.mulf %get3A_398, %add3A_432 : vector<16xf32>
      %add3A_435 = arith.addf %add3A_392, %mul3A_433 : vector<16xf32>
      %add3A_436 = arith.addf %add3A_393, %mul3A_434 : vector<16xf32>
      %add3A_437 = arith.constant 48 : i32
      %add3A_438 = arith.addi %select_n3A, %add3A_437 : i32
      %get3A_439 = arith.index_cast %scan3A_249 : i32 to index
      %get3A_440 = arith.index_cast %add3A_438 : i32 to index
      %get3A_441 = tpu.vector_load %arg16[%get3A_439, %get3A_440] {strides = array<i32>} : memref<128x128xf32, #tpu.memory_space<vmem>>, vector<16xf32>,
      %add3A_442 = arith.constant 48 : i32
      %add3A_443 = arith.addi %select_n3A_264, %add3A_442 : i32
      %get3A_444 = arith.index_cast %scan3A_249 : i32 to index
      %get3A_445 = arith.index_cast %add3A_443 : i32 to index
      %get3A_446 = tpu.vector_load %arg17[%get3A_444, %get3A_445] {strides = array<i32>} : memref<128x128xf32, #tpu.memory_space<vmem>>, vector<16xf32>,
      %add3A_447 = arith.constant 48 : i32
      %add3A_448 = arith.addi %select_n3A_273, %add3A_447 : i32
      %get3A_449 = arith.index_cast %scan3A_249 : i32 to index
      %get3A_450 = arith.index_cast %add3A_448 : i32 to index
      %get3A_451 = tpu.vector_load %arg18[%get3A_449, %get3A_450] {strides = array<i32>} : memref<128x128xf32, #tpu.memory_space<vmem>>, vector<16xf32>,
      %add3A_452 = arith.constant 48 : i32
      %add3A_453 = arith.addi %select_n3A_282, %add3A_452 : i32
      %get3A_454 = arith.index_cast %scan3A_249 : i32 to index
      %get3A_455 = arith.index_cast %add3A_453 : i32 to index
      %get3A_456 = tpu.vector_load %arg19[%get3A_454, %get3A_455] {strides = array<i32>} : memref<128x128xf32, #tpu.memory_space<vmem>>, vector<16xf32>,
      %add3A_457 = arith.addf %get3A_451, %get3A_456 : vector<16xf32>
      %add3A_458 = arith.constant 48 : i32
      %add3A_459 = arith.addi %select_n3A_291, %add3A_458 : i32
      %get3A_460 = arith.index_cast %scan3A_249 : i32 to index
      %get3A_461 = arith.index_cast %add3A_459 : i32 to index
      %get3A_462 = tpu.vector_load %arg20[%get3A_460, %get3A_461] {strides = array<i32>} : memref<128x128xf32, #tpu.memory_space<vmem>>, vector<16xf32>,
      %add3A_463 = arith.addf %add3A_457, %get3A_462 : vector<16xf32>
      %add3A_464 = arith.constant 48 : i32
      %add3A_465 = arith.addi %select_n3A_300, %add3A_464 : i32
      %get3A_466 = arith.index_cast %scan3A_249 : i32 to index
      %get3A_467 = arith.index_cast %add3A_465 : i32 to index
      %get3A_468 = tpu.vector_load %arg21[%get3A_466, %get3A_467] {strides = array<i32>} : memref<128x128xf32, #tpu.memory_space<vmem>>, vector<16xf32>,
      %add3A_469 = arith.addf %add3A_463, %get3A_468 : vector<16xf32>
      %add3A_470 = arith.constant 48 : i32
      %add3A_471 = arith.addi %select_n3A_309, %add3A_470 : i32
      %get3A_472 = arith.index_cast %scan3A_249 : i32 to index
      %get3A_473 = arith.index_cast %add3A_471 : i32 to index
      %get3A_474 = tpu.vector_load %arg22[%get3A_472, %get3A_473] {strides = array<i32>} : memref<128x128xf32, #tpu.memory_space<vmem>>, vector<16xf32>,
      %add3A_475 = arith.addf %add3A_469, %get3A_474 : vector<16xf32>
      %mul3A_476 = arith.mulf %get3A_441, %get3A_446 : vector<16xf32>
      %mul3A_477 = arith.mulf %get3A_441, %add3A_475 : vector<16xf32>
      %add3A_478 = arith.addf %add3A_435, %mul3A_476 : vector<16xf32>
      %add3A_479 = arith.addf %add3A_436, %mul3A_477 : vector<16xf32>
      %broadcast_in_dim3A = vector.broadcast %add3A_252 : i32 to vector<16xi32>
      %broadcast_in_dim3A_480 = arith.constant true
      %broadcast_in_dim3A_481 = vector.broadcast %broadcast_in_dim3A_480 : i1 to vector<16xi1>
      %masked_cumsum3A = tpu.scan <sum>, %add3A_478 masked %broadcast_in_dim3A_481 : vector<16xf32>, vector<16xi1> -> vector<16xf32>
      tpu.vector_store_idx %arg23[%broadcast_in_dim3A], %masked_cumsum3A masked %eq3A_241 : memref<512xf32, #tpu.memory_space<vmem>>[vector<16xi32>], vector<16xf32>, vector<16xi1>
      %broadcast_in_dim3A_482 = arith.constant true
      %broadcast_in_dim3A_483 = vector.broadcast %broadcast_in_dim3A_482 : i1 to vector<16xi1>
      %masked_cumsum3A_484 = tpu.scan <sum>, %add3A_479 masked %broadcast_in_dim3A_483 : vector<16xf32>, vector<16xi1> -> vector<16xf32>
      tpu.vector_store_idx %arg24[%broadcast_in_dim3A], %masked_cumsum3A_484 masked %eq3A_241 : memref<512xf32, #tpu.memory_space<vmem>>[vector<16xi32>], vector<16xf32>, vector<16xi1>
      %scan3A_485 = arith.constant 0 : i32
      scf.yield %scan3A_485 : i32
    }
    %scan3A_248 = arith.constant 128 : i32
    "tpu.region"() ({
      %run_scoped3A = tpu.sem_alloc : memref<!tpu.dma_semaphore, #tpu.memory_space<semaphore_mem>>
      %dma_start3A = tpu.memref_slice %arg7[%mul3A_2] : memref<16384xf32, #tpu.memory_space<hbm>> -> memref<512xf32, #tpu.memory_space<hbm>>
      %dma_start3A_249 = tpu.memref_slice %arg7[%mul3A_2] : memref<16384xf32, #tpu.memory_space<hbm>> -> memref<512xf32, #tpu.memory_space<hbm>>
      tpu.enqueue_dma source(%arg23 : memref<512xf32, #tpu.memory_space<vmem>>) target(%dma_start3A_249 : memref<512xf32, #tpu.memory_space<hbm>>) target_semaphore(%run_scoped3A : memref<!tpu.dma_semaphore, #tpu.memory_space<semaphore_mem>>)
      %dma_wait3A_250 = tpu.memref_slice %arg7[%mul3A_2] : memref<16384xf32, #tpu.memory_space<hbm>> -> memref<512xf32, #tpu.memory_space<hbm>>
      %dma_wait3A_251 = tpu.memref_slice %arg7[%mul3A_2] : memref<16384xf32, #tpu.memory_space<hbm>> -> memref<512xf32, #tpu.memory_space<hbm>>
      tpu.wait_dma2 semaphore(%run_scoped3A : memref<!tpu.dma_semaphore, #tpu.memory_space<semaphore_mem>>) src(%arg23 : memref<512xf32, #tpu.memory_space<vmem>>) dst(%dma_wait3A_251 : memref<512xf32, #tpu.memory_space<hbm>>)
      tpu.yield
    }) : () -> ()
    "tpu.region"() ({
      %run_scoped3A = tpu.sem_alloc : memref<!tpu.dma_semaphore, #tpu.memory_space<semaphore_mem>>
      %dma_start3A = tpu.memref_slice %arg8[%mul3A_2] : memref<16384xf32, #tpu.memory_space<hbm>> -> memref<512xf32, #tpu.memory_space<hbm>>
      %dma_start3A_249 = tpu.memref_slice %arg8[%mul3A_2] : memref<16384xf32, #tpu.memory_space<hbm>> -> memref<512xf32, #tpu.memory_space<hbm>>
      tpu.enqueue_dma source(%arg24 : memref<512xf32, #tpu.memory_space<vmem>>) target(%dma_start3A_249 : memref<512xf32, #tpu.memory_space<hbm>>) target_semaphore(%run_scoped3A : memref<!tpu.dma_semaphore, #tpu.memory_space<semaphore_mem>>)
      %dma_wait3A_250 = tpu.memref_slice %arg8[%mul3A_2] : memref<16384xf32, #tpu.memory_space<hbm>> -> memref<512xf32, #tpu.memory_space<hbm>>
      %dma_wait3A_251 = tpu.memref_slice %arg8[%mul3A_2] : memref<16384xf32, #tpu.memory_space<hbm>> -> memref<512xf32, #tpu.memory_space<hbm>>
      tpu.wait_dma2 semaphore(%run_scoped3A : memref<!tpu.dma_semaphore, #tpu.memory_space<semaphore_mem>>) src(%arg24 : memref<512xf32, #tpu.memory_space<vmem>>) dst(%dma_wait3A_251 : memref<512xf32, #tpu.memory_space<hbm>>)
      tpu.yield
    }) : () -> ()
    return
  }
}

module attributes {stable_mosaic.version = 14 : i64} {
  func.func @_stage_body(%arg0: i32, %arg1: memref<64x1664xf32, #tpu.memory_space<vmem>>, %arg2: memref<64x1664xf32, #tpu.memory_space<vmem>>, %arg3: memref<64x1664xf32, #tpu.memory_space<vmem>>, %arg4: memref<64x1664xf32, #tpu.memory_space<vmem>>, %arg5: memref<1664x128xf32, #tpu.memory_space<vmem>>, %arg6: memref<1664x128xf32, #tpu.memory_space<vmem>>) attributes {dimension_semantics = [#tpu.dimension_semantics<arbitrary>], iteration_bounds = array<i64: 301>, scalar_prefetch = 0 : i64, scratch_operands = 0 : i64, tpu.core_type = #tpu.core_type<tc>, window_params = [{transform_indices = @transform_0, window_bounds = array<i64: 64, 1664>}, {transform_indices = @transform_1, window_bounds = array<i64: 64, 1664>}, {transform_indices = @transform_2, window_bounds = array<i64: 64, 1664>}, {transform_indices = @transform_3, window_bounds = array<i64: 64, 1664>}, {transform_indices = @transform_4, window_bounds = array<i64: 1664, 128>}, {transform_indices = @transform_5, window_bounds = array<i64: 1664, 128>}]} {
    %get3A = arith.constant 0 : index
    %get3A_0 = arith.constant 0 : index
    %get3A_1 = vector.load %arg1[%get3A, %get3A_0] : memref<64x1664xf32, #tpu.memory_space<vmem>>, vector<64x128xf32>
    %transpose3A = tpu.transpose %get3A_1, [1, 0] : vector<64x128xf32> -> vector<128x64xf32>
    %get3A_2 = arith.constant 0 : index
    %get3A_3 = arith.constant 0 : index
    %get3A_4 = vector.load %arg2[%get3A_2, %get3A_3] : memref<64x1664xf32, #tpu.memory_space<vmem>>, vector<64x128xf32>
    %transpose3A_5 = tpu.transpose %get3A_4, [1, 0] : vector<64x128xf32> -> vector<128x64xf32>
    %concatenate3A = tpu.concatenate %transpose3A, %transpose3A_5 in 1 : vector<128x64xf32>, vector<128x64xf32> -> vector<128x128xf32>
    %swap3A = arith.constant 0 : index
    %swap3A_6 = arith.constant 0 : index
    %swap3A_7 = vector.load %arg5[%swap3A, %swap3A_6] : memref<1664x128xf32, #tpu.memory_space<vmem>>, vector<128x128xf32>
    tpu.vector_store %arg5[%swap3A, %swap3A_6], %concatenate3A {strides = array<i32>} : memref<1664x128xf32, #tpu.memory_space<vmem>>, vector<128x128xf32>,
    %get3A_8 = arith.constant 0 : index
    %get3A_9 = arith.constant 0 : index
    %get3A_10 = vector.load %arg3[%get3A_8, %get3A_9] : memref<64x1664xf32, #tpu.memory_space<vmem>>, vector<64x128xf32>
    %transpose3A_11 = tpu.transpose %get3A_10, [1, 0] : vector<64x128xf32> -> vector<128x64xf32>
    %get3A_12 = arith.constant 0 : index
    %get3A_13 = arith.constant 0 : index
    %get3A_14 = vector.load %arg4[%get3A_12, %get3A_13] : memref<64x1664xf32, #tpu.memory_space<vmem>>, vector<64x128xf32>
    %transpose3A_15 = tpu.transpose %get3A_14, [1, 0] : vector<64x128xf32> -> vector<128x64xf32>
    %concatenate3A_16 = tpu.concatenate %transpose3A_11, %transpose3A_15 in 1 : vector<128x64xf32>, vector<128x64xf32> -> vector<128x128xf32>
    %swap3A_17 = arith.constant 0 : index
    %swap3A_18 = arith.constant 0 : index
    %swap3A_19 = vector.load %arg6[%swap3A_17, %swap3A_18] : memref<1664x128xf32, #tpu.memory_space<vmem>>, vector<128x128xf32>
    tpu.vector_store %arg6[%swap3A_17, %swap3A_18], %concatenate3A_16 {strides = array<i32>} : memref<1664x128xf32, #tpu.memory_space<vmem>>, vector<128x128xf32>,
    %get3A_20 = arith.constant 0 : index
    %get3A_21 = arith.constant 128 : index
    %get3A_22 = vector.load %arg1[%get3A_20, %get3A_21] : memref<64x1664xf32, #tpu.memory_space<vmem>>, vector<64x128xf32>
    %transpose3A_23 = tpu.transpose %get3A_22, [1, 0] : vector<64x128xf32> -> vector<128x64xf32>
    %get3A_24 = arith.constant 0 : index
    %get3A_25 = arith.constant 128 : index
    %get3A_26 = vector.load %arg2[%get3A_24, %get3A_25] : memref<64x1664xf32, #tpu.memory_space<vmem>>, vector<64x128xf32>
    %transpose3A_27 = tpu.transpose %get3A_26, [1, 0] : vector<64x128xf32> -> vector<128x64xf32>
    %concatenate3A_28 = tpu.concatenate %transpose3A_23, %transpose3A_27 in 1 : vector<128x64xf32>, vector<128x64xf32> -> vector<128x128xf32>
    %swap3A_29 = arith.constant 128 : index
    %swap3A_30 = arith.constant 0 : index
    %swap3A_31 = vector.load %arg5[%swap3A_29, %swap3A_30] : memref<1664x128xf32, #tpu.memory_space<vmem>>, vector<128x128xf32>
    tpu.vector_store %arg5[%swap3A_29, %swap3A_30], %concatenate3A_28 {strides = array<i32>} : memref<1664x128xf32, #tpu.memory_space<vmem>>, vector<128x128xf32>,
    %get3A_32 = arith.constant 0 : index
    %get3A_33 = arith.constant 128 : index
    %get3A_34 = vector.load %arg3[%get3A_32, %get3A_33] : memref<64x1664xf32, #tpu.memory_space<vmem>>, vector<64x128xf32>
    %transpose3A_35 = tpu.transpose %get3A_34, [1, 0] : vector<64x128xf32> -> vector<128x64xf32>
    %get3A_36 = arith.constant 0 : index
    %get3A_37 = arith.constant 128 : index
    %get3A_38 = vector.load %arg4[%get3A_36, %get3A_37] : memref<64x1664xf32, #tpu.memory_space<vmem>>, vector<64x128xf32>
    %transpose3A_39 = tpu.transpose %get3A_38, [1, 0] : vector<64x128xf32> -> vector<128x64xf32>
    %concatenate3A_40 = tpu.concatenate %transpose3A_35, %transpose3A_39 in 1 : vector<128x64xf32>, vector<128x64xf32> -> vector<128x128xf32>
    %swap3A_41 = arith.constant 128 : index
    %swap3A_42 = arith.constant 0 : index
    %swap3A_43 = vector.load %arg6[%swap3A_41, %swap3A_42] : memref<1664x128xf32, #tpu.memory_space<vmem>>, vector<128x128xf32>
    tpu.vector_store %arg6[%swap3A_41, %swap3A_42], %concatenate3A_40 {strides = array<i32>} : memref<1664x128xf32, #tpu.memory_space<vmem>>, vector<128x128xf32>,
    %get3A_44 = arith.constant 0 : index
    %get3A_45 = arith.constant 256 : index
    %get3A_46 = vector.load %arg1[%get3A_44, %get3A_45] : memref<64x1664xf32, #tpu.memory_space<vmem>>, vector<64x128xf32>
    %transpose3A_47 = tpu.transpose %get3A_46, [1, 0] : vector<64x128xf32> -> vector<128x64xf32>
    %get3A_48 = arith.constant 0 : index
    %get3A_49 = arith.constant 256 : index
    %get3A_50 = vector.load %arg2[%get3A_48, %get3A_49] : memref<64x1664xf32, #tpu.memory_space<vmem>>, vector<64x128xf32>
    %transpose3A_51 = tpu.transpose %get3A_50, [1, 0] : vector<64x128xf32> -> vector<128x64xf32>
    %concatenate3A_52 = tpu.concatenate %transpose3A_47, %transpose3A_51 in 1 : vector<128x64xf32>, vector<128x64xf32> -> vector<128x128xf32>
    %swap3A_53 = arith.constant 256 : index
    %swap3A_54 = arith.constant 0 : index
    %swap3A_55 = vector.load %arg5[%swap3A_53, %swap3A_54] : memref<1664x128xf32, #tpu.memory_space<vmem>>, vector<128x128xf32>
    tpu.vector_store %arg5[%swap3A_53, %swap3A_54], %concatenate3A_52 {strides = array<i32>} : memref<1664x128xf32, #tpu.memory_space<vmem>>, vector<128x128xf32>,
    %get3A_56 = arith.constant 0 : index
    %get3A_57 = arith.constant 256 : index
    %get3A_58 = vector.load %arg3[%get3A_56, %get3A_57] : memref<64x1664xf32, #tpu.memory_space<vmem>>, vector<64x128xf32>
    %transpose3A_59 = tpu.transpose %get3A_58, [1, 0] : vector<64x128xf32> -> vector<128x64xf32>
    %get3A_60 = arith.constant 0 : index
    %get3A_61 = arith.constant 256 : index
    %get3A_62 = vector.load %arg4[%get3A_60, %get3A_61] : memref<64x1664xf32, #tpu.memory_space<vmem>>, vector<64x128xf32>
    %transpose3A_63 = tpu.transpose %get3A_62, [1, 0] : vector<64x128xf32> -> vector<128x64xf32>
    %concatenate3A_64 = tpu.concatenate %transpose3A_59, %transpose3A_63 in 1 : vector<128x64xf32>, vector<128x64xf32> -> vector<128x128xf32>
    %swap3A_65 = arith.constant 256 : index
    %swap3A_66 = arith.constant 0 : index
    %swap3A_67 = vector.load %arg6[%swap3A_65, %swap3A_66] : memref<1664x128xf32, #tpu.memory_space<vmem>>, vector<128x128xf32>
    tpu.vector_store %arg6[%swap3A_65, %swap3A_66], %concatenate3A_64 {strides = array<i32>} : memref<1664x128xf32, #tpu.memory_space<vmem>>, vector<128x128xf32>,
    %get3A_68 = arith.constant 0 : index
    %get3A_69 = arith.constant 384 : index
    %get3A_70 = vector.load %arg1[%get3A_68, %get3A_69] : memref<64x1664xf32, #tpu.memory_space<vmem>>, vector<64x128xf32>
    %transpose3A_71 = tpu.transpose %get3A_70, [1, 0] : vector<64x128xf32> -> vector<128x64xf32>
    %get3A_72 = arith.constant 0 : index
    %get3A_73 = arith.constant 384 : index
    %get3A_74 = vector.load %arg2[%get3A_72, %get3A_73] : memref<64x1664xf32, #tpu.memory_space<vmem>>, vector<64x128xf32>
    %transpose3A_75 = tpu.transpose %get3A_74, [1, 0] : vector<64x128xf32> -> vector<128x64xf32>
    %concatenate3A_76 = tpu.concatenate %transpose3A_71, %transpose3A_75 in 1 : vector<128x64xf32>, vector<128x64xf32> -> vector<128x128xf32>
    %swap3A_77 = arith.constant 384 : index
    %swap3A_78 = arith.constant 0 : index
    %swap3A_79 = vector.load %arg5[%swap3A_77, %swap3A_78] : memref<1664x128xf32, #tpu.memory_space<vmem>>, vector<128x128xf32>
    tpu.vector_store %arg5[%swap3A_77, %swap3A_78], %concatenate3A_76 {strides = array<i32>} : memref<1664x128xf32, #tpu.memory_space<vmem>>, vector<128x128xf32>,
    %get3A_80 = arith.constant 0 : index
    %get3A_81 = arith.constant 384 : index
    %get3A_82 = vector.load %arg3[%get3A_80, %get3A_81] : memref<64x1664xf32, #tpu.memory_space<vmem>>, vector<64x128xf32>
    %transpose3A_83 = tpu.transpose %get3A_82, [1, 0] : vector<64x128xf32> -> vector<128x64xf32>
    %get3A_84 = arith.constant 0 : index
    %get3A_85 = arith.constant 384 : index
    %get3A_86 = vector.load %arg4[%get3A_84, %get3A_85] : memref<64x1664xf32, #tpu.memory_space<vmem>>, vector<64x128xf32>
    %transpose3A_87 = tpu.transpose %get3A_86, [1, 0] : vector<64x128xf32> -> vector<128x64xf32>
    %concatenate3A_88 = tpu.concatenate %transpose3A_83, %transpose3A_87 in 1 : vector<128x64xf32>, vector<128x64xf32> -> vector<128x128xf32>
    %swap3A_89 = arith.constant 384 : index
    %swap3A_90 = arith.constant 0 : index
    %swap3A_91 = vector.load %arg6[%swap3A_89, %swap3A_90] : memref<1664x128xf32, #tpu.memory_space<vmem>>, vector<128x128xf32>
    tpu.vector_store %arg6[%swap3A_89, %swap3A_90], %concatenate3A_88 {strides = array<i32>} : memref<1664x128xf32, #tpu.memory_space<vmem>>, vector<128x128xf32>,
    %get3A_92 = arith.constant 0 : index
    %get3A_93 = arith.constant 512 : index
    %get3A_94 = vector.load %arg1[%get3A_92, %get3A_93] : memref<64x1664xf32, #tpu.memory_space<vmem>>, vector<64x128xf32>
    %transpose3A_95 = tpu.transpose %get3A_94, [1, 0] : vector<64x128xf32> -> vector<128x64xf32>
    %get3A_96 = arith.constant 0 : index
    %get3A_97 = arith.constant 512 : index
    %get3A_98 = vector.load %arg2[%get3A_96, %get3A_97] : memref<64x1664xf32, #tpu.memory_space<vmem>>, vector<64x128xf32>
    %transpose3A_99 = tpu.transpose %get3A_98, [1, 0] : vector<64x128xf32> -> vector<128x64xf32>
    %concatenate3A_100 = tpu.concatenate %transpose3A_95, %transpose3A_99 in 1 : vector<128x64xf32>, vector<128x64xf32> -> vector<128x128xf32>
    %swap3A_101 = arith.constant 512 : index
    %swap3A_102 = arith.constant 0 : index
    %swap3A_103 = vector.load %arg5[%swap3A_101, %swap3A_102] : memref<1664x128xf32, #tpu.memory_space<vmem>>, vector<128x128xf32>
    tpu.vector_store %arg5[%swap3A_101, %swap3A_102], %concatenate3A_100 {strides = array<i32>} : memref<1664x128xf32, #tpu.memory_space<vmem>>, vector<128x128xf32>,
    %get3A_104 = arith.constant 0 : index
    %get3A_105 = arith.constant 512 : index
    %get3A_106 = vector.load %arg3[%get3A_104, %get3A_105] : memref<64x1664xf32, #tpu.memory_space<vmem>>, vector<64x128xf32>
    %transpose3A_107 = tpu.transpose %get3A_106, [1, 0] : vector<64x128xf32> -> vector<128x64xf32>
    %get3A_108 = arith.constant 0 : index
    %get3A_109 = arith.constant 512 : index
    %get3A_110 = vector.load %arg4[%get3A_108, %get3A_109] : memref<64x1664xf32, #tpu.memory_space<vmem>>, vector<64x128xf32>
    %transpose3A_111 = tpu.transpose %get3A_110, [1, 0] : vector<64x128xf32> -> vector<128x64xf32>
    %concatenate3A_112 = tpu.concatenate %transpose3A_107, %transpose3A_111 in 1 : vector<128x64xf32>, vector<128x64xf32> -> vector<128x128xf32>
    %swap3A_113 = arith.constant 512 : index
    %swap3A_114 = arith.constant 0 : index
    %swap3A_115 = vector.load %arg6[%swap3A_113, %swap3A_114] : memref<1664x128xf32, #tpu.memory_space<vmem>>, vector<128x128xf32>
    tpu.vector_store %arg6[%swap3A_113, %swap3A_114], %concatenate3A_112 {strides = array<i32>} : memref<1664x128xf32, #tpu.memory_space<vmem>>, vector<128x128xf32>,
    %get3A_116 = arith.constant 0 : index
    %get3A_117 = arith.constant 640 : index
    %get3A_118 = vector.load %arg1[%get3A_116, %get3A_117] : memref<64x1664xf32, #tpu.memory_space<vmem>>, vector<64x128xf32>
    %transpose3A_119 = tpu.transpose %get3A_118, [1, 0] : vector<64x128xf32> -> vector<128x64xf32>
    %get3A_120 = arith.constant 0 : index
    %get3A_121 = arith.constant 640 : index
    %get3A_122 = vector.load %arg2[%get3A_120, %get3A_121] : memref<64x1664xf32, #tpu.memory_space<vmem>>, vector<64x128xf32>
    %transpose3A_123 = tpu.transpose %get3A_122, [1, 0] : vector<64x128xf32> -> vector<128x64xf32>
    %concatenate3A_124 = tpu.concatenate %transpose3A_119, %transpose3A_123 in 1 : vector<128x64xf32>, vector<128x64xf32> -> vector<128x128xf32>
    %swap3A_125 = arith.constant 640 : index
    %swap3A_126 = arith.constant 0 : index
    %swap3A_127 = vector.load %arg5[%swap3A_125, %swap3A_126] : memref<1664x128xf32, #tpu.memory_space<vmem>>, vector<128x128xf32>
    tpu.vector_store %arg5[%swap3A_125, %swap3A_126], %concatenate3A_124 {strides = array<i32>} : memref<1664x128xf32, #tpu.memory_space<vmem>>, vector<128x128xf32>,
    %get3A_128 = arith.constant 0 : index
    %get3A_129 = arith.constant 640 : index
    %get3A_130 = vector.load %arg3[%get3A_128, %get3A_129] : memref<64x1664xf32, #tpu.memory_space<vmem>>, vector<64x128xf32>
    %transpose3A_131 = tpu.transpose %get3A_130, [1, 0] : vector<64x128xf32> -> vector<128x64xf32>
    %get3A_132 = arith.constant 0 : index
    %get3A_133 = arith.constant 640 : index
    %get3A_134 = vector.load %arg4[%get3A_132, %get3A_133] : memref<64x1664xf32, #tpu.memory_space<vmem>>, vector<64x128xf32>
    %transpose3A_135 = tpu.transpose %get3A_134, [1, 0] : vector<64x128xf32> -> vector<128x64xf32>
    %concatenate3A_136 = tpu.concatenate %transpose3A_131, %transpose3A_135 in 1 : vector<128x64xf32>, vector<128x64xf32> -> vector<128x128xf32>
    %swap3A_137 = arith.constant 640 : index
    %swap3A_138 = arith.constant 0 : index
    %swap3A_139 = vector.load %arg6[%swap3A_137, %swap3A_138] : memref<1664x128xf32, #tpu.memory_space<vmem>>, vector<128x128xf32>
    tpu.vector_store %arg6[%swap3A_137, %swap3A_138], %concatenate3A_136 {strides = array<i32>} : memref<1664x128xf32, #tpu.memory_space<vmem>>, vector<128x128xf32>,
    %get3A_140 = arith.constant 0 : index
    %get3A_141 = arith.constant 768 : index
    %get3A_142 = vector.load %arg1[%get3A_140, %get3A_141] : memref<64x1664xf32, #tpu.memory_space<vmem>>, vector<64x128xf32>
    %transpose3A_143 = tpu.transpose %get3A_142, [1, 0] : vector<64x128xf32> -> vector<128x64xf32>
    %get3A_144 = arith.constant 0 : index
    %get3A_145 = arith.constant 768 : index
    %get3A_146 = vector.load %arg2[%get3A_144, %get3A_145] : memref<64x1664xf32, #tpu.memory_space<vmem>>, vector<64x128xf32>
    %transpose3A_147 = tpu.transpose %get3A_146, [1, 0] : vector<64x128xf32> -> vector<128x64xf32>
    %concatenate3A_148 = tpu.concatenate %transpose3A_143, %transpose3A_147 in 1 : vector<128x64xf32>, vector<128x64xf32> -> vector<128x128xf32>
    %swap3A_149 = arith.constant 768 : index
    %swap3A_150 = arith.constant 0 : index
    %swap3A_151 = vector.load %arg5[%swap3A_149, %swap3A_150] : memref<1664x128xf32, #tpu.memory_space<vmem>>, vector<128x128xf32>
    tpu.vector_store %arg5[%swap3A_149, %swap3A_150], %concatenate3A_148 {strides = array<i32>} : memref<1664x128xf32, #tpu.memory_space<vmem>>, vector<128x128xf32>,
    %get3A_152 = arith.constant 0 : index
    %get3A_153 = arith.constant 768 : index
    %get3A_154 = vector.load %arg3[%get3A_152, %get3A_153] : memref<64x1664xf32, #tpu.memory_space<vmem>>, vector<64x128xf32>
    %transpose3A_155 = tpu.transpose %get3A_154, [1, 0] : vector<64x128xf32> -> vector<128x64xf32>
    %get3A_156 = arith.constant 0 : index
    %get3A_157 = arith.constant 768 : index
    %get3A_158 = vector.load %arg4[%get3A_156, %get3A_157] : memref<64x1664xf32, #tpu.memory_space<vmem>>, vector<64x128xf32>
    %transpose3A_159 = tpu.transpose %get3A_158, [1, 0] : vector<64x128xf32> -> vector<128x64xf32>
    %concatenate3A_160 = tpu.concatenate %transpose3A_155, %transpose3A_159 in 1 : vector<128x64xf32>, vector<128x64xf32> -> vector<128x128xf32>
    %swap3A_161 = arith.constant 768 : index
    %swap3A_162 = arith.constant 0 : index
    %swap3A_163 = vector.load %arg6[%swap3A_161, %swap3A_162] : memref<1664x128xf32, #tpu.memory_space<vmem>>, vector<128x128xf32>
    tpu.vector_store %arg6[%swap3A_161, %swap3A_162], %concatenate3A_160 {strides = array<i32>} : memref<1664x128xf32, #tpu.memory_space<vmem>>, vector<128x128xf32>,
    %get3A_164 = arith.constant 0 : index
    %get3A_165 = arith.constant 896 : index
    %get3A_166 = vector.load %arg1[%get3A_164, %get3A_165] : memref<64x1664xf32, #tpu.memory_space<vmem>>, vector<64x128xf32>
    %transpose3A_167 = tpu.transpose %get3A_166, [1, 0] : vector<64x128xf32> -> vector<128x64xf32>
    %get3A_168 = arith.constant 0 : index
    %get3A_169 = arith.constant 896 : index
    %get3A_170 = vector.load %arg2[%get3A_168, %get3A_169] : memref<64x1664xf32, #tpu.memory_space<vmem>>, vector<64x128xf32>
    %transpose3A_171 = tpu.transpose %get3A_170, [1, 0] : vector<64x128xf32> -> vector<128x64xf32>
    %concatenate3A_172 = tpu.concatenate %transpose3A_167, %transpose3A_171 in 1 : vector<128x64xf32>, vector<128x64xf32> -> vector<128x128xf32>
    %swap3A_173 = arith.constant 896 : index
    %swap3A_174 = arith.constant 0 : index
    %swap3A_175 = vector.load %arg5[%swap3A_173, %swap3A_174] : memref<1664x128xf32, #tpu.memory_space<vmem>>, vector<128x128xf32>
    tpu.vector_store %arg5[%swap3A_173, %swap3A_174], %concatenate3A_172 {strides = array<i32>} : memref<1664x128xf32, #tpu.memory_space<vmem>>, vector<128x128xf32>,
    %get3A_176 = arith.constant 0 : index
    %get3A_177 = arith.constant 896 : index
    %get3A_178 = vector.load %arg3[%get3A_176, %get3A_177] : memref<64x1664xf32, #tpu.memory_space<vmem>>, vector<64x128xf32>
    %transpose3A_179 = tpu.transpose %get3A_178, [1, 0] : vector<64x128xf32> -> vector<128x64xf32>
    %get3A_180 = arith.constant 0 : index
    %get3A_181 = arith.constant 896 : index
    %get3A_182 = vector.load %arg4[%get3A_180, %get3A_181] : memref<64x1664xf32, #tpu.memory_space<vmem>>, vector<64x128xf32>
    %transpose3A_183 = tpu.transpose %get3A_182, [1, 0] : vector<64x128xf32> -> vector<128x64xf32>
    %concatenate3A_184 = tpu.concatenate %transpose3A_179, %transpose3A_183 in 1 : vector<128x64xf32>, vector<128x64xf32> -> vector<128x128xf32>
    %swap3A_185 = arith.constant 896 : index
    %swap3A_186 = arith.constant 0 : index
    %swap3A_187 = vector.load %arg6[%swap3A_185, %swap3A_186] : memref<1664x128xf32, #tpu.memory_space<vmem>>, vector<128x128xf32>
    tpu.vector_store %arg6[%swap3A_185, %swap3A_186], %concatenate3A_184 {strides = array<i32>} : memref<1664x128xf32, #tpu.memory_space<vmem>>, vector<128x128xf32>,
    %get3A_188 = arith.constant 0 : index
    %get3A_189 = arith.constant 1024 : index
    %get3A_190 = vector.load %arg1[%get3A_188, %get3A_189] : memref<64x1664xf32, #tpu.memory_space<vmem>>, vector<64x128xf32>
    %transpose3A_191 = tpu.transpose %get3A_190, [1, 0] : vector<64x128xf32> -> vector<128x64xf32>
    %get3A_192 = arith.constant 0 : index
    %get3A_193 = arith.constant 1024 : index
    %get3A_194 = vector.load %arg2[%get3A_192, %get3A_193] : memref<64x1664xf32, #tpu.memory_space<vmem>>, vector<64x128xf32>
    %transpose3A_195 = tpu.transpose %get3A_194, [1, 0] : vector<64x128xf32> -> vector<128x64xf32>
    %concatenate3A_196 = tpu.concatenate %transpose3A_191, %transpose3A_195 in 1 : vector<128x64xf32>, vector<128x64xf32> -> vector<128x128xf32>
    %swap3A_197 = arith.constant 1024 : index
    %swap3A_198 = arith.constant 0 : index
    %swap3A_199 = vector.load %arg5[%swap3A_197, %swap3A_198] : memref<1664x128xf32, #tpu.memory_space<vmem>>, vector<128x128xf32>
    tpu.vector_store %arg5[%swap3A_197, %swap3A_198], %concatenate3A_196 {strides = array<i32>} : memref<1664x128xf32, #tpu.memory_space<vmem>>, vector<128x128xf32>,
    %get3A_200 = arith.constant 0 : index
    %get3A_201 = arith.constant 1024 : index
    %get3A_202 = vector.load %arg3[%get3A_200, %get3A_201] : memref<64x1664xf32, #tpu.memory_space<vmem>>, vector<64x128xf32>
    %transpose3A_203 = tpu.transpose %get3A_202, [1, 0] : vector<64x128xf32> -> vector<128x64xf32>
    %get3A_204 = arith.constant 0 : index
    %get3A_205 = arith.constant 1024 : index
    %get3A_206 = vector.load %arg4[%get3A_204, %get3A_205] : memref<64x1664xf32, #tpu.memory_space<vmem>>, vector<64x128xf32>
    %transpose3A_207 = tpu.transpose %get3A_206, [1, 0] : vector<64x128xf32> -> vector<128x64xf32>
    %concatenate3A_208 = tpu.concatenate %transpose3A_203, %transpose3A_207 in 1 : vector<128x64xf32>, vector<128x64xf32> -> vector<128x128xf32>
    %swap3A_209 = arith.constant 1024 : index
    %swap3A_210 = arith.constant 0 : index
    %swap3A_211 = vector.load %arg6[%swap3A_209, %swap3A_210] : memref<1664x128xf32, #tpu.memory_space<vmem>>, vector<128x128xf32>
    tpu.vector_store %arg6[%swap3A_209, %swap3A_210], %concatenate3A_208 {strides = array<i32>} : memref<1664x128xf32, #tpu.memory_space<vmem>>, vector<128x128xf32>,
    %get3A_212 = arith.constant 0 : index
    %get3A_213 = arith.constant 1152 : index
    %get3A_214 = vector.load %arg1[%get3A_212, %get3A_213] : memref<64x1664xf32, #tpu.memory_space<vmem>>, vector<64x128xf32>
    %transpose3A_215 = tpu.transpose %get3A_214, [1, 0] : vector<64x128xf32> -> vector<128x64xf32>
    %get3A_216 = arith.constant 0 : index
    %get3A_217 = arith.constant 1152 : index
    %get3A_218 = vector.load %arg2[%get3A_216, %get3A_217] : memref<64x1664xf32, #tpu.memory_space<vmem>>, vector<64x128xf32>
    %transpose3A_219 = tpu.transpose %get3A_218, [1, 0] : vector<64x128xf32> -> vector<128x64xf32>
    %concatenate3A_220 = tpu.concatenate %transpose3A_215, %transpose3A_219 in 1 : vector<128x64xf32>, vector<128x64xf32> -> vector<128x128xf32>
    %swap3A_221 = arith.constant 1152 : index
    %swap3A_222 = arith.constant 0 : index
    %swap3A_223 = vector.load %arg5[%swap3A_221, %swap3A_222] : memref<1664x128xf32, #tpu.memory_space<vmem>>, vector<128x128xf32>
    tpu.vector_store %arg5[%swap3A_221, %swap3A_222], %concatenate3A_220 {strides = array<i32>} : memref<1664x128xf32, #tpu.memory_space<vmem>>, vector<128x128xf32>,
    %get3A_224 = arith.constant 0 : index
    %get3A_225 = arith.constant 1152 : index
    %get3A_226 = vector.load %arg3[%get3A_224, %get3A_225] : memref<64x1664xf32, #tpu.memory_space<vmem>>, vector<64x128xf32>
    %transpose3A_227 = tpu.transpose %get3A_226, [1, 0] : vector<64x128xf32> -> vector<128x64xf32>
    %get3A_228 = arith.constant 0 : index
    %get3A_229 = arith.constant 1152 : index
    %get3A_230 = vector.load %arg4[%get3A_228, %get3A_229] : memref<64x1664xf32, #tpu.memory_space<vmem>>, vector<64x128xf32>
    %transpose3A_231 = tpu.transpose %get3A_230, [1, 0] : vector<64x128xf32> -> vector<128x64xf32>
    %concatenate3A_232 = tpu.concatenate %transpose3A_227, %transpose3A_231 in 1 : vector<128x64xf32>, vector<128x64xf32> -> vector<128x128xf32>
    %swap3A_233 = arith.constant 1152 : index
    %swap3A_234 = arith.constant 0 : index
    %swap3A_235 = vector.load %arg6[%swap3A_233, %swap3A_234] : memref<1664x128xf32, #tpu.memory_space<vmem>>, vector<128x128xf32>
    tpu.vector_store %arg6[%swap3A_233, %swap3A_234], %concatenate3A_232 {strides = array<i32>} : memref<1664x128xf32, #tpu.memory_space<vmem>>, vector<128x128xf32>,
    %get3A_236 = arith.constant 0 : index
    %get3A_237 = arith.constant 1280 : index
    %get3A_238 = vector.load %arg1[%get3A_236, %get3A_237] : memref<64x1664xf32, #tpu.memory_space<vmem>>, vector<64x128xf32>
    %transpose3A_239 = tpu.transpose %get3A_238, [1, 0] : vector<64x128xf32> -> vector<128x64xf32>
    %get3A_240 = arith.constant 0 : index
    %get3A_241 = arith.constant 1280 : index
    %get3A_242 = vector.load %arg2[%get3A_240, %get3A_241] : memref<64x1664xf32, #tpu.memory_space<vmem>>, vector<64x128xf32>
    %transpose3A_243 = tpu.transpose %get3A_242, [1, 0] : vector<64x128xf32> -> vector<128x64xf32>
    %concatenate3A_244 = tpu.concatenate %transpose3A_239, %transpose3A_243 in 1 : vector<128x64xf32>, vector<128x64xf32> -> vector<128x128xf32>
    %swap3A_245 = arith.constant 1280 : index
    %swap3A_246 = arith.constant 0 : index
    %swap3A_247 = vector.load %arg5[%swap3A_245, %swap3A_246] : memref<1664x128xf32, #tpu.memory_space<vmem>>, vector<128x128xf32>
    tpu.vector_store %arg5[%swap3A_245, %swap3A_246], %concatenate3A_244 {strides = array<i32>} : memref<1664x128xf32, #tpu.memory_space<vmem>>, vector<128x128xf32>,
    %get3A_248 = arith.constant 0 : index
    %get3A_249 = arith.constant 1280 : index
    %get3A_250 = vector.load %arg3[%get3A_248, %get3A_249] : memref<64x1664xf32, #tpu.memory_space<vmem>>, vector<64x128xf32>
    %transpose3A_251 = tpu.transpose %get3A_250, [1, 0] : vector<64x128xf32> -> vector<128x64xf32>
    %get3A_252 = arith.constant 0 : index
    %get3A_253 = arith.constant 1280 : index
    %get3A_254 = vector.load %arg4[%get3A_252, %get3A_253] : memref<64x1664xf32, #tpu.memory_space<vmem>>, vector<64x128xf32>
    %transpose3A_255 = tpu.transpose %get3A_254, [1, 0] : vector<64x128xf32> -> vector<128x64xf32>
    %concatenate3A_256 = tpu.concatenate %transpose3A_251, %transpose3A_255 in 1 : vector<128x64xf32>, vector<128x64xf32> -> vector<128x128xf32>
    %swap3A_257 = arith.constant 1280 : index
    %swap3A_258 = arith.constant 0 : index
    %swap3A_259 = vector.load %arg6[%swap3A_257, %swap3A_258] : memref<1664x128xf32, #tpu.memory_space<vmem>>, vector<128x128xf32>
    tpu.vector_store %arg6[%swap3A_257, %swap3A_258], %concatenate3A_256 {strides = array<i32>} : memref<1664x128xf32, #tpu.memory_space<vmem>>, vector<128x128xf32>,
    %get3A_260 = arith.constant 0 : index
    %get3A_261 = arith.constant 1408 : index
    %get3A_262 = vector.load %arg1[%get3A_260, %get3A_261] : memref<64x1664xf32, #tpu.memory_space<vmem>>, vector<64x128xf32>
    %transpose3A_263 = tpu.transpose %get3A_262, [1, 0] : vector<64x128xf32> -> vector<128x64xf32>
    %get3A_264 = arith.constant 0 : index
    %get3A_265 = arith.constant 1408 : index
    %get3A_266 = vector.load %arg2[%get3A_264, %get3A_265] : memref<64x1664xf32, #tpu.memory_space<vmem>>, vector<64x128xf32>
    %transpose3A_267 = tpu.transpose %get3A_266, [1, 0] : vector<64x128xf32> -> vector<128x64xf32>
    %concatenate3A_268 = tpu.concatenate %transpose3A_263, %transpose3A_267 in 1 : vector<128x64xf32>, vector<128x64xf32> -> vector<128x128xf32>
    %swap3A_269 = arith.constant 1408 : index
    %swap3A_270 = arith.constant 0 : index
    %swap3A_271 = vector.load %arg5[%swap3A_269, %swap3A_270] : memref<1664x128xf32, #tpu.memory_space<vmem>>, vector<128x128xf32>
    tpu.vector_store %arg5[%swap3A_269, %swap3A_270], %concatenate3A_268 {strides = array<i32>} : memref<1664x128xf32, #tpu.memory_space<vmem>>, vector<128x128xf32>,
    %get3A_272 = arith.constant 0 : index
    %get3A_273 = arith.constant 1408 : index
    %get3A_274 = vector.load %arg3[%get3A_272, %get3A_273] : memref<64x1664xf32, #tpu.memory_space<vmem>>, vector<64x128xf32>
    %transpose3A_275 = tpu.transpose %get3A_274, [1, 0] : vector<64x128xf32> -> vector<128x64xf32>
    %get3A_276 = arith.constant 0 : index
    %get3A_277 = arith.constant 1408 : index
    %get3A_278 = vector.load %arg4[%get3A_276, %get3A_277] : memref<64x1664xf32, #tpu.memory_space<vmem>>, vector<64x128xf32>
    %transpose3A_279 = tpu.transpose %get3A_278, [1, 0] : vector<64x128xf32> -> vector<128x64xf32>
    %concatenate3A_280 = tpu.concatenate %transpose3A_275, %transpose3A_279 in 1 : vector<128x64xf32>, vector<128x64xf32> -> vector<128x128xf32>
    %swap3A_281 = arith.constant 1408 : index
    %swap3A_282 = arith.constant 0 : index
    %swap3A_283 = vector.load %arg6[%swap3A_281, %swap3A_282] : memref<1664x128xf32, #tpu.memory_space<vmem>>, vector<128x128xf32>
    tpu.vector_store %arg6[%swap3A_281, %swap3A_282], %concatenate3A_280 {strides = array<i32>} : memref<1664x128xf32, #tpu.memory_space<vmem>>, vector<128x128xf32>,
    %get3A_284 = arith.constant 0 : index
    %get3A_285 = arith.constant 1536 : index
    %get3A_286 = vector.load %arg1[%get3A_284, %get3A_285] : memref<64x1664xf32, #tpu.memory_space<vmem>>, vector<64x128xf32>
    %transpose3A_287 = tpu.transpose %get3A_286, [1, 0] : vector<64x128xf32> -> vector<128x64xf32>
    %get3A_288 = arith.constant 0 : index
    %get3A_289 = arith.constant 1536 : index
    %get3A_290 = vector.load %arg2[%get3A_288, %get3A_289] : memref<64x1664xf32, #tpu.memory_space<vmem>>, vector<64x128xf32>
    %transpose3A_291 = tpu.transpose %get3A_290, [1, 0] : vector<64x128xf32> -> vector<128x64xf32>
    %concatenate3A_292 = tpu.concatenate %transpose3A_287, %transpose3A_291 in 1 : vector<128x64xf32>, vector<128x64xf32> -> vector<128x128xf32>
    %swap3A_293 = arith.constant 1536 : index
    %swap3A_294 = arith.constant 0 : index
    %swap3A_295 = vector.load %arg5[%swap3A_293, %swap3A_294] : memref<1664x128xf32, #tpu.memory_space<vmem>>, vector<128x128xf32>
    tpu.vector_store %arg5[%swap3A_293, %swap3A_294], %concatenate3A_292 {strides = array<i32>} : memref<1664x128xf32, #tpu.memory_space<vmem>>, vector<128x128xf32>,
    %get3A_296 = arith.constant 0 : index
    %get3A_297 = arith.constant 1536 : index
    %get3A_298 = vector.load %arg3[%get3A_296, %get3A_297] : memref<64x1664xf32, #tpu.memory_space<vmem>>, vector<64x128xf32>
    %transpose3A_299 = tpu.transpose %get3A_298, [1, 0] : vector<64x128xf32> -> vector<128x64xf32>
    %get3A_300 = arith.constant 0 : index
    %get3A_301 = arith.constant 1536 : index
    %get3A_302 = vector.load %arg4[%get3A_300, %get3A_301] : memref<64x1664xf32, #tpu.memory_space<vmem>>, vector<64x128xf32>
    %transpose3A_303 = tpu.transpose %get3A_302, [1, 0] : vector<64x128xf32> -> vector<128x64xf32>
    %concatenate3A_304 = tpu.concatenate %transpose3A_299, %transpose3A_303 in 1 : vector<128x64xf32>, vector<128x64xf32> -> vector<128x128xf32>
    %swap3A_305 = arith.constant 1536 : index
    %swap3A_306 = arith.constant 0 : index
    %swap3A_307 = vector.load %arg6[%swap3A_305, %swap3A_306] : memref<1664x128xf32, #tpu.memory_space<vmem>>, vector<128x128xf32>
    tpu.vector_store %arg6[%swap3A_305, %swap3A_306], %concatenate3A_304 {strides = array<i32>} : memref<1664x128xf32, #tpu.memory_space<vmem>>, vector<128x128xf32>,
    return
  }
  func.func @transform_0(%arg0: i32) -> (i32, i32) {
    %c0_i32 = arith.constant 0 : i32
    %c0_i32_0 = arith.constant 0 : i32
    return %c0_i32, %arg0 : i32, i32
  }
  func.func @transform_1(%arg0: i32) -> (i32, i32) {
    %add3A = arith.constant 301 : i32
    %add3A_0 = arith.addi %arg0, %add3A : i32
    %min3A = arith.constant 600 : i32
    %min3A_1 = arith.minsi %add3A_0, %min3A : i32
    %c0_i32 = arith.constant 0 : i32
    %c0_i32_2 = arith.constant 0 : i32
    return %c0_i32, %min3A_1 : i32, i32
  }
  func.func @transform_2(%arg0: i32) -> (i32, i32) {
    %c0_i32 = arith.constant 0 : i32
    %c0_i32_0 = arith.constant 0 : i32
    return %c0_i32, %arg0 : i32, i32
  }
  func.func @transform_3(%arg0: i32) -> (i32, i32) {
    %add3A = arith.constant 301 : i32
    %add3A_0 = arith.addi %arg0, %add3A : i32
    %min3A = arith.constant 600 : i32
    %min3A_1 = arith.minsi %add3A_0, %min3A : i32
    %c0_i32 = arith.constant 0 : i32
    %c0_i32_2 = arith.constant 0 : i32
    return %c0_i32, %min3A_1 : i32, i32
  }
  func.func @transform_4(%arg0: i32) -> (i32, i32) {
    %c0_i32 = arith.constant 0 : i32
    %c0_i32_0 = arith.constant 0 : i32
    return %arg0, %c0_i32 : i32, i32
  }
  func.func @transform_5(%arg0: i32) -> (i32, i32) {
    %c0_i32 = arith.constant 0 : i32
    %c0_i32_0 = arith.constant 0 : i32
    return %arg0, %c0_i32 : i32, i32
  }
}

module attributes {stable_mosaic.version = 14 : i64} {
  func.func @_loss_body(%arg0: memref<128x128xf32, #tpu.memory_space<vmem>>, %arg1: memref<128x128xf32, #tpu.memory_space<vmem>>, %arg2: memref<1x1xf32, #tpu.memory_space<smem>>) attributes {dimension_semantics = [], scalar_prefetch = 0 : i64, scratch_operands = 0 : i64, tpu.core_type = #tpu.core_type<tc>} {
    %get3A = arith.constant 0 : index
    %get3A_0 = arith.constant 0 : index
    %get3A_1 = vector.load %arg0[%get3A, %get3A_0] : memref<128x128xf32, #tpu.memory_space<vmem>>, vector<128x128xf32>
    %get3A_2 = arith.constant 0 : index
    %get3A_3 = arith.constant 0 : index
    %get3A_4 = vector.load %arg1[%get3A_2, %get3A_3] : memref<128x128xf32, #tpu.memory_space<vmem>>, vector<128x128xf32>
    %min3A = arith.constant 0.000000e+00 : f32
    %min3A_5 = vector.broadcast %min3A : f32 to vector<128x128xf32>
    %min3A_6 = arith.minimumf %get3A_1, %min3A_5 : vector<128x128xf32>
    %abs3A = math.absf %get3A_1 : vector<128x128xf32>
    %neg3A = arith.constant 0.000000e+00 : f32
    %neg3A_7 = vector.broadcast %neg3A : f32 to vector<128x128xf32>
    %neg3A_8 = arith.subf %neg3A_7, %abs3A : vector<128x128xf32>
    %exp3A = math.exp %neg3A_8 : vector<128x128xf32>
    %log1p3A = math.log1p %exp3A : vector<128x128xf32>
    %sub3A = arith.subf %min3A_6, %log1p3A : vector<128x128xf32>
    %neg3A_9 = arith.constant 0.000000e+00 : f32
    %neg3A_10 = vector.broadcast %neg3A_9 : f32 to vector<128x128xf32>
    %neg3A_11 = arith.subf %neg3A_10, %get3A_4 : vector<128x128xf32>
    %min3A_12 = arith.constant 0.000000e+00 : f32
    %min3A_13 = vector.broadcast %min3A_12 : f32 to vector<128x128xf32>
    %min3A_14 = arith.minimumf %neg3A_11, %min3A_13 : vector<128x128xf32>
    %abs3A_15 = math.absf %neg3A_11 : vector<128x128xf32>
    %neg3A_16 = arith.constant 0.000000e+00 : f32
    %neg3A_17 = vector.broadcast %neg3A_16 : f32 to vector<128x128xf32>
    %neg3A_18 = arith.subf %neg3A_17, %abs3A_15 : vector<128x128xf32>
    %exp3A_19 = math.exp %neg3A_18 : vector<128x128xf32>
    %log1p3A_20 = math.log1p %exp3A_19 : vector<128x128xf32>
    %sub3A_21 = arith.subf %min3A_14, %log1p3A_20 : vector<128x128xf32>
    %add3A = arith.addf %sub3A, %sub3A_21 : vector<128x128xf32>
    %reduce_sum3A = vector.shape_cast %add3A : vector<128x128xf32> to vector<1x128x128xf32>
    %reduce_sum3A_22 = arith.constant dense<0.000000e+00> : vector<1xf32>
    %reduce_sum3A_23 = vector.multi_reduction <add>, %reduce_sum3A, %reduce_sum3A_22 [1, 2] : vector<1x128x128xf32> to vector<1xf32>
    %reduce_sum3A_24 = vector.shape_cast %reduce_sum3A_23 : vector<1xf32> to vector<1x1x1xf32>
    %reduce_sum3A_25 = vector.extract %reduce_sum3A_24[0, 0, 0] : f32 from vector<1x1x1xf32>
    %swap3A = arith.constant 0 : index
    %swap3A_26 = arith.constant 0 : index
    %swap3A_27 = memref.load %arg2[%swap3A, %swap3A_26] : memref<1x1xf32, #tpu.memory_space<smem>>
    memref.store %reduce_sum3A_25, %arg2[%swap3A, %swap3A_26] : memref<1x1xf32, #tpu.memory_space<smem>>
    return
  }
}

</mosaic_0001>

<sc_bundles>
// kernel: kernel.5.cloned.1.call-start
scs
__scs_entry_jumppad:
0x0: {  	(pc) =	sbr.rel $0x88, $3  }
0x1: {  	(tag) =	ssettag $0x0;
	lr =	simm.s32 $0x1  }
0x2: {  	[smem:$0x3F9B] =	sst lr;
	_ =	strace $0xD0000000  }
0x3: {  	_ = 	snop  }
0x4: {  	_ = 	snop  }
0x5: {  	_ = 	snop  }
0x6: {  	_ = 	snop  }
0x7: {  	_ = 	snop  }
__scs_overlays_trampoline_lowered:
0x8: {  	[smem:$0x3FAA] =	sst s0  }
0x9: {  	[smem:$0x3FAB] =	sst s1  }
0xa: {  	[smem:$0x3FAC] =	sst s2  }
0xb: {  	[smem:$0x3FAD] =	sst s3  }
0xc: {  	[smem:$0x3FAE] =	sst s4  }
0xd: {  	[smem:$0x3FAF] =	sst s5  }
0xe: {  	[smem:$0x3FB0] =	sst s6  }
0xf: {  	[smem:$0x3FB1] =	sst s7  }
0x10: {  	[smem:$0x3FB2] =	sst s8  }
0x11: {  	[smem:$0x3FB3] =	sst s9;
	s0 =	simm.s32 @!p0 $0x0  }
0x12: {  	s1 =	sld [smem:$0x3F99];
	s0 =	simm.s32 @p0 $0x1  }
0x13: {  	[smem:$0x3FB4] =	sst s0;
	s0 =	simm.s32 @!p1 $0x0  }
0x14: {  	s2 =	sld [smem:$0x3F98];
	s0 =	simm.s32 @p1 $0x1  }
0x15: {  	[smem:$0x3FB5] =	sst s0;
	s0 =	simm.s32 @!p2 $0x0  }
0x16: {  	s3 =	sld [smem:$0x3FDB];
	s0 =	simm.s32 @p2 $0x1  }
0x17: {  	s4 =	simm.s32 $0x1BF5;
	[smem:$0x3FB7] =	sst s0  }
0x18: {  	s0 =	sld [smem:$0x3F9A];
	_ =	swait.ge [sflag:s4], $0x0  }
0x19: {  	s7 =	sld [smem:$0x3F9B]  }
0x1a: {  	s8 =	sadd.s32 $0xFFFFE003, lr  }
0x1b: {  	s9 =	sadd.s32 $0xFFFFFEF7, lr;
	s5 =	simm.s32 $0xFFFFFFFF;
	p2 =	slt.u32 s8, $0xFFFFF086  }
0x1c: {  	p1 =	slt.u32 s9, $0xF7A;
	s5 =	simm.s32 @!p2 $0x0  }
0x1d: {  	s5 =	simm.s32 @p1 $0x1;
	p0 =	seq.s32 s7, s2  }
0x1e: {  	s7 =	smul.u32 @!p0 $0xF7A, s2;
	p2 =	seq.s32 @!p0 s5, $0x0  }
0x1f: {  	s9 =	smul.u32 $0xF7A, s1;
	s8 =	simm.s32 @!p0 $0x1BF5;
	p2 =	por !p2, p0  }
0x20: {  	[sflag:s8] =	ssyncset.s32 @!p0 $0xFFFFF086;
	s6 =	sadd.s32 @!p0 s3, s7;
	s7 =	simm.s32 @!p0 $0x108  }
0x21: {  	s3 =	sadd.s32 s3, s9;
	s6 =	sadd.s32 @!p0 $0x88, s6;
	s7 =	simm.s32 @p2 $0x1082  }
0x22: {  	[simem:s7], [sflag:s8] =	dma.local @!p0 [hbm:s6], $0xF7A  }
0x23: {  	s9 =	sor.u32 $0xD0000000, s2;
	s6 =	simm.s32 $0x108;
	_ =	swait.ge @!p0 [sflag:s8], $0x0  }
0x24: {  	s3 =	sadd.s32 $0x88, s3;
	s6 =	simm.s32 @!p1 $0x1082;
	[sflag:s4] =	ssyncset.s32 $0xFFFFF086  }
0x25: {  	[simem:s6], [sflag:s4] =	dma.local [hbm:s3], $0xF7A  }
0x26: {  	[smem:$0x3F9B] =	sst s1;
	(tag) =	ssettag s2;
	_ =	strace s9  }
0x27: {  	s1 =	sld [smem:$0x3FAB]  }
0x28: {  	s2 =	sld [smem:$0x3FAC]  }
0x29: {  	s4 =	sld [smem:$0x3FAE]  }
0x2a: {  	p0 =	seq.s32 s5, $0x0;
	s5 =	sld [smem:$0x3FAF]  }
0x2b: {  	s6 =	sld [smem:$0x3FB0]  }
0x2c: {  	s7 =	sld [smem:$0x3FB1]  }
0x2d: {  	s3 =	simm.s32 $0x108;
	s8 =	sld [smem:$0x3FB2]  }
0x2e: {  	s3 =	simm.s32 @!p0 $0x1082;
	s9 =	sld [smem:$0x3FB3]  }
0x2f: {  	lr =	sadd.s32 s0, s3;
	s0 =	sld [smem:$0x3FAA]  }
0x30: {  	s3 =	sld [smem:$0x3FAD]  }
0x31: {  	[smem:$0x3FB6] =	sst s10  }
0x32: {  	s10 =	sld [smem:$0x3FB4];
	_ =	sdelay $0x3  }
0x33: {  	p0 =	seq.s32 s10, $0x1;
	s10 =	sld [smem:$0x3FB6];
	_ =	sdelay $0x3  }
0x34: {  	[smem:$0x3FB6] =	sst s10  }
0x35: {  	s10 =	sld [smem:$0x3FB5];
	_ =	sdelay $0x3  }
0x36: {  	p1 =	seq.s32 s10, $0x1;
	s10 =	sld [smem:$0x3FB6];
	_ =	sdelay $0x3  }
0x37: {  	[smem:$0x3FB6] =	sst s10  }
0x38: {  	s10 =	sld [smem:$0x3FB7]  }
0x39: {  	_ = 	snop;
	(pc) =	sbr.ind lr, $3  }
0x3a: {  	_ = 	snop  }
0x3b: {  	_ = 	snop  }
0x3c: {  	p2 =	seq.s32 s10, $0x1;
	s10 =	sld [smem:$0x3FB6]  }
0x3d: {  	_ =	shalt  }
0x3e: {  	_ =	shalt  }
0x3f: {  	_ =	shalt  }
0x40: {  	_ =	shalt  }
0x41: {  	_ =	shalt  }
0x42: {  	_ =	shalt  }
0x43: {  	_ =	shalt  }
0x44: {  	_ =	shalt  }
0x45: {  	_ =	shalt  }
0x46: {  	_ =	shalt  }
0x47: {  	_ =	shalt  }
0x48: {  	_ =	shalt  }
0x49: {  	_ =	shalt  }
0x4a: {  	_ =	shalt  }
0x4b: {  	_ =	shalt  }
0x4c: {  	_ =	shalt  }
0x4d: {  	_ =	shalt  }
0x4e: {  	_ =	shalt  }
0x4f: {  	_ =	shalt  }
0x50: {  	_ =	shalt  }
0x51: {  	_ =	shalt  }
0x52: {  	_ =	shalt  }
0x53: {  	_ =	shalt  }
0x54: {  	_ =	shalt  }
0x55: {  	_ =	shalt  }
0x56: {  	_ =	shalt  }
0x57: {  	_ =	shalt  }
0x58: {  	_ =	shalt  }
0x59: {  	_ =	shalt  }
0x5a: {  	_ =	shalt  }
0x5b: {  	_ =	shalt  }
0x5c: {  	_ =	shalt  }
0x5d: {  	_ =	shalt  }
0x5e: {  	_ =	shalt  }
0x5f: {  	_ =	shalt  }
0x60: {  	_ =	shalt  }
0x61: {  	_ =	shalt  }
0x62: {  	_ =	shalt  }
0x63: {  	_ =	shalt  }
0x64: {  	_ =	shalt  }
0x65: {  	_ =	shalt  }
0x66: {  	_ =	shalt  }
0x67: {  	_ =	shalt  }
0x68: {  	_ =	shalt  }
0x69: {  	_ =	shalt  }
0x6a: {  	_ =	shalt  }
0x6b: {  	_ =	shalt  }
0x6c: {  	_ =	shalt  }
0x6d: {  	_ =	shalt  }
0x6e: {  	_ =	shalt  }
0x6f: {  	_ =	shalt  }
0x70: {  	_ =	shalt  }
0x71: {  	_ =	shalt  }
0x72: {  	_ =	shalt  }
0x73: {  	_ =	shalt  }
0x74: {  	_ =	shalt  }
0x75: {  	_ =	shalt  }
0x76: {  	_ =	shalt  }
0x77: {  	_ =	shalt  }
0x78: {  	_ =	shalt  }
0x79: {  	_ =	shalt  }
0x7a: {  	_ =	shalt  }
0x7b: {  	_ =	shalt  }
0x7c: {  	_ =	shalt  }
0x7d: {  	_ =	shalt  }
0x7e: {  	_ =	shalt  }
0x7f: {  	_ =	shalt  }
0x80: {  	_ =	shalt  }
0x81: {  	_ =	shalt  }
0x82: {  	_ =	shalt  }
0x83: {  	_ =	shalt  }
0x84: {  	_ =	shalt  }
0x85: {  	_ =	shalt  }
0x86: {  	_ =	shalt  }
0x87: {  	_ =	shalt  }
.Lfunc_end0:
.L_simem_size_0:
called_computation_lowered:
.L_overlay_start_0:
0x88: {  	s2 =	sld [smem:$0x3FD9]  }
0x89: {  	s3 =	sld [smem:$0x3FFE];
	_ =	sdelay $0x1  }
0x8a: {  	s1 =	srdreg.scid  }
0x8b: {  	s0 =	sand.u32 $0x1, s1  }
0x8c: {  	s17 =	sshll.u32 s0, $0xA;
	s2 =	sadd.s32 s3, s2  }
0x8d: {  	s2 =	sadd.s32 s2, s17  }
0x8e: {  	[smem:$0x3FC2] =	sst s2  }
0x8f: {  	_ = 	snop  }
0x90: {  	s2 =	sld [smem:$0x3FC9]  }
0x91: {  	s18 =	sld [smem:$0x3FC8];
	(tm) =	ssettm $0x1  }
0x92: {  	s4 =	sld [smem:$0x3FFB];
	_ =	sdelay $0x3  }
0x93: {  	_ =	strace s4  }
0x94: {  	s4 =	sld [smem:$0x3FFC];
	_ =	sdelay $0x3  }
0x95: {  	_ =	strace s4  }
0x96: {  	s4 =	sld [smem:$0x3FFD];
	_ =	sdelay $0x3  }
0x97: {  	_ =	strace s4  }
0x98: {  	_ =	strace $0x8FFFFFFF  }
0x99: {  	s19 =	sld [smem:$0x3FDB];
	_ =	sdelay $0x1  }
0x9a: {  	s5 =	simm.s32 $_scs_section_size  }
0x9b: {  	s6 =	simm.s32 $_size__tile_overlayer_lowered;
	s7 =	simm.s32 $_tile_overlayer_lowered  }
0x9c: {  	s22 =	simm.s32 $0x1BFF;
	s21 =	sshll.u32 s7, $0x1;
	s4 =	sadd.s32 s5, s19  }
0x9d: {  	s8 =	simm.s32 $0x0;
	s20 =	sshll.u32 s6, $0x1;
	s6 =	sadd.s32 s21, s4  }
0x9e: {  	[timem:s8], [sflag:s22] =	dma.local [hbm:s6], s20  }
0x9f: {  	_ =	swait.ge [sflag:s22], s20  }
0xa0: {  	s5 =	ssub.s32 $0x0, s20;
	[sflag:s22] =	ssyncset.done $0x0  }
0xa1: {  	[sflag:s22] =	ssyncadd.s32 s5;
	_ =	sdelay $0x1  }
0xa2: {  	s23 =	simm.s32 $0x1B8B  }
0xa3: {  	_ =	swait.ge [sflag:s23], $0x1  }
0xa4: {  	[sflag:s23] =	ssyncset.done $0x0  }
0xa5: {  	s25 =	simm.s32 $0x1B8E;
	s24 =	sld [smem:$0x3FFE];
	[sflag:s23] =	ssyncadd.s32 $0xFFFFFFFF  }
0xa6: {  	s26 =	simm.s32 $execute0_lowered;
	[smem:$0x3FD2] =	sst s25  }
0xa7: {  	s6 =	sshll.u32 s26, $0x1;
	_ =	strace $0x80000046;
	[dreg:$0x1] =	wrdreg $0xFFFFFFFF  }
0xa8: {  	s28 =	simm.s32 $_size_execute0_lowered;
	s4 =	sadd.s32 s4, s6;
	[dreg:$0x0] =	wrdreg $0x0  }
0xa9: {  	s6 =	sshll.u32 s28, $0x1;
	[dreg:$0x2] =	wrdreg s4  }
0xaa: {  	[dreg:$0x3] =	wrdreg s6  }
0xab: {  	[dreg:$0x4] =	wrdreg $0xC0  }
0xac: {  	_ =	task [dreg:s8], $0x5FFFF  }
0xad: {  	[dreg:$0x1] =	wrdreg $0xFFFFFFFF  }
0xae: {  	[dreg:$0x0] =	wrdreg $0x60  }
0xaf: {  	[dreg:$0x2] =	wrdreg s24  }
0xb0: {  	[dreg:$0x3] =	wrdreg s2  }
0xb1: {  	[dreg:$0x4] =	wrdreg s18  }
0xb2: {  	[dreg:$0x5] =	wrdreg $0x9  }
0xb3: {  	_ =	task.clear_ibuf [dreg:s8], $0x6FFFF;
	_ =	strace $0x90000046  }
0xb4: {  	s29 =	simm.s32 $0x9;
	_ =	strace $0x80000048  }
0xb5: {  	_ =	swait.ge [sflag:s29], $0x1  }
0xb6: {  	[sflag:s29] =	ssyncadd.s32 $0xFFFFFFFF  }
0xb7: {  	_ =	strace $0x90000048  }
0xb8: {  	_ =	sfence  }
0xb9: {  	s30 =	sld [smem:$0x0];
	_ =	sdelay $0x2  }
0xba: {  	s31 =	sshll.u32 s1, $0xD;
	s1 =	sshrl.u32 s1, $0x2  }
0xbb: {  	s3 =	sand.u32 $0x4000, s31;
	s1 =	sadd.s32 s1, s30  }
0xbc: {  	s0 =	sor.u32 s3, s0;
	s1 =	sshll.u32 s1, $0x11  }
0xbd: {  	s0 =	sor.u32 s1, s0  }
0xbe: {  	s0 =	sadd.s32 $0x8F2B, s0  }
0xbf: {  	[sflag:s0] =	ssyncadd.remote.s32 $0x1  }
0xc0: {  	_ =	sfence.sel $0xFFFF  }
0xc1: {  	[dreg:$0x0] =	wrdreg $0xFFFFFFFF;
	(pc) =	sbr.abs _section_cstart, $3  }
0xc2: {  	[dreg:$0x1] =	wrdreg $0xFFFFFFFF  }
0xc3: {  	_ =	task.clear_ibuf [dreg:s8], $0x2FFFF;
	_ =	strace $0x9FFFFFFF  }
0xc4: {  	(tm) =	ssettm $0x7FFFFFFF  }
0xc5: {  	_ =	shalt  }
tec
execute0_lowered:
.L_overlay_start_1:
0x0: {  	(tag) =	ssettag $0x1  }
0x1: {  	s0 =	rddreg [dreg:$0x0]  }
0x2: {  	s1 =	rddreg [dreg:$0x1]  }
0x3: {  	s5 =	rddreg [dreg:$0x2];
	s2 =	simm.s32 $0x0  }
0x4: {  	s3 =	srdreg.scid;
	s4 =	stileid.u32;
	s15 =	simm.s32 $0x2  }
0x5: {  	s22 =	simm.s32 $0x1;
	s23 =	simm.s32 $0x1D180;
	s3 =	sand.u32 $0x1, s3  }
0x6: {  	[smem:$0x7FF] =	sst s2;
	s4 =	sshll.u32 s4, $0x7;
	s6 =	sshll.u32 s3, $0x6  }
0x7: {  	_ =	strace $0x80000047;
	s7 =	ssub.s32 $0x2, s3;
	s11 =	sor.u32 s6, s4  }
0x8: {  	s3 =	sadd.s32 $0x3600, s0;
	s4 =	sadd.s32 $0x7A7E00, s0;
	s1 =	sadd.s32 s1, s11  }
0x9: {  	s0 =	sadd.s32 s11, s0;
	s31 =	sadd.s32 s5, s11;
	[dreg:$0x4] =	wrdreg s1  }
0xa: {  	s24 =	sshrl.u32 s7, $0x1;
	s25 =	sadd.s32 $0xE00, s0;
	[dreg:$0xa] =	wrdreg s31  }
0xb: {  	s14 =	ssub.s32 s7, s24;
	s26 =	sadd.s32 $0x1600, s0;
	[dreg:$0x5] =	wrdreg s25  }
0xc: {  	s24 =	simm.s32 $0x1D380;
	s28 =	sadd.s32 $0x1E00, s0;
	[dreg:$0x6] =	wrdreg s26  }
0xd: {  	s29 =	sadd.s32 $0x2600, s0;
	s30 =	sadd.s32 $0x2E00, s0;
	[dreg:$0x7] =	wrdreg s28  }
0xe: {  	s12 =	sadd.s32 $0xF4C600, s0;
	s13 =	sadd.s32 $0xF4CE00, s0;
	[dreg:$0x8] =	wrdreg s29  }
0xf: {  	vm0 =	vcmask $0x3F3C;
	s14 =	smax.u32 s14, $0x1;
	[dreg:$0x9] =	wrdreg s30;
	s25 =	simm.s32 $0x0  }
.LBB2_1:
0x10: {  	s0 =	rddreg [dreg:$0x4]  }
0x11: {  	[tilespmem:s2], [sflag:$0x2] =	stream.linear.gather [hbm4b:s0+s2], $0x200, $0x38;
	[tilespmem:$0x1D580] =	vst v63  }
0x12: {  	_ =	swait.ge [sflag:s15], $0x200  }
0x13: {  	[sflag:s15] =	ssyncset.done $0x0  }
0x14: {  	s1 =	simm.s32 $0x280;
	s7 =	rddreg [dreg:$0xa];
	[sflag:s15] =	ssyncadd.s32 $0xFFFFFE00  }
0x15: {  	[tilespmem:s1], [sflag:$0x2] =	stream.linear.gather [hbm4b:s7+s2], $0x200, $0x38;
	[tilespmem:$0x1D580] =	vst v63  }
0x16: {  	_ =	swait.ge [sflag:s15], $0x200  }
0x17: {  	[sflag:s15] =	ssyncset.done $0x0  }
0x18: {  	s9 =	simm.s32 $0x500;
	s8 =	rddreg [dreg:$0x5];
	[sflag:s15] =	ssyncadd.s32 $0xFFFFFE00  }
0x19: {  	[tilespmem:s9], [sflag:$0x2] =	stream.linear.gather [hbm4b:s8+s2], $0x200, $0x38;
	[tilespmem:$0x1D580] =	vst v63  }
0x1a: {  	_ =	swait.ge [sflag:s15], $0x200  }
0x1b: {  	[sflag:s15] =	ssyncset.done $0x0  }
0x1c: {  	s11 =	simm.s32 $0x780;
	s10 =	rddreg [dreg:$0x6];
	[sflag:s15] =	ssyncadd.s32 $0xFFFFFE00  }
0x1d: {  	[tilespmem:s11], [sflag:$0x2] =	stream.linear.gather [hbm4b:s10+s2], $0x200, $0x38;
	[tilespmem:$0x1D580] =	vst v63  }
0x1e: {  	_ =	swait.ge [sflag:s15], $0x200  }
0x1f: {  	[sflag:s15] =	ssyncset.done $0x0  }
0x20: {  	s17 =	simm.s32 $0xA00;
	s16 =	rddreg [dreg:$0x7];
	[sflag:s15] =	ssyncadd.s32 $0xFFFFFE00  }
0x21: {  	[tilespmem:s17], [sflag:$0x2] =	stream.linear.gather [hbm4b:s16+s2], $0x200, $0x38;
	[tilespmem:$0x1D580] =	vst v63  }
0x22: {  	_ =	swait.ge [sflag:s15], $0x200  }
0x23: {  	[sflag:s15] =	ssyncset.done $0x0  }
0x24: {  	s19 =	simm.s32 $0xC80;
	s18 =	rddreg [dreg:$0x8];
	[sflag:s15] =	ssyncadd.s32 $0xFFFFFE00  }
0x25: {  	[tilespmem:s19], [sflag:$0x2] =	stream.linear.gather [hbm4b:s18+s2], $0x200, $0x38;
	[tilespmem:$0x1D580] =	vst v63  }
0x26: {  	_ =	swait.ge [sflag:s15], $0x200  }
0x27: {  	[sflag:s15] =	ssyncset.done $0x0  }
0x28: {  	s21 =	simm.s32 $0xF00;
	s20 =	rddreg [dreg:$0x9];
	[sflag:s15] =	ssyncadd.s32 $0xFFFFFE00  }
0x29: {  	[tilespmem:s21], [sflag:$0x2] =	stream.linear.gather [hbm4b:s20+s2], $0x200, $0x38;
	[tilespmem:$0x1D580] =	vst v63  }
0x2a: {  	_ =	swait.ge [sflag:s15], $0x200  }
0x2b: {  	[sflag:s15] =	ssyncset.done $0x0  }
0x2c: {  	s26 =	simm.s32 $0x0;
	[sflag:s15] =	ssyncadd.s32 $0xFFFFFE00  }
0x2d: {  	v0 =	vld [tilespmem:s26+$0x0];
	_ =	sdelay $0x4  }
0x2e: {  	(v2sf) =	vpush v0, $0x0;
	_ =	sdelay $0xe  }
0x2f: {  	s6 =	spop (v2sf)  }
0x30: {  	s5 =	simm.s32 $0x0;
	p0 =	slt.s32 s6, $0x7A480  }
0x31: {  	s5 =	simm.s32 @!p0 $0x1F85B80  }
0x32: {  	s5 =	sadd.s32 s6, s5  }
0x33: {  	s1 =	sshll.u32 s6, $0x7;
	s5 =	sshll.u32 s5, $0x7  }
0x34: {  	s1 =	sand.u32 $0x380, s1;
	s5 =	sand.u32 $0xFFFFFC00, s5  }
0x35: {  	s1 =	sor.u32 s1, s5  }
0x36: {  	s1 =	sshrl.u32 s1, $0x3  }
0x37: {  	s7 =	simm.s32 $0x1180;
	s1 =	sadd.s32 s3, s1  }
0x38: {  	[tilespmem:s7], [sflag:$0x1] =	stream.linear.gather [hbm4b:s1+s2], $0x80, $0x38;
	[tilespmem:$0x1D580] =	vst v63  }
0x39: {  	v58 =	vld [tilespmem:s26+$0x280];
	_ =	sdelay $0x4  }
0x3a: {  	(v2sf) =	vpush v58, $0x0;
	_ =	sdelay $0xe  }
0x3b: {  	s8 =	spop (v2sf)  }
0x3c: {  	s5 =	simm.s32 $0x0;
	p0 =	slt.s32 s8, $0x7A480  }
0x3d: {  	s5 =	simm.s32 @!p0 $0x1F85B80  }
0x3e: {  	s5 =	sadd.s32 s8, s5  }
0x3f: {  	s1 =	sshll.u32 s8, $0x7;
	s5 =	sshll.u32 s5, $0x7  }
0x40: {  	s1 =	sand.u32 $0x380, s1;
	s5 =	sand.u32 $0xFFFFFC00, s5  }
0x41: {  	s1 =	sor.u32 s1, s5  }
0x42: {  	s1 =	sshrl.u32 s1, $0x3  }
0x43: {  	s9 =	simm.s32 $0x5180;
	s1 =	sadd.s32 s4, s1  }
0x44: {  	[tilespmem:s9], [sflag:$0x1] =	stream.linear.gather [hbm4b:s1+s2], $0x80, $0x38;
	[tilespmem:$0x1D580] =	vst v63  }
0x45: {  	v59 =	vld [tilespmem:s26+$0x500];
	_ =	sdelay $0x4  }
0x46: {  	(v2sf) =	vpush v59, $0x0;
	_ =	sdelay $0xe  }
0x47: {  	s10 =	spop (v2sf)  }
0x48: {  	s5 =	simm.s32 $0x0;
	p0 =	slt.s32 s10, $0x7A480  }
0x49: {  	s5 =	simm.s32 @!p0 $0x1F85B80  }
0x4a: {  	s5 =	sadd.s32 s10, s5  }
0x4b: {  	s1 =	sshll.u32 s10, $0x7;
	s5 =	sshll.u32 s5, $0x7  }
0x4c: {  	s1 =	sand.u32 $0x380, s1;
	s5 =	sand.u32 $0xFFFFFC00, s5  }
0x4d: {  	s1 =	sor.u32 s1, s5  }
0x4e: {  	s1 =	sshrl.u32 s1, $0x3  }
0x4f: {  	s11 =	simm.s32 $0x9180;
	s1 =	sadd.s32 s4, s1  }
0x50: {  	[tilespmem:s11], [sflag:$0x1] =	stream.linear.gather [hbm4b:s1+s2], $0x80, $0x38;
	[tilespmem:$0x1D580] =	vst v63  }
0x51: {  	v60 =	vld [tilespmem:s26+$0x780];
	_ =	sdelay $0x4  }
0x52: {  	(v2sf) =	vpush v60, $0x0;
	_ =	sdelay $0xe  }
0x53: {  	s16 =	spop (v2sf)  }
0x54: {  	s5 =	simm.s32 $0x0;
	p0 =	slt.s32 s16, $0x7A480  }
0x55: {  	s5 =	simm.s32 @!p0 $0x1F85B80  }
0x56: {  	s5 =	sadd.s32 s16, s5  }
0x57: {  	s1 =	sshll.u32 s16, $0x7;
	s5 =	sshll.u32 s5, $0x7  }
0x58: {  	s1 =	sand.u32 $0x380, s1;
	s5 =	sand.u32 $0xFFFFFC00, s5  }
0x59: {  	s1 =	sor.u32 s1, s5  }
0x5a: {  	s1 =	sshrl.u32 s1, $0x3  }
0x5b: {  	s17 =	simm.s32 $0xD180;
	s1 =	sadd.s32 s4, s1  }
0x5c: {  	[tilespmem:s17], [sflag:$0x1] =	stream.linear.gather [hbm4b:s1+s2], $0x80, $0x38;
	[tilespmem:$0x1D580] =	vst v63  }
0x5d: {  	v61 =	vld [tilespmem:s26+$0xA00];
	_ =	sdelay $0x4  }
0x5e: {  	(v2sf) =	vpush v61, $0x0;
	_ =	sdelay $0xe  }
0x5f: {  	s18 =	spop (v2sf)  }
0x60: {  	s5 =	simm.s32 $0x0;
	p0 =	slt.s32 s18, $0x7A480  }
0x61: {  	s5 =	simm.s32 @!p0 $0x1F85B80  }
0x62: {  	s5 =	sadd.s32 s18, s5  }
0x63: {  	s1 =	sshll.u32 s18, $0x7;
	s5 =	sshll.u32 s5, $0x7  }
0x64: {  	s1 =	sand.u32 $0x380, s1;
	s5 =	sand.u32 $0xFFFFFC00, s5  }
0x65: {  	s1 =	sor.u32 s1, s5  }
0x66: {  	s1 =	sshrl.u32 s1, $0x3  }
0x67: {  	s19 =	simm.s32 $0x11180;
	s1 =	sadd.s32 s4, s1  }
0x68: {  	[tilespmem:s19], [sflag:$0x1] =	stream.linear.gather [hbm4b:s1+s2], $0x80, $0x38;
	[tilespmem:$0x1D580] =	vst v63  }
0x69: {  	v62 =	vld [tilespmem:s26+$0xC80];
	_ =	sdelay $0x4  }
0x6a: {  	(v2sf) =	vpush v62, $0x0;
	_ =	sdelay $0xe  }
0x6b: {  	s20 =	spop (v2sf)  }
0x6c: {  	s5 =	simm.s32 $0x0;
	p0 =	slt.s32 s20, $0x7A480  }
0x6d: {  	s5 =	simm.s32 @!p0 $0x1F85B80  }
0x6e: {  	s5 =	sadd.s32 s20, s5  }
0x6f: {  	s1 =	sshll.u32 s20, $0x7;
	s5 =	sshll.u32 s5, $0x7  }
0x70: {  	s1 =	sand.u32 $0x380, s1;
	s5 =	sand.u32 $0xFFFFFC00, s5  }
0x71: {  	s1 =	sor.u32 s1, s5  }
0x72: {  	s1 =	sshrl.u32 s1, $0x3  }
0x73: {  	s21 =	simm.s32 $0x15180;
	s1 =	sadd.s32 s4, s1  }
0x74: {  	[tilespmem:s21], [sflag:$0x1] =	stream.linear.gather [hbm4b:s1+s2], $0x80, $0x38;
	[tilespmem:$0x1D580] =	vst v63  }
0x75: {  	v63 =	vld [tilespmem:s26+$0xF00];
	_ =	sdelay $0x4  }
0x76: {  	(v2sf) =	vpush v63, $0x0;
	_ =	sdelay $0xe  }
0x77: {  	s26 =	spop (v2sf)  }
0x78: {  	s1 =	simm.s32 $0x0;
	p0 =	slt.s32 s26, $0x7A480  }
0x79: {  	s1 =	simm.s32 @!p0 $0x1F85B80  }
0x7a: {  	s28 =	simm.s32 $0x1;
	s30 =	simm.s32 $0x11200;
	s1 =	sadd.s32 s26, s1  }
0x7b: {  	s29 =	simm.s32 $0x15200;
	s0 =	sshll.u32 s26, $0x7;
	s1 =	sshll.u32 s1, $0x7  }
0x7c: {  	s31 =	simm.s32 $0xD200;
	s0 =	sand.u32 $0x380, s0;
	s1 =	sand.u32 $0xFFFFFC00, s1  }
0x7d: {  	s16 =	simm.s32 $0x1200;
	s17 =	simm.s32 $0x8;
	s0 =	sor.u32 s0, s1  }
0x7e: {  	s18 =	simm.s32 $0x19180;
	s26 =	simm.s32 $0x19200;
	s1 =	sshrl.u32 s0, $0x3  }
0x7f: {  	s0 =	simm.s32 $0x9200;
	s5 =	sadd.s32 s4, s1;
	s1 =	simm.s32 $0x5200  }
.LBB2_2:
0x80: {  	[tilespmem:s18], [sflag:$0x1] =	stream.linear.gather [hbm4b:s5+s2], $0x80, $0x38;
	[tilespmem:$0x1D580] =	vst v63  }
0x81: {  	s19 =	sshra.s32 s17, $0x2;
	p0 =	sne.s32 s17, $0x1FC;
	s17 =	sadd.s32 $0x4, s17;
	v0 =	vld [tilespmem:s28+$0x0]  }
0x82: {  	s18 =	smov.u32 s26;
	_ =	sdelay $0x3  }
0x83: {  	(v2sf) =	vpush v0, $0x0;
	_ =	sdelay $0xe  }
0x84: {  	s5 =	spop (v2sf)  }
0x85: {  	s21 =	simm.s32 $0x0;
	p1 =	slt.s32 s5, $0x7A480;
	s20 =	sshll.u32 s5, $0x7  }
0x86: {  	s21 =	simm.s32 @!p1 $0x1F85B80  }
0x87: {  	s5 =	sadd.s32 s5, s21  }
0x88: {  	s5 =	sshll.u32 s5, $0x7  }
0x89: {  	s20 =	sand.u32 $0x380, s20;
	s5 =	sand.u32 $0xFFFFFC00, s5  }
0x8a: {  	s5 =	sor.u32 s20, s5  }
0x8b: {  	s5 =	sshrl.u32 s5, $0x3  }
0x8c: {  	s5 =	sadd.s32 s3, s5  }
0x8d: {  	[tilespmem:s16], [sflag:$0x1] =	stream.linear.gather [hbm4b:s5+s2], $0x80, $0x38;
	[tilespmem:$0x1D580] =	vst v63  }
0x8e: {  	v0 =	vld [tilespmem:s28+$0x280];
	_ =	sdelay $0x4  }
0x8f: {  	(v2sf) =	vpush v0, $0x0;
	_ =	sdelay $0xe  }
0x90: {  	s5 =	spop (v2sf)  }
0x91: {  	s21 =	simm.s32 $0x0;
	p1 =	slt.s32 s5, $0x7A480;
	s20 =	sshll.u32 s5, $0x7  }
0x92: {  	s21 =	simm.s32 @!p1 $0x1F85B80  }
0x93: {  	s5 =	sadd.s32 s5, s21  }
0x94: {  	s5 =	sshll.u32 s5, $0x7  }
0x95: {  	s20 =	sand.u32 $0x380, s20;
	s5 =	sand.u32 $0xFFFFFC00, s5  }
0x96: {  	s5 =	sor.u32 s20, s5  }
0x97: {  	s5 =	sshrl.u32 s5, $0x3  }
0x98: {  	s5 =	sadd.s32 s4, s5  }
0x99: {  	[tilespmem:s1], [sflag:$0x1] =	stream.linear.gather [hbm4b:s5+s2], $0x80, $0x38;
	[tilespmem:$0x1D580] =	vst v63  }
0x9a: {  	v0 =	vld [tilespmem:s28+$0x500];
	_ =	sdelay $0x4  }
0x9b: {  	(v2sf) =	vpush v0, $0x0;
	_ =	sdelay $0xe  }
0x9c: {  	s5 =	spop (v2sf)  }
0x9d: {  	s21 =	simm.s32 $0x0;
	p1 =	slt.s32 s5, $0x7A480;
	s20 =	sshll.u32 s5, $0x7  }
0x9e: {  	s21 =	simm.s32 @!p1 $0x1F85B80  }
0x9f: {  	s5 =	sadd.s32 s5, s21  }
0xa0: {  	s5 =	sshll.u32 s5, $0x7  }
0xa1: {  	s20 =	sand.u32 $0x380, s20;
	s5 =	sand.u32 $0xFFFFFC00, s5  }
0xa2: {  	s5 =	sor.u32 s20, s5  }
0xa3: {  	s5 =	sshrl.u32 s5, $0x3  }
0xa4: {  	s5 =	sadd.s32 s4, s5  }
0xa5: {  	[tilespmem:s0], [sflag:$0x1] =	stream.linear.gather [hbm4b:s5+s2], $0x80, $0x38;
	[tilespmem:$0x1D580] =	vst v63  }
0xa6: {  	v0 =	vld [tilespmem:s28+$0x780];
	_ =	sdelay $0x4  }
0xa7: {  	(v2sf) =	vpush v0, $0x0;
	_ =	sdelay $0xe  }
0xa8: {  	s5 =	spop (v2sf)  }
0xa9: {  	s21 =	simm.s32 $0x0;
	p1 =	slt.s32 s5, $0x7A480;
	s20 =	sshll.u32 s5, $0x7  }
0xaa: {  	s21 =	simm.s32 @!p1 $0x1F85B80  }
0xab: {  	s5 =	sadd.s32 s5, s21  }
0xac: {  	s5 =	sshll.u32 s5, $0x7  }
0xad: {  	s20 =	sand.u32 $0x380, s20;
	s5 =	sand.u32 $0xFFFFFC00, s5  }
0xae: {  	s5 =	sor.u32 s20, s5  }
0xaf: {  	s5 =	sshrl.u32 s5, $0x3  }
0xb0: {  	s5 =	sadd.s32 s4, s5  }
0xb1: {  	[tilespmem:s31], [sflag:$0x1] =	stream.linear.gather [hbm4b:s5+s2], $0x80, $0x38;
	[tilespmem:$0x1D580] =	vst v63  }
0xb2: {  	v0 =	vld [tilespmem:s28+$0xA00];
	_ =	sdelay $0x4  }
0xb3: {  	(v2sf) =	vpush v0, $0x0;
	_ =	sdelay $0xe  }
0xb4: {  	s5 =	spop (v2sf)  }
0xb5: {  	s21 =	simm.s32 $0x0;
	p1 =	slt.s32 s5, $0x7A480;
	s20 =	sshll.u32 s5, $0x7  }
0xb6: {  	s21 =	simm.s32 @!p1 $0x1F85B80  }
0xb7: {  	s5 =	sadd.s32 s5, s21  }
0xb8: {  	s5 =	sshll.u32 s5, $0x7  }
0xb9: {  	s20 =	sand.u32 $0x380, s20;
	s5 =	sand.u32 $0xFFFFFC00, s5  }
0xba: {  	s5 =	sor.u32 s20, s5  }
0xbb: {  	s5 =	sshrl.u32 s5, $0x3  }
0xbc: {  	s5 =	sadd.s32 s4, s5  }
0xbd: {  	[tilespmem:s30], [sflag:$0x1] =	stream.linear.gather [hbm4b:s5+s2], $0x80, $0x38;
	[tilespmem:$0x1D580] =	vst v63  }
0xbe: {  	v0 =	vld [tilespmem:s28+$0xC80];
	_ =	sdelay $0x4  }
0xbf: {  	(v2sf) =	vpush v0, $0x0;
	_ =	sdelay $0xe  }
0xc0: {  	s5 =	spop (v2sf)  }
0xc1: {  	s21 =	simm.s32 $0x0;
	p1 =	slt.s32 s5, $0x7A480;
	s20 =	sshll.u32 s5, $0x7  }
0xc2: {  	s21 =	simm.s32 @!p1 $0x1F85B80  }
0xc3: {  	s5 =	sadd.s32 s5, s21  }
0xc4: {  	s5 =	sshll.u32 s5, $0x7  }
0xc5: {  	s20 =	sand.u32 $0x380, s20;
	s5 =	sand.u32 $0xFFFFFC00, s5  }
0xc6: {  	s5 =	sor.u32 s20, s5  }
0xc7: {  	s5 =	sshrl.u32 s5, $0x3  }
0xc8: {  	s5 =	sadd.s32 s4, s5  }
0xc9: {  	[tilespmem:s29], [sflag:$0x1] =	stream.linear.gather [hbm4b:s5+s2], $0x80, $0x38;
	[tilespmem:$0x1D580] =	vst v63  }
0xca: {  	v0 =	vld [tilespmem:s28+$0xF00];
	s28 =	smov.u32 s19;
	_ =	sdelay $0x4  }
0xcb: {  	(v2sf) =	vpush v0, $0x0;
	_ =	sdelay $0xe  }
0xcc: {  	s5 =	spop (v2sf)  }
0xcd: {  	s20 =	simm.s32 $0x0;
	p1 =	slt.s32 s5, $0x7A480;
	s19 =	sshll.u32 s5, $0x7  }
0xce: {  	s20 =	simm.s32 @!p1 $0x1F85B80  }
0xcf: {  	s5 =	sadd.s32 s5, s20  }
.Ltmp0:
0xd0: {  	s5 =	sshll.u32 s5, $0x7;
	(pc) =	sbr.rel @p0 .LBB2_2-.Ltmp0, $4  }
0xd1: {  	s26 =	sadd.s32 $0x80, s26;
	s19 =	sand.u32 $0x380, s19;
	s5 =	sand.u32 $0xFFFFFC00, s5  }
0xd2: {  	s30 =	sadd.s32 $0x80, s30;
	s29 =	sadd.s32 $0x80, s29;
	s5 =	sor.u32 s19, s5  }
0xd3: {  	s0 =	sadd.s32 $0x80, s0;
	s31 =	sadd.s32 $0x80, s31;
	s5 =	sshrl.u32 s5, $0x3  }
0xd4: {  	s16 =	sadd.s32 $0x80, s16;
	s1 =	sadd.s32 $0x80, s1;
	s5 =	sadd.s32 s4, s5  }
0xd5: {  	[tilespmem:s18], [sflag:$0x1] =	stream.linear.gather [hbm4b:s5+s2], $0x80, $0x38;
	[tilespmem:$0x1D580] =	vst v63  }
0xd6: {  	v0 =	vld [tilespmem:s28+$0x0];
	_ =	sdelay $0x4  }
0xd7: {  	(v2sf) =	vpush v0, $0x0;
	_ =	sdelay $0xe  }
0xd8: {  	s19 =	spop (v2sf)  }
0xd9: {  	s17 =	simm.s32 $0x0;
	p0 =	slt.s32 s19, $0x7A480  }
0xda: {  	s17 =	simm.s32 @!p0 $0x1F85B80  }
0xdb: {  	s17 =	sadd.s32 s19, s17  }
0xdc: {  	s5 =	sshll.u32 s19, $0x7;
	s17 =	sshll.u32 s17, $0x7  }
0xdd: {  	s5 =	sand.u32 $0x380, s5;
	s17 =	sand.u32 $0xFFFFFC00, s17  }
0xde: {  	s5 =	sor.u32 s5, s17  }
0xdf: {  	s5 =	sshrl.u32 s5, $0x3  }
0xe0: {  	s5 =	sadd.s32 s3, s5  }
0xe1: {  	[tilespmem:s16], [sflag:$0x1] =	stream.linear.gather [hbm4b:s5+s2], $0x80, $0x38;
	[tilespmem:$0x1D580] =	vst v63  }
0xe2: {  	v51 =	vld [tilespmem:s28+$0x280];
	_ =	sdelay $0x4  }
0xe3: {  	(v2sf) =	vpush v51, $0x0;
	_ =	sdelay $0xe  }
0xe4: {  	s20 =	spop (v2sf)  }
0xe5: {  	s16 =	simm.s32 $0x0;
	p0 =	slt.s32 s20, $0x7A480  }
0xe6: {  	s16 =	simm.s32 @!p0 $0x1F85B80  }
0xe7: {  	s16 =	sadd.s32 s20, s16  }
0xe8: {  	s5 =	sshll.u32 s20, $0x7;
	s16 =	sshll.u32 s16, $0x7  }
0xe9: {  	s5 =	sand.u32 $0x380, s5;
	s16 =	sand.u32 $0xFFFFFC00, s16  }
0xea: {  	s5 =	sor.u32 s5, s16  }
0xeb: {  	s5 =	sshrl.u32 s5, $0x3  }
0xec: {  	s5 =	sadd.s32 s4, s5  }
0xed: {  	[tilespmem:s1], [sflag:$0x1] =	stream.linear.gather [hbm4b:s5+s2], $0x80, $0x38;
	[tilespmem:$0x1D580] =	vst v63  }
0xee: {  	v52 =	vld [tilespmem:s28+$0x500];
	_ =	sdelay $0x4  }
0xef: {  	(v2sf) =	vpush v52, $0x0;
	_ =	sdelay $0xe  }
0xf0: {  	s21 =	spop (v2sf)  }
0xf1: {  	s5 =	simm.s32 $0x0;
	p0 =	slt.s32 s21, $0x7A480  }
0xf2: {  	s5 =	simm.s32 @!p0 $0x1F85B80  }
0xf3: {  	s5 =	sadd.s32 s21, s5  }
0xf4: {  	s1 =	sshll.u32 s21, $0x7;
	s5 =	sshll.u32 s5, $0x7  }
0xf5: {  	s1 =	sand.u32 $0x380, s1;
	s5 =	sand.u32 $0xFFFFFC00, s5  }
0xf6: {  	s1 =	sor.u32 s1, s5  }
0xf7: {  	s1 =	sshrl.u32 s1, $0x3  }
0xf8: {  	s1 =	sadd.s32 s4, s1  }
0xf9: {  	[tilespmem:s0], [sflag:$0x1] =	stream.linear.gather [hbm4b:s1+s2], $0x80, $0x38;
	[tilespmem:$0x1D580] =	vst v63  }
0xfa: {  	v53 =	vld [tilespmem:s28+$0x780];
	_ =	sdelay $0x4  }
0xfb: {  	(v2sf) =	vpush v53, $0x0;
	_ =	sdelay $0xe  }
0xfc: {  	s6 =	spop (v2sf)  }
0xfd: {  	s1 =	simm.s32 $0x0;
	p0 =	slt.s32 s6, $0x7A480  }
0xfe: {  	s1 =	simm.s32 @!p0 $0x1F85B80  }
0xff: {  	s1 =	sadd.s32 s6, s1  }
0x100: {  	s0 =	sshll.u32 s6, $0x7;
	s1 =	sshll.u32 s1, $0x7  }
0x101: {  	s0 =	sand.u32 $0x380, s0;
	s1 =	sand.u32 $0xFFFFFC00, s1  }
0x102: {  	s0 =	sor.u32 s0, s1  }
0x103: {  	s0 =	sshrl.u32 s0, $0x3  }
0x104: {  	s0 =	sadd.s32 s4, s0  }
0x105: {  	[tilespmem:s31], [sflag:$0x1] =	stream.linear.gather [hbm4b:s0+s2], $0x80, $0x38;
	[tilespmem:$0x1D580] =	vst v63  }
0x106: {  	v54 =	vld [tilespmem:s28+$0xA00];
	_ =	sdelay $0x4  }
0x107: {  	(v2sf) =	vpush v54, $0x0;
	_ =	sdelay $0xe  }
0x108: {  	s7 =	spop (v2sf)  }
0x109: {  	s1 =	simm.s32 $0x0;
	p0 =	slt.s32 s7, $0x7A480  }
0x10a: {  	s1 =	simm.s32 @!p0 $0x1F85B80  }
0x10b: {  	s1 =	sadd.s32 s7, s1  }
0x10c: {  	s0 =	sshll.u32 s7, $0x7;
	s1 =	sshll.u32 s1, $0x7  }
0x10d: {  	s0 =	sand.u32 $0x380, s0;
	s1 =	sand.u32 $0xFFFFFC00, s1  }
0x10e: {  	s0 =	sor.u32 s0, s1  }
0x10f: {  	s0 =	sshrl.u32 s0, $0x3  }
0x110: {  	s0 =	sadd.s32 s4, s0  }
0x111: {  	[tilespmem:s30], [sflag:$0x1] =	stream.linear.gather [hbm4b:s0+s2], $0x80, $0x38;
	[tilespmem:$0x1D580] =	vst v63  }
0x112: {  	v55 =	vld [tilespmem:s28+$0xC80];
	_ =	sdelay $0x4  }
0x113: {  	(v2sf) =	vpush v55, $0x0;
	_ =	sdelay $0xe  }
0x114: {  	s8 =	spop (v2sf)  }
0x115: {  	s1 =	simm.s32 $0x0;
	p0 =	slt.s32 s8, $0x7A480  }
0x116: {  	s1 =	simm.s32 @!p0 $0x1F85B80  }
0x117: {  	s1 =	sadd.s32 s8, s1  }
0x118: {  	s0 =	sshll.u32 s8, $0x7;
	s1 =	sshll.u32 s1, $0x7  }
0x119: {  	s0 =	sand.u32 $0x380, s0;
	s1 =	sand.u32 $0xFFFFFC00, s1  }
0x11a: {  	s0 =	sor.u32 s0, s1  }
0x11b: {  	s0 =	sshrl.u32 s0, $0x3  }
0x11c: {  	s0 =	sadd.s32 s4, s0  }
0x11d: {  	[tilespmem:s29], [sflag:$0x1] =	stream.linear.gather [hbm4b:s0+s2], $0x80, $0x38;
	[tilespmem:$0x1D580] =	vst v63  }
0x11e: {  	v56 =	vld [tilespmem:s28+$0xF00];
	_ =	sdelay $0x4  }
0x11f: {  	(v2sf) =	vpush v56, $0x0;
	_ =	sdelay $0xe  }
0x120: {  	s9 =	spop (v2sf)  }
0x121: {  	s1 =	simm.s32 $0x0;
	p0 =	slt.s32 s9, $0x7A480  }
0x122: {  	s1 =	simm.s32 @!p0 $0x1F85B80  }
0x123: {  	s1 =	sadd.s32 s9, s1  }
0x124: {  	s0 =	sshll.u32 s9, $0x7;
	s1 =	sshll.u32 s1, $0x7  }
0x125: {  	s0 =	sand.u32 $0x380, s0;
	s1 =	sand.u32 $0xFFFFFC00, s1  }
0x126: {  	s0 =	sor.u32 s0, s1  }
0x127: {  	s0 =	sshrl.u32 s0, $0x3  }
0x128: {  	s0 =	sadd.s32 s4, s0  }
0x129: {  	[tilespmem:s26], [sflag:$0x1] =	stream.linear.gather [hbm4b:s0+s2], $0x80, $0x38;
	[tilespmem:$0x1D580] =	vst v63  }
0x12a: {  	_ =	swait.ge [sflag:s22], $0x4000  }
0x12b: {  	[sflag:s22] =	ssyncset.done $0x0  }
0x12c: {  	[sflag:s22] =	ssyncadd.s32 $0xFFFFC000  }
0x12d: {  	_ =	swait.ge [sflag:s22], $0x4000  }
0x12e: {  	[sflag:s22] =	ssyncset.done $0x0  }
0x12f: {  	[sflag:s22] =	ssyncadd.s32 $0xFFFFC000  }
0x130: {  	_ =	swait.ge [sflag:s22], $0x4000  }
0x131: {  	[sflag:s22] =	ssyncset.done $0x0  }
0x132: {  	[sflag:s22] =	ssyncadd.s32 $0xFFFFC000  }
0x133: {  	_ =	swait.ge [sflag:s22], $0x4000  }
0x134: {  	[sflag:s22] =	ssyncset.done $0x0  }
0x135: {  	[sflag:s22] =	ssyncadd.s32 $0xFFFFC000  }
0x136: {  	_ =	swait.ge [sflag:s22], $0x4000  }
0x137: {  	[sflag:s22] =	ssyncset.done $0x0  }
0x138: {  	[sflag:s22] =	ssyncadd.s32 $0xFFFFC000  }
0x139: {  	_ =	swait.ge [sflag:s22], $0x4000  }
0x13a: {  	[sflag:s22] =	ssyncset.done $0x0  }
0x13b: {  	[sflag:s22] =	ssyncadd.s32 $0xFFFFC000  }
0x13c: {  	_ =	swait.ge [sflag:s22], $0x4000  }
0x13d: {  	[sflag:s22] =	ssyncset.done $0x0  }
0x13e: {  	s10 =	simm.s32 $0x80;
	[sflag:s22] =	ssyncadd.s32 $0xFFFFC000  }
0x13f: {  	v57 =	vld [tilespmem:s10+$0x0];
	_ =	sdelay $0x4  }
0x140: {  	(v2sf) =	vpush v57, $0x0;
	_ =	sdelay $0xe  }
0x141: {  	s11 =	spop (v2sf)  }
0x142: {  	s1 =	simm.s32 $0x0;
	p0 =	slt.s32 s11, $0x7A480  }
0x143: {  	s1 =	simm.s32 @!p0 $0x1F85B80  }
0x144: {  	s1 =	sadd.s32 s11, s1  }
0x145: {  	s0 =	sshll.u32 s11, $0x7;
	s1 =	sshll.u32 s1, $0x7  }
0x146: {  	s0 =	sand.u32 $0x380, s0;
	s1 =	sand.u32 $0xFFFFFC00, s1  }
0x147: {  	s0 =	sor.u32 s0, s1  }
0x148: {  	s17 =	simm.s32 $0x1180;
	s0 =	sshrl.u32 s0, $0x3  }
0x149: {  	s16 =	simm.s32 $0x300;
	s26 =	simm.s32 $0x0;
	s0 =	sadd.s32 s3, s0  }
0x14a: {  	[tilespmem:s17], [sflag:$0x1] =	stream.linear.gather [hbm4b:s0+s26], $0x80, $0x38;
	[tilespmem:$0x1D580] =	vst v63  }
0x14b: {  	v58 =	vld [tilespmem:s16+$0x0];
	_ =	sdelay $0x4  }
0x14c: {  	(v2sf) =	vpush v58, $0x0;
	_ =	sdelay $0xe  }
0x14d: {  	s18 =	spop (v2sf)  }
0x14e: {  	s1 =	simm.s32 $0x0;
	p0 =	slt.s32 s18, $0x7A480  }
0x14f: {  	s1 =	simm.s32 @!p0 $0x1F85B80  }
0x150: {  	s1 =	sadd.s32 s18, s1  }
0x151: {  	s0 =	sshll.u32 s18, $0x7;
	s1 =	sshll.u32 s1, $0x7  }
0x152: {  	s0 =	sand.u32 $0x380, s0;
	s1 =	sand.u32 $0xFFFFFC00, s1  }
0x153: {  	s0 =	sor.u32 s0, s1  }
0x154: {  	s0 =	sshrl.u32 s0, $0x3  }
0x155: {  	s19 =	simm.s32 $0x580;
	s20 =	simm.s32 $0x5180;
	s0 =	sadd.s32 s4, s0  }
0x156: {  	[tilespmem:s20], [sflag:$0x1] =	stream.linear.gather [hbm4b:s0+s26], $0x80, $0x38;
	[tilespmem:$0x1D580] =	vst v63  }
0x157: {  	v59 =	vld [tilespmem:s19+$0x0];
	_ =	sdelay $0x4  }
0x158: {  	(v2sf) =	vpush v59, $0x0;
	_ =	sdelay $0xe  }
0x159: {  	s21 =	spop (v2sf)  }
0x15a: {  	s1 =	simm.s32 $0x0;
	p0 =	slt.s32 s21, $0x7A480  }
0x15b: {  	s1 =	simm.s32 @!p0 $0x1F85B80  }
0x15c: {  	s1 =	sadd.s32 s21, s1  }
0x15d: {  	s0 =	sshll.u32 s21, $0x7;
	s1 =	sshll.u32 s1, $0x7  }
0x15e: {  	s0 =	sand.u32 $0x380, s0;
	s1 =	sand.u32 $0xFFFFFC00, s1  }
0x15f: {  	s0 =	sor.u32 s0, s1  }
0x160: {  	s0 =	sshrl.u32 s0, $0x3  }
0x161: {  	s6 =	simm.s32 $0x9180;
	s31 =	simm.s32 $0x800;
	s0 =	sadd.s32 s4, s0  }
0x162: {  	[tilespmem:s6], [sflag:$0x1] =	stream.linear.gather [hbm4b:s0+s26], $0x80, $0x38;
	[tilespmem:$0x1D580] =	vst v63  }
0x163: {  	v60 =	vld [tilespmem:s31+$0x0];
	_ =	sdelay $0x4  }
0x164: {  	(v2sf) =	vpush v60, $0x0;
	_ =	sdelay $0xe  }
0x165: {  	s7 =	spop (v2sf)  }
0x166: {  	s1 =	simm.s32 $0x0;
	p0 =	slt.s32 s7, $0x7A480  }
0x167: {  	s1 =	simm.s32 @!p0 $0x1F85B80  }
0x168: {  	s1 =	sadd.s32 s7, s1  }
0x169: {  	s0 =	sshll.u32 s7, $0x7;
	s1 =	sshll.u32 s1, $0x7  }
0x16a: {  	s0 =	sand.u32 $0x380, s0;
	s1 =	sand.u32 $0xFFFFFC00, s1  }
0x16b: {  	s0 =	sor.u32 s0, s1  }
0x16c: {  	s0 =	sshrl.u32 s0, $0x3  }
0x16d: {  	s8 =	simm.s32 $0xA80;
	s9 =	simm.s32 $0xD180;
	s0 =	sadd.s32 s4, s0  }
0x16e: {  	[tilespmem:s9], [sflag:$0x1] =	stream.linear.gather [hbm4b:s0+s26], $0x80, $0x38;
	[tilespmem:$0x1D580] =	vst v63  }
0x16f: {  	v61 =	vld [tilespmem:s8+$0x0];
	_ =	sdelay $0x4  }
0x170: {  	(v2sf) =	vpush v61, $0x0;
	_ =	sdelay $0xe  }
0x171: {  	s10 =	spop (v2sf)  }
0x172: {  	s1 =	simm.s32 $0x0;
	p0 =	slt.s32 s10, $0x7A480  }
0x173: {  	s1 =	simm.s32 @!p0 $0x1F85B80  }
0x174: {  	s1 =	sadd.s32 s10, s1  }
0x175: {  	s0 =	sshll.u32 s10, $0x7;
	s1 =	sshll.u32 s1, $0x7  }
0x176: {  	s0 =	sand.u32 $0x380, s0;
	s1 =	sand.u32 $0xFFFFFC00, s1  }
0x177: {  	s0 =	sor.u32 s0, s1  }
0x178: {  	s0 =	sshrl.u32 s0, $0x3  }
0x179: {  	s11 =	simm.s32 $0xD00;
	s16 =	simm.s32 $0x11180;
	s0 =	sadd.s32 s4, s0  }
0x17a: {  	[tilespmem:s16], [sflag:$0x1] =	stream.linear.gather [hbm4b:s0+s26], $0x80, $0x38;
	[tilespmem:$0x1D580] =	vst v63  }
0x17b: {  	v62 =	vld [tilespmem:s11+$0x0];
	_ =	sdelay $0x4  }
0x17c: {  	(v2sf) =	vpush v62, $0x0;
	_ =	sdelay $0xe  }
0x17d: {  	s17 =	spop (v2sf)  }
0x17e: {  	s1 =	simm.s32 $0x0;
	p0 =	slt.s32 s17, $0x7A480  }
0x17f: {  	s1 =	simm.s32 @!p0 $0x1F85B80  }
0x180: {  	s1 =	sadd.s32 s17, s1  }
0x181: {  	s0 =	sshll.u32 s17, $0x7;
	s1 =	sshll.u32 s1, $0x7  }
0x182: {  	s0 =	sand.u32 $0x380, s0;
	s1 =	sand.u32 $0xFFFFFC00, s1  }
0x183: {  	s0 =	sor.u32 s0, s1  }
0x184: {  	s0 =	sshrl.u32 s0, $0x3  }
0x185: {  	s18 =	simm.s32 $0xF80;
	s19 =	simm.s32 $0x15180;
	s0 =	sadd.s32 s4, s0  }
0x186: {  	[tilespmem:s19], [sflag:$0x1] =	stream.linear.gather [hbm4b:s0+s26], $0x80, $0x38;
	[tilespmem:$0x1D580] =	vst v63  }
0x187: {  	v63 =	vld [tilespmem:s18+$0x0];
	_ =	sdelay $0x4  }
0x188: {  	(v2sf) =	vpush v63, $0x0;
	_ =	sdelay $0xe  }
0x189: {  	s20 =	spop (v2sf)  }
0x18a: {  	s5 =	simm.s32 $0x0;
	p0 =	slt.s32 s20, $0x7A480  }
0x18b: {  	s5 =	simm.s32 @!p0 $0x1F85B80  }
0x18c: {  	s30 =	simm.s32 $0x81;
	s5 =	sadd.s32 s20, s5  }
0x18d: {  	s29 =	simm.s32 $0x581;
	s21 =	sshll.u32 s20, $0x7;
	s5 =	sshll.u32 s5, $0x7  }
0x18e: {  	s28 =	simm.s32 $0x301;
	s31 =	sand.u32 $0x380, s21;
	s5 =	sand.u32 $0xFFFFFC00, s5  }
0x18f: {  	s16 =	simm.s32 $0xD01;
	s17 =	simm.s32 $0x801;
	s5 =	sor.u32 s31, s5  }
0x190: {  	s1 =	simm.s32 $0xF81;
	s0 =	simm.s32 $0x200;
	s19 =	sshrl.u32 s5, $0x3  }
0x191: {  	s18 =	simm.s32 $0xA81;
	s5 =	simm.s32 $0x19180;
	s19 =	sadd.s32 s4, s19  }
.LBB2_4:
0x192: {  	[tilespmem:s5], [sflag:$0x1] =	stream.linear.gather [hbm4b:s19+s26], $0x80, $0x38;
	[tilespmem:$0x1D580] =	vst v63  }
0x193: {  	p0 =	sne.s32 s0, $0xFE00;
	s5 =	smov.u32 s0;
	s0 =	sadd.s32 $0x200, s0;
	v0 =	vld [tilespmem:s30+$0x0]  }
0x194: {  	_ =	sdelay $0x3  }
0x195: {  	(v2sf) =	vpush v0, $0x0;
	_ =	sdelay $0xe  }
0x196: {  	s19 =	spop (v2sf)  }
0x197: {  	s21 =	simm.s32 $0x0;
	p1 =	slt.s32 s19, $0x7A480;
	s20 =	sshll.u32 s19, $0x7  }
0x198: {  	s21 =	simm.s32 @!p1 $0x1F85B80  }
0x199: {  	s19 =	sadd.s32 s19, s21  }
0x19a: {  	s19 =	sshll.u32 s19, $0x7  }
0x19b: {  	s20 =	sand.u32 $0x380, s20;
	s19 =	sand.u32 $0xFFFFFC00, s19  }
0x19c: {  	s19 =	sor.u32 s20, s19  }
0x19d: {  	s31 =	sshra.s32 s5, $0x2;
	s5 =	sshrl.u32 s19, $0x3  }
0x19e: {  	s19 =	sadd.s32 $0x1180, s31;
	s5 =	sadd.s32 s3, s5  }
0x19f: {  	[tilespmem:s19], [sflag:$0x1] =	stream.linear.gather [hbm4b:s5+s26], $0x80, $0x38;
	[tilespmem:$0x1D580] =	vst v63  }
0x1a0: {  	v0 =	vld [tilespmem:s28+$0x0];
	_ =	sdelay $0x4  }
0x1a1: {  	(v2sf) =	vpush v0, $0x0;
	_ =	sdelay $0xe  }
0x1a2: {  	s5 =	spop (v2sf)  }
0x1a3: {  	s20 =	simm.s32 $0x0;
	p1 =	slt.s32 s5, $0x7A480;
	s19 =	sshll.u32 s5, $0x7  }
0x1a4: {  	s20 =	simm.s32 @!p1 $0x1F85B80  }
0x1a5: {  	s5 =	sadd.s32 s5, s20  }
0x1a6: {  	s5 =	sshll.u32 s5, $0x7  }
0x1a7: {  	s19 =	sand.u32 $0x380, s19;
	s5 =	sand.u32 $0xFFFFFC00, s5  }
0x1a8: {  	s5 =	sor.u32 s19, s5  }
0x1a9: {  	s5 =	sshrl.u32 s5, $0x3  }
0x1aa: {  	s19 =	sadd.s32 $0x5180, s31;
	s5 =	sadd.s32 s4, s5  }
0x1ab: {  	[tilespmem:s19], [sflag:$0x1] =	stream.linear.gather [hbm4b:s5+s26], $0x80, $0x38;
	[tilespmem:$0x1D580] =	vst v63  }
0x1ac: {  	v0 =	vld [tilespmem:s29+$0x0];
	_ =	sdelay $0x4  }
0x1ad: {  	(v2sf) =	vpush v0, $0x0;
	_ =	sdelay $0xe  }
0x1ae: {  	s5 =	spop (v2sf)  }
0x1af: {  	s20 =	simm.s32 $0x0;
	p1 =	slt.s32 s5, $0x7A480;
	s19 =	sshll.u32 s5, $0x7  }
0x1b0: {  	s20 =	simm.s32 @!p1 $0x1F85B80  }
0x1b1: {  	s5 =	sadd.s32 s5, s20  }
0x1b2: {  	s5 =	sshll.u32 s5, $0x7  }
0x1b3: {  	s19 =	sand.u32 $0x380, s19;
	s5 =	sand.u32 $0xFFFFFC00, s5  }
0x1b4: {  	s5 =	sor.u32 s19, s5  }
0x1b5: {  	s5 =	sshrl.u32 s5, $0x3  }
0x1b6: {  	s19 =	sadd.s32 $0x9180, s31;
	s5 =	sadd.s32 s4, s5  }
0x1b7: {  	[tilespmem:s19], [sflag:$0x1] =	stream.linear.gather [hbm4b:s5+s26], $0x80, $0x38;
	[tilespmem:$0x1D580] =	vst v63  }
0x1b8: {  	v0 =	vld [tilespmem:s17+$0x0];
	_ =	sdelay $0x4  }
0x1b9: {  	(v2sf) =	vpush v0, $0x0;
	_ =	sdelay $0xe  }
0x1ba: {  	s5 =	spop (v2sf)  }
0x1bb: {  	s20 =	simm.s32 $0x0;
	p1 =	slt.s32 s5, $0x7A480;
	s19 =	sshll.u32 s5, $0x7  }
0x1bc: {  	s20 =	simm.s32 @!p1 $0x1F85B80  }
0x1bd: {  	s5 =	sadd.s32 s5, s20  }
0x1be: {  	s5 =	sshll.u32 s5, $0x7  }
0x1bf: {  	s19 =	sand.u32 $0x380, s19;
	s5 =	sand.u32 $0xFFFFFC00, s5  }
0x1c0: {  	s5 =	sor.u32 s19, s5  }
0x1c1: {  	s5 =	sshrl.u32 s5, $0x3  }
0x1c2: {  	s19 =	sadd.s32 $0xD180, s31;
	s5 =	sadd.s32 s4, s5  }
0x1c3: {  	[tilespmem:s19], [sflag:$0x1] =	stream.linear.gather [hbm4b:s5+s26], $0x80, $0x38;
	[tilespmem:$0x1D580] =	vst v63  }
0x1c4: {  	v0 =	vld [tilespmem:s18+$0x0];
	_ =	sdelay $0x4  }
0x1c5: {  	(v2sf) =	vpush v0, $0x0;
	_ =	sdelay $0xe  }
0x1c6: {  	s5 =	spop (v2sf)  }
0x1c7: {  	s20 =	simm.s32 $0x0;
	p1 =	slt.s32 s5, $0x7A480;
	s19 =	sshll.u32 s5, $0x7  }
0x1c8: {  	s20 =	simm.s32 @!p1 $0x1F85B80  }
0x1c9: {  	s5 =	sadd.s32 s5, s20  }
0x1ca: {  	s5 =	sshll.u32 s5, $0x7  }
0x1cb: {  	s19 =	sand.u32 $0x380, s19;
	s5 =	sand.u32 $0xFFFFFC00, s5  }
0x1cc: {  	s5 =	sor.u32 s19, s5  }
0x1cd: {  	s5 =	sshrl.u32 s5, $0x3  }
0x1ce: {  	s19 =	sadd.s32 $0x11180, s31;
	s5 =	sadd.s32 s4, s5  }
0x1cf: {  	[tilespmem:s19], [sflag:$0x1] =	stream.linear.gather [hbm4b:s5+s26], $0x80, $0x38;
	[tilespmem:$0x1D580] =	vst v63  }
0x1d0: {  	v0 =	vld [tilespmem:s16+$0x0];
	_ =	sdelay $0x4  }
0x1d1: {  	(v2sf) =	vpush v0, $0x0;
	_ =	sdelay $0xe  }
0x1d2: {  	s5 =	spop (v2sf)  }
0x1d3: {  	s20 =	simm.s32 $0x0;
	p1 =	slt.s32 s5, $0x7A480;
	s19 =	sshll.u32 s5, $0x7  }
0x1d4: {  	s20 =	simm.s32 @!p1 $0x1F85B80  }
0x1d5: {  	s5 =	sadd.s32 s5, s20  }
0x1d6: {  	s5 =	sshll.u32 s5, $0x7  }
0x1d7: {  	s19 =	sand.u32 $0x380, s19;
	s5 =	sand.u32 $0xFFFFFC00, s5  }
0x1d8: {  	s5 =	sor.u32 s19, s5  }
0x1d9: {  	s5 =	sshrl.u32 s5, $0x3  }
0x1da: {  	s19 =	sadd.s32 $0x15180, s31;
	s5 =	sadd.s32 s4, s5  }
0x1db: {  	[tilespmem:s19], [sflag:$0x1] =	stream.linear.gather [hbm4b:s5+s26], $0x80, $0x38;
	[tilespmem:$0x1D580] =	vst v63  }
0x1dc: {  	v0 =	vld [tilespmem:s1+$0x0];
	_ =	sdelay $0x4  }
0x1dd: {  	(v2sf) =	vpush v0, $0x0;
	_ =	sdelay $0xe  }
0x1de: {  	s5 =	spop (v2sf)  }
0x1df: {  	s20 =	simm.s32 $0x0;
	p1 =	slt.s32 s5, $0x7A480;
	s19 =	sshll.u32 s5, $0x7  }
0x1e0: {  	s20 =	simm.s32 @!p1 $0x1F85B80  }
0x1e1: {  	s5 =	sadd.s32 s5, s20  }
.Ltmp1:
0x1e2: {  	s1 =	sadd.s32 $0x1, s1;
	s5 =	sshll.u32 s5, $0x7;
	(pc) =	sbr.rel @p0 .LBB2_4-.Ltmp1, $4  }
0x1e3: {  	s16 =	sadd.s32 $0x1, s16;
	s19 =	sand.u32 $0x380, s19;
	s5 =	sand.u32 $0xFFFFFC00, s5  }
0x1e4: {  	s17 =	sadd.s32 $0x1, s17;
	s18 =	sadd.s32 $0x1, s18;
	s5 =	sor.u32 s19, s5  }
0x1e5: {  	s28 =	sadd.s32 $0x1, s28;
	s29 =	sadd.s32 $0x1, s29;
	s19 =	sshrl.u32 s5, $0x3  }
0x1e6: {  	s30 =	sadd.s32 $0x1, s30;
	s5 =	sadd.s32 $0x19180, s31;
	s19 =	sadd.s32 s4, s19  }
0x1e7: {  	[tilespmem:s5], [sflag:$0x1] =	stream.linear.gather [hbm4b:s19+s26], $0x80, $0x38;
	[tilespmem:$0x1D580] =	vst v63  }
0x1e8: {  	s0 =	simm.s32 $0x280  }
0x1e9: {  	s11 =	simm.s32 $0xF00;
	v0 =	vld [tilespmem:s0+$0x0]  }
0x1ea: {  	v1 =	vld [tilespmem:s11+$0x0];
	_ =	sdelay $0x2  }
0x1eb: {  	v2 =	vld [tilespmem:s26+$0x0]  }
0x1ec: {  	s16 =	simm.s32 $0xC80;
	(v2sf) =	vpush v0, $0x0  }
0x1ed: {  	v0 =	vld [tilespmem:s16+$0x0];
	(v2sf) =	vpush v1, $0x0  }
0x1ee: {  	s17 =	simm.s32 $0xA00  }
0x1ef: {  	v1 =	vld [tilespmem:s17+$0x0]  }
0x1f0: {  	(v2sf) =	vpush v2, $0x0;
	_ =	sdelay $0x1  }
0x1f1: {  	s18 =	simm.s32 $0x780;
	(v2sf) =	vpush v0, $0x0  }
0x1f2: {  	s19 =	simm.s32 $0x500;
	v0 =	vld [tilespmem:s18+$0x0]  }
0x1f3: {  	(v2sf) =	vpush v1, $0x0;
	v1 =	vld [tilespmem:s19+$0x0];
	_ =	sdelay $0x3  }
0x1f4: {  	(v2sf) =	vpush v0, $0x0  }
0x1f5: {  	(v2sf) =	vpush v1, $0x0;
	_ =	sdelay $0x1  }
0x1f6: {  	s20 =	spop (v2sf)  }
0x1f7: {  	s0 =	simm.s32 $0x40;
	p0 =	sgt.s32 s20, $0x7A47F;
	s1 =	spop (v2sf)  }
0x1f8: {  	s0 =	simm.s32 @!p0 $0x0;
	p0 =	sgt.s32 s1, $0x7A47F  }
0x1f9: {  	s1 =	simm.s32 $0x40;
	s21 =	sshll.u32 s0, $0x2;
	s0 =	sadd.s32 $0x0, s0  }
0x1fa: {  	s16 =	spop (v2sf);
	s1 =	simm.s32 @!p0 $0x0;
	s5 =	sadd.s32 $0x0, s21;
	v0 =	vld [tilespmem:s0+$0x51A0]  }
0x1fb: {  	p0 =	sgt.s32 s16, $0x7A47F;
	s16 =	simm.s32 $0x40;
	v1 =	vld [tilespmem:s0+$0x5190];
	s5 =	sshra.s32 s5, $0x2  }
0x1fc: {  	s31 =	sadd.s32 $0x0, s1;
	s16 =	simm.s32 @!p0 $0x0;
	s17 =	spop (v2sf);
	v2 =	vld [tilespmem:s5+$0x51B0]  }
0x1fd: {  	s0 =	sadd.s32 $0x19180, s31;
	v3 =	vld [tilespmem:s5+$0x5180];
	p0 =	sgt.s32 s17, $0x7A47F;
	s17 =	simm.s32 $0x40  }
0x1fe: {  	s6 =	sadd.s32 $0x0, s16;
	v4 =	vld [tilespmem:s0+$0x20];
	s18 =	spop (v2sf);
	s17 =	simm.s32 @!p0 $0x0  }
0x1ff: {  	v5 =	vld [tilespmem:s0+$0x10];
	p0 =	sgt.s32 s18, $0x7A47F;
	s18 =	simm.s32 $0x40;
	s7 =	sadd.s32 $0x0, s17  }
0x200: {  	v6 =	vld [tilespmem:s6+$0x1190];
	s18 =	simm.s32 @!p0 $0x0;
	s5 =	sadd.s32 $0x15180, s7  }
0x201: {  	s8 =	sadd.s32 $0x0, s18;
	s18 =	sshll.u32 s18, $0x2;
	v7 =	vld [tilespmem:s5+$0x20]  }
0x202: {  	s20 =	spop (v2sf);
	s19 =	sadd.s32 $0x11180, s8;
	v8 =	vld [tilespmem:s5+$0x10];
	s9 =	sadd.s32 $0x0, s18  }
0x203: {  	s18 =	simm.s32 $0x40;
	p0 =	sgt.s32 s20, $0x7A47F;
	v9 =	vld [tilespmem:s19+$0x20];
	s10 =	spop (v2sf)  }
0x204: {  	s5 =	sshra.s32 s9, $0x2;
	v10 =	vld [tilespmem:s19+$0x10];
	s20 =	simm.s32 $0x40;
	s18 =	simm.s32 @!p0 $0x0  }
0x205: {  	p0 =	sgt.s32 s10, $0x7A47F;
	v11 =	vld [tilespmem:s5+$0x11180];
	s11 =	sshll.u32 s18, $0x2;
	s18 =	sadd.s32 $0x0, s18  }
0x206: {  	s20 =	simm.s32 @!p0 $0x0;
	v12 =	vld [tilespmem:s18+$0xD1A0]  }
0x207: {  	s19 =	sadd.s32 $0x0, s11;
	s21 =	sshll.u32 s20, $0x2;
	v13 =	vld [tilespmem:s18+$0xD190];
	s20 =	sadd.s32 $0x0, s20  }
0x208: {  	s19 =	sshra.s32 s19, $0x2;
	s21 =	sadd.s32 $0x0, s21;
	v15 =	vld [tilespmem:s20+$0x9190]  }
0x209: {  	v14 =	vld [tilespmem:s19+$0xD180];
	s18 =	sshra.s32 s21, $0x2  }
0x20a: {  	v16 =	vld [tilespmem:s18+$0x9180]  }
0x20b: {  	s17 =	sshll.u32 s17, $0x2;
	v17 =	vld [tilespmem:s20+$0x91A0]  }
0x20c: {  	s17 =	sadd.s32 $0x0, s17;
	v18 =	vld [tilespmem:s19+$0xD1B0]  }
0x20d: {  	s1 =	sshll.u32 s1, $0x2;
	s17 =	sshra.s32 s17, $0x2;
	v19 =	vld [tilespmem:s18+$0x91B0]  }
0x20e: {  	s16 =	sshll.u32 s16, $0x2;
	s1 =	sadd.s32 $0x0, s1;
	v20 =	vld [tilespmem:s17+$0x15180]  }
0x20f: {  	s16 =	sadd.s32 $0x0, s16;
	s1 =	sshra.s32 s1, $0x2;
	v51 =	vld [tilespmem:s5+$0x111B0];
	v13 =	vadd.f32 v13, v15;
	v14 =	vadd.f32 v14, v16  }
0x210: {  	s31 =	sshra.s32 s16, $0x2;
	v52 =	vld [tilespmem:s1+$0x19180];
	v12 =	vadd.f32 v12, v17  }
0x211: {  	v53 =	vld [tilespmem:s31+$0x1180];
	v10 =	vadd.f32 v10, v13;
	v11 =	vadd.f32 v11, v14  }
0x212: {  	v55 =	vld [tilespmem:s17+$0x151B0];
	v9 =	vadd.f32 v9, v12;
	v54 =	vadd.f32 v18, v19  }
0x213: {  	v56 =	vld [tilespmem:s6+$0x11A0];
	v8 =	vadd.f32 v8, v10;
	v11 =	vadd.f32 v20, v11  }
0x214: {  	v58 =	vld [tilespmem:s1+$0x191B0];
	v7 =	vadd.f32 v7, v9;
	v57 =	vadd.f32 v51, v54  }
0x215: {  	v59 =	vld [tilespmem:s31+$0x11B0];
	v5 =	vadd.f32 v5, v8;
	v11 =	vadd.f32 v52, v11  }
0x216: {  	v1 =	vmul.f32 v1, v6;
	v3 =	vmul.f32 v3, v53;
	v4 =	vadd.f32 v4, v7  }
0x217: {  	v61 =	vadd.f32 v55, v57;
	v5 =	vmul.f32 v5, v6;
	v60 =	vmul.f32 v11, v53  }
0x218: {  	v0 =	vmul.f32 v0, v56;
	v1 =	vadd.f32 v1, v3  }
0x219: {  	v4 =	vmul.f32 v4, v56;
	v62 =	vadd.f32 v58, v61;
	v3 =	vadd.f32 v5, v60  }
0x21a: {  	v0 =	vadd.f32 v0, v1;
	v1 =	vmul.f32 v2, v59  }
0x21b: {  	v2 =	vadd.f32 v4, v3;
	v3 =	vmul.f32 v62, v59  }
0x21c: {  	v0 =	vadd.f32 v1, v0  }
0x21d: {  	v1 =	vadd.f32 v3, v2  }
0x21e: {  	(xrf2) =	vadd.scan.msk.f32 $0xffff, v0  }
0x21f: {  	(xrf2) =	vadd.scan.msk.f32 $0xffff, v1;
	_ =	sdelay $0x4  }
0x220: {  	v0 =	vmov s26;
	_ =	sdelay $0x3  }
0x221: {  	v1, _, _ =	vpop (xrf2)  }
0x222: {  	[tilespmem:v0+s23+$0x0] =	vst.idx.msk vm0, v1;
	v1, _, _ =	vpop (xrf2)  }
0x223: {  	s1 =	simm.s32 $0x281;
	[tilespmem:v0+s24+$0x0] =	vst.idx.msk vm0, v1  }
0x224: {  	v0 =	vld [tilespmem:s1+$0x0];
	_ =	sdelay $0x1  }
0x225: {  	s16 =	simm.s32 $0xF01  }
0x226: {  	v1 =	vld [tilespmem:s16+$0x0]  }
0x227: {  	s17 =	simm.s32 $0x1  }
0x228: {  	v2 =	vld [tilespmem:s17+$0x0];
	(v2sf) =	vpush v0, $0x0  }
0x229: {  	s18 =	simm.s32 $0xC81  }
0x22a: {  	v3 =	vld [tilespmem:s18+$0x0]  }
0x22b: {  	(v2sf) =	vpush v1, $0x0  }
0x22c: {  	s19 =	simm.s32 $0xA01  }
0x22d: {  	v63 =	vld [tilespmem:s19+$0x0];
	(v2sf) =	vpush v2, $0x0;
	_ =	sdelay $0x1  }
0x22e: {  	s28 =	simm.s32 $0x781;
	(v2sf) =	vpush v3, $0x0  }
0x22f: {  	v0 =	vld [tilespmem:s28+$0x0]  }
0x230: {  	s29 =	simm.s32 $0x501  }
0x231: {  	s30 =	simm.s32 $0x400;
	s0 =	simm.s32 $0x200;
	v1 =	vld [tilespmem:s29+$0x0];
	(v2sf) =	vpush v63, $0x0  }
.LBB2_6:
0x232: {  	p0 =	sne.s32 s30, $0xFE00;
	_ =	sdelay $0x1  }
0x233: {  	(v2sf) =	vpush v0, $0x0;
	_ =	sdelay $0x1  }
0x234: {  	s5 =	spop (v2sf);
	(v2sf) =	vpush v1, $0x0  }
0x235: {  	s20 =	simm.s32 $0x40;
	p1 =	sgt.s32 s5, $0x7A47F  }
0x236: {  	s5 =	sshra.s32 s0, $0x2;
	s20 =	simm.s32 @!p1 $0x0  }
0x237: {  	s21 =	sshll.u32 s20, $0x2;
	s20 =	sadd.s32 s5, s20;
	s31 =	spop (v2sf)  }
0x238: {  	p1 =	sgt.s32 s31, $0x7A47F;
	s21 =	sadd.s32 s21, s0;
	v0 =	vld [tilespmem:s20+$0x51A0];
	s31 =	simm.s32 $0x40  }
0x239: {  	s31 =	simm.s32 @!p1 $0x0;
	s21 =	sshra.s32 s21, $0x2;
	v1 =	vld [tilespmem:s20+$0x5190];
	s20 =	spop (v2sf)  }
0x23a: {  	p1 =	sgt.s32 s20, $0x7A47F;
	s20 =	sadd.s32 s5, s31;
	v2 =	vld [tilespmem:s21+$0x51B0]  }
0x23b: {  	s6 =	simm.s32 $0x40;
	v3 =	vld [tilespmem:s21+$0x5180];
	s21 =	sadd.s32 $0x19180, s20;
	s20 =	spop (v2sf)  }
0x23c: {  	s8 =	simm.s32 $0x40;
	s6 =	simm.s32 @!p1 $0x0;
	p1 =	sgt.s32 s20, $0x7A47F  }
0x23d: {  	s7 =	sshll.u32 s6, $0x2;
	s20 =	sadd.s32 s5, s6;
	v4 =	vld [tilespmem:s21+$0x20];
	s6 =	simm.s32 $0x40  }
0x23e: {  	s6 =	simm.s32 @!p1 $0x0;
	s7 =	sadd.s32 s7, s0;
	v5 =	vld [tilespmem:s21+$0x10];
	s21 =	spop (v2sf)  }
0x23f: {  	p1 =	sgt.s32 s21, $0x7A47F;
	s21 =	sshra.s32 s7, $0x2;
	v6 =	vld [tilespmem:s20+$0x1190];
	s7 =	sadd.s32 s5, s6  }
0x240: {  	s8 =	simm.s32 @!p1 $0x0;
	v7 =	vld [tilespmem:s21+$0x1180];
	s7 =	sadd.s32 $0x15180, s7  }
0x241: {  	s10 =	simm.s32 $0x40;
	s9 =	sadd.s32 s5, s8;
	v8 =	vld [tilespmem:s7+$0x20]  }
0x242: {  	s8 =	sshll.u32 s8, $0x2;
	s9 =	sadd.s32 $0x11180, s9;
	v9 =	vld [tilespmem:s7+$0x10];
	s7 =	spop (v2sf)  }
0x243: {  	p1 =	sgt.s32 s7, $0x7A47F;
	s7 =	sadd.s32 s8, s0;
	v10 =	vld [tilespmem:s9+$0x20];
	s8 =	simm.s32 $0x40  }
0x244: {  	s8 =	simm.s32 @!p1 $0x0;
	s7 =	sshra.s32 s7, $0x2;
	v11 =	vld [tilespmem:s9+$0x10];
	s9 =	spop (v2sf)  }
0x245: {  	p1 =	sgt.s32 s9, $0x7A47F;
	s9 =	sshll.u32 s8, $0x2;
	v12 =	vld [tilespmem:s7+$0x11180];
	s8 =	sadd.s32 s5, s8  }
0x246: {  	s10 =	simm.s32 @!p1 $0x0;
	s9 =	sadd.s32 s9, s0;
	v13 =	vld [tilespmem:s8+$0xD1A0]  }
0x247: {  	s11 =	sshll.u32 s10, $0x2;
	s9 =	sshra.s32 s9, $0x2;
	v14 =	vld [tilespmem:s8+$0xD190]  }
0x248: {  	s5 =	sadd.s32 s5, s10;
	s8 =	sadd.s32 s11, s0;
	v15 =	vld [tilespmem:s9+$0xD180]  }
0x249: {  	s8 =	sshra.s32 s8, $0x2;
	v16 =	vld [tilespmem:s5+$0x9190]  }
0x24a: {  	v17 =	vld [tilespmem:s8+$0x9180]  }
0x24b: {  	s6 =	sshll.u32 s6, $0x2;
	v18 =	vld [tilespmem:s5+$0x91A0]  }
0x24c: {  	s5 =	sadd.s32 s6, s0;
	v19 =	vld [tilespmem:s9+$0xD1B0]  }
0x24d: {  	s6 =	sshll.u32 s31, $0x2;
	s5 =	sshra.s32 s5, $0x2;
	v20 =	vld [tilespmem:s8+$0x91B0]  }
0x24e: {  	s6 =	sadd.s32 s6, s0;
	s0 =	smov.u32 s30;
	v21 =	vld [tilespmem:s5+$0x15180]  }
0x24f: {  	s6 =	sshra.s32 s6, $0x2;
	v14 =	vadd.f32 v14, v16;
	v15 =	vadd.f32 v15, v17;
	v16 =	vld [tilespmem:s7+$0x111B0]  }
0x250: {  	v17 =	vld [tilespmem:s6+$0x19180];
	v13 =	vadd.f32 v13, v18  }
0x251: {  	v11 =	vadd.f32 v11, v14;
	v12 =	vadd.f32 v12, v15;
	v14 =	vld [tilespmem:s20+$0x11A0]  }
0x252: {  	v10 =	vadd.f32 v10, v13;
	v13 =	vadd.f32 v19, v20;
	v15 =	vld [tilespmem:s5+$0x151B0]  }
0x253: {  	v1 =	vmul.f32 v1, v6;
	v9 =	vadd.f32 v9, v11;
	v12 =	vadd.f32 v21, v12;
	v11 =	vld [tilespmem:s21+$0x11B0]  }
0x254: {  	v3 =	vmul.f32 v3, v7;
	v8 =	vadd.f32 v8, v10;
	v10 =	vadd.f32 v16, v13;
	v13 =	vld [tilespmem:s6+$0x191B0]  }
0x255: {  	v5 =	vadd.f32 v5, v9;
	v12 =	vadd.f32 v17, v12  }
0x256: {  	v1 =	vadd.f32 v1, v3;
	v3 =	vadd.f32 v4, v8;
	v0 =	vmul.f32 v0, v14  }
0x257: {  	v5 =	vmul.f32 v5, v6;
	v4 =	vmul.f32 v12, v7;
	v6 =	vadd.f32 v15, v10  }
0x258: {  	v0 =	vadd.f32 v0, v1;
	v1 =	vmul.f32 v2, v11  }
0x259: {  	v3 =	vmul.f32 v3, v14;
	v2 =	vadd.f32 v5, v4;
	v4 =	vadd.f32 v13, v6  }
0x25a: {  	v0 =	vadd.f32 v1, v0  }
0x25b: {  	v1 =	vadd.f32 v3, v2;
	v2 =	vmul.f32 v4, v11  }
0x25c: {  	(xrf2) =	vadd.scan.msk.f32 $0xffff, v0  }
0x25d: {  	v0 =	vadd.f32 v2, v1;
	_ =	sdelay $0x1  }
0x25e: {  	(xrf2) =	vadd.scan.msk.f32 $0xffff, v0;
	_ =	sdelay $0x3  }
0x25f: {  	s26 =	sadd.s32 $0x1, s26  }
0x260: {  	v0 =	vmov s26;
	_ =	sdelay $0x1  }
0x261: {  	v1, _, _ =	vpop (xrf2);
	_ =	sdelay $0x2  }
0x262: {  	[tilespmem:v0+s23+$0x0] =	vst.idx.msk vm0, v1;
	v1, _, _ =	vpop (xrf2)  }
0x263: {  	s1 =	sadd.s32 $0x1, s1;
	[tilespmem:v0+s24+$0x0] =	vst.idx.msk vm0, v1  }
0x264: {  	v0 =	vld [tilespmem:s1+$0x0];
	_ =	sdelay $0x1  }
0x265: {  	s16 =	sadd.s32 $0x1, s16  }
0x266: {  	v1 =	vld [tilespmem:s16+$0x0]  }
0x267: {  	s17 =	sadd.s32 $0x1, s17  }
0x268: {  	v2 =	vld [tilespmem:s17+$0x0];
	(v2sf) =	vpush v0, $0x0  }
0x269: {  	s18 =	sadd.s32 $0x1, s18  }
0x26a: {  	v0 =	vld [tilespmem:s18+$0x0]  }
0x26b: {  	s19 =	sadd.s32 $0x1, s19;
	(v2sf) =	vpush v1, $0x0  }
0x26c: {  	v1 =	vld [tilespmem:s19+$0x0]  }
0x26d: {  	(v2sf) =	vpush v2, $0x0  }
.Ltmp2:
0x26e: {  	(pc) =	sbr.rel @p0 .LBB2_6-.Ltmp2, $4  }
0x26f: {  	s28 =	sadd.s32 $0x1, s28;
	(v2sf) =	vpush v0, $0x0  }
0x270: {  	v0 =	vld [tilespmem:s28+$0x0]  }
0x271: {  	s29 =	sadd.s32 $0x1, s29;
	(v2sf) =	vpush v1, $0x0  }
0x272: {  	s30 =	sadd.s32 $0x200, s30;
	v1 =	vld [tilespmem:s29+$0x0]  }
0x273: {  	_ =	sdelay $0x1  }
0x274: {  	(v2sf) =	vpush v0, $0x0;
	_ =	sdelay $0x1  }
0x275: {  	(v2sf) =	vpush v1, $0x0;
	s1 =	spop (v2sf)  }
0x276: {  	p0 =	sgt.s32 s1, $0x7A47F;
	s1 =	simm.s32 $0x40  }
0x277: {  	s1 =	simm.s32 @!p0 $0x0  }
0x278: {  	s6 =	sshra.s32 s0, $0x2;
	s7 =	sshll.u32 s1, $0x2;
	s5 =	spop (v2sf)  }
0x279: {  	s1 =	sadd.s32 s6, s1;
	p0 =	sgt.s32 s5, $0x7A47F;
	s5 =	simm.s32 $0x40  }
0x27a: {  	s7 =	sadd.s32 s7, s0;
	v35 =	vld [tilespmem:s1+$0x51A0];
	s5 =	simm.s32 @!p0 $0x0;
	s8 =	spop (v2sf)  }
0x27b: {  	v36 =	vld [tilespmem:s1+$0x5190];
	s7 =	sshra.s32 s7, $0x2;
	p0 =	sgt.s32 s8, $0x7A47F;
	s8 =	simm.s32 $0x40  }
0x27c: {  	s16 =	sadd.s32 s6, s5;
	v2 =	vld [tilespmem:s7+$0x51B0];
	s8 =	simm.s32 @!p0 $0x0;
	s9 =	spop (v2sf)  }
0x27d: {  	v3 =	vld [tilespmem:s7+$0x5180];
	s17 =	sadd.s32 $0x19180, s16;
	p0 =	sgt.s32 s9, $0x7A47F;
	s9 =	simm.s32 $0x40  }
0x27e: {  	s1 =	sadd.s32 s6, s8;
	v4 =	vld [tilespmem:s17+$0x20];
	s9 =	simm.s32 @!p0 $0x0;
	s10 =	spop (v2sf)  }
0x27f: {  	v5 =	vld [tilespmem:s17+$0x10];
	p0 =	sgt.s32 s10, $0x7A47F;
	s18 =	sadd.s32 s6, s9;
	s10 =	simm.s32 $0x40  }
0x280: {  	v6 =	vld [tilespmem:s1+$0x1190];
	s10 =	simm.s32 @!p0 $0x0;
	s7 =	sadd.s32 $0x15180, s18  }
0x281: {  	s11 =	sadd.s32 s6, s10;
	v7 =	vld [tilespmem:s7+$0x20];
	s10 =	sshll.u32 s10, $0x2  }
0x282: {  	v8 =	vld [tilespmem:s7+$0x10];
	s16 =	spop (v2sf);
	s11 =	sadd.s32 $0x11180, s11;
	s19 =	sadd.s32 s10, s0  }
0x283: {  	s10 =	simm.s32 $0x40;
	p0 =	sgt.s32 s16, $0x7A47F;
	v9 =	vld [tilespmem:s11+$0x20];
	s7 =	sshra.s32 s19, $0x2  }
0x284: {  	v10 =	vld [tilespmem:s11+$0x10];
	s16 =	simm.s32 $0x40;
	s20 =	spop (v2sf);
	s10 =	simm.s32 @!p0 $0x0  }
0x285: {  	v11 =	vld [tilespmem:s7+$0x11180];
	p0 =	sgt.s32 s20, $0x7A47F;
	s21 =	sshll.u32 s10, $0x2;
	s10 =	sadd.s32 s6, s10  }
0x286: {  	s16 =	simm.s32 @!p0 $0x0;
	s11 =	sadd.s32 s21, s0;
	v12 =	vld [tilespmem:s10+$0xD1A0]  }
0x287: {  	v13 =	vld [tilespmem:s10+$0xD190];
	s17 =	sshll.u32 s16, $0x2;
	s11 =	sshra.s32 s11, $0x2  }
0x288: {  	s6 =	sadd.s32 s6, s16;
	s31 =	sadd.s32 s17, s0;
	v14 =	vld [tilespmem:s11+$0xD180]  }
0x289: {  	v15 =	vld [tilespmem:s6+$0x9190];
	s10 =	sshra.s32 s31, $0x2  }
0x28a: {  	v16 =	vld [tilespmem:s10+$0x9180]  }
0x28b: {  	s9 =	sshll.u32 s9, $0x2;
	v17 =	vld [tilespmem:s6+$0x91A0]  }
0x28c: {  	s9 =	sadd.s32 s9, s0;
	v18 =	vld [tilespmem:s11+$0xD1B0]  }
0x28d: {  	s5 =	sshll.u32 s5, $0x2;
	s6 =	sshra.s32 s9, $0x2;
	v19 =	vld [tilespmem:s10+$0x91B0]  }
0x28e: {  	s5 =	sadd.s32 s5, s0;
	s8 =	sshll.u32 s8, $0x2;
	v20 =	vld [tilespmem:s6+$0x15180]  }
0x28f: {  	s5 =	sshra.s32 s5, $0x2;
	v37 =	vld [tilespmem:s7+$0x111B0];
	s10 =	sadd.s32 s8, s0;
	v13 =	vadd.f32 v13, v15;
	v14 =	vadd.f32 v14, v16  }
0x290: {  	v38 =	vld [tilespmem:s5+$0x19180];
	s0 =	sshra.s32 s10, $0x2;
	v12 =	vadd.f32 v12, v17  }
0x291: {  	v39 =	vld [tilespmem:s0+$0x1180];
	v10 =	vadd.f32 v10, v13;
	v11 =	vadd.f32 v11, v14  }
0x292: {  	v41 =	vld [tilespmem:s6+$0x151B0];
	v9 =	vadd.f32 v9, v12;
	v40 =	vadd.f32 v18, v19  }
0x293: {  	v42 =	vld [tilespmem:s1+$0x11A0];
	v8 =	vadd.f32 v8, v10;
	v11 =	vadd.f32 v20, v11  }
0x294: {  	v44 =	vld [tilespmem:s5+$0x191B0];
	v7 =	vadd.f32 v7, v9;
	v43 =	vadd.f32 v37, v40  }
0x295: {  	v45 =	vld [tilespmem:s0+$0x11B0];
	v5 =	vadd.f32 v5, v8;
	v11 =	vadd.f32 v38, v11  }
0x296: {  	v1 =	vmul.f32 v36, v6;
	v3 =	vmul.f32 v3, v39;
	v4 =	vadd.f32 v4, v7  }
0x297: {  	v47 =	vadd.f32 v41, v43;
	v5 =	vmul.f32 v5, v6;
	v46 =	vmul.f32 v11, v39  }
0x298: {  	v0 =	vmul.f32 v35, v42;
	v1 =	vadd.f32 v1, v3  }
0x299: {  	v4 =	vmul.f32 v4, v42;
	v49 =	vadd.f32 v44, v47;
	v48 =	vadd.f32 v5, v46  }
0x29a: {  	v50 =	vmul.f32 v2, v45;
	v0 =	vadd.f32 v0, v1  }
0x29b: {  	v52 =	vmul.f32 v49, v45;
	v51 =	vadd.f32 v4, v48  }
0x29c: {  	v0 =	vadd.f32 v50, v0  }
0x29d: {  	v53 =	vadd.f32 v52, v51  }
0x29e: {  	(xrf2) =	vadd.scan.msk.f32 $0xffff, v0  }
0x29f: {  	(xrf2) =	vadd.scan.msk.f32 $0xffff, v53;
	_ =	sdelay $0x3  }
0x2a0: {  	s11 =	sadd.s32 $0x1, s26  }
0x2a1: {  	v54 =	vmov s11;
	_ =	sdelay $0x3  }
0x2a2: {  	v55, _, _ =	vpop (xrf2)  }
0x2a3: {  	[tilespmem:v54+s23+$0x0] =	vst.idx.msk vm0, v55;
	v56, _, _ =	vpop (xrf2)  }
0x2a4: {  	[tilespmem:v54+s24+$0x0] =	vst.idx.msk vm0, v56  }
0x2a5: {  	_ =	swait.ge [sflag:s22], $0x4000  }
0x2a6: {  	[sflag:s22] =	ssyncset.done $0x0  }
0x2a7: {  	[sflag:s22] =	ssyncadd.s32 $0xFFFFC000  }
0x2a8: {  	_ =	swait.ge [sflag:s22], $0x4000  }
0x2a9: {  	[sflag:s22] =	ssyncset.done $0x0  }
0x2aa: {  	[sflag:s22] =	ssyncadd.s32 $0xFFFFC000  }
0x2ab: {  	_ =	swait.ge [sflag:s22], $0x4000  }
0x2ac: {  	[sflag:s22] =	ssyncset.done $0x0  }
0x2ad: {  	[sflag:s22] =	ssyncadd.s32 $0xFFFFC000  }
0x2ae: {  	_ =	swait.ge [sflag:s22], $0x4000  }
0x2af: {  	[sflag:s22] =	ssyncset.done $0x0  }
0x2b0: {  	[sflag:s22] =	ssyncadd.s32 $0xFFFFC000  }
0x2b1: {  	_ =	swait.ge [sflag:s22], $0x4000  }
0x2b2: {  	[sflag:s22] =	ssyncset.done $0x0  }
0x2b3: {  	[sflag:s22] =	ssyncadd.s32 $0xFFFFC000  }
0x2b4: {  	_ =	swait.ge [sflag:s22], $0x4000  }
0x2b5: {  	[sflag:s22] =	ssyncset.done $0x0  }
0x2b6: {  	[sflag:s22] =	ssyncadd.s32 $0xFFFFC000  }
0x2b7: {  	_ =	swait.ge [sflag:s22], $0x4000  }
0x2b8: {  	[sflag:s22] =	ssyncset.done $0x0  }
0x2b9: {  	s16 =	simm.s32 $0x100;
	[sflag:s22] =	ssyncadd.s32 $0xFFFFC000  }
0x2ba: {  	v57 =	vld [tilespmem:s16+$0x0];
	_ =	sdelay $0x4  }
0x2bb: {  	(v2sf) =	vpush v57, $0x0;
	_ =	sdelay $0xe  }
0x2bc: {  	s17 =	spop (v2sf)  }
0x2bd: {  	s1 =	simm.s32 $0x0;
	p0 =	slt.s32 s17, $0x7A480  }
0x2be: {  	s1 =	simm.s32 @!p0 $0x1F85B80  }
0x2bf: {  	s1 =	sadd.s32 s17, s1  }
0x2c0: {  	s0 =	sshll.u32 s17, $0x7;
	s1 =	sshll.u32 s1, $0x7  }
0x2c1: {  	s0 =	sand.u32 $0x380, s0;
	s1 =	sand.u32 $0xFFFFFC00, s1  }
0x2c2: {  	s0 =	sor.u32 s0, s1  }
0x2c3: {  	s18 =	simm.s32 $0x380;
	s0 =	sshrl.u32 s0, $0x3  }
0x2c4: {  	s19 =	simm.s32 $0x1180;
	s26 =	simm.s32 $0x0;
	s0 =	sadd.s32 s3, s0  }
0x2c5: {  	[tilespmem:s19], [sflag:$0x1] =	stream.linear.gather [hbm4b:s0+s26], $0x80, $0x38;
	[tilespmem:$0x1D580] =	vst v63  }
0x2c6: {  	v58 =	vld [tilespmem:s18+$0x0];
	_ =	sdelay $0x4  }
0x2c7: {  	(v2sf) =	vpush v58, $0x0;
	_ =	sdelay $0xe  }
0x2c8: {  	s20 =	spop (v2sf)  }
0x2c9: {  	s1 =	simm.s32 $0x0;
	p0 =	slt.s32 s20, $0x7A480  }
0x2ca: {  	s1 =	simm.s32 @!p0 $0x1F85B80  }
0x2cb: {  	s1 =	sadd.s32 s20, s1  }
0x2cc: {  	s0 =	sshll.u32 s20, $0x7;
	s1 =	sshll.u32 s1, $0x7  }
0x2cd: {  	s0 =	sand.u32 $0x380, s0;
	s1 =	sand.u32 $0xFFFFFC00, s1  }
0x2ce: {  	s0 =	sor.u32 s0, s1  }
0x2cf: {  	s0 =	sshrl.u32 s0, $0x3  }
0x2d0: {  	s21 =	simm.s32 $0x600;
	s31 =	simm.s32 $0x5180;
	s0 =	sadd.s32 s4, s0  }
0x2d1: {  	[tilespmem:s31], [sflag:$0x1] =	stream.linear.gather [hbm4b:s0+s26], $0x80, $0x38;
	[tilespmem:$0x1D580] =	vst v63  }
0x2d2: {  	v59 =	vld [tilespmem:s21+$0x0];
	_ =	sdelay $0x4  }
0x2d3: {  	(v2sf) =	vpush v59, $0x0;
	_ =	sdelay $0xe  }
0x2d4: {  	s5 =	spop (v2sf)  }
0x2d5: {  	s1 =	simm.s32 $0x0;
	p0 =	slt.s32 s5, $0x7A480  }
0x2d6: {  	s1 =	simm.s32 @!p0 $0x1F85B80  }
0x2d7: {  	s1 =	sadd.s32 s5, s1  }
0x2d8: {  	s0 =	sshll.u32 s5, $0x7;
	s1 =	sshll.u32 s1, $0x7  }
0x2d9: {  	s0 =	sand.u32 $0x380, s0;
	s1 =	sand.u32 $0xFFFFFC00, s1  }
0x2da: {  	s0 =	sor.u32 s0, s1  }
0x2db: {  	s0 =	sshrl.u32 s0, $0x3  }
0x2dc: {  	s7 =	simm.s32 $0x9180;
	s6 =	simm.s32 $0x880;
	s0 =	sadd.s32 s4, s0  }
0x2dd: {  	[tilespmem:s7], [sflag:$0x1] =	stream.linear.gather [hbm4b:s0+s26], $0x80, $0x38;
	[tilespmem:$0x1D580] =	vst v63  }
0x2de: {  	v60 =	vld [tilespmem:s6+$0x0];
	_ =	sdelay $0x4  }
0x2df: {  	(v2sf) =	vpush v60, $0x0;
	_ =	sdelay $0xe  }
0x2e0: {  	s8 =	spop (v2sf)  }
0x2e1: {  	s1 =	simm.s32 $0x0;
	p0 =	slt.s32 s8, $0x7A480  }
0x2e2: {  	s1 =	simm.s32 @!p0 $0x1F85B80  }
0x2e3: {  	s1 =	sadd.s32 s8, s1  }
0x2e4: {  	s0 =	sshll.u32 s8, $0x7;
	s1 =	sshll.u32 s1, $0x7  }
0x2e5: {  	s0 =	sand.u32 $0x380, s0;
	s1 =	sand.u32 $0xFFFFFC00, s1  }
0x2e6: {  	s0 =	sor.u32 s0, s1  }
0x2e7: {  	s0 =	sshrl.u32 s0, $0x3  }
0x2e8: {  	s9 =	simm.s32 $0xB00;
	s10 =	simm.s32 $0xD180;
	s0 =	sadd.s32 s4, s0  }
0x2e9: {  	[tilespmem:s10], [sflag:$0x1] =	stream.linear.gather [hbm4b:s0+s26], $0x80, $0x38;
	[tilespmem:$0x1D580] =	vst v63  }
0x2ea: {  	v61 =	vld [tilespmem:s9+$0x0];
	_ =	sdelay $0x4  }
0x2eb: {  	(v2sf) =	vpush v61, $0x0;
	_ =	sdelay $0xe  }
0x2ec: {  	s11 =	spop (v2sf)  }
0x2ed: {  	s1 =	simm.s32 $0x0;
	p0 =	slt.s32 s11, $0x7A480  }
0x2ee: {  	s1 =	simm.s32 @!p0 $0x1F85B80  }
0x2ef: {  	s1 =	sadd.s32 s11, s1  }
0x2f0: {  	s0 =	sshll.u32 s11, $0x7;
	s1 =	sshll.u32 s1, $0x7  }
0x2f1: {  	s0 =	sand.u32 $0x380, s0;
	s1 =	sand.u32 $0xFFFFFC00, s1  }
0x2f2: {  	s0 =	sor.u32 s0, s1  }
0x2f3: {  	s0 =	sshrl.u32 s0, $0x3  }
0x2f4: {  	s16 =	simm.s32 $0xD80;
	s17 =	simm.s32 $0x11180;
	s0 =	sadd.s32 s4, s0  }
0x2f5: {  	[tilespmem:s17], [sflag:$0x1] =	stream.linear.gather [hbm4b:s0+s26], $0x80, $0x38;
	[tilespmem:$0x1D580] =	vst v63  }
0x2f6: {  	v62 =	vld [tilespmem:s16+$0x0];
	_ =	sdelay $0x4  }
0x2f7: {  	(v2sf) =	vpush v62, $0x0;
	_ =	sdelay $0xe  }
0x2f8: {  	s18 =	spop (v2sf)  }
0x2f9: {  	s1 =	simm.s32 $0x0;
	p0 =	slt.s32 s18, $0x7A480  }
0x2fa: {  	s1 =	simm.s32 @!p0 $0x1F85B80  }
0x2fb: {  	s1 =	sadd.s32 s18, s1  }
0x2fc: {  	s0 =	sshll.u32 s18, $0x7;
	s1 =	sshll.u32 s1, $0x7  }
0x2fd: {  	s0 =	sand.u32 $0x380, s0;
	s1 =	sand.u32 $0xFFFFFC00, s1  }
0x2fe: {  	s0 =	sor.u32 s0, s1  }
0x2ff: {  	s0 =	sshrl.u32 s0, $0x3  }
0x300: {  	s19 =	simm.s32 $0x1000;
	s20 =	simm.s32 $0x15180;
	s0 =	sadd.s32 s4, s0  }
0x301: {  	[tilespmem:s20], [sflag:$0x1] =	stream.linear.gather [hbm4b:s0+s26], $0x80, $0x38;
	[tilespmem:$0x1D580] =	vst v63  }
0x302: {  	v63 =	vld [tilespmem:s19+$0x0];
	_ =	sdelay $0x4  }
0x303: {  	(v2sf) =	vpush v63, $0x0;
	_ =	sdelay $0xe  }
0x304: {  	s21 =	spop (v2sf)  }
0x305: {  	s5 =	simm.s32 $0x0;
	p0 =	slt.s32 s21, $0x7A480  }
0x306: {  	s5 =	simm.s32 @!p0 $0x1F85B80  }
0x307: {  	s28 =	simm.s32 $0x381;
	s5 =	sadd.s32 s21, s5  }
0x308: {  	s29 =	simm.s32 $0x601;
	s31 =	sshll.u32 s21, $0x7;
	s5 =	sshll.u32 s5, $0x7  }
0x309: {  	s30 =	simm.s32 $0x101;
	s6 =	sand.u32 $0x380, s31;
	s5 =	sand.u32 $0xFFFFFC00, s5  }
0x30a: {  	s17 =	simm.s32 $0x881;
	s16 =	simm.s32 $0xD81;
	s5 =	sor.u32 s6, s5  }
0x30b: {  	s18 =	simm.s32 $0xB01;
	s1 =	simm.s32 $0x1001;
	s6 =	sshrl.u32 s5, $0x3  }
0x30c: {  	s0 =	simm.s32 $0x200;
	s5 =	simm.s32 $0x19180;
	s19 =	sadd.s32 s4, s6  }
.LBB2_8:
0x30d: {  	[tilespmem:s5], [sflag:$0x1] =	stream.linear.gather [hbm4b:s19+s26], $0x80, $0x38;
	[tilespmem:$0x1D580] =	vst v63  }
0x30e: {  	p0 =	sne.s32 s0, $0xFE00;
	s5 =	smov.u32 s0;
	s0 =	sadd.s32 $0x200, s0;
	v0 =	vld [tilespmem:s30+$0x0]  }
0x30f: {  	_ =	sdelay $0x3  }
0x310: {  	(v2sf) =	vpush v0, $0x0;
	_ =	sdelay $0xe  }
0x311: {  	s6 =	spop (v2sf)  }
0x312: {  	s8 =	simm.s32 $0x0;
	p1 =	slt.s32 s6, $0x7A480;
	s7 =	sshll.u32 s6, $0x7  }
0x313: {  	s8 =	simm.s32 @!p1 $0x1F85B80  }
0x314: {  	s6 =	sadd.s32 s6, s8  }
0x315: {  	s6 =	sshll.u32 s6, $0x7  }
0x316: {  	s7 =	sand.u32 $0x380, s7;
	s6 =	sand.u32 $0xFFFFFC00, s6  }
0x317: {  	s6 =	sor.u32 s7, s6  }
0x318: {  	s31 =	sshra.s32 s5, $0x2;
	s5 =	sshrl.u32 s6, $0x3  }
0x319: {  	s6 =	sadd.s32 $0x1180, s31;
	s5 =	sadd.s32 s3, s5  }
0x31a: {  	[tilespmem:s6], [sflag:$0x1] =	stream.linear.gather [hbm4b:s5+s26], $0x80, $0x38;
	[tilespmem:$0x1D580] =	vst v63  }
0x31b: {  	v0 =	vld [tilespmem:s28+$0x0];
	_ =	sdelay $0x4  }
0x31c: {  	(v2sf) =	vpush v0, $0x0;
	_ =	sdelay $0xe  }
0x31d: {  	s5 =	spop (v2sf)  }
0x31e: {  	s7 =	simm.s32 $0x0;
	p1 =	slt.s32 s5, $0x7A480;
	s6 =	sshll.u32 s5, $0x7  }
0x31f: {  	s7 =	simm.s32 @!p1 $0x1F85B80  }
0x320: {  	s5 =	sadd.s32 s5, s7  }
0x321: {  	s5 =	sshll.u32 s5, $0x7  }
0x322: {  	s6 =	sand.u32 $0x380, s6;
	s5 =	sand.u32 $0xFFFFFC00, s5  }
0x323: {  	s5 =	sor.u32 s6, s5  }
0x324: {  	s5 =	sshrl.u32 s5, $0x3  }
0x325: {  	s6 =	sadd.s32 $0x5180, s31;
	s5 =	sadd.s32 s4, s5  }
0x326: {  	[tilespmem:s6], [sflag:$0x1] =	stream.linear.gather [hbm4b:s5+s26], $0x80, $0x38;
	[tilespmem:$0x1D580] =	vst v63  }
0x327: {  	v0 =	vld [tilespmem:s29+$0x0];
	_ =	sdelay $0x4  }
0x328: {  	(v2sf) =	vpush v0, $0x0;
	_ =	sdelay $0xe  }
0x329: {  	s5 =	spop (v2sf)  }
0x32a: {  	s7 =	simm.s32 $0x0;
	p1 =	slt.s32 s5, $0x7A480;
	s6 =	sshll.u32 s5, $0x7  }
0x32b: {  	s7 =	simm.s32 @!p1 $0x1F85B80  }
0x32c: {  	s5 =	sadd.s32 s5, s7  }
0x32d: {  	s5 =	sshll.u32 s5, $0x7  }
0x32e: {  	s6 =	sand.u32 $0x380, s6;
	s5 =	sand.u32 $0xFFFFFC00, s5  }
0x32f: {  	s5 =	sor.u32 s6, s5  }
0x330: {  	s5 =	sshrl.u32 s5, $0x3  }
0x331: {  	s6 =	sadd.s32 $0x9180, s31;
	s5 =	sadd.s32 s4, s5  }
0x332: {  	[tilespmem:s6], [sflag:$0x1] =	stream.linear.gather [hbm4b:s5+s26], $0x80, $0x38;
	[tilespmem:$0x1D580] =	vst v63  }
0x333: {  	v0 =	vld [tilespmem:s17+$0x0];
	_ =	sdelay $0x4  }
0x334: {  	(v2sf) =	vpush v0, $0x0;
	_ =	sdelay $0xe  }
0x335: {  	s5 =	spop (v2sf)  }
0x336: {  	s7 =	simm.s32 $0x0;
	p1 =	slt.s32 s5, $0x7A480;
	s6 =	sshll.u32 s5, $0x7  }
0x337: {  	s7 =	simm.s32 @!p1 $0x1F85B80  }
0x338: {  	s5 =	sadd.s32 s5, s7  }
0x339: {  	s5 =	sshll.u32 s5, $0x7  }
0x33a: {  	s6 =	sand.u32 $0x380, s6;
	s5 =	sand.u32 $0xFFFFFC00, s5  }
0x33b: {  	s5 =	sor.u32 s6, s5  }
0x33c: {  	s5 =	sshrl.u32 s5, $0x3  }
0x33d: {  	s6 =	sadd.s32 $0xD180, s31;
	s5 =	sadd.s32 s4, s5  }
0x33e: {  	[tilespmem:s6], [sflag:$0x1] =	stream.linear.gather [hbm4b:s5+s26], $0x80, $0x38;
	[tilespmem:$0x1D580] =	vst v63  }
0x33f: {  	v0 =	vld [tilespmem:s18+$0x0];
	_ =	sdelay $0x4  }
0x340: {  	(v2sf) =	vpush v0, $0x0;
	_ =	sdelay $0xe  }
0x341: {  	s5 =	spop (v2sf)  }
0x342: {  	s7 =	simm.s32 $0x0;
	p1 =	slt.s32 s5, $0x7A480;
	s6 =	sshll.u32 s5, $0x7  }
0x343: {  	s7 =	simm.s32 @!p1 $0x1F85B80  }
0x344: {  	s5 =	sadd.s32 s5, s7  }
0x345: {  	s5 =	sshll.u32 s5, $0x7  }
0x346: {  	s6 =	sand.u32 $0x380, s6;
	s5 =	sand.u32 $0xFFFFFC00, s5  }
0x347: {  	s5 =	sor.u32 s6, s5  }
0x348: {  	s5 =	sshrl.u32 s5, $0x3  }
0x349: {  	s6 =	sadd.s32 $0x11180, s31;
	s5 =	sadd.s32 s4, s5  }
0x34a: {  	[tilespmem:s6], [sflag:$0x1] =	stream.linear.gather [hbm4b:s5+s26], $0x80, $0x38;
	[tilespmem:$0x1D580] =	vst v63  }
0x34b: {  	v0 =	vld [tilespmem:s16+$0x0];
	_ =	sdelay $0x4  }
0x34c: {  	(v2sf) =	vpush v0, $0x0;
	_ =	sdelay $0xe  }
0x34d: {  	s5 =	spop (v2sf)  }
0x34e: {  	s7 =	simm.s32 $0x0;
	p1 =	slt.s32 s5, $0x7A480;
	s6 =	sshll.u32 s5, $0x7  }
0x34f: {  	s7 =	simm.s32 @!p1 $0x1F85B80  }
0x350: {  	s5 =	sadd.s32 s5, s7  }
0x351: {  	s5 =	sshll.u32 s5, $0x7  }
0x352: {  	s6 =	sand.u32 $0x380, s6;
	s5 =	sand.u32 $0xFFFFFC00, s5  }
0x353: {  	s5 =	sor.u32 s6, s5  }
0x354: {  	s5 =	sshrl.u32 s5, $0x3  }
0x355: {  	s6 =	sadd.s32 $0x15180, s31;
	s5 =	sadd.s32 s4, s5  }
0x356: {  	[tilespmem:s6], [sflag:$0x1] =	stream.linear.gather [hbm4b:s5+s26], $0x80, $0x38;
	[tilespmem:$0x1D580] =	vst v63  }
0x357: {  	v0 =	vld [tilespmem:s1+$0x0];
	_ =	sdelay $0x4  }
0x358: {  	(v2sf) =	vpush v0, $0x0;
	_ =	sdelay $0xe  }
0x359: {  	s5 =	spop (v2sf)  }
0x35a: {  	s7 =	simm.s32 $0x0;
	p1 =	slt.s32 s5, $0x7A480;
	s6 =	sshll.u32 s5, $0x7  }
0x35b: {  	s7 =	simm.s32 @!p1 $0x1F85B80  }
0x35c: {  	s5 =	sadd.s32 s5, s7  }
.Ltmp3:
0x35d: {  	s1 =	sadd.s32 $0x1, s1;
	s5 =	sshll.u32 s5, $0x7;
	(pc) =	sbr.rel @p0 .LBB2_8-.Ltmp3, $4  }
0x35e: {  	s16 =	sadd.s32 $0x1, s16;
	s6 =	sand.u32 $0x380, s6;
	s5 =	sand.u32 $0xFFFFFC00, s5  }
0x35f: {  	s17 =	sadd.s32 $0x1, s17;
	s18 =	sadd.s32 $0x1, s18;
	s5 =	sor.u32 s6, s5  }
0x360: {  	s28 =	sadd.s32 $0x1, s28;
	s29 =	sadd.s32 $0x1, s29;
	s6 =	sshrl.u32 s5, $0x3  }
0x361: {  	s30 =	sadd.s32 $0x1, s30;
	s5 =	sadd.s32 $0x19180, s31;
	s19 =	sadd.s32 s4, s6  }
0x362: {  	[tilespmem:s5], [sflag:$0x1] =	stream.linear.gather [hbm4b:s19+s26], $0x80, $0x38;
	[tilespmem:$0x1D580] =	vst v63  }
0x363: {  	s0 =	simm.s32 $0x300  }
0x364: {  	s31 =	simm.s32 $0xF80;
	v0 =	vld [tilespmem:s0+$0x0]  }
0x365: {  	v1 =	vld [tilespmem:s31+$0x0];
	_ =	sdelay $0x1  }
0x366: {  	s26 =	simm.s32 $0x80  }
0x367: {  	v2 =	vld [tilespmem:s26+$0x0]  }
0x368: {  	s1 =	simm.s32 $0xD00;
	(v2sf) =	vpush v0, $0x0  }
0x369: {  	v0 =	vld [tilespmem:s1+$0x0];
	(v2sf) =	vpush v1, $0x0  }
0x36a: {  	s5 =	simm.s32 $0xA80  }
0x36b: {  	v1 =	vld [tilespmem:s5+$0x0]  }
0x36c: {  	(v2sf) =	vpush v2, $0x0;
	_ =	sdelay $0x1  }
0x36d: {  	s6 =	simm.s32 $0x800;
	(v2sf) =	vpush v0, $0x0  }
0x36e: {  	s7 =	simm.s32 $0x580;
	v0 =	vld [tilespmem:s6+$0x0]  }
0x36f: {  	(v2sf) =	vpush v1, $0x0;
	v1 =	vld [tilespmem:s7+$0x0];
	_ =	sdelay $0x3  }
0x370: {  	(v2sf) =	vpush v0, $0x0  }
0x371: {  	(v2sf) =	vpush v1, $0x0;
	_ =	sdelay $0x1  }
0x372: {  	s8 =	spop (v2sf)  }
0x373: {  	s0 =	simm.s32 $0x40;
	p0 =	sgt.s32 s8, $0x7A47F;
	s1 =	spop (v2sf)  }
0x374: {  	s0 =	simm.s32 @!p0 $0x0;
	p0 =	sgt.s32 s1, $0x7A47F  }
0x375: {  	s1 =	simm.s32 $0x40;
	s9 =	sshll.u32 s0, $0x2;
	s0 =	sadd.s32 $0x0, s0  }
0x376: {  	s6 =	spop (v2sf);
	s1 =	simm.s32 @!p0 $0x0;
	s5 =	sadd.s32 $0x0, s9;
	v0 =	vld [tilespmem:s0+$0x51A0]  }
0x377: {  	p0 =	sgt.s32 s6, $0x7A47F;
	s6 =	simm.s32 $0x40;
	v1 =	vld [tilespmem:s0+$0x5190];
	s5 =	sshra.s32 s5, $0x2  }
0x378: {  	s10 =	sadd.s32 $0x0, s1;
	s6 =	simm.s32 @!p0 $0x0;
	s7 =	spop (v2sf);
	v2 =	vld [tilespmem:s5+$0x51B0]  }
0x379: {  	s11 =	sadd.s32 $0x19180, s10;
	v3 =	vld [tilespmem:s5+$0x5180];
	p0 =	sgt.s32 s7, $0x7A47F;
	s7 =	simm.s32 $0x40  }
0x37a: {  	s16 =	sadd.s32 $0x0, s6;
	v4 =	vld [tilespmem:s11+$0x20];
	s8 =	spop (v2sf);
	s7 =	simm.s32 @!p0 $0x0  }
0x37b: {  	v5 =	vld [tilespmem:s11+$0x10];
	p0 =	sgt.s32 s8, $0x7A47F;
	s8 =	simm.s32 $0x40;
	s17 =	sadd.s32 $0x0, s7  }
0x37c: {  	v6 =	vld [tilespmem:s16+$0x1190];
	s8 =	simm.s32 @!p0 $0x0;
	s5 =	sadd.s32 $0x15180, s17  }
0x37d: {  	s9 =	sadd.s32 $0x0, s8;
	s8 =	sshll.u32 s8, $0x2;
	v7 =	vld [tilespmem:s5+$0x20]  }
0x37e: {  	s10 =	spop (v2sf);
	s9 =	sadd.s32 $0x11180, s9;
	v8 =	vld [tilespmem:s5+$0x10];
	s18 =	sadd.s32 $0x0, s8  }
0x37f: {  	s8 =	simm.s32 $0x40;
	p0 =	sgt.s32 s10, $0x7A47F;
	v9 =	vld [tilespmem:s9+$0x20];
	s19 =	spop (v2sf)  }
0x380: {  	s5 =	sshra.s32 s18, $0x2;
	v10 =	vld [tilespmem:s9+$0x10];
	s10 =	simm.s32 $0x40;
	s8 =	simm.s32 @!p0 $0x0  }
0x381: {  	p0 =	sgt.s32 s19, $0x7A47F;
	v11 =	vld [tilespmem:s5+$0x11180];
	s20 =	sshll.u32 s8, $0x2;
	s8 =	sadd.s32 $0x0, s8  }
0x382: {  	s10 =	simm.s32 @!p0 $0x0;
	v12 =	vld [tilespmem:s8+$0xD1A0]  }
0x383: {  	s9 =	sadd.s32 $0x0, s20;
	s11 =	sshll.u32 s10, $0x2;
	v13 =	vld [tilespmem:s8+$0xD190];
	s10 =	sadd.s32 $0x0, s10  }
0x384: {  	s9 =	sshra.s32 s9, $0x2;
	s21 =	sadd.s32 $0x0, s11;
	v15 =	vld [tilespmem:s10+$0x9190]  }
0x385: {  	v14 =	vld [tilespmem:s9+$0xD180];
	s8 =	sshra.s32 s21, $0x2  }
0x386: {  	v16 =	vld [tilespmem:s8+$0x9180]  }
0x387: {  	s7 =	sshll.u32 s7, $0x2;
	v17 =	vld [tilespmem:s10+$0x91A0]  }
0x388: {  	s7 =	sadd.s32 $0x0, s7;
	v18 =	vld [tilespmem:s9+$0xD1B0]  }
0x389: {  	s1 =	sshll.u32 s1, $0x2;
	s7 =	sshra.s32 s7, $0x2;
	v19 =	vld [tilespmem:s8+$0x91B0]  }
0x38a: {  	s6 =	sshll.u32 s6, $0x2;
	s1 =	sadd.s32 $0x0, s1;
	v20 =	vld [tilespmem:s7+$0x15180]  }
0x38b: {  	s6 =	sadd.s32 $0x0, s6;
	s1 =	sshra.s32 s1, $0x2;
	v51 =	vld [tilespmem:s5+$0x111B0];
	v13 =	vadd.f32 v13, v15;
	v14 =	vadd.f32 v14, v16  }
0x38c: {  	s31 =	sshra.s32 s6, $0x2;
	v52 =	vld [tilespmem:s1+$0x19180];
	v12 =	vadd.f32 v12, v17  }
0x38d: {  	v53 =	vld [tilespmem:s31+$0x1180];
	v10 =	vadd.f32 v10, v13;
	v11 =	vadd.f32 v11, v14  }
0x38e: {  	v55 =	vld [tilespmem:s7+$0x151B0];
	v9 =	vadd.f32 v9, v12;
	v54 =	vadd.f32 v18, v19  }
0x38f: {  	v56 =	vld [tilespmem:s16+$0x11A0];
	v8 =	vadd.f32 v8, v10;
	v11 =	vadd.f32 v20, v11  }
0x390: {  	v58 =	vld [tilespmem:s1+$0x191B0];
	v7 =	vadd.f32 v7, v9;
	v57 =	vadd.f32 v51, v54  }
0x391: {  	v59 =	vld [tilespmem:s31+$0x11B0];
	v5 =	vadd.f32 v5, v8;
	v11 =	vadd.f32 v52, v11  }
0x392: {  	v1 =	vmul.f32 v1, v6;
	v3 =	vmul.f32 v3, v53;
	v4 =	vadd.f32 v4, v7  }
0x393: {  	v61 =	vadd.f32 v55, v57;
	v5 =	vmul.f32 v5, v6;
	v60 =	vmul.f32 v11, v53  }
0x394: {  	v0 =	vmul.f32 v0, v56;
	v1 =	vadd.f32 v1, v3  }
0x395: {  	v4 =	vmul.f32 v4, v56;
	v62 =	vadd.f32 v58, v61;
	v3 =	vadd.f32 v5, v60  }
0x396: {  	v0 =	vadd.f32 v0, v1;
	v1 =	vmul.f32 v2, v59  }
0x397: {  	v2 =	vadd.f32 v4, v3;
	v3 =	vmul.f32 v62, v59  }
0x398: {  	v0 =	vadd.f32 v1, v0  }
0x399: {  	v1 =	vadd.f32 v3, v2  }
0x39a: {  	(xrf2) =	vadd.scan.msk.f32 $0xffff, v0  }
0x39b: {  	(xrf2) =	vadd.scan.msk.f32 $0xffff, v1;
	_ =	sdelay $0x4  }
0x39c: {  	v0 =	vmov s26;
	_ =	sdelay $0x3  }
0x39d: {  	v1, _, _ =	vpop (xrf2)  }
0x39e: {  	[tilespmem:v0+s23+$0x0] =	vst.idx.msk vm0, v1;
	v1, _, _ =	vpop (xrf2)  }
0x39f: {  	s1 =	simm.s32 $0x301;
	[tilespmem:v0+s24+$0x0] =	vst.idx.msk vm0, v1  }
0x3a0: {  	v0 =	vld [tilespmem:s1+$0x0];
	_ =	sdelay $0x1  }
0x3a1: {  	s16 =	simm.s32 $0xF81  }
0x3a2: {  	v1 =	vld [tilespmem:s16+$0x0]  }
0x3a3: {  	s17 =	simm.s32 $0x81  }
0x3a4: {  	v2 =	vld [tilespmem:s17+$0x0];
	(v2sf) =	vpush v0, $0x0  }
0x3a5: {  	s18 =	simm.s32 $0xD01  }
0x3a6: {  	v3 =	vld [tilespmem:s18+$0x0]  }
0x3a7: {  	s19 =	simm.s32 $0xA81;
	(v2sf) =	vpush v1, $0x0  }
0x3a8: {  	v63 =	vld [tilespmem:s19+$0x0]  }
0x3a9: {  	(v2sf) =	vpush v2, $0x0;
	_ =	sdelay $0x1  }
0x3aa: {  	s28 =	simm.s32 $0x801;
	(v2sf) =	vpush v3, $0x0  }
0x3ab: {  	v0 =	vld [tilespmem:s28+$0x0]  }
0x3ac: {  	s29 =	simm.s32 $0x581;
	(v2sf) =	vpush v63, $0x0  }
0x3ad: {  	s30 =	simm.s32 $0x400;
	s0 =	simm.s32 $0x200;
	v1 =	vld [tilespmem:s29+$0x0]  }
.LBB2_10:
0x3ae: {  	p0 =	sne.s32 s30, $0xFE00;
	_ =	sdelay $0x1  }
0x3af: {  	(v2sf) =	vpush v0, $0x0;
	_ =	sdelay $0x1  }
0x3b0: {  	s5 =	spop (v2sf);
	(v2sf) =	vpush v1, $0x0  }
0x3b1: {  	s6 =	simm.s32 $0x40;
	p1 =	sgt.s32 s5, $0x7A47F  }
0x3b2: {  	s5 =	sshra.s32 s0, $0x2;
	s6 =	simm.s32 @!p1 $0x0  }
0x3b3: {  	s7 =	sshll.u32 s6, $0x2;
	s6 =	sadd.s32 s5, s6;
	s8 =	spop (v2sf)  }
0x3b4: {  	s31 =	simm.s32 $0x40;
	p1 =	sgt.s32 s8, $0x7A47F;
	s7 =	sadd.s32 s7, s0;
	v0 =	vld [tilespmem:s6+$0x51A0]  }
0x3b5: {  	s31 =	simm.s32 @!p1 $0x0;
	s7 =	sshra.s32 s7, $0x2;
	v1 =	vld [tilespmem:s6+$0x5190];
	s6 =	spop (v2sf)  }
0x3b6: {  	s8 =	simm.s32 $0x40;
	p1 =	sgt.s32 s6, $0x7A47F;
	s6 =	sadd.s32 s5, s31;
	v2 =	vld [tilespmem:s7+$0x51B0]  }
0x3b7: {  	s8 =	simm.s32 @!p1 $0x0;
	v3 =	vld [tilespmem:s7+$0x5180];
	s6 =	sadd.s32 $0x19180, s6;
	s7 =	spop (v2sf)  }
0x3b8: {  	p1 =	sgt.s32 s7, $0x7A47F;
	s7 =	sshll.u32 s8, $0x2;
	s20 =	sadd.s32 s5, s8;
	v4 =	vld [tilespmem:s6+$0x20]  }
0x3b9: {  	s8 =	simm.s32 $0x40;
	v5 =	vld [tilespmem:s6+$0x10];
	s6 =	spop (v2sf)  }
0x3ba: {  	s8 =	simm.s32 @!p1 $0x0;
	s7 =	sadd.s32 s7, s0;
	p1 =	sgt.s32 s6, $0x7A47F  }
0x3bb: {  	s21 =	sshra.s32 s7, $0x2;
	v6 =	vld [tilespmem:s20+$0x1190];
	s6 =	sadd.s32 s5, s8;
	s7 =	simm.s32 $0x40  }
0x3bc: {  	s7 =	simm.s32 @!p1 $0x0;
	v7 =	vld [tilespmem:s21+$0x1180];
	s6 =	sadd.s32 $0x15180, s6  }
0x3bd: {  	s10 =	simm.s32 $0x40;
	s9 =	sadd.s32 s5, s7;
	v8 =	vld [tilespmem:s6+$0x20]  }
0x3be: {  	s7 =	sshll.u32 s7, $0x2;
	s9 =	sadd.s32 $0x11180, s9;
	v9 =	vld [tilespmem:s6+$0x10];
	s6 =	spop (v2sf)  }
0x3bf: {  	p1 =	sgt.s32 s6, $0x7A47F;
	s6 =	sadd.s32 s7, s0;
	v10 =	vld [tilespmem:s9+$0x20];
	s7 =	simm.s32 $0x40  }
0x3c0: {  	s7 =	simm.s32 @!p1 $0x0;
	s6 =	sshra.s32 s6, $0x2;
	v11 =	vld [tilespmem:s9+$0x10];
	s9 =	spop (v2sf)  }
0x3c1: {  	p1 =	sgt.s32 s9, $0x7A47F;
	s9 =	sshll.u32 s7, $0x2;
	v12 =	vld [tilespmem:s6+$0x11180];
	s7 =	sadd.s32 s5, s7  }
0x3c2: {  	s10 =	simm.s32 @!p1 $0x0;
	s9 =	sadd.s32 s9, s0;
	v13 =	vld [tilespmem:s7+$0xD1A0]  }
0x3c3: {  	s11 =	sshll.u32 s10, $0x2;
	s9 =	sshra.s32 s9, $0x2;
	v14 =	vld [tilespmem:s7+$0xD190]  }
0x3c4: {  	s5 =	sadd.s32 s5, s10;
	s7 =	sadd.s32 s11, s0;
	v15 =	vld [tilespmem:s9+$0xD180]  }
0x3c5: {  	s7 =	sshra.s32 s7, $0x2;
	v16 =	vld [tilespmem:s5+$0x9190]  }
0x3c6: {  	v17 =	vld [tilespmem:s7+$0x9180]  }
0x3c7: {  	s8 =	sshll.u32 s8, $0x2;
	v18 =	vld [tilespmem:s5+$0x91A0]  }
0x3c8: {  	s5 =	sadd.s32 s8, s0;
	v19 =	vld [tilespmem:s9+$0xD1B0]  }
0x3c9: {  	s8 =	sshll.u32 s31, $0x2;
	s5 =	sshra.s32 s5, $0x2;
	v20 =	vld [tilespmem:s7+$0x91B0]  }
0x3ca: {  	s7 =	sadd.s32 s8, s0;
	s0 =	smov.u32 s30;
	v21 =	vld [tilespmem:s5+$0x15180]  }
0x3cb: {  	s7 =	sshra.s32 s7, $0x2;
	v14 =	vadd.f32 v14, v16;
	v15 =	vadd.f32 v15, v17;
	v16 =	vld [tilespmem:s6+$0x111B0]  }
0x3cc: {  	v17 =	vld [tilespmem:s7+$0x19180];
	v13 =	vadd.f32 v13, v18  }
0x3cd: {  	v11 =	vadd.f32 v11, v14;
	v12 =	vadd.f32 v12, v15;
	v14 =	vld [tilespmem:s20+$0x11A0]  }
0x3ce: {  	v10 =	vadd.f32 v10, v13;
	v13 =	vadd.f32 v19, v20;
	v15 =	vld [tilespmem:s5+$0x151B0]  }
0x3cf: {  	v1 =	vmul.f32 v1, v6;
	v9 =	vadd.f32 v9, v11;
	v12 =	vadd.f32 v21, v12;
	v11 =	vld [tilespmem:s21+$0x11B0]  }
0x3d0: {  	v3 =	vmul.f32 v3, v7;
	v8 =	vadd.f32 v8, v10;
	v10 =	vadd.f32 v16, v13;
	v13 =	vld [tilespmem:s7+$0x191B0]  }
0x3d1: {  	v5 =	vadd.f32 v5, v9;
	v12 =	vadd.f32 v17, v12  }
0x3d2: {  	v1 =	vadd.f32 v1, v3;
	v3 =	vadd.f32 v4, v8;
	v0 =	vmul.f32 v0, v14  }
0x3d3: {  	v5 =	vmul.f32 v5, v6;
	v4 =	vmul.f32 v12, v7;
	v6 =	vadd.f32 v15, v10  }
0x3d4: {  	v0 =	vadd.f32 v0, v1;
	v1 =	vmul.f32 v2, v11  }
0x3d5: {  	v3 =	vmul.f32 v3, v14;
	v2 =	vadd.f32 v5, v4;
	v4 =	vadd.f32 v13, v6  }
0x3d6: {  	v0 =	vadd.f32 v1, v0  }
0x3d7: {  	v1 =	vadd.f32 v3, v2;
	v2 =	vmul.f32 v4, v11  }
0x3d8: {  	(xrf2) =	vadd.scan.msk.f32 $0xffff, v0  }
0x3d9: {  	v0 =	vadd.f32 v2, v1;
	_ =	sdelay $0x1  }
0x3da: {  	(xrf2) =	vadd.scan.msk.f32 $0xffff, v0;
	_ =	sdelay $0x3  }
0x3db: {  	s26 =	sadd.s32 $0x1, s26  }
0x3dc: {  	v0 =	vmov s26;
	_ =	sdelay $0x1  }
0x3dd: {  	v1, _, _ =	vpop (xrf2);
	_ =	sdelay $0x2  }
0x3de: {  	[tilespmem:v0+s23+$0x0] =	vst.idx.msk vm0, v1;
	v1, _, _ =	vpop (xrf2)  }
0x3df: {  	s1 =	sadd.s32 $0x1, s1;
	[tilespmem:v0+s24+$0x0] =	vst.idx.msk vm0, v1  }
0x3e0: {  	v0 =	vld [tilespmem:s1+$0x0];
	_ =	sdelay $0x1  }
0x3e1: {  	s16 =	sadd.s32 $0x1, s16  }
0x3e2: {  	v1 =	vld [tilespmem:s16+$0x0]  }
0x3e3: {  	s17 =	sadd.s32 $0x1, s17  }
0x3e4: {  	v2 =	vld [tilespmem:s17+$0x0];
	(v2sf) =	vpush v0, $0x0  }
0x3e5: {  	s18 =	sadd.s32 $0x1, s18  }
0x3e6: {  	v0 =	vld [tilespmem:s18+$0x0]  }
0x3e7: {  	s19 =	sadd.s32 $0x1, s19;
	(v2sf) =	vpush v1, $0x0  }
0x3e8: {  	v1 =	vld [tilespmem:s19+$0x0]  }
0x3e9: {  	(v2sf) =	vpush v2, $0x0  }
.Ltmp4:
0x3ea: {  	(pc) =	sbr.rel @p0 .LBB2_10-.Ltmp4, $4  }
0x3eb: {  	s28 =	sadd.s32 $0x1, s28;
	(v2sf) =	vpush v0, $0x0  }
0x3ec: {  	v0 =	vld [tilespmem:s28+$0x0]  }
0x3ed: {  	s29 =	sadd.s32 $0x1, s29;
	(v2sf) =	vpush v1, $0x0  }
0x3ee: {  	s30 =	sadd.s32 $0x200, s30;
	v1 =	vld [tilespmem:s29+$0x0]  }
0x3ef: {  	_ =	sdelay $0x1  }
0x3f0: {  	(v2sf) =	vpush v0, $0x0;
	_ =	sdelay $0x1  }
0x3f1: {  	(v2sf) =	vpush v1, $0x0;
	s1 =	spop (v2sf)  }
0x3f2: {  	p0 =	sgt.s32 s1, $0x7A47F;
	s1 =	simm.s32 $0x40  }
0x3f3: {  	s1 =	simm.s32 @!p0 $0x0  }
0x3f4: {  	s6 =	sshra.s32 s0, $0x2;
	s7 =	sshll.u32 s1, $0x2;
	s5 =	spop (v2sf)  }
0x3f5: {  	s1 =	sadd.s32 s6, s1;
	p0 =	sgt.s32 s5, $0x7A47F;
	s5 =	simm.s32 $0x40  }
0x3f6: {  	s7 =	sadd.s32 s7, s0;
	v35 =	vld [tilespmem:s1+$0x51A0];
	s5 =	simm.s32 @!p0 $0x0;
	s8 =	spop (v2sf)  }
0x3f7: {  	v36 =	vld [tilespmem:s1+$0x5190];
	s7 =	sshra.s32 s7, $0x2;
	p0 =	sgt.s32 s8, $0x7A47F;
	s8 =	simm.s32 $0x40  }
0x3f8: {  	s16 =	sadd.s32 s6, s5;
	v2 =	vld [tilespmem:s7+$0x51B0];
	s8 =	simm.s32 @!p0 $0x0;
	s9 =	spop (v2sf)  }
0x3f9: {  	v3 =	vld [tilespmem:s7+$0x5180];
	s17 =	sadd.s32 $0x19180, s16;
	p0 =	sgt.s32 s9, $0x7A47F;
	s9 =	simm.s32 $0x40  }
0x3fa: {  	s1 =	sadd.s32 s6, s8;
	v4 =	vld [tilespmem:s17+$0x20];
	s9 =	simm.s32 @!p0 $0x0;
	s10 =	spop (v2sf)  }
0x3fb: {  	v5 =	vld [tilespmem:s17+$0x10];
	p0 =	sgt.s32 s10, $0x7A47F;
	s18 =	sadd.s32 s6, s9;
	s10 =	simm.s32 $0x40  }
0x3fc: {  	v6 =	vld [tilespmem:s1+$0x1190];
	s10 =	simm.s32 @!p0 $0x0;
	s7 =	sadd.s32 $0x15180, s18  }
0x3fd: {  	s11 =	sadd.s32 s6, s10;
	v7 =	vld [tilespmem:s7+$0x20];
	s10 =	sshll.u32 s10, $0x2  }
0x3fe: {  	v8 =	vld [tilespmem:s7+$0x10];
	s16 =	spop (v2sf);
	s11 =	sadd.s32 $0x11180, s11;
	s19 =	sadd.s32 s10, s0  }
0x3ff: {  	s10 =	simm.s32 $0x40;
	p0 =	sgt.s32 s16, $0x7A47F;
	v9 =	vld [tilespmem:s11+$0x20];
	s7 =	sshra.s32 s19, $0x2  }
0x400: {  	v10 =	vld [tilespmem:s11+$0x10];
	s16 =	simm.s32 $0x40;
	s20 =	spop (v2sf);
	s10 =	simm.s32 @!p0 $0x0  }
0x401: {  	v11 =	vld [tilespmem:s7+$0x11180];
	p0 =	sgt.s32 s20, $0x7A47F;
	s21 =	sshll.u32 s10, $0x2;
	s10 =	sadd.s32 s6, s10  }
0x402: {  	s16 =	simm.s32 @!p0 $0x0;
	s11 =	sadd.s32 s21, s0;
	v12 =	vld [tilespmem:s10+$0xD1A0]  }
0x403: {  	v13 =	vld [tilespmem:s10+$0xD190];
	s17 =	sshll.u32 s16, $0x2;
	s11 =	sshra.s32 s11, $0x2  }
0x404: {  	s6 =	sadd.s32 s6, s16;
	s31 =	sadd.s32 s17, s0;
	v14 =	vld [tilespmem:s11+$0xD180]  }
0x405: {  	v15 =	vld [tilespmem:s6+$0x9190];
	s10 =	sshra.s32 s31, $0x2  }
0x406: {  	v16 =	vld [tilespmem:s10+$0x9180]  }
0x407: {  	s9 =	sshll.u32 s9, $0x2;
	v17 =	vld [tilespmem:s6+$0x91A0]  }
0x408: {  	s9 =	sadd.s32 s9, s0;
	v18 =	vld [tilespmem:s11+$0xD1B0]  }
0x409: {  	s5 =	sshll.u32 s5, $0x2;
	s6 =	sshra.s32 s9, $0x2;
	v19 =	vld [tilespmem:s10+$0x91B0]  }
0x40a: {  	s5 =	sadd.s32 s5, s0;
	s8 =	sshll.u32 s8, $0x2;
	v20 =	vld [tilespmem:s6+$0x15180]  }
0x40b: {  	s5 =	sshra.s32 s5, $0x2;
	v37 =	vld [tilespmem:s7+$0x111B0];
	s10 =	sadd.s32 s8, s0;
	v13 =	vadd.f32 v13, v15;
	v14 =	vadd.f32 v14, v16  }
0x40c: {  	v38 =	vld [tilespmem:s5+$0x19180];
	s0 =	sshra.s32 s10, $0x2;
	v12 =	vadd.f32 v12, v17  }
0x40d: {  	v39 =	vld [tilespmem:s0+$0x1180];
	v10 =	vadd.f32 v10, v13;
	v11 =	vadd.f32 v11, v14  }
0x40e: {  	v41 =	vld [tilespmem:s6+$0x151B0];
	v9 =	vadd.f32 v9, v12;
	v40 =	vadd.f32 v18, v19  }
0x40f: {  	v42 =	vld [tilespmem:s1+$0x11A0];
	v8 =	vadd.f32 v8, v10;
	v11 =	vadd.f32 v20, v11  }
0x410: {  	v44 =	vld [tilespmem:s5+$0x191B0];
	v7 =	vadd.f32 v7, v9;
	v43 =	vadd.f32 v37, v40  }
0x411: {  	v45 =	vld [tilespmem:s0+$0x11B0];
	v5 =	vadd.f32 v5, v8;
	v11 =	vadd.f32 v38, v11  }
0x412: {  	v1 =	vmul.f32 v36, v6;
	v3 =	vmul.f32 v3, v39;
	v4 =	vadd.f32 v4, v7  }
0x413: {  	v47 =	vadd.f32 v41, v43;
	v5 =	vmul.f32 v5, v6;
	v46 =	vmul.f32 v11, v39  }
0x414: {  	v0 =	vmul.f32 v35, v42;
	v1 =	vadd.f32 v1, v3  }
0x415: {  	v4 =	vmul.f32 v4, v42;
	v49 =	vadd.f32 v44, v47;
	v48 =	vadd.f32 v5, v46  }
0x416: {  	v50 =	vmul.f32 v2, v45;
	v0 =	vadd.f32 v0, v1  }
0x417: {  	v52 =	vmul.f32 v49, v45;
	v51 =	vadd.f32 v4, v48  }
0x418: {  	v0 =	vadd.f32 v50, v0  }
0x419: {  	v53 =	vadd.f32 v52, v51  }
0x41a: {  	(xrf2) =	vadd.scan.msk.f32 $0xffff, v0  }
0x41b: {  	(xrf2) =	vadd.scan.msk.f32 $0xffff, v53;
	_ =	sdelay $0x3  }
0x41c: {  	s11 =	sadd.s32 $0x1, s26  }
0x41d: {  	v54 =	vmov s11;
	_ =	sdelay $0x3  }
0x41e: {  	v55, _, _ =	vpop (xrf2)  }
0x41f: {  	[tilespmem:v54+s23+$0x0] =	vst.idx.msk vm0, v55;
	v56, _, _ =	vpop (xrf2)  }
0x420: {  	[tilespmem:v54+s24+$0x0] =	vst.idx.msk vm0, v56  }
0x421: {  	_ =	swait.ge [sflag:s22], $0x4000  }
0x422: {  	[sflag:s22] =	ssyncset.done $0x0  }
0x423: {  	[sflag:s22] =	ssyncadd.s32 $0xFFFFC000  }
0x424: {  	_ =	swait.ge [sflag:s22], $0x4000  }
0x425: {  	[sflag:s22] =	ssyncset.done $0x0  }
0x426: {  	[sflag:s22] =	ssyncadd.s32 $0xFFFFC000  }
0x427: {  	_ =	swait.ge [sflag:s22], $0x4000  }
0x428: {  	[sflag:s22] =	ssyncset.done $0x0  }
0x429: {  	[sflag:s22] =	ssyncadd.s32 $0xFFFFC000  }
0x42a: {  	_ =	swait.ge [sflag:s22], $0x4000  }
0x42b: {  	[sflag:s22] =	ssyncset.done $0x0  }
0x42c: {  	[sflag:s22] =	ssyncadd.s32 $0xFFFFC000  }
0x42d: {  	_ =	swait.ge [sflag:s22], $0x4000  }
0x42e: {  	[sflag:s22] =	ssyncset.done $0x0  }
0x42f: {  	[sflag:s22] =	ssyncadd.s32 $0xFFFFC000  }
0x430: {  	_ =	swait.ge [sflag:s22], $0x4000  }
0x431: {  	[sflag:s22] =	ssyncset.done $0x0  }
0x432: {  	[sflag:s22] =	ssyncadd.s32 $0xFFFFC000  }
0x433: {  	_ =	swait.ge [sflag:s22], $0x4000  }
0x434: {  	[sflag:s22] =	ssyncset.done $0x0  }
0x435: {  	s16 =	simm.s32 $0x180;
	[sflag:s22] =	ssyncadd.s32 $0xFFFFC000  }
0x436: {  	v57 =	vld [tilespmem:s16+$0x0];
	_ =	sdelay $0x4  }
0x437: {  	(v2sf) =	vpush v57, $0x0;
	_ =	sdelay $0xe  }
0x438: {  	s17 =	spop (v2sf)  }
0x439: {  	s1 =	simm.s32 $0x0;
	p0 =	slt.s32 s17, $0x7A480  }
0x43a: {  	s1 =	simm.s32 @!p0 $0x1F85B80  }
0x43b: {  	s1 =	sadd.s32 s17, s1  }
0x43c: {  	s0 =	sshll.u32 s17, $0x7;
	s1 =	sshll.u32 s1, $0x7  }
0x43d: {  	s0 =	sand.u32 $0x380, s0;
	s1 =	sand.u32 $0xFFFFFC00, s1  }
0x43e: {  	s0 =	sor.u32 s0, s1  }
0x43f: {  	s18 =	simm.s32 $0x400;
	s0 =	sshrl.u32 s0, $0x3  }
0x440: {  	s19 =	simm.s32 $0x1180;
	s26 =	simm.s32 $0x0;
	s0 =	sadd.s32 s3, s0  }
0x441: {  	[tilespmem:s19], [sflag:$0x1] =	stream.linear.gather [hbm4b:s0+s26], $0x80, $0x38;
	[tilespmem:$0x1D580] =	vst v63  }
0x442: {  	v58 =	vld [tilespmem:s18+$0x0];
	_ =	sdelay $0x4  }
0x443: {  	(v2sf) =	vpush v58, $0x0;
	_ =	sdelay $0xe  }
0x444: {  	s20 =	spop (v2sf)  }
0x445: {  	s1 =	simm.s32 $0x0;
	p0 =	slt.s32 s20, $0x7A480  }
0x446: {  	s1 =	simm.s32 @!p0 $0x1F85B80  }
0x447: {  	s1 =	sadd.s32 s20, s1  }
0x448: {  	s0 =	sshll.u32 s20, $0x7;
	s1 =	sshll.u32 s1, $0x7  }
0x449: {  	s0 =	sand.u32 $0x380, s0;
	s1 =	sand.u32 $0xFFFFFC00, s1  }
0x44a: {  	s0 =	sor.u32 s0, s1  }
0x44b: {  	s0 =	sshrl.u32 s0, $0x3  }
0x44c: {  	s21 =	simm.s32 $0x680;
	s31 =	simm.s32 $0x5180;
	s0 =	sadd.s32 s4, s0  }
0x44d: {  	[tilespmem:s31], [sflag:$0x1] =	stream.linear.gather [hbm4b:s0+s26], $0x80, $0x38;
	[tilespmem:$0x1D580] =	vst v63  }
0x44e: {  	v59 =	vld [tilespmem:s21+$0x0];
	_ =	sdelay $0x4  }
0x44f: {  	(v2sf) =	vpush v59, $0x0;
	_ =	sdelay $0xe  }
0x450: {  	s5 =	spop (v2sf)  }
0x451: {  	s1 =	simm.s32 $0x0;
	p0 =	slt.s32 s5, $0x7A480  }
0x452: {  	s1 =	simm.s32 @!p0 $0x1F85B80  }
0x453: {  	s1 =	sadd.s32 s5, s1  }
0x454: {  	s0 =	sshll.u32 s5, $0x7;
	s1 =	sshll.u32 s1, $0x7  }
0x455: {  	s0 =	sand.u32 $0x380, s0;
	s1 =	sand.u32 $0xFFFFFC00, s1  }
0x456: {  	s0 =	sor.u32 s0, s1  }
0x457: {  	s0 =	sshrl.u32 s0, $0x3  }
0x458: {  	s7 =	simm.s32 $0x9180;
	s6 =	simm.s32 $0x900;
	s0 =	sadd.s32 s4, s0  }
0x459: {  	[tilespmem:s7], [sflag:$0x1] =	stream.linear.gather [hbm4b:s0+s26], $0x80, $0x38;
	[tilespmem:$0x1D580] =	vst v63  }
0x45a: {  	v60 =	vld [tilespmem:s6+$0x0];
	_ =	sdelay $0x4  }
0x45b: {  	(v2sf) =	vpush v60, $0x0;
	_ =	sdelay $0xe  }
0x45c: {  	s8 =	spop (v2sf)  }
0x45d: {  	s1 =	simm.s32 $0x0;
	p0 =	slt.s32 s8, $0x7A480  }
0x45e: {  	s1 =	simm.s32 @!p0 $0x1F85B80  }
0x45f: {  	s1 =	sadd.s32 s8, s1  }
0x460: {  	s0 =	sshll.u32 s8, $0x7;
	s1 =	sshll.u32 s1, $0x7  }
0x461: {  	s0 =	sand.u32 $0x380, s0;
	s1 =	sand.u32 $0xFFFFFC00, s1  }
0x462: {  	s0 =	sor.u32 s0, s1  }
0x463: {  	s0 =	sshrl.u32 s0, $0x3  }
0x464: {  	s9 =	simm.s32 $0xB80;
	s10 =	simm.s32 $0xD180;
	s0 =	sadd.s32 s4, s0  }
0x465: {  	[tilespmem:s10], [sflag:$0x1] =	stream.linear.gather [hbm4b:s0+s26], $0x80, $0x38;
	[tilespmem:$0x1D580] =	vst v63  }
0x466: {  	v61 =	vld [tilespmem:s9+$0x0];
	_ =	sdelay $0x4  }
0x467: {  	(v2sf) =	vpush v61, $0x0;
	_ =	sdelay $0xe  }
0x468: {  	s11 =	spop (v2sf)  }
0x469: {  	s1 =	simm.s32 $0x0;
	p0 =	slt.s32 s11, $0x7A480  }
0x46a: {  	s1 =	simm.s32 @!p0 $0x1F85B80  }
0x46b: {  	s1 =	sadd.s32 s11, s1  }
0x46c: {  	s0 =	sshll.u32 s11, $0x7;
	s1 =	sshll.u32 s1, $0x7  }
0x46d: {  	s0 =	sand.u32 $0x380, s0;
	s1 =	sand.u32 $0xFFFFFC00, s1  }
0x46e: {  	s0 =	sor.u32 s0, s1  }
0x46f: {  	s0 =	sshrl.u32 s0, $0x3  }
0x470: {  	s16 =	simm.s32 $0xE00;
	s17 =	simm.s32 $0x11180;
	s0 =	sadd.s32 s4, s0  }
0x471: {  	[tilespmem:s17], [sflag:$0x1] =	stream.linear.gather [hbm4b:s0+s26], $0x80, $0x38;
	[tilespmem:$0x1D580] =	vst v63  }
0x472: {  	v62 =	vld [tilespmem:s16+$0x0];
	_ =	sdelay $0x4  }
0x473: {  	(v2sf) =	vpush v62, $0x0;
	_ =	sdelay $0xe  }
0x474: {  	s18 =	spop (v2sf)  }
0x475: {  	s1 =	simm.s32 $0x0;
	p0 =	slt.s32 s18, $0x7A480  }
0x476: {  	s1 =	simm.s32 @!p0 $0x1F85B80  }
0x477: {  	s1 =	sadd.s32 s18, s1  }
0x478: {  	s0 =	sshll.u32 s18, $0x7;
	s1 =	sshll.u32 s1, $0x7  }
0x479: {  	s0 =	sand.u32 $0x380, s0;
	s1 =	sand.u32 $0xFFFFFC00, s1  }
0x47a: {  	s0 =	sor.u32 s0, s1  }
0x47b: {  	s0 =	sshrl.u32 s0, $0x3  }
0x47c: {  	s19 =	simm.s32 $0x1080;
	s20 =	simm.s32 $0x15180;
	s0 =	sadd.s32 s4, s0  }
0x47d: {  	[tilespmem:s20], [sflag:$0x1] =	stream.linear.gather [hbm4b:s0+s26], $0x80, $0x38;
	[tilespmem:$0x1D580] =	vst v63  }
0x47e: {  	v63 =	vld [tilespmem:s19+$0x0];
	_ =	sdelay $0x4  }
0x47f: {  	(v2sf) =	vpush v63, $0x0;
	_ =	sdelay $0xe  }
0x480: {  	s21 =	spop (v2sf)  }
0x481: {  	s5 =	simm.s32 $0x0;
	p0 =	slt.s32 s21, $0x7A480  }
0x482: {  	s5 =	simm.s32 @!p0 $0x1F85B80  }
0x483: {  	s28 =	simm.s32 $0x401;
	s5 =	sadd.s32 s21, s5  }
0x484: {  	s29 =	simm.s32 $0x681;
	s31 =	sshll.u32 s21, $0x7;
	s5 =	sshll.u32 s5, $0x7  }
0x485: {  	s30 =	simm.s32 $0x181;
	s6 =	sand.u32 $0x380, s31;
	s5 =	sand.u32 $0xFFFFFC00, s5  }
0x486: {  	s17 =	simm.s32 $0x901;
	s16 =	simm.s32 $0xE01;
	s5 =	sor.u32 s6, s5  }
0x487: {  	s18 =	simm.s32 $0xB81;
	s1 =	simm.s32 $0x1081;
	s6 =	sshrl.u32 s5, $0x3  }
0x488: {  	s0 =	simm.s32 $0x200;
	s5 =	simm.s32 $0x19180;
	s19 =	sadd.s32 s4, s6  }
.LBB2_12:
0x489: {  	[tilespmem:s5], [sflag:$0x1] =	stream.linear.gather [hbm4b:s19+s26], $0x80, $0x38;
	[tilespmem:$0x1D580] =	vst v63  }
0x48a: {  	p0 =	sne.s32 s0, $0xFE00;
	s5 =	smov.u32 s0;
	s0 =	sadd.s32 $0x200, s0;
	v0 =	vld [tilespmem:s30+$0x0]  }
0x48b: {  	_ =	sdelay $0x3  }
0x48c: {  	(v2sf) =	vpush v0, $0x0;
	_ =	sdelay $0xe  }
0x48d: {  	s6 =	spop (v2sf)  }
0x48e: {  	s8 =	simm.s32 $0x0;
	p1 =	slt.s32 s6, $0x7A480;
	s7 =	sshll.u32 s6, $0x7  }
0x48f: {  	s8 =	simm.s32 @!p1 $0x1F85B80  }
0x490: {  	s6 =	sadd.s32 s6, s8  }
0x491: {  	s6 =	sshll.u32 s6, $0x7  }
0x492: {  	s7 =	sand.u32 $0x380, s7;
	s6 =	sand.u32 $0xFFFFFC00, s6  }
0x493: {  	s6 =	sor.u32 s7, s6  }
0x494: {  	s31 =	sshra.s32 s5, $0x2;
	s5 =	sshrl.u32 s6, $0x3  }
0x495: {  	s6 =	sadd.s32 $0x1180, s31;
	s5 =	sadd.s32 s3, s5  }
0x496: {  	[tilespmem:s6], [sflag:$0x1] =	stream.linear.gather [hbm4b:s5+s26], $0x80, $0x38;
	[tilespmem:$0x1D580] =	vst v63  }
0x497: {  	v0 =	vld [tilespmem:s28+$0x0];
	_ =	sdelay $0x4  }
0x498: {  	(v2sf) =	vpush v0, $0x0;
	_ =	sdelay $0xe  }
0x499: {  	s5 =	spop (v2sf)  }
0x49a: {  	s7 =	simm.s32 $0x0;
	p1 =	slt.s32 s5, $0x7A480;
	s6 =	sshll.u32 s5, $0x7  }
0x49b: {  	s7 =	simm.s32 @!p1 $0x1F85B80  }
0x49c: {  	s5 =	sadd.s32 s5, s7  }
0x49d: {  	s5 =	sshll.u32 s5, $0x7  }
0x49e: {  	s6 =	sand.u32 $0x380, s6;
	s5 =	sand.u32 $0xFFFFFC00, s5  }
0x49f: {  	s5 =	sor.u32 s6, s5  }
0x4a0: {  	s5 =	sshrl.u32 s5, $0x3  }
0x4a1: {  	s6 =	sadd.s32 $0x5180, s31;
	s5 =	sadd.s32 s4, s5  }
0x4a2: {  	[tilespmem:s6], [sflag:$0x1] =	stream.linear.gather [hbm4b:s5+s26], $0x80, $0x38;
	[tilespmem:$0x1D580] =	vst v63  }
0x4a3: {  	v0 =	vld [tilespmem:s29+$0x0];
	_ =	sdelay $0x4  }
0x4a4: {  	(v2sf) =	vpush v0, $0x0;
	_ =	sdelay $0xe  }
0x4a5: {  	s5 =	spop (v2sf)  }
0x4a6: {  	s7 =	simm.s32 $0x0;
	p1 =	slt.s32 s5, $0x7A480;
	s6 =	sshll.u32 s5, $0x7  }
0x4a7: {  	s7 =	simm.s32 @!p1 $0x1F85B80  }
0x4a8: {  	s5 =	sadd.s32 s5, s7  }
0x4a9: {  	s5 =	sshll.u32 s5, $0x7  }
0x4aa: {  	s6 =	sand.u32 $0x380, s6;
	s5 =	sand.u32 $0xFFFFFC00, s5  }
0x4ab: {  	s5 =	sor.u32 s6, s5  }
0x4ac: {  	s5 =	sshrl.u32 s5, $0x3  }
0x4ad: {  	s6 =	sadd.s32 $0x9180, s31;
	s5 =	sadd.s32 s4, s5  }
0x4ae: {  	[tilespmem:s6], [sflag:$0x1] =	stream.linear.gather [hbm4b:s5+s26], $0x80, $0x38;
	[tilespmem:$0x1D580] =	vst v63  }
0x4af: {  	v0 =	vld [tilespmem:s17+$0x0];
	_ =	sdelay $0x4  }
0x4b0: {  	(v2sf) =	vpush v0, $0x0;
	_ =	sdelay $0xe  }
0x4b1: {  	s5 =	spop (v2sf)  }
0x4b2: {  	s7 =	simm.s32 $0x0;
	p1 =	slt.s32 s5, $0x7A480;
	s6 =	sshll.u32 s5, $0x7  }
0x4b3: {  	s7 =	simm.s32 @!p1 $0x1F85B80  }
0x4b4: {  	s5 =	sadd.s32 s5, s7  }
0x4b5: {  	s5 =	sshll.u32 s5, $0x7  }
0x4b6: {  	s6 =	sand.u32 $0x380, s6;
	s5 =	sand.u32 $0xFFFFFC00, s5  }
0x4b7: {  	s5 =	sor.u32 s6, s5  }
0x4b8: {  	s5 =	sshrl.u32 s5, $0x3  }
0x4b9: {  	s6 =	sadd.s32 $0xD180, s31;
	s5 =	sadd.s32 s4, s5  }
0x4ba: {  	[tilespmem:s6], [sflag:$0x1] =	stream.linear.gather [hbm4b:s5+s26], $0x80, $0x38;
	[tilespmem:$0x1D580] =	vst v63  }
0x4bb: {  	v0 =	vld [tilespmem:s18+$0x0];
	_ =	sdelay $0x4  }
0x4bc: {  	(v2sf) =	vpush v0, $0x0;
	_ =	sdelay $0xe  }
0x4bd: {  	s5 =	spop (v2sf)  }
0x4be: {  	s7 =	simm.s32 $0x0;
	p1 =	slt.s32 s5, $0x7A480;
	s6 =	sshll.u32 s5, $0x7  }
0x4bf: {  	s7 =	simm.s32 @!p1 $0x1F85B80  }
0x4c0: {  	s5 =	sadd.s32 s5, s7  }
0x4c1: {  	s5 =	sshll.u32 s5, $0x7  }
0x4c2: {  	s6 =	sand.u32 $0x380, s6;
	s5 =	sand.u32 $0xFFFFFC00, s5  }
0x4c3: {  	s5 =	sor.u32 s6, s5  }
0x4c4: {  	s5 =	sshrl.u32 s5, $0x3  }
0x4c5: {  	s6 =	sadd.s32 $0x11180, s31;
	s5 =	sadd.s32 s4, s5  }
0x4c6: {  	[tilespmem:s6], [sflag:$0x1] =	stream.linear.gather [hbm4b:s5+s26], $0x80, $0x38;
	[tilespmem:$0x1D580] =	vst v63  }
0x4c7: {  	v0 =	vld [tilespmem:s16+$0x0];
	_ =	sdelay $0x4  }
0x4c8: {  	(v2sf) =	vpush v0, $0x0;
	_ =	sdelay $0xe  }
0x4c9: {  	s5 =	spop (v2sf)  }
0x4ca: {  	s7 =	simm.s32 $0x0;
	p1 =	slt.s32 s5, $0x7A480;
	s6 =	sshll.u32 s5, $0x7  }
0x4cb: {  	s7 =	simm.s32 @!p1 $0x1F85B80  }
0x4cc: {  	s5 =	sadd.s32 s5, s7  }
0x4cd: {  	s5 =	sshll.u32 s5, $0x7  }
0x4ce: {  	s6 =	sand.u32 $0x380, s6;
	s5 =	sand.u32 $0xFFFFFC00, s5  }
0x4cf: {  	s5 =	sor.u32 s6, s5  }
0x4d0: {  	s5 =	sshrl.u32 s5, $0x3  }
0x4d1: {  	s6 =	sadd.s32 $0x15180, s31;
	s5 =	sadd.s32 s4, s5  }
0x4d2: {  	[tilespmem:s6], [sflag:$0x1] =	stream.linear.gather [hbm4b:s5+s26], $0x80, $0x38;
	[tilespmem:$0x1D580] =	vst v63  }
0x4d3: {  	v0 =	vld [tilespmem:s1+$0x0];
	_ =	sdelay $0x4  }
0x4d4: {  	(v2sf) =	vpush v0, $0x0;
	_ =	sdelay $0xe  }
0x4d5: {  	s5 =	spop (v2sf)  }
0x4d6: {  	s7 =	simm.s32 $0x0;
	p1 =	slt.s32 s5, $0x7A480;
	s6 =	sshll.u32 s5, $0x7  }
0x4d7: {  	s7 =	simm.s32 @!p1 $0x1F85B80  }
0x4d8: {  	s5 =	sadd.s32 s5, s7  }
.Ltmp5:
0x4d9: {  	s1 =	sadd.s32 $0x1, s1;
	s5 =	sshll.u32 s5, $0x7;
	(pc) =	sbr.rel @p0 .LBB2_12-.Ltmp5, $4  }
0x4da: {  	s16 =	sadd.s32 $0x1, s16;
	s6 =	sand.u32 $0x380, s6;
	s5 =	sand.u32 $0xFFFFFC00, s5  }
0x4db: {  	s17 =	sadd.s32 $0x1, s17;
	s18 =	sadd.s32 $0x1, s18;
	s5 =	sor.u32 s6, s5  }
0x4dc: {  	s28 =	sadd.s32 $0x1, s28;
	s29 =	sadd.s32 $0x1, s29;
	s6 =	sshrl.u32 s5, $0x3  }
0x4dd: {  	s30 =	sadd.s32 $0x1, s30;
	s5 =	sadd.s32 $0x19180, s31;
	s19 =	sadd.s32 s4, s6  }
0x4de: {  	[tilespmem:s5], [sflag:$0x1] =	stream.linear.gather [hbm4b:s19+s26], $0x80, $0x38;
	[tilespmem:$0x1D580] =	vst v63  }
0x4df: {  	s0 =	simm.s32 $0x380  }
0x4e0: {  	s31 =	simm.s32 $0x1000;
	v0 =	vld [tilespmem:s0+$0x0]  }
0x4e1: {  	v1 =	vld [tilespmem:s31+$0x0];
	_ =	sdelay $0x1  }
0x4e2: {  	s26 =	simm.s32 $0x100  }
0x4e3: {  	v2 =	vld [tilespmem:s26+$0x0]  }
0x4e4: {  	s1 =	simm.s32 $0xD80;
	(v2sf) =	vpush v0, $0x0  }
0x4e5: {  	v0 =	vld [tilespmem:s1+$0x0];
	(v2sf) =	vpush v1, $0x0  }
0x4e6: {  	s5 =	simm.s32 $0xB00  }
0x4e7: {  	v1 =	vld [tilespmem:s5+$0x0]  }
0x4e8: {  	(v2sf) =	vpush v2, $0x0;
	_ =	sdelay $0x1  }
0x4e9: {  	s6 =	simm.s32 $0x880;
	(v2sf) =	vpush v0, $0x0  }
0x4ea: {  	s7 =	simm.s32 $0x600;
	v0 =	vld [tilespmem:s6+$0x0]  }
0x4eb: {  	(v2sf) =	vpush v1, $0x0;
	v1 =	vld [tilespmem:s7+$0x0];
	_ =	sdelay $0x3  }
0x4ec: {  	(v2sf) =	vpush v0, $0x0  }
0x4ed: {  	(v2sf) =	vpush v1, $0x0;
	_ =	sdelay $0x1  }
0x4ee: {  	s8 =	spop (v2sf)  }
0x4ef: {  	s0 =	simm.s32 $0x40;
	p0 =	sgt.s32 s8, $0x7A47F;
	s1 =	spop (v2sf)  }
0x4f0: {  	s0 =	simm.s32 @!p0 $0x0;
	p0 =	sgt.s32 s1, $0x7A47F  }
0x4f1: {  	s1 =	simm.s32 $0x40;
	s9 =	sshll.u32 s0, $0x2;
	s0 =	sadd.s32 $0x0, s0  }
0x4f2: {  	s6 =	spop (v2sf);
	s1 =	simm.s32 @!p0 $0x0;
	s5 =	sadd.s32 $0x0, s9;
	v0 =	vld [tilespmem:s0+$0x51A0]  }
0x4f3: {  	p0 =	sgt.s32 s6, $0x7A47F;
	s6 =	simm.s32 $0x40;
	v1 =	vld [tilespmem:s0+$0x5190];
	s5 =	sshra.s32 s5, $0x2  }
0x4f4: {  	s10 =	sadd.s32 $0x0, s1;
	s6 =	simm.s32 @!p0 $0x0;
	s7 =	spop (v2sf);
	v2 =	vld [tilespmem:s5+$0x51B0]  }
0x4f5: {  	s11 =	sadd.s32 $0x19180, s10;
	v3 =	vld [tilespmem:s5+$0x5180];
	p0 =	sgt.s32 s7, $0x7A47F;
	s7 =	simm.s32 $0x40  }
0x4f6: {  	s16 =	sadd.s32 $0x0, s6;
	v4 =	vld [tilespmem:s11+$0x20];
	s8 =	spop (v2sf);
	s7 =	simm.s32 @!p0 $0x0  }
0x4f7: {  	v5 =	vld [tilespmem:s11+$0x10];
	p0 =	sgt.s32 s8, $0x7A47F;
	s8 =	simm.s32 $0x40;
	s17 =	sadd.s32 $0x0, s7  }
0x4f8: {  	v6 =	vld [tilespmem:s16+$0x1190];
	s8 =	simm.s32 @!p0 $0x0;
	s5 =	sadd.s32 $0x15180, s17  }
0x4f9: {  	s9 =	sadd.s32 $0x0, s8;
	s8 =	sshll.u32 s8, $0x2;
	v7 =	vld [tilespmem:s5+$0x20]  }
0x4fa: {  	s10 =	spop (v2sf);
	s9 =	sadd.s32 $0x11180, s9;
	v8 =	vld [tilespmem:s5+$0x10];
	s18 =	sadd.s32 $0x0, s8  }
0x4fb: {  	s8 =	simm.s32 $0x40;
	p0 =	sgt.s32 s10, $0x7A47F;
	v9 =	vld [tilespmem:s9+$0x20];
	s19 =	spop (v2sf)  }
0x4fc: {  	s5 =	sshra.s32 s18, $0x2;
	v10 =	vld [tilespmem:s9+$0x10];
	s10 =	simm.s32 $0x40;
	s8 =	simm.s32 @!p0 $0x0  }
0x4fd: {  	p0 =	sgt.s32 s19, $0x7A47F;
	v11 =	vld [tilespmem:s5+$0x11180];
	s20 =	sshll.u32 s8, $0x2;
	s8 =	sadd.s32 $0x0, s8  }
0x4fe: {  	s10 =	simm.s32 @!p0 $0x0;
	v12 =	vld [tilespmem:s8+$0xD1A0]  }
0x4ff: {  	s9 =	sadd.s32 $0x0, s20;
	s11 =	sshll.u32 s10, $0x2;
	v13 =	vld [tilespmem:s8+$0xD190];
	s10 =	sadd.s32 $0x0, s10  }
0x500: {  	s9 =	sshra.s32 s9, $0x2;
	s21 =	sadd.s32 $0x0, s11;
	v15 =	vld [tilespmem:s10+$0x9190]  }
0x501: {  	v14 =	vld [tilespmem:s9+$0xD180];
	s8 =	sshra.s32 s21, $0x2  }
0x502: {  	v16 =	vld [tilespmem:s8+$0x9180]  }
0x503: {  	s7 =	sshll.u32 s7, $0x2;
	v17 =	vld [tilespmem:s10+$0x91A0]  }
0x504: {  	s7 =	sadd.s32 $0x0, s7;
	v18 =	vld [tilespmem:s9+$0xD1B0]  }
0x505: {  	s1 =	sshll.u32 s1, $0x2;
	s7 =	sshra.s32 s7, $0x2;
	v19 =	vld [tilespmem:s8+$0x91B0]  }
0x506: {  	s6 =	sshll.u32 s6, $0x2;
	s1 =	sadd.s32 $0x0, s1;
	v20 =	vld [tilespmem:s7+$0x15180]  }
0x507: {  	s6 =	sadd.s32 $0x0, s6;
	s1 =	sshra.s32 s1, $0x2;
	v51 =	vld [tilespmem:s5+$0x111B0];
	v13 =	vadd.f32 v13, v15;
	v14 =	vadd.f32 v14, v16  }
0x508: {  	s31 =	sshra.s32 s6, $0x2;
	v52 =	vld [tilespmem:s1+$0x19180];
	v12 =	vadd.f32 v12, v17  }
0x509: {  	v53 =	vld [tilespmem:s31+$0x1180];
	v10 =	vadd.f32 v10, v13;
	v11 =	vadd.f32 v11, v14  }
0x50a: {  	v55 =	vld [tilespmem:s7+$0x151B0];
	v9 =	vadd.f32 v9, v12;
	v54 =	vadd.f32 v18, v19  }
0x50b: {  	v56 =	vld [tilespmem:s16+$0x11A0];
	v8 =	vadd.f32 v8, v10;
	v11 =	vadd.f32 v20, v11  }
0x50c: {  	v58 =	vld [tilespmem:s1+$0x191B0];
	v7 =	vadd.f32 v7, v9;
	v57 =	vadd.f32 v51, v54  }
0x50d: {  	v59 =	vld [tilespmem:s31+$0x11B0];
	v5 =	vadd.f32 v5, v8;
	v11 =	vadd.f32 v52, v11  }
0x50e: {  	v1 =	vmul.f32 v1, v6;
	v3 =	vmul.f32 v3, v53;
	v4 =	vadd.f32 v4, v7  }
0x50f: {  	v61 =	vadd.f32 v55, v57;
	v5 =	vmul.f32 v5, v6;
	v60 =	vmul.f32 v11, v53  }
0x510: {  	v0 =	vmul.f32 v0, v56;
	v1 =	vadd.f32 v1, v3  }
0x511: {  	v4 =	vmul.f32 v4, v56;
	v62 =	vadd.f32 v58, v61;
	v3 =	vadd.f32 v5, v60  }
0x512: {  	v0 =	vadd.f32 v0, v1;
	v1 =	vmul.f32 v2, v59  }
0x513: {  	v2 =	vadd.f32 v4, v3;
	v3 =	vmul.f32 v62, v59  }
0x514: {  	v0 =	vadd.f32 v1, v0  }
0x515: {  	v1 =	vadd.f32 v3, v2  }
0x516: {  	(xrf2) =	vadd.scan.msk.f32 $0xffff, v0  }
0x517: {  	(xrf2) =	vadd.scan.msk.f32 $0xffff, v1;
	_ =	sdelay $0x4  }
0x518: {  	v0 =	vmov s26;
	_ =	sdelay $0x3  }
0x519: {  	v1, _, _ =	vpop (xrf2)  }
0x51a: {  	[tilespmem:v0+s23+$0x0] =	vst.idx.msk vm0, v1;
	v1, _, _ =	vpop (xrf2)  }
0x51b: {  	s1 =	simm.s32 $0x381;
	[tilespmem:v0+s24+$0x0] =	vst.idx.msk vm0, v1  }
0x51c: {  	v0 =	vld [tilespmem:s1+$0x0];
	_ =	sdelay $0x1  }
0x51d: {  	s16 =	simm.s32 $0x1001  }
0x51e: {  	v1 =	vld [tilespmem:s16+$0x0]  }
0x51f: {  	s17 =	simm.s32 $0x101  }
0x520: {  	v2 =	vld [tilespmem:s17+$0x0];
	(v2sf) =	vpush v0, $0x0  }
0x521: {  	s18 =	simm.s32 $0xD81  }
0x522: {  	v3 =	vld [tilespmem:s18+$0x0]  }
0x523: {  	s19 =	simm.s32 $0xB01;
	(v2sf) =	vpush v1, $0x0  }
0x524: {  	v63 =	vld [tilespmem:s19+$0x0]  }
0x525: {  	(v2sf) =	vpush v2, $0x0;
	_ =	sdelay $0x1  }
0x526: {  	s28 =	simm.s32 $0x881;
	(v2sf) =	vpush v3, $0x0  }
0x527: {  	v0 =	vld [tilespmem:s28+$0x0]  }
0x528: {  	s29 =	simm.s32 $0x601;
	(v2sf) =	vpush v63, $0x0  }
0x529: {  	s30 =	simm.s32 $0x400;
	s0 =	simm.s32 $0x200;
	v1 =	vld [tilespmem:s29+$0x0]  }
.LBB2_14:
0x52a: {  	p0 =	sne.s32 s30, $0xFE00;
	_ =	sdelay $0x1  }
0x52b: {  	(v2sf) =	vpush v0, $0x0;
	_ =	sdelay $0x1  }
0x52c: {  	s5 =	spop (v2sf);
	(v2sf) =	vpush v1, $0x0  }
0x52d: {  	s6 =	simm.s32 $0x40;
	p1 =	sgt.s32 s5, $0x7A47F  }
0x52e: {  	s5 =	sshra.s32 s0, $0x2;
	s6 =	simm.s32 @!p1 $0x0  }
0x52f: {  	s7 =	sshll.u32 s6, $0x2;
	s6 =	sadd.s32 s5, s6;
	s8 =	spop (v2sf)  }
0x530: {  	s31 =	simm.s32 $0x40;
	p1 =	sgt.s32 s8, $0x7A47F;
	s7 =	sadd.s32 s7, s0;
	v0 =	vld [tilespmem:s6+$0x51A0]  }
0x531: {  	s31 =	simm.s32 @!p1 $0x0;
	s7 =	sshra.s32 s7, $0x2;
	v1 =	vld [tilespmem:s6+$0x5190];
	s6 =	spop (v2sf)  }
0x532: {  	s8 =	simm.s32 $0x40;
	p1 =	sgt.s32 s6, $0x7A47F;
	s6 =	sadd.s32 s5, s31;
	v2 =	vld [tilespmem:s7+$0x51B0]  }
0x533: {  	s8 =	simm.s32 @!p1 $0x0;
	v3 =	vld [tilespmem:s7+$0x5180];
	s6 =	sadd.s32 $0x19180, s6;
	s7 =	spop (v2sf)  }
0x534: {  	p1 =	sgt.s32 s7, $0x7A47F;
	s7 =	sshll.u32 s8, $0x2;
	s20 =	sadd.s32 s5, s8;
	v4 =	vld [tilespmem:s6+$0x20]  }
0x535: {  	s8 =	simm.s32 $0x40;
	v5 =	vld [tilespmem:s6+$0x10];
	s6 =	spop (v2sf)  }
0x536: {  	s8 =	simm.s32 @!p1 $0x0;
	s7 =	sadd.s32 s7, s0;
	p1 =	sgt.s32 s6, $0x7A47F  }
0x537: {  	s21 =	sshra.s32 s7, $0x2;
	v6 =	vld [tilespmem:s20+$0x1190];
	s6 =	sadd.s32 s5, s8;
	s7 =	simm.s32 $0x40  }
0x538: {  	s7 =	simm.s32 @!p1 $0x0;
	v7 =	vld [tilespmem:s21+$0x1180];
	s6 =	sadd.s32 $0x15180, s6  }
0x539: {  	s10 =	simm.s32 $0x40;
	s9 =	sadd.s32 s5, s7;
	v8 =	vld [tilespmem:s6+$0x20]  }
0x53a: {  	s7 =	sshll.u32 s7, $0x2;
	s9 =	sadd.s32 $0x11180, s9;
	v9 =	vld [tilespmem:s6+$0x10];
	s6 =	spop (v2sf)  }
0x53b: {  	p1 =	sgt.s32 s6, $0x7A47F;
	s6 =	sadd.s32 s7, s0;
	v10 =	vld [tilespmem:s9+$0x20];
	s7 =	simm.s32 $0x40  }
0x53c: {  	s7 =	simm.s32 @!p1 $0x0;
	s6 =	sshra.s32 s6, $0x2;
	v11 =	vld [tilespmem:s9+$0x10];
	s9 =	spop (v2sf)  }
0x53d: {  	p1 =	sgt.s32 s9, $0x7A47F;
	s9 =	sshll.u32 s7, $0x2;
	v12 =	vld [tilespmem:s6+$0x11180];
	s7 =	sadd.s32 s5, s7  }
0x53e: {  	s10 =	simm.s32 @!p1 $0x0;
	s9 =	sadd.s32 s9, s0;
	v13 =	vld [tilespmem:s7+$0xD1A0]  }
0x53f: {  	s11 =	sshll.u32 s10, $0x2;
	s9 =	sshra.s32 s9, $0x2;
	v14 =	vld [tilespmem:s7+$0xD190]  }
0x540: {  	s5 =	sadd.s32 s5, s10;
	s7 =	sadd.s32 s11, s0;
	v15 =	vld [tilespmem:s9+$0xD180]  }
0x541: {  	s7 =	sshra.s32 s7, $0x2;
	v16 =	vld [tilespmem:s5+$0x9190]  }
0x542: {  	v17 =	vld [tilespmem:s7+$0x9180]  }
0x543: {  	s8 =	sshll.u32 s8, $0x2;
	v18 =	vld [tilespmem:s5+$0x91A0]  }
0x544: {  	s5 =	sadd.s32 s8, s0;
	v19 =	vld [tilespmem:s9+$0xD1B0]  }
0x545: {  	s8 =	sshll.u32 s31, $0x2;
	s5 =	sshra.s32 s5, $0x2;
	v20 =	vld [tilespmem:s7+$0x91B0]  }
0x546: {  	s7 =	sadd.s32 s8, s0;
	s0 =	smov.u32 s30;
	v21 =	vld [tilespmem:s5+$0x15180]  }
0x547: {  	s7 =	sshra.s32 s7, $0x2;
	v14 =	vadd.f32 v14, v16;
	v15 =	vadd.f32 v15, v17;
	v16 =	vld [tilespmem:s6+$0x111B0]  }
0x548: {  	v17 =	vld [tilespmem:s7+$0x19180];
	v13 =	vadd.f32 v13, v18  }
0x549: {  	v11 =	vadd.f32 v11, v14;
	v12 =	vadd.f32 v12, v15;
	v14 =	vld [tilespmem:s20+$0x11A0]  }
0x54a: {  	v10 =	vadd.f32 v10, v13;
	v13 =	vadd.f32 v19, v20;
	v15 =	vld [tilespmem:s5+$0x151B0]  }
0x54b: {  	v1 =	vmul.f32 v1, v6;
	v9 =	vadd.f32 v9, v11;
	v12 =	vadd.f32 v21, v12;
	v11 =	vld [tilespmem:s21+$0x11B0]  }
0x54c: {  	v3 =	vmul.f32 v3, v7;
	v8 =	vadd.f32 v8, v10;
	v10 =	vadd.f32 v16, v13;
	v13 =	vld [tilespmem:s7+$0x191B0]  }
0x54d: {  	v5 =	vadd.f32 v5, v9;
	v12 =	vadd.f32 v17, v12  }
0x54e: {  	v1 =	vadd.f32 v1, v3;
	v3 =	vadd.f32 v4, v8;
	v0 =	vmul.f32 v0, v14  }
0x54f: {  	v5 =	vmul.f32 v5, v6;
	v4 =	vmul.f32 v12, v7;
	v6 =	vadd.f32 v15, v10  }
0x550: {  	v0 =	vadd.f32 v0, v1;
	v1 =	vmul.f32 v2, v11  }
0x551: {  	v3 =	vmul.f32 v3, v14;
	v2 =	vadd.f32 v5, v4;
	v4 =	vadd.f32 v13, v6  }
0x552: {  	v0 =	vadd.f32 v1, v0  }
0x553: {  	v1 =	vadd.f32 v3, v2;
	v2 =	vmul.f32 v4, v11  }
0x554: {  	(xrf2) =	vadd.scan.msk.f32 $0xffff, v0  }
0x555: {  	v0 =	vadd.f32 v2, v1;
	_ =	sdelay $0x1  }
0x556: {  	(xrf2) =	vadd.scan.msk.f32 $0xffff, v0;
	_ =	sdelay $0x3  }
0x557: {  	s26 =	sadd.s32 $0x1, s26  }
0x558: {  	v0 =	vmov s26;
	_ =	sdelay $0x1  }
0x559: {  	v1, _, _ =	vpop (xrf2);
	_ =	sdelay $0x2  }
0x55a: {  	[tilespmem:v0+s23+$0x0] =	vst.idx.msk vm0, v1;
	v1, _, _ =	vpop (xrf2)  }
0x55b: {  	s1 =	sadd.s32 $0x1, s1;
	[tilespmem:v0+s24+$0x0] =	vst.idx.msk vm0, v1  }
0x55c: {  	v0 =	vld [tilespmem:s1+$0x0];
	_ =	sdelay $0x1  }
0x55d: {  	s16 =	sadd.s32 $0x1, s16  }
0x55e: {  	v1 =	vld [tilespmem:s16+$0x0]  }
0x55f: {  	s17 =	sadd.s32 $0x1, s17  }
0x560: {  	v2 =	vld [tilespmem:s17+$0x0];
	(v2sf) =	vpush v0, $0x0  }
0x561: {  	s18 =	sadd.s32 $0x1, s18  }
0x562: {  	v0 =	vld [tilespmem:s18+$0x0]  }
0x563: {  	s19 =	sadd.s32 $0x1, s19;
	(v2sf) =	vpush v1, $0x0  }
0x564: {  	v1 =	vld [tilespmem:s19+$0x0]  }
0x565: {  	(v2sf) =	vpush v2, $0x0  }
.Ltmp6:
0x566: {  	(pc) =	sbr.rel @p0 .LBB2_14-.Ltmp6, $4  }
0x567: {  	s28 =	sadd.s32 $0x1, s28;
	(v2sf) =	vpush v0, $0x0  }
0x568: {  	v0 =	vld [tilespmem:s28+$0x0]  }
0x569: {  	s29 =	sadd.s32 $0x1, s29;
	(v2sf) =	vpush v1, $0x0  }
0x56a: {  	s30 =	sadd.s32 $0x200, s30;
	v1 =	vld [tilespmem:s29+$0x0]  }
0x56b: {  	_ =	sdelay $0x1  }
0x56c: {  	(v2sf) =	vpush v0, $0x0;
	_ =	sdelay $0x1  }
0x56d: {  	(v2sf) =	vpush v1, $0x0;
	s1 =	spop (v2sf)  }
0x56e: {  	p0 =	sgt.s32 s1, $0x7A47F;
	s1 =	simm.s32 $0x40  }
0x56f: {  	s1 =	simm.s32 @!p0 $0x0  }
0x570: {  	s6 =	sshra.s32 s0, $0x2;
	s7 =	sshll.u32 s1, $0x2;
	s5 =	spop (v2sf)  }
0x571: {  	s1 =	sadd.s32 s6, s1;
	p0 =	sgt.s32 s5, $0x7A47F;
	s5 =	simm.s32 $0x40  }
0x572: {  	s7 =	sadd.s32 s7, s0;
	v0 =	vld [tilespmem:s1+$0x51A0];
	s5 =	simm.s32 @!p0 $0x0;
	s8 =	spop (v2sf)  }
0x573: {  	v1 =	vld [tilespmem:s1+$0x5190];
	s7 =	sshra.s32 s7, $0x2;
	p0 =	sgt.s32 s8, $0x7A47F;
	s8 =	simm.s32 $0x40  }
0x574: {  	s10 =	sadd.s32 s6, s5;
	v2 =	vld [tilespmem:s7+$0x51B0];
	s8 =	simm.s32 @!p0 $0x0;
	s9 =	spop (v2sf)  }
0x575: {  	v3 =	vld [tilespmem:s7+$0x5180];
	s11 =	sadd.s32 $0x19180, s10;
	p0 =	sgt.s32 s9, $0x7A47F;
	s9 =	simm.s32 $0x40  }
0x576: {  	s1 =	sadd.s32 s6, s8;
	v4 =	vld [tilespmem:s11+$0x20];
	s9 =	simm.s32 @!p0 $0x0;
	s10 =	spop (v2sf)  }
0x577: {  	v5 =	vld [tilespmem:s11+$0x10];
	p0 =	sgt.s32 s10, $0x7A47F;
	s16 =	sadd.s32 s6, s9;
	s10 =	simm.s32 $0x40  }
0x578: {  	v6 =	vld [tilespmem:s1+$0x1190];
	s10 =	simm.s32 @!p0 $0x0;
	s7 =	sadd.s32 $0x15180, s16  }
0x579: {  	s11 =	sadd.s32 s6, s10;
	v7 =	vld [tilespmem:s7+$0x20];
	s10 =	sshll.u32 s10, $0x2  }
0x57a: {  	v8 =	vld [tilespmem:s7+$0x10];
	s16 =	spop (v2sf);
	s11 =	sadd.s32 $0x11180, s11;
	s17 =	sadd.s32 s10, s0  }
0x57b: {  	s10 =	simm.s32 $0x40;
	p0 =	sgt.s32 s16, $0x7A47F;
	v9 =	vld [tilespmem:s11+$0x20];
	s7 =	sshra.s32 s17, $0x2  }
0x57c: {  	v10 =	vld [tilespmem:s11+$0x10];
	s16 =	simm.s32 $0x40;
	s18 =	spop (v2sf);
	s10 =	simm.s32 @!p0 $0x0  }
0x57d: {  	v11 =	vld [tilespmem:s7+$0x11180];
	p0 =	sgt.s32 s18, $0x7A47F;
	s19 =	sshll.u32 s10, $0x2;
	s10 =	sadd.s32 s6, s10  }
0x57e: {  	s16 =	simm.s32 @!p0 $0x0;
	s11 =	sadd.s32 s19, s0;
	v12 =	vld [tilespmem:s10+$0xD1A0]  }
0x57f: {  	v13 =	vld [tilespmem:s10+$0xD190];
	s17 =	sshll.u32 s16, $0x2;
	s11 =	sshra.s32 s11, $0x2  }
0x580: {  	s6 =	sadd.s32 s6, s16;
	s20 =	sadd.s32 s17, s0;
	v14 =	vld [tilespmem:s11+$0xD180]  }
0x581: {  	v15 =	vld [tilespmem:s6+$0x9190];
	s10 =	sshra.s32 s20, $0x2  }
0x582: {  	v16 =	vld [tilespmem:s10+$0x9180]  }
0x583: {  	s9 =	sshll.u32 s9, $0x2;
	v17 =	vld [tilespmem:s6+$0x91A0]  }
0x584: {  	s21 =	sadd.s32 s9, s0;
	v18 =	vld [tilespmem:s11+$0xD1B0]  }
0x585: {  	s5 =	sshll.u32 s5, $0x2;
	s6 =	sshra.s32 s21, $0x2;
	v19 =	vld [tilespmem:s10+$0x91B0]  }
0x586: {  	s5 =	sadd.s32 s5, s0;
	s8 =	sshll.u32 s8, $0x2;
	v20 =	vld [tilespmem:s6+$0x15180]  }
0x587: {  	s5 =	sshra.s32 s5, $0x2;
	s31 =	sadd.s32 s8, s0;
	v22 =	vld [tilespmem:s7+$0x111B0];
	v13 =	vadd.f32 v13, v15;
	v14 =	vadd.f32 v14, v16  }
0x588: {  	v23 =	vld [tilespmem:s5+$0x19180];
	s0 =	sshra.s32 s31, $0x2;
	v12 =	vadd.f32 v12, v17  }
0x589: {  	v24 =	vld [tilespmem:s0+$0x1180];
	v10 =	vadd.f32 v10, v13;
	v11 =	vadd.f32 v11, v14  }
0x58a: {  	v26 =	vld [tilespmem:s6+$0x151B0];
	v9 =	vadd.f32 v9, v12;
	v25 =	vadd.f32 v18, v19  }
0x58b: {  	v27 =	vld [tilespmem:s1+$0x11A0];
	v8 =	vadd.f32 v8, v10;
	v11 =	vadd.f32 v20, v11  }
0x58c: {  	v29 =	vld [tilespmem:s5+$0x191B0];
	v7 =	vadd.f32 v7, v9;
	v28 =	vadd.f32 v22, v25  }
0x58d: {  	v30 =	vld [tilespmem:s0+$0x11B0];
	v5 =	vadd.f32 v5, v8;
	v11 =	vadd.f32 v23, v11  }
0x58e: {  	v1 =	vmul.f32 v1, v6;
	v3 =	vmul.f32 v3, v24;
	v4 =	vadd.f32 v4, v7  }
0x58f: {  	v32 =	vadd.f32 v26, v28;
	v5 =	vmul.f32 v5, v6;
	v31 =	vmul.f32 v11, v24  }
0x590: {  	v0 =	vmul.f32 v0, v27;
	v1 =	vadd.f32 v1, v3  }
0x591: {  	v4 =	vmul.f32 v4, v27;
	v33 =	vadd.f32 v29, v32;
	v3 =	vadd.f32 v5, v31  }
0x592: {  	v0 =	vadd.f32 v0, v1;
	v1 =	vmul.f32 v2, v30  }
0x593: {  	v2 =	vadd.f32 v4, v3;
	v3 =	vmul.f32 v33, v30  }
0x594: {  	v0 =	vadd.f32 v1, v0  }
0x595: {  	v1 =	vadd.f32 v3, v2  }
0x596: {  	(xrf2) =	vadd.scan.msk.f32 $0xffff, v0  }
0x597: {  	(xrf2) =	vadd.scan.msk.f32 $0xffff, v1;
	_ =	sdelay $0x3  }
0x598: {  	s6 =	sadd.s32 $0x1, s26  }
0x599: {  	v0 =	vmov s6;
	_ =	sdelay $0x3  }
0x59a: {  	v1, _, _ =	vpop (xrf2)  }
0x59b: {  	[tilespmem:v0+s23+$0x0] =	vst.idx.msk vm0, v1;
	v1, _, _ =	vpop (xrf2)  }
0x59c: {  	[tilespmem:v0+s24+$0x0] =	vst.idx.msk vm0, v1  }
0x59d: {  	_ =	swait.ge [sflag:s22], $0x4000  }
0x59e: {  	[sflag:s22] =	ssyncset.done $0x0  }
0x59f: {  	[sflag:s22] =	ssyncadd.s32 $0xFFFFC000  }
0x5a0: {  	_ =	swait.ge [sflag:s22], $0x4000  }
0x5a1: {  	[sflag:s22] =	ssyncset.done $0x0  }
0x5a2: {  	[sflag:s22] =	ssyncadd.s32 $0xFFFFC000  }
0x5a3: {  	_ =	swait.ge [sflag:s22], $0x4000  }
0x5a4: {  	[sflag:s22] =	ssyncset.done $0x0  }
0x5a5: {  	[sflag:s22] =	ssyncadd.s32 $0xFFFFC000  }
0x5a6: {  	_ =	swait.ge [sflag:s22], $0x4000  }
0x5a7: {  	[sflag:s22] =	ssyncset.done $0x0  }
0x5a8: {  	[sflag:s22] =	ssyncadd.s32 $0xFFFFC000  }
0x5a9: {  	_ =	swait.ge [sflag:s22], $0x4000  }
0x5aa: {  	[sflag:s22] =	ssyncset.done $0x0  }
0x5ab: {  	[sflag:s22] =	ssyncadd.s32 $0xFFFFC000  }
0x5ac: {  	_ =	swait.ge [sflag:s22], $0x4000  }
0x5ad: {  	[sflag:s22] =	ssyncset.done $0x0  }
0x5ae: {  	[sflag:s22] =	ssyncadd.s32 $0xFFFFC000  }
0x5af: {  	_ =	swait.ge [sflag:s22], $0x4000  }
0x5b0: {  	[sflag:s22] =	ssyncset.done $0x0  }
0x5b1: {  	s7 =	simm.s32 $0x400;
	[sflag:s22] =	ssyncadd.s32 $0xFFFFC000  }
0x5b2: {  	v0 =	vld [tilespmem:s7+$0x0];
	_ =	sdelay $0x1  }
0x5b3: {  	s8 =	simm.s32 $0x1080  }
0x5b4: {  	v1 =	vld [tilespmem:s8+$0x0]  }
0x5b5: {  	s26 =	simm.s32 $0x180  }
0x5b6: {  	s9 =	simm.s32 $0xE00;
	v2 =	vld [tilespmem:s26+$0x0];
	(v2sf) =	vpush v0, $0x0  }
0x5b7: {  	v0 =	vld [tilespmem:s9+$0x0]  }
0x5b8: {  	s10 =	simm.s32 $0xB80  }
0x5b9: {  	(v2sf) =	vpush v1, $0x0;
	v1 =	vld [tilespmem:s10+$0x0];
	_ =	sdelay $0x1  }
0x5ba: {  	(v2sf) =	vpush v2, $0x0  }
0x5bb: {  	s11 =	simm.s32 $0x900;
	(v2sf) =	vpush v0, $0x0  }
0x5bc: {  	v0 =	vld [tilespmem:s11+$0x0]  }
0x5bd: {  	s16 =	simm.s32 $0x680;
	(v2sf) =	vpush v1, $0x0  }
0x5be: {  	v1 =	vld [tilespmem:s16+$0x0];
	_ =	sdelay $0x2  }
0x5bf: {  	(v2sf) =	vpush v0, $0x0;
	_ =	sdelay $0x1  }
0x5c0: {  	(v2sf) =	vpush v1, $0x0  }
0x5c1: {  	s17 =	spop (v2sf)  }
0x5c2: {  	s0 =	simm.s32 $0x40;
	p0 =	sgt.s32 s17, $0x7A47F  }
0x5c3: {  	s1 =	simm.s32 $0x40;
	s6 =	simm.s32 $0x40;
	s0 =	simm.s32 @!p0 $0x0  }
0x5c4: {  	s19 =	spop (v2sf);
	s18 =	sshll.u32 s0, $0x2;
	s0 =	sadd.s32 $0x0, s0  }
0x5c5: {  	s7 =	simm.s32 $0x40;
	p0 =	sgt.s32 s19, $0x7A47F;
	s5 =	sadd.s32 $0x0, s18;
	v0 =	vld [tilespmem:s0+$0x51A0]  }
0x5c6: {  	s20 =	spop (v2sf);
	s1 =	simm.s32 @!p0 $0x0;
	v1 =	vld [tilespmem:s0+$0x5190];
	s5 =	sshra.s32 s5, $0x2  }
0x5c7: {  	p0 =	sgt.s32 s20, $0x7A47F;
	s21 =	sadd.s32 $0x0, s1;
	s31 =	spop (v2sf);
	v2 =	vld [tilespmem:s5+$0x51B0]  }
0x5c8: {  	s6 =	simm.s32 @!p0 $0x0;
	s8 =	sadd.s32 $0x19180, s21;
	v3 =	vld [tilespmem:s5+$0x5180];
	p0 =	sgt.s32 s31, $0x7A47F  }
0x5c9: {  	s0 =	sadd.s32 $0x0, s6;
	v34 =	vld [tilespmem:s8+$0x20];
	s9 =	spop (v2sf);
	s7 =	simm.s32 @!p0 $0x0  }
0x5ca: {  	v35 =	vld [tilespmem:s8+$0x10];
	s8 =	simm.s32 $0x40;
	p0 =	sgt.s32 s9, $0x7A47F;
	s10 =	sadd.s32 $0x0, s7  }
0x5cb: {  	v36 =	vld [tilespmem:s0+$0x1190];
	s8 =	simm.s32 @!p0 $0x0;
	s5 =	sadd.s32 $0x15180, s10  }
0x5cc: {  	s11 =	sadd.s32 $0x0, s8;
	s8 =	sshll.u32 s8, $0x2;
	v37 =	vld [tilespmem:s5+$0x20]  }
0x5cd: {  	s10 =	simm.s32 $0x40;
	s16 =	spop (v2sf);
	s9 =	sadd.s32 $0x11180, s11;
	v38 =	vld [tilespmem:s5+$0x10]  }
0x5ce: {  	s17 =	sadd.s32 $0x0, s8;
	s8 =	simm.s32 $0x40;
	p0 =	sgt.s32 s16, $0x7A47F;
	v39 =	vld [tilespmem:s9+$0x20]  }
0x5cf: {  	s18 =	spop (v2sf);
	s5 =	sshra.s32 s17, $0x2;
	v40 =	vld [tilespmem:s9+$0x10];
	s8 =	simm.s32 @!p0 $0x0  }
0x5d0: {  	p0 =	sgt.s32 s18, $0x7A47F;
	v41 =	vld [tilespmem:s5+$0x11180];
	s19 =	sshll.u32 s8, $0x2;
	s8 =	sadd.s32 $0x0, s8  }
0x5d1: {  	s10 =	simm.s32 @!p0 $0x0;
	v42 =	vld [tilespmem:s8+$0xD1A0]  }
0x5d2: {  	s9 =	sadd.s32 $0x0, s19;
	s20 =	sshll.u32 s10, $0x2;
	v43 =	vld [tilespmem:s8+$0xD190];
	s10 =	sadd.s32 $0x0, s10  }
0x5d3: {  	s9 =	sshra.s32 s9, $0x2;
	s21 =	sadd.s32 $0x0, s20;
	v45 =	vld [tilespmem:s10+$0x9190]  }
0x5d4: {  	v44 =	vld [tilespmem:s9+$0xD180];
	s8 =	sshra.s32 s21, $0x2  }
0x5d5: {  	v46 =	vld [tilespmem:s8+$0x9180]  }
0x5d6: {  	s7 =	sshll.u32 s7, $0x2;
	v47 =	vld [tilespmem:s10+$0x91A0]  }
0x5d7: {  	s7 =	sadd.s32 $0x0, s7;
	v48 =	vld [tilespmem:s9+$0xD1B0]  }
0x5d8: {  	s1 =	sshll.u32 s1, $0x2;
	s7 =	sshra.s32 s7, $0x2;
	v49 =	vld [tilespmem:s8+$0x91B0]  }
0x5d9: {  	s6 =	sshll.u32 s6, $0x2;
	s1 =	sadd.s32 $0x0, s1;
	v50 =	vld [tilespmem:s7+$0x15180]  }
0x5da: {  	s6 =	sadd.s32 $0x0, s6;
	s1 =	sshra.s32 s1, $0x2;
	v51 =	vld [tilespmem:s5+$0x111B0];
	v13 =	vadd.f32 v43, v45;
	v14 =	vadd.f32 v44, v46  }
0x5db: {  	s31 =	sshra.s32 s6, $0x2;
	v52 =	vld [tilespmem:s1+$0x19180];
	v12 =	vadd.f32 v42, v47  }
0x5dc: {  	v53 =	vld [tilespmem:s31+$0x1180];
	v10 =	vadd.f32 v40, v13;
	v11 =	vadd.f32 v41, v14  }
0x5dd: {  	v55 =	vld [tilespmem:s7+$0x151B0];
	v9 =	vadd.f32 v39, v12;
	v54 =	vadd.f32 v48, v49  }
0x5de: {  	v56 =	vld [tilespmem:s0+$0x11A0];
	v8 =	vadd.f32 v38, v10;
	v11 =	vadd.f32 v50, v11  }
0x5df: {  	v58 =	vld [tilespmem:s1+$0x191B0];
	v7 =	vadd.f32 v37, v9;
	v57 =	vadd.f32 v51, v54  }
0x5e0: {  	v59 =	vld [tilespmem:s31+$0x11B0];
	v5 =	vadd.f32 v35, v8;
	v11 =	vadd.f32 v52, v11  }
0x5e1: {  	v1 =	vmul.f32 v1, v36;
	v3 =	vmul.f32 v3, v53;
	v4 =	vadd.f32 v34, v7  }
0x5e2: {  	v61 =	vadd.f32 v55, v57;
	v5 =	vmul.f32 v5, v36;
	v60 =	vmul.f32 v11, v53  }
0x5e3: {  	v0 =	vmul.f32 v0, v56;
	v1 =	vadd.f32 v1, v3  }
0x5e4: {  	v4 =	vmul.f32 v4, v56;
	v62 =	vadd.f32 v58, v61;
	v3 =	vadd.f32 v5, v60  }
0x5e5: {  	v0 =	vadd.f32 v0, v1;
	v1 =	vmul.f32 v2, v59  }
0x5e6: {  	v2 =	vadd.f32 v4, v3;
	v3 =	vmul.f32 v62, v59  }
0x5e7: {  	v0 =	vadd.f32 v1, v0  }
0x5e8: {  	v1 =	vadd.f32 v3, v2  }
0x5e9: {  	(xrf2) =	vadd.scan.msk.f32 $0xffff, v0  }
0x5ea: {  	(xrf2) =	vadd.scan.msk.f32 $0xffff, v1;
	_ =	sdelay $0x4  }
0x5eb: {  	v0 =	vmov s26;
	_ =	sdelay $0x3  }
0x5ec: {  	v1, _, _ =	vpop (xrf2)  }
0x5ed: {  	[tilespmem:v0+s23+$0x0] =	vst.idx.msk vm0, v1;
	v1, _, _ =	vpop (xrf2)  }
0x5ee: {  	s1 =	simm.s32 $0x401;
	[tilespmem:v0+s24+$0x0] =	vst.idx.msk vm0, v1  }
0x5ef: {  	v0 =	vld [tilespmem:s1+$0x0];
	_ =	sdelay $0x1  }
0x5f0: {  	s16 =	simm.s32 $0x1081  }
0x5f1: {  	v1 =	vld [tilespmem:s16+$0x0]  }
0x5f2: {  	s17 =	simm.s32 $0x181  }
0x5f3: {  	v2 =	vld [tilespmem:s17+$0x0];
	(v2sf) =	vpush v0, $0x0  }
0x5f4: {  	s18 =	simm.s32 $0xE01  }
0x5f5: {  	v3 =	vld [tilespmem:s18+$0x0]  }
0x5f6: {  	s19 =	simm.s32 $0xB81;
	(v2sf) =	vpush v1, $0x0  }
0x5f7: {  	v63 =	vld [tilespmem:s19+$0x0]  }
0x5f8: {  	(v2sf) =	vpush v2, $0x0;
	_ =	sdelay $0x1  }
0x5f9: {  	s28 =	simm.s32 $0x901;
	(v2sf) =	vpush v3, $0x0  }
0x5fa: {  	v0 =	vld [tilespmem:s28+$0x0]  }
0x5fb: {  	s29 =	simm.s32 $0x681;
	(v2sf) =	vpush v63, $0x0  }
0x5fc: {  	s30 =	simm.s32 $0x400;
	s0 =	simm.s32 $0x200;
	v1 =	vld [tilespmem:s29+$0x0]  }
.LBB2_16:
0x5fd: {  	p0 =	sne.s32 s30, $0xFE00;
	_ =	sdelay $0x1  }
0x5fe: {  	(v2sf) =	vpush v0, $0x0;
	_ =	sdelay $0x1  }
0x5ff: {  	s5 =	spop (v2sf);
	(v2sf) =	vpush v1, $0x0  }
0x600: {  	s6 =	simm.s32 $0x40;
	p1 =	sgt.s32 s5, $0x7A47F  }
0x601: {  	s5 =	sshra.s32 s0, $0x2;
	s6 =	simm.s32 @!p1 $0x0  }
0x602: {  	s7 =	sshll.u32 s6, $0x2;
	s6 =	sadd.s32 s5, s6;
	s8 =	spop (v2sf)  }
0x603: {  	s31 =	simm.s32 $0x40;
	p1 =	sgt.s32 s8, $0x7A47F;
	s7 =	sadd.s32 s7, s0;
	v0 =	vld [tilespmem:s6+$0x51A0]  }
0x604: {  	s31 =	simm.s32 @!p1 $0x0;
	s7 =	sshra.s32 s7, $0x2;
	v1 =	vld [tilespmem:s6+$0x5190];
	s6 =	spop (v2sf)  }
0x605: {  	s8 =	simm.s32 $0x40;
	p1 =	sgt.s32 s6, $0x7A47F;
	s6 =	sadd.s32 s5, s31;
	v2 =	vld [tilespmem:s7+$0x51B0]  }
0x606: {  	s8 =	simm.s32 @!p1 $0x0;
	v3 =	vld [tilespmem:s7+$0x5180];
	s6 =	sadd.s32 $0x19180, s6;
	s7 =	spop (v2sf)  }
0x607: {  	p1 =	sgt.s32 s7, $0x7A47F;
	s7 =	sshll.u32 s8, $0x2;
	s20 =	sadd.s32 s5, s8;
	v4 =	vld [tilespmem:s6+$0x20]  }
0x608: {  	s8 =	simm.s32 $0x40;
	v5 =	vld [tilespmem:s6+$0x10];
	s6 =	spop (v2sf)  }
0x609: {  	s8 =	simm.s32 @!p1 $0x0;
	s7 =	sadd.s32 s7, s0;
	p1 =	sgt.s32 s6, $0x7A47F  }
0x60a: {  	s21 =	sshra.s32 s7, $0x2;
	v6 =	vld [tilespmem:s20+$0x1190];
	s6 =	sadd.s32 s5, s8;
	s7 =	simm.s32 $0x40  }
0x60b: {  	s7 =	simm.s32 @!p1 $0x0;
	v7 =	vld [tilespmem:s21+$0x1180];
	s6 =	sadd.s32 $0x15180, s6  }
0x60c: {  	s10 =	simm.s32 $0x40;
	s9 =	sadd.s32 s5, s7;
	v8 =	vld [tilespmem:s6+$0x20]  }
0x60d: {  	s7 =	sshll.u32 s7, $0x2;
	s9 =	sadd.s32 $0x11180, s9;
	v9 =	vld [tilespmem:s6+$0x10];
	s6 =	spop (v2sf)  }
0x60e: {  	p1 =	sgt.s32 s6, $0x7A47F;
	s6 =	sadd.s32 s7, s0;
	v10 =	vld [tilespmem:s9+$0x20];
	s7 =	simm.s32 $0x40  }
0x60f: {  	s7 =	simm.s32 @!p1 $0x0;
	s6 =	sshra.s32 s6, $0x2;
	v11 =	vld [tilespmem:s9+$0x10];
	s9 =	spop (v2sf)  }
0x610: {  	p1 =	sgt.s32 s9, $0x7A47F;
	s9 =	sshll.u32 s7, $0x2;
	v12 =	vld [tilespmem:s6+$0x11180];
	s7 =	sadd.s32 s5, s7  }
0x611: {  	s10 =	simm.s32 @!p1 $0x0;
	s9 =	sadd.s32 s9, s0;
	v13 =	vld [tilespmem:s7+$0xD1A0]  }
0x612: {  	s11 =	sshll.u32 s10, $0x2;
	s9 =	sshra.s32 s9, $0x2;
	v14 =	vld [tilespmem:s7+$0xD190]  }
0x613: {  	s5 =	sadd.s32 s5, s10;
	s7 =	sadd.s32 s11, s0;
	v15 =	vld [tilespmem:s9+$0xD180]  }
0x614: {  	s7 =	sshra.s32 s7, $0x2;
	v16 =	vld [tilespmem:s5+$0x9190]  }
0x615: {  	v17 =	vld [tilespmem:s7+$0x9180]  }
0x616: {  	s8 =	sshll.u32 s8, $0x2;
	v18 =	vld [tilespmem:s5+$0x91A0]  }
0x617: {  	s5 =	sadd.s32 s8, s0;
	v19 =	vld [tilespmem:s9+$0xD1B0]  }
0x618: {  	s8 =	sshll.u32 s31, $0x2;
	s5 =	sshra.s32 s5, $0x2;
	v20 =	vld [tilespmem:s7+$0x91B0]  }
0x619: {  	s7 =	sadd.s32 s8, s0;
	s0 =	smov.u32 s30;
	v21 =	vld [tilespmem:s5+$0x15180]  }
0x61a: {  	s7 =	sshra.s32 s7, $0x2;
	v14 =	vadd.f32 v14, v16;
	v15 =	vadd.f32 v15, v17;
	v16 =	vld [tilespmem:s6+$0x111B0]  }
0x61b: {  	v17 =	vld [tilespmem:s7+$0x19180];
	v13 =	vadd.f32 v13, v18  }
0x61c: {  	v11 =	vadd.f32 v11, v14;
	v12 =	vadd.f32 v12, v15;
	v14 =	vld [tilespmem:s20+$0x11A0]  }
0x61d: {  	v10 =	vadd.f32 v10, v13;
	v13 =	vadd.f32 v19, v20;
	v15 =	vld [tilespmem:s5+$0x151B0]  }
0x61e: {  	v1 =	vmul.f32 v1, v6;
	v9 =	vadd.f32 v9, v11;
	v12 =	vadd.f32 v21, v12;
	v11 =	vld [tilespmem:s21+$0x11B0]  }
0x61f: {  	v3 =	vmul.f32 v3, v7;
	v8 =	vadd.f32 v8, v10;
	v10 =	vadd.f32 v16, v13;
	v13 =	vld [tilespmem:s7+$0x191B0]  }
0x620: {  	v5 =	vadd.f32 v5, v9;
	v12 =	vadd.f32 v17, v12  }
0x621: {  	v1 =	vadd.f32 v1, v3;
	v3 =	vadd.f32 v4, v8;
	v0 =	vmul.f32 v0, v14  }
0x622: {  	v5 =	vmul.f32 v5, v6;
	v4 =	vmul.f32 v12, v7;
	v6 =	vadd.f32 v15, v10  }
0x623: {  	v0 =	vadd.f32 v0, v1;
	v1 =	vmul.f32 v2, v11  }
0x624: {  	v3 =	vmul.f32 v3, v14;
	v2 =	vadd.f32 v5, v4;
	v4 =	vadd.f32 v13, v6  }
0x625: {  	v0 =	vadd.f32 v1, v0  }
0x626: {  	v1 =	vadd.f32 v3, v2;
	v2 =	vmul.f32 v4, v11  }
0x627: {  	(xrf2) =	vadd.scan.msk.f32 $0xffff, v0  }
0x628: {  	v0 =	vadd.f32 v2, v1;
	_ =	sdelay $0x1  }
0x629: {  	(xrf2) =	vadd.scan.msk.f32 $0xffff, v0;
	_ =	sdelay $0x3  }
0x62a: {  	s26 =	sadd.s32 $0x1, s26  }
0x62b: {  	v0 =	vmov s26;
	_ =	sdelay $0x1  }
0x62c: {  	v1, _, _ =	vpop (xrf2);
	_ =	sdelay $0x2  }
0x62d: {  	[tilespmem:v0+s23+$0x0] =	vst.idx.msk vm0, v1;
	v1, _, _ =	vpop (xrf2)  }
0x62e: {  	s1 =	sadd.s32 $0x1, s1;
	[tilespmem:v0+s24+$0x0] =	vst.idx.msk vm0, v1  }
0x62f: {  	v0 =	vld [tilespmem:s1+$0x0];
	_ =	sdelay $0x1  }
0x630: {  	s16 =	sadd.s32 $0x1, s16  }
0x631: {  	v1 =	vld [tilespmem:s16+$0x0]  }
0x632: {  	s17 =	sadd.s32 $0x1, s17  }
0x633: {  	v2 =	vld [tilespmem:s17+$0x0];
	(v2sf) =	vpush v0, $0x0  }
0x634: {  	s18 =	sadd.s32 $0x1, s18  }
0x635: {  	v0 =	vld [tilespmem:s18+$0x0]  }
0x636: {  	s19 =	sadd.s32 $0x1, s19;
	(v2sf) =	vpush v1, $0x0  }
0x637: {  	v1 =	vld [tilespmem:s19+$0x0]  }
0x638: {  	(v2sf) =	vpush v2, $0x0  }
.Ltmp7:
0x639: {  	(pc) =	sbr.rel @p0 .LBB2_16-.Ltmp7, $4  }
0x63a: {  	s28 =	sadd.s32 $0x1, s28;
	(v2sf) =	vpush v0, $0x0  }
0x63b: {  	v0 =	vld [tilespmem:s28+$0x0]  }
0x63c: {  	s29 =	sadd.s32 $0x1, s29;
	(v2sf) =	vpush v1, $0x0  }
0x63d: {  	s30 =	sadd.s32 $0x200, s30;
	v1 =	vld [tilespmem:s29+$0x0]  }
0x63e: {  	_ =	sdelay $0x1  }
0x63f: {  	(v2sf) =	vpush v0, $0x0;
	_ =	sdelay $0x1  }
0x640: {  	(v2sf) =	vpush v1, $0x0;
	s1 =	spop (v2sf)  }
0x641: {  	p0 =	sgt.s32 s1, $0x7A47F;
	s1 =	simm.s32 $0x40  }
0x642: {  	s1 =	simm.s32 @!p0 $0x0  }
0x643: {  	s6 =	sshra.s32 s0, $0x2;
	s7 =	sshll.u32 s1, $0x2;
	s5 =	spop (v2sf)  }
0x644: {  	s1 =	sadd.s32 s6, s1;
	p0 =	sgt.s32 s5, $0x7A47F;
	s5 =	simm.s32 $0x40  }
0x645: {  	s7 =	sadd.s32 s7, s0;
	v42 =	vld [tilespmem:s1+$0x51A0];
	s5 =	simm.s32 @!p0 $0x0;
	s8 =	spop (v2sf)  }
0x646: {  	v43 =	vld [tilespmem:s1+$0x5190];
	s7 =	sshra.s32 s7, $0x2;
	p0 =	sgt.s32 s8, $0x7A47F;
	s8 =	simm.s32 $0x40  }
0x647: {  	s29 =	sadd.s32 s6, s5;
	v2 =	vld [tilespmem:s7+$0x51B0];
	s8 =	simm.s32 @!p0 $0x0;
	s9 =	spop (v2sf)  }
0x648: {  	v3 =	vld [tilespmem:s7+$0x5180];
	s30 =	sadd.s32 $0x19180, s29;
	p0 =	sgt.s32 s9, $0x7A47F;
	s9 =	simm.s32 $0x40  }
0x649: {  	s31 =	sadd.s32 s6, s8;
	v4 =	vld [tilespmem:s30+$0x20];
	s9 =	simm.s32 @!p0 $0x0;
	s10 =	spop (v2sf)  }
0x64a: {  	v5 =	vld [tilespmem:s30+$0x10];
	p0 =	sgt.s32 s10, $0x7A47F;
	s18 =	sadd.s32 s6, s9;
	s10 =	simm.s32 $0x40  }
0x64b: {  	v6 =	vld [tilespmem:s31+$0x1190];
	s10 =	simm.s32 @!p0 $0x0;
	s7 =	sadd.s32 $0x15180, s18  }
0x64c: {  	s11 =	sadd.s32 s6, s10;
	v7 =	vld [tilespmem:s7+$0x20];
	s10 =	sshll.u32 s10, $0x2  }
0x64d: {  	v8 =	vld [tilespmem:s7+$0x10];
	s16 =	spop (v2sf);
	s11 =	sadd.s32 $0x11180, s11;
	s19 =	sadd.s32 s10, s0  }
0x64e: {  	s10 =	simm.s32 $0x40;
	p0 =	sgt.s32 s16, $0x7A47F;
	v9 =	vld [tilespmem:s11+$0x20];
	s7 =	sshra.s32 s19, $0x2  }
0x64f: {  	v10 =	vld [tilespmem:s11+$0x10];
	s16 =	simm.s32 $0x40;
	s20 =	spop (v2sf);
	s10 =	simm.s32 @!p0 $0x0  }
0x650: {  	v11 =	vld [tilespmem:s7+$0x11180];
	p0 =	sgt.s32 s20, $0x7A47F;
	s21 =	sshll.u32 s10, $0x2;
	s10 =	sadd.s32 s6, s10  }
0x651: {  	s16 =	simm.s32 @!p0 $0x0;
	s11 =	sadd.s32 s21, s0;
	v12 =	vld [tilespmem:s10+$0xD1A0]  }
0x652: {  	v13 =	vld [tilespmem:s10+$0xD190];
	s17 =	sshll.u32 s16, $0x2;
	s11 =	sshra.s32 s11, $0x2  }
0x653: {  	s6 =	sadd.s32 s6, s16;
	s28 =	sadd.s32 s17, s0;
	v14 =	vld [tilespmem:s11+$0xD180]  }
0x654: {  	v15 =	vld [tilespmem:s6+$0x9190];
	s10 =	sshra.s32 s28, $0x2  }
0x655: {  	v16 =	vld [tilespmem:s10+$0x9180]  }
0x656: {  	s9 =	sshll.u32 s9, $0x2;
	v17 =	vld [tilespmem:s6+$0x91A0]  }
0x657: {  	s29 =	sadd.s32 s9, s0;
	v18 =	vld [tilespmem:s11+$0xD1B0]  }
0x658: {  	s5 =	sshll.u32 s5, $0x2;
	s6 =	sshra.s32 s29, $0x2;
	v19 =	vld [tilespmem:s10+$0x91B0]  }
0x659: {  	s5 =	sadd.s32 s5, s0;
	s8 =	sshll.u32 s8, $0x2;
	v20 =	vld [tilespmem:s6+$0x15180]  }
0x65a: {  	s5 =	sshra.s32 s5, $0x2;
	s30 =	sadd.s32 s8, s0;
	v44 =	vld [tilespmem:s7+$0x111B0];
	v13 =	vadd.f32 v13, v15;
	v14 =	vadd.f32 v14, v16  }
0x65b: {  	v45 =	vld [tilespmem:s5+$0x19180];
	s0 =	sshra.s32 s30, $0x2;
	v12 =	vadd.f32 v12, v17  }
0x65c: {  	v46 =	vld [tilespmem:s0+$0x1180];
	v10 =	vadd.f32 v10, v13;
	v11 =	vadd.f32 v11, v14  }
0x65d: {  	v48 =	vld [tilespmem:s6+$0x151B0];
	v9 =	vadd.f32 v9, v12;
	v47 =	vadd.f32 v18, v19  }
0x65e: {  	v49 =	vld [tilespmem:s31+$0x11A0];
	v8 =	vadd.f32 v8, v10;
	v11 =	vadd.f32 v20, v11  }
0x65f: {  	v51 =	vld [tilespmem:s5+$0x191B0];
	v7 =	vadd.f32 v7, v9;
	v50 =	vadd.f32 v44, v47  }
0x660: {  	v52 =	vld [tilespmem:s0+$0x11B0];
	v5 =	vadd.f32 v5, v8;
	v11 =	vadd.f32 v45, v11  }
0x661: {  	v1 =	vmul.f32 v43, v6;
	v3 =	vmul.f32 v3, v46;
	v4 =	vadd.f32 v4, v7  }
0x662: {  	v54 =	vadd.f32 v48, v50;
	v5 =	vmul.f32 v5, v6;
	v53 =	vmul.f32 v11, v46  }
0x663: {  	v0 =	vmul.f32 v42, v49;
	v1 =	vadd.f32 v1, v3  }
0x664: {  	v4 =	vmul.f32 v4, v49;
	v56 =	vadd.f32 v51, v54;
	v55 =	vadd.f32 v5, v53  }
0x665: {  	v57 =	vmul.f32 v2, v52;
	v0 =	vadd.f32 v0, v1  }
0x666: {  	v59 =	vmul.f32 v56, v52;
	v58 =	vadd.f32 v4, v55  }
0x667: {  	v0 =	vadd.f32 v57, v0  }
0x668: {  	v60 =	vadd.f32 v59, v58  }
0x669: {  	(xrf2) =	vadd.scan.msk.f32 $0xffff, v0  }
0x66a: {  	(xrf2) =	vadd.scan.msk.f32 $0xffff, v60;
	_ =	sdelay $0x3  }
0x66b: {  	s31 =	sadd.s32 $0x1, s26  }
0x66c: {  	v61 =	vmov s31;
	_ =	sdelay $0x3  }
0x66d: {  	v62, _, _ =	vpop (xrf2)  }
0x66e: {  	[tilespmem:v61+s23+$0x0] =	vst.idx.msk vm0, v62;
	v63, _, _ =	vpop (xrf2)  }
0x66f: {  	[tilespmem:v61+s24+$0x0] =	vst.idx.msk vm0, v63  }
0x670: {  	[hbm4b:s12+s2] =	stream.linear.scatter [tilespmem:s23], [sflag:$0x2], $0x200, $0x38;
	[tilespmem:$0x1D580] =	vst v63  }
0x671: {  	s25 =	sadd.s32 $0x1, s25;
	_ =	swait.ge [sflag:s15], $0x200  }
0x672: {  	p0 =	sne.s32 s25, s14;
	[sflag:s15] =	ssyncset.done $0x0  }
.Ltmp8:
0x673: {  	[sflag:s15] =	ssyncadd.s32 $0xFFFFFE00;
	(pc) =	sbr.rel @p0 .LBB2_1-.Ltmp8, $4  }
0x674: {  	[hbm4b:s13+s2] =	stream.linear.scatter [tilespmem:s24], [sflag:$0x2], $0x200, $0x38;
	[tilespmem:$0x1D580] =	vst v63  }
0x675: {  	_ =	swait.ge [sflag:s15], $0x200  }
0x676: {  	[sflag:s15] =	ssyncset.done $0x0  }
0x677: {  	[sflag:s15] =	ssyncadd.s32 $0xFFFFFE00  }
0x678: {  	_ =	sfence.sel $0x180000  }
0x679: {  	[bflag:$0x0] =	sbarrier.arrive $0xFFFF  }
0x67a: {  	_ =	strace $0x90000047  }
0x67b: {  	s0 =	stileid.u32;
	[bflag:$0x2] =	sbarrier.arrive $0xFFFF  }
0x67c: {  	p0 =	sne.s32 s0, $0x0;
	s0 =	rddreg [dreg:$0x3]  }
0x67d: {  	s0 =	sadd.s32 @!p0 $0x100000, s0  }
0x67e: {  	[sflag:s0] =	ssyncadd.tile.s32 @!p0 $0x1;
	_ =	shalt  }
.Lfunc_end2:
_tile_overlayer_lowered:
.L_overlay_start_2:
0x67f: {  	(tag) =	ssettag $0x2  }
0x680: {  	s0 =	rddreg [dreg:$0x0];
	s2 =	stileid.u32  }
0x681: {  	s1 =	rddreg [dreg:$0x1];
	p0 =	sne.s32 s2, $0x0  }
0x682: {  	s3 =	rddreg [dreg:$0x2];
	[bflag:$0x3] =	sbarrier.arrive $0xFFFF;
	s2 =	simm.s32 @!p0 $0x1C02  }
0x683: {  	[timem:s3], [sflag:s2] =	dma.local @!p0 [hbm:s0], s1  }
0x684: {  	s0 =	simm.s32 @!p0 $0x2  }
0x685: {  	_ =	swait.ge @!p0 [sflag:s0], s1  }
0x686: {  	s1 =	ssub.s32 @!p0 $0x0, s1;
	[sflag:s0] =	ssyncset.done @!p0 $0x0  }
0x687: {  	[sflag:s0] =	ssyncadd.s32 @!p0 s1  }
0x688: {  	[bflag:$0x3] =	sbarrier.arrive $0xFFFF  }
0x689: {  	_ =	shalt  }

</sc_bundles>
